<compile_context>
chip_gen: v7x
topology: tpu7x:2x2x1
jax: 0.10.2.dev20260603
libtpu: 0.0.44.dev20260713+nightly
codegen_flags: <defaults>
</compile_context>

<pallas_src>
import functools

import jax
import jax.numpy as jnp
from jax import lax
from jax.experimental import pallas as pl
from jax.experimental.pallas import tpu as pltpu
from jax.experimental.pallas import tpu_sc as plsc

_L = 16


def _rsqrt_newton(x):
    i = lax.bitcast_convert_type(x, jnp.int32)
    y = lax.bitcast_convert_type(jnp.int32(0x5F3759DF) - (i >> 1), jnp.float32)
    for _ in range(3):
        y = y * (jnp.float32(1.5) - jnp.float32(0.5) * x * y * y)
    return jnp.where(x > jnp.float32(0.0), y, jnp.float32(0.0))


def _make_sc_kernel(B, C, H, W, P, NC, NS):
    HW = H * W
    NW = NC * NS
    BP = B * P
    RB = 128
    n_rb = BP // RB
    n_cg = NW // n_rb
    c_w = C // n_cg
    n_ct = C // 8
    ct_w = c_w // 8
    rb_sc = n_rb // NC
    nrv = RB // _L
    ntc = W // 128
    mesh = plsc.VectorSubcoreMesh(core_axis_name="c", subcore_axis_name="s")

    @functools.partial(
        pl.kernel,
        mesh=mesh,
        out_type=(
            jax.ShapeDtypeStruct((BP * C,), jnp.float32),
            jax.ShapeDtypeStruct((P,), jnp.int32),
        ),
        compiler_params=pltpu.CompilerParams(needs_layout_passes=False),
        scratch_types=[
            pltpu.VMEM((P,), jnp.int32),
            pltpu.VMEM((c_w * RB,), jnp.int32),
            pltpu.VMEM((c_w * RB,), jnp.float32),
            pltpu.VMEM((ct_w * 8 * RB,), jnp.float32),
            pltpu.VMEM((RB,), jnp.float32),
            pltpu.VMEM((n_cg * RB,), jnp.float32),
            pltpu.VMEM_SHARED((rb_sc * n_cg * RB,), jnp.float32),
            pltpu.SemaphoreType.DMA((c_w,)),
            pltpu.SemaphoreType.DMA,
        ],
    )
    def k(feat_hbm, pids_hbm, out_hbm, pid_out_hbm,
          pids_v, idx_v, vals_v, out_v, part_v, four_v, shared, sems, sem):
        s = lax.axis_index("s")
        c_ax = lax.axis_index("c")
        rb_l = s % rb_sc
        rb = c_ax * rb_sc + rb_l
        cg = s // rb_sc
        c0 = cg * c_w

        pltpu.sync_copy(pids_hbm, pids_v)

        @pl.when(jnp.logical_and(s == 0, c_ax == 0))
        def _():
            pltpu.sync_copy(pids_v, pid_out_hbm)

        b = (rb * RB) // P
        pstart = (rb * RB) % P
        pv = []
        for k16 in range(nrv):
            pid = pids_v[pl.ds(pstart + k16 * _L, _L)]
            h = pid // W
            w = pid - h * W
            off = (((h >> 3) * ntc + (w >> 7)) << 10) + ((h & 7) << 7) + (w & 127)
            pv.append(off)

        base = (b * C + c0) * HW

        def build_fire(cc, carry):
            rowb = base + cc * HW
            for k16 in range(nrv):
                idx_v[pl.ds(cc * RB + k16 * _L, _L)] = pv[k16] + rowb
            pltpu.async_copy(
                feat_hbm.at[idx_v.at[pl.ds(cc * RB, RB)]],
                vals_v.at[pl.ds(cc * RB, RB)],
                sems.at[cc],
            )
            return carry

        lax.fori_loop(0, c_w, build_fire, 0, unroll=2)

        def sumsq(cc, acc):
            pltpu.make_async_copy(
                feat_hbm.at[pl.ds(0, RB)],
                vals_v.at[pl.ds(cc * RB, RB)],
                sems.at[cc],
            ).wait()
            out = []
            for k16 in range(nrv):
                v = vals_v[pl.ds(cc * RB + k16 * _L, _L)]
                out.append(acc[k16] + v * v)
            return tuple(out)

        acc = lax.fori_loop(
            0, c_w, sumsq,
            tuple(jnp.zeros((_L,), jnp.float32) for _ in range(nrv)),
            unroll=4,
        )

        for k16 in range(nrv):
            part_v[pl.ds(k16 * _L, _L)] = acc[k16]
        pltpu.sync_copy(part_v, shared.at[pl.ds((rb_l * n_cg + cg) * RB, RB)])
        plsc.subcore_barrier()
        pltpu.sync_copy(shared.at[pl.ds(rb_l * n_cg * RB, n_cg * RB)], four_v)

        den = []
        for k16 in range(nrv):
            tot = jnp.zeros((_L,), jnp.float32)
            for g in range(n_cg):
                tot = tot + four_v[pl.ds(g * RB + k16 * _L, _L)]
            r = _rsqrt_newton(tot)
            den.append(jnp.float32(1.0) / (tot * r + jnp.float32(1e-7)))

        for t in range(ct_w):
            def norm(cc2, carry, t=t):
                cc = t * 8 + cc2
                for k16 in range(nrv):
                    v = vals_v[pl.ds(cc * RB + k16 * _L, _L)]
                    out_v[pl.ds(t * (8 * RB) + cc2 * RB + k16 * _L, _L)] = v * den[k16]
                return carry

            lax.fori_loop(0, 8, norm, 0, unroll=2)
            ct = cg * ct_w + t
            pltpu.async_copy(
                out_v.at[pl.ds(t * (8 * RB), 8 * RB)],
                out_hbm.at[pl.ds((ct * n_rb + rb) * (8 * RB), 8 * RB)],
                sem,
            )
        pltpu.make_async_copy(feat_hbm.at[pl.ds(0, ct_w * 8 * RB)], out_v, sem).wait()

    return k


@functools.lru_cache(maxsize=None)
def _build(B, C, H, W, P):
    info = plsc.get_sparse_core_info()
    return _make_sc_kernel(B, C, H, W, P, info.num_cores, info.num_subcores)


def kernel(feat, num_patches, patch_ids):
    B, C, H, W = feat.shape
    P = patch_ids.shape[0]
    feat_flat = (
        feat.reshape(B, C, H // 8, 8, W // 128, 128)
        .transpose(0, 1, 2, 4, 3, 5)
        .reshape(B * C * H * W)
    )
    pids = patch_ids.astype(jnp.int32)
    out_flat, pid_out = _build(B, C, H, W, P)(feat_flat, pids)
    out = (
        out_flat.reshape(C // 8, B * P // 128, 8, 128)
        .transpose(1, 3, 0, 2)
        .reshape(B * P, C)
    )
    return out, pid_out

# --- scband reference (transcript-rebuilt; emitter-appended) ---
"""Pipeline reference for scband-patch-sample-f-26474178413162 (READ-ONLY COPY).

The authoritative reference and input builder live on the scoring server;
editing this copy changes nothing except your own understanding.
"""

import jax, jax.numpy as jnp
import numpy as np


def setup_inputs(seed: int = 0) -> dict:
    key = jax.random.key(seed)
    k1, k2 = jax.random.split(key)
    feat = jax.random.normal(k1, (4, 96, 384, 384), dtype=jnp.float32)
    num_patches = 256
    patch_ids = jax.random.randint(k2, (256,), 0, 384 * 384, dtype=jnp.int64)
    return {"feat": feat, "num_patches": num_patches, "patch_ids": patch_ids}


def reference(feat, num_patches, patch_ids):
    # feat: [B, C, H, W] -> permute to [B, H, W, C] -> flatten spatial -> [B, H*W, C]
    B, C, H, W = feat.shape
    feat_reshape = jnp.transpose(feat, (0, 2, 3, 1)).reshape(B, H * W, C)
    # patch_ids provided -> deterministic gather along spatial axis
    patch_id = patch_ids
    x_sample = jnp.take(feat_reshape, patch_id, axis=1)  # [B, P, C]
    x_sample = x_sample.reshape(B * patch_id.shape[0], C)  # flatten(0,1)
    # Normalize(power=2): norm = (x^2).sum(1, keepdim).^(1/2); out = x / (norm + 1e-7)
    norm = jnp.power(jnp.sum(jnp.power(x_sample, 2.0), axis=1, keepdims=True), 0.5)
    out = x_sample / (norm + 1e-07)
    return (out, patch_id)

if __name__ == "__main__":
    import jax
    _d = setup_inputs()
    print(jax.jit(kernel)(*tuple(_d.values())))

</pallas_src>

<mosaic_0001>
#map = affine_map<(d0, d1) -> (0)>
module attributes {stable_mosaic.version = 14 : i64} {
  func.func @k(%arg0: i32, %arg1: i32, %arg2: memref<56623104xf32, #tpu.memory_space<hbm>>, %arg3: memref<256xi32, #tpu.memory_space<hbm>>, %arg4: memref<98304xf32, #tpu.memory_space<hbm>>, %arg5: memref<256xi32, #tpu.memory_space<hbm>>, %arg6: memref<256xi32, #tpu.memory_space<vmem>>, %arg7: memref<3072xi32, #tpu.memory_space<vmem>>, %arg8: memref<3072xf32, #tpu.memory_space<vmem>>, %arg9: memref<3072xf32, #tpu.memory_space<vmem>>, %arg10: memref<128xf32, #tpu.memory_space<vmem>>, %arg11: memref<512xf32, #tpu.memory_space<vmem>>, %arg12: memref<2048xf32, #tpu.memory_space<vmem_shared>>, %arg13: memref<24x!tpu.dma_semaphore, #tpu.memory_space<semaphore_mem>>, %arg14: memref<!tpu.dma_semaphore, #tpu.memory_space<semaphore_mem>>) attributes {dimension_semantics = [#tpu.dimension_semantics<core_parallel>, #tpu.dimension_semantics<subcore_parallel>], iteration_bounds = array<i64: 2, 16>, scalar_prefetch = 0 : i64, scratch_operands = 9 : i64, tpu.core_type = #tpu.core_type<sc_vector_subcore>, window_params = [{transform_indices = #map}, {transform_indices = #map}, {transform_indices = #map}, {transform_indices = #map}]} {
    %jit3A = arith.constant 4 : i32
    %eq3A = arith.constant 0 : i32
    %eq3A_0 = arith.cmpi eq, %jit3A, %eq3A : i32
    %jit3A_1 = arith.constant 1 : i32
    %select_n3A = arith.select %eq3A_0, %jit3A_1, %jit3A : i32
    %rem3A = arith.remsi %arg1, %select_n3A : i32
    %ne3A = arith.constant 0 : i32
    %ne3A_2 = arith.cmpi ne, %rem3A, %ne3A : i32
    %lt3A = arith.constant 0 : i32
    %lt3A_3 = arith.cmpi slt, %rem3A, %lt3A : i32
    %lt3A_4 = arith.constant 0 : i32
    %lt3A_5 = arith.cmpi slt, %select_n3A, %lt3A_4 : i32
    %ne3A_6 = arith.xori %lt3A_3, %lt3A_5 : i1
    %and3A = arith.andi %ne3A_6, %ne3A_2 : i1
    %add3A = arith.addi %rem3A, %select_n3A : i32
    %select_n3A_7 = arith.select %and3A, %add3A, %rem3A : i32
    %mul3A = arith.constant 4 : i32
    %mul3A_8 = arith.muli %arg0, %mul3A : i32
    %add3A_9 = arith.addi %mul3A_8, %select_n3A_7 : i32
    %jit3A_10 = arith.constant 4 : i32
    %div3A = arith.divsi %arg1, %jit3A_10 : i32
    %sign3A = arith.constant 0 : i32
    %sign3A_11 = arith.cmpi sgt, %arg1, %sign3A : i32
    %sign3A_12 = arith.extui %sign3A_11 : i1 to i32
    %sign3A_13 = arith.constant 0 : i32
    %sign3A_14 = arith.cmpi slt, %arg1, %sign3A_13 : i32
    %sign3A_15 = arith.extui %sign3A_14 : i1 to i32
    %sign3A_16 = arith.subi %sign3A_12, %sign3A_15 : i32
    %sign3A_17 = arith.constant 0 : i32
    %sign3A_18 = arith.cmpi sgt, %jit3A_10, %sign3A_17 : i32
    %sign3A_19 = arith.extui %sign3A_18 : i1 to i32
    %sign3A_20 = arith.constant 0 : i32
    %sign3A_21 = arith.cmpi slt, %jit3A_10, %sign3A_20 : i32
    %sign3A_22 = arith.extui %sign3A_21 : i1 to i32
    %sign3A_23 = arith.subi %sign3A_19, %sign3A_22 : i32
    %ne3A_24 = arith.cmpi ne, %sign3A_16, %sign3A_23 : i32
    %rem3A_25 = arith.remsi %arg1, %jit3A_10 : i32
    %ne3A_26 = arith.constant 0 : i32
    %ne3A_27 = arith.cmpi ne, %rem3A_25, %ne3A_26 : i32
    %and3A_28 = arith.andi %ne3A_24, %ne3A_27 : i1
    %sub3A = arith.constant 1 : i32
    %sub3A_29 = arith.subi %div3A, %sub3A : i32
    %select_n3A_30 = arith.select %and3A_28, %sub3A_29, %div3A : i32
    %mul3A_31 = arith.constant 24 : i32
    %mul3A_32 = arith.muli %select_n3A_30, %mul3A_31 : i32
    "tpu.region"() ({
      %run_scoped3A = tpu.sem_alloc : memref<!tpu.dma_semaphore, #tpu.memory_space<semaphore_mem>>
      tpu.enqueue_dma source(%arg3 : memref<256xi32, #tpu.memory_space<hbm>>) target(%arg6 : memref<256xi32, #tpu.memory_space<vmem>>) target_semaphore(%run_scoped3A : memref<!tpu.dma_semaphore, #tpu.memory_space<semaphore_mem>>)
      tpu.wait_dma2 semaphore(%run_scoped3A : memref<!tpu.dma_semaphore, #tpu.memory_space<semaphore_mem>>) src(%arg3 : memref<256xi32, #tpu.memory_space<hbm>>) dst(%arg6 : memref<256xi32, #tpu.memory_space<vmem>>)
      tpu.yield
    }) : () -> ()
    %eq3A_33 = arith.constant 0 : i32
    %eq3A_34 = arith.cmpi eq, %arg1, %eq3A_33 : i32
    %eq3A_35 = arith.constant 0 : i32
    %eq3A_36 = arith.cmpi eq, %arg0, %eq3A_35 : i32
    %and3A_37 = arith.andi %eq3A_34, %eq3A_36 : i1
    %convert_element_type3A = arith.extui %and3A_37 : i1 to i32
    %cond3A = arith.constant 0 : i32
    %cond3A_38 = arith.cmpi ne, %convert_element_type3A, %cond3A : i32
    scf.if %cond3A_38 {
      "tpu.region"() ({
        %run_scoped3A = tpu.sem_alloc : memref<!tpu.dma_semaphore, #tpu.memory_space<semaphore_mem>>
        tpu.enqueue_dma source(%arg6 : memref<256xi32, #tpu.memory_space<vmem>>) target(%arg5 : memref<256xi32, #tpu.memory_space<hbm>>) target_semaphore(%run_scoped3A : memref<!tpu.dma_semaphore, #tpu.memory_space<semaphore_mem>>)
        tpu.wait_dma2 semaphore(%run_scoped3A : memref<!tpu.dma_semaphore, #tpu.memory_space<semaphore_mem>>) src(%arg6 : memref<256xi32, #tpu.memory_space<vmem>>) dst(%arg5 : memref<256xi32, #tpu.memory_space<hbm>>)
        tpu.yield
      }) : () -> ()
    } else {
    }
    %mul3A_39 = arith.constant 128 : i32
    %mul3A_40 = arith.muli %add3A_9, %mul3A_39 : i32
    %jit3A_41 = arith.constant 256 : i32
    %div3A_42 = arith.divsi %mul3A_40, %jit3A_41 : i32
    %sign3A_43 = arith.constant 0 : i32
    %sign3A_44 = arith.cmpi sgt, %mul3A_40, %sign3A_43 : i32
    %sign3A_45 = arith.extui %sign3A_44 : i1 to i32
    %sign3A_46 = arith.constant 0 : i32
    %sign3A_47 = arith.cmpi slt, %mul3A_40, %sign3A_46 : i32
    %sign3A_48 = arith.extui %sign3A_47 : i1 to i32
    %sign3A_49 = arith.subi %sign3A_45, %sign3A_48 : i32
    %sign3A_50 = arith.constant 0 : i32
    %sign3A_51 = arith.cmpi sgt, %jit3A_41, %sign3A_50 : i32
    %sign3A_52 = arith.extui %sign3A_51 : i1 to i32
    %sign3A_53 = arith.constant 0 : i32
    %sign3A_54 = arith.cmpi slt, %jit3A_41, %sign3A_53 : i32
    %sign3A_55 = arith.extui %sign3A_54 : i1 to i32
    %sign3A_56 = arith.subi %sign3A_52, %sign3A_55 : i32
    %ne3A_57 = arith.cmpi ne, %sign3A_49, %sign3A_56 : i32
    %rem3A_58 = arith.remsi %mul3A_40, %jit3A_41 : i32
    %ne3A_59 = arith.constant 0 : i32
    %ne3A_60 = arith.cmpi ne, %rem3A_58, %ne3A_59 : i32
    %and3A_61 = arith.andi %ne3A_57, %ne3A_60 : i1
    %sub3A_62 = arith.constant 1 : i32
    %sub3A_63 = arith.subi %div3A_42, %sub3A_62 : i32
    %select_n3A_64 = arith.select %and3A_61, %sub3A_63, %div3A_42 : i32
    %mul3A_65 = arith.constant 128 : i32
    %mul3A_66 = arith.muli %add3A_9, %mul3A_65 : i32
    %jit3A_67 = arith.constant 256 : i32
    %eq3A_68 = arith.constant 0 : i32
    %eq3A_69 = arith.cmpi eq, %jit3A_67, %eq3A_68 : i32
    %jit3A_70 = arith.constant 1 : i32
    %select_n3A_71 = arith.select %eq3A_69, %jit3A_70, %jit3A_67 : i32
    %rem3A_72 = arith.remsi %mul3A_66, %select_n3A_71 : i32
    %ne3A_73 = arith.constant 0 : i32
    %ne3A_74 = arith.cmpi ne, %rem3A_72, %ne3A_73 : i32
    %lt3A_75 = arith.constant 0 : i32
    %lt3A_76 = arith.cmpi slt, %rem3A_72, %lt3A_75 : i32
    %lt3A_77 = arith.constant 0 : i32
    %lt3A_78 = arith.cmpi slt, %select_n3A_71, %lt3A_77 : i32
    %ne3A_79 = arith.xori %lt3A_76, %lt3A_78 : i1
    %and3A_80 = arith.andi %ne3A_79, %ne3A_74 : i1
    %add3A_81 = arith.addi %rem3A_72, %select_n3A_71 : i32
    %select_n3A_82 = arith.select %and3A_80, %add3A_81, %rem3A_72 : i32
    %add3A_83 = arith.constant 0 : i32
    %add3A_84 = arith.addi %select_n3A_82, %add3A_83 : i32
    %get3A = arith.index_cast %add3A_84 : i32 to index
    %get3A_85 = tpu.vector_load %arg6[%get3A] {strides = array<i32>} : memref<256xi32, #tpu.memory_space<vmem>>, vector<16xi32>,
    %jit3A_86 = arith.constant 384 : i32
    %div3A_87 = vector.broadcast %jit3A_86 : i32 to vector<16xi32>
    %div3A_88 = arith.divsi %get3A_85, %div3A_87 : vector<16xi32>
    %sign3A_89 = arith.constant 0 : i32
    %sign3A_90 = vector.broadcast %sign3A_89 : i32 to vector<16xi32>
    %sign3A_91 = arith.cmpi sgt, %get3A_85, %sign3A_90 : vector<16xi32>
    %sign3A_92 = arith.extui %sign3A_91 : vector<16xi1> to vector<16xi32>
    %sign3A_93 = arith.constant 0 : i32
    %sign3A_94 = vector.broadcast %sign3A_93 : i32 to vector<16xi32>
    %sign3A_95 = arith.cmpi slt, %get3A_85, %sign3A_94 : vector<16xi32>
    %sign3A_96 = arith.extui %sign3A_95 : vector<16xi1> to vector<16xi32>
    %sign3A_97 = arith.subi %sign3A_92, %sign3A_96 : vector<16xi32>
    %sign3A_98 = arith.constant 0 : i32
    %sign3A_99 = arith.cmpi sgt, %jit3A_86, %sign3A_98 : i32
    %sign3A_100 = arith.extui %sign3A_99 : i1 to i32
    %sign3A_101 = arith.constant 0 : i32
    %sign3A_102 = arith.cmpi slt, %jit3A_86, %sign3A_101 : i32
    %sign3A_103 = arith.extui %sign3A_102 : i1 to i32
    %sign3A_104 = arith.subi %sign3A_100, %sign3A_103 : i32
    %ne3A_105 = vector.broadcast %sign3A_104 : i32 to vector<16xi32>
    %ne3A_106 = arith.cmpi ne, %sign3A_97, %ne3A_105 : vector<16xi32>
    %rem3A_107 = vector.broadcast %jit3A_86 : i32 to vector<16xi32>
    %rem3A_108 = arith.remsi %get3A_85, %rem3A_107 : vector<16xi32>
    %ne3A_109 = arith.constant 0 : i32
    %ne3A_110 = vector.broadcast %ne3A_109 : i32 to vector<16xi32>
    %ne3A_111 = arith.cmpi ne, %rem3A_108, %ne3A_110 : vector<16xi32>
    %and3A_112 = arith.andi %ne3A_106, %ne3A_111 : vector<16xi1>
    %sub3A_113 = arith.constant 1 : i32
    %sub3A_114 = vector.broadcast %sub3A_113 : i32 to vector<16xi32>
    %sub3A_115 = arith.subi %div3A_88, %sub3A_114 : vector<16xi32>
    %select_n3A_116 = arith.select %and3A_112, %sub3A_115, %div3A_88 : vector<16xi1>, vector<16xi32>
    %mul3A_117 = arith.constant 384 : i32
    %mul3A_118 = vector.broadcast %mul3A_117 : i32 to vector<16xi32>
    %mul3A_119 = arith.muli %select_n3A_116, %mul3A_118 : vector<16xi32>
    %sub3A_120 = arith.subi %get3A_85, %mul3A_119 : vector<16xi32>
    %shift_right_arithmetic3A = arith.constant 3 : i32
    %shift_right_arithmetic3A_121 = vector.broadcast %shift_right_arithmetic3A : i32 to vector<16xi32>
    %shift_right_arithmetic3A_122 = arith.shrsi %select_n3A_116, %shift_right_arithmetic3A_121 : vector<16xi32>
    %mul3A_123 = arith.constant 3 : i32
    %mul3A_124 = vector.broadcast %mul3A_123 : i32 to vector<16xi32>
    %mul3A_125 = arith.muli %shift_right_arithmetic3A_122, %mul3A_124 : vector<16xi32>
    %shift_right_arithmetic3A_126 = arith.constant 7 : i32
    %shift_right_arithmetic3A_127 = vector.broadcast %shift_right_arithmetic3A_126 : i32 to vector<16xi32>
    %shift_right_arithmetic3A_128 = arith.shrsi %sub3A_120, %shift_right_arithmetic3A_127 : vector<16xi32>
    %add3A_129 = arith.addi %mul3A_125, %shift_right_arithmetic3A_128 : vector<16xi32>
    %shift_left3A = arith.constant 10 : i32
    %shift_left3A_130 = vector.broadcast %shift_left3A : i32 to vector<16xi32>
    %shift_left3A_131 = arith.shli %add3A_129, %shift_left3A_130 : vector<16xi32>
    %and3A_132 = arith.constant 7 : i32
    %and3A_133 = vector.broadcast %and3A_132 : i32 to vector<16xi32>
    %and3A_134 = arith.andi %select_n3A_116, %and3A_133 : vector<16xi32>
    %shift_left3A_135 = arith.constant 7 : i32
    %shift_left3A_136 = vector.broadcast %shift_left3A_135 : i32 to vector<16xi32>
    %shift_left3A_137 = arith.shli %and3A_134, %shift_left3A_136 : vector<16xi32>
    %add3A_138 = arith.addi %shift_left3A_131, %shift_left3A_137 : vector<16xi32>
    %and3A_139 = arith.constant 127 : i32
    %and3A_140 = vector.broadcast %and3A_139 : i32 to vector<16xi32>
    %and3A_141 = arith.andi %sub3A_120, %and3A_140 : vector<16xi32>
    %add3A_142 = arith.addi %add3A_138, %and3A_141 : vector<16xi32>
    %add3A_143 = arith.constant 16 : i32
    %add3A_144 = arith.addi %select_n3A_82, %add3A_143 : i32
    %get3A_145 = arith.index_cast %add3A_144 : i32 to index
    %get3A_146 = tpu.vector_load %arg6[%get3A_145] {strides = array<i32>} : memref<256xi32, #tpu.memory_space<vmem>>, vector<16xi32>,
    %jit3A_147 = arith.constant 384 : i32
    %div3A_148 = vector.broadcast %jit3A_147 : i32 to vector<16xi32>
    %div3A_149 = arith.divsi %get3A_146, %div3A_148 : vector<16xi32>
    %sign3A_150 = arith.constant 0 : i32
    %sign3A_151 = vector.broadcast %sign3A_150 : i32 to vector<16xi32>
    %sign3A_152 = arith.cmpi sgt, %get3A_146, %sign3A_151 : vector<16xi32>
    %sign3A_153 = arith.extui %sign3A_152 : vector<16xi1> to vector<16xi32>
    %sign3A_154 = arith.constant 0 : i32
    %sign3A_155 = vector.broadcast %sign3A_154 : i32 to vector<16xi32>
    %sign3A_156 = arith.cmpi slt, %get3A_146, %sign3A_155 : vector<16xi32>
    %sign3A_157 = arith.extui %sign3A_156 : vector<16xi1> to vector<16xi32>
    %sign3A_158 = arith.subi %sign3A_153, %sign3A_157 : vector<16xi32>
    %sign3A_159 = arith.constant 0 : i32
    %sign3A_160 = arith.cmpi sgt, %jit3A_147, %sign3A_159 : i32
    %sign3A_161 = arith.extui %sign3A_160 : i1 to i32
    %sign3A_162 = arith.constant 0 : i32
    %sign3A_163 = arith.cmpi slt, %jit3A_147, %sign3A_162 : i32
    %sign3A_164 = arith.extui %sign3A_163 : i1 to i32
    %sign3A_165 = arith.subi %sign3A_161, %sign3A_164 : i32
    %ne3A_166 = vector.broadcast %sign3A_165 : i32 to vector<16xi32>
    %ne3A_167 = arith.cmpi ne, %sign3A_158, %ne3A_166 : vector<16xi32>
    %rem3A_168 = vector.broadcast %jit3A_147 : i32 to vector<16xi32>
    %rem3A_169 = arith.remsi %get3A_146, %rem3A_168 : vector<16xi32>
    %ne3A_170 = arith.constant 0 : i32
    %ne3A_171 = vector.broadcast %ne3A_170 : i32 to vector<16xi32>
    %ne3A_172 = arith.cmpi ne, %rem3A_169, %ne3A_171 : vector<16xi32>
    %and3A_173 = arith.andi %ne3A_167, %ne3A_172 : vector<16xi1>
    %sub3A_174 = arith.constant 1 : i32
    %sub3A_175 = vector.broadcast %sub3A_174 : i32 to vector<16xi32>
    %sub3A_176 = arith.subi %div3A_149, %sub3A_175 : vector<16xi32>
    %select_n3A_177 = arith.select %and3A_173, %sub3A_176, %div3A_149 : vector<16xi1>, vector<16xi32>
    %mul3A_178 = arith.constant 384 : i32
    %mul3A_179 = vector.broadcast %mul3A_178 : i32 to vector<16xi32>
    %mul3A_180 = arith.muli %select_n3A_177, %mul3A_179 : vector<16xi32>
    %sub3A_181 = arith.subi %get3A_146, %mul3A_180 : vector<16xi32>
    %shift_right_arithmetic3A_182 = arith.constant 3 : i32
    %shift_right_arithmetic3A_183 = vector.broadcast %shift_right_arithmetic3A_182 : i32 to vector<16xi32>
    %shift_right_arithmetic3A_184 = arith.shrsi %select_n3A_177, %shift_right_arithmetic3A_183 : vector<16xi32>
    %mul3A_185 = arith.constant 3 : i32
    %mul3A_186 = vector.broadcast %mul3A_185 : i32 to vector<16xi32>
    %mul3A_187 = arith.muli %shift_right_arithmetic3A_184, %mul3A_186 : vector<16xi32>
    %shift_right_arithmetic3A_188 = arith.constant 7 : i32
    %shift_right_arithmetic3A_189 = vector.broadcast %shift_right_arithmetic3A_188 : i32 to vector<16xi32>
    %shift_right_arithmetic3A_190 = arith.shrsi %sub3A_181, %shift_right_arithmetic3A_189 : vector<16xi32>
    %add3A_191 = arith.addi %mul3A_187, %shift_right_arithmetic3A_190 : vector<16xi32>
    %shift_left3A_192 = arith.constant 10 : i32
    %shift_left3A_193 = vector.broadcast %shift_left3A_192 : i32 to vector<16xi32>
    %shift_left3A_194 = arith.shli %add3A_191, %shift_left3A_193 : vector<16xi32>
    %and3A_195 = arith.constant 7 : i32
    %and3A_196 = vector.broadcast %and3A_195 : i32 to vector<16xi32>
    %and3A_197 = arith.andi %select_n3A_177, %and3A_196 : vector<16xi32>
    %shift_left3A_198 = arith.constant 7 : i32
    %shift_left3A_199 = vector.broadcast %shift_left3A_198 : i32 to vector<16xi32>
    %shift_left3A_200 = arith.shli %and3A_197, %shift_left3A_199 : vector<16xi32>
    %add3A_201 = arith.addi %shift_left3A_194, %shift_left3A_200 : vector<16xi32>
    %and3A_202 = arith.constant 127 : i32
    %and3A_203 = vector.broadcast %and3A_202 : i32 to vector<16xi32>
    %and3A_204 = arith.andi %sub3A_181, %and3A_203 : vector<16xi32>
    %add3A_205 = arith.addi %add3A_201, %and3A_204 : vector<16xi32>
    %add3A_206 = arith.constant 32 : i32
    %add3A_207 = arith.addi %select_n3A_82, %add3A_206 : i32
    %get3A_208 = arith.index_cast %add3A_207 : i32 to index
    %get3A_209 = tpu.vector_load %arg6[%get3A_208] {strides = array<i32>} : memref<256xi32, #tpu.memory_space<vmem>>, vector<16xi32>,
    %jit3A_210 = arith.constant 384 : i32
    %div3A_211 = vector.broadcast %jit3A_210 : i32 to vector<16xi32>
    %div3A_212 = arith.divsi %get3A_209, %div3A_211 : vector<16xi32>
    %sign3A_213 = arith.constant 0 : i32
    %sign3A_214 = vector.broadcast %sign3A_213 : i32 to vector<16xi32>
    %sign3A_215 = arith.cmpi sgt, %get3A_209, %sign3A_214 : vector<16xi32>
    %sign3A_216 = arith.extui %sign3A_215 : vector<16xi1> to vector<16xi32>
    %sign3A_217 = arith.constant 0 : i32
    %sign3A_218 = vector.broadcast %sign3A_217 : i32 to vector<16xi32>
    %sign3A_219 = arith.cmpi slt, %get3A_209, %sign3A_218 : vector<16xi32>
    %sign3A_220 = arith.extui %sign3A_219 : vector<16xi1> to vector<16xi32>
    %sign3A_221 = arith.subi %sign3A_216, %sign3A_220 : vector<16xi32>
    %sign3A_222 = arith.constant 0 : i32
    %sign3A_223 = arith.cmpi sgt, %jit3A_210, %sign3A_222 : i32
    %sign3A_224 = arith.extui %sign3A_223 : i1 to i32
    %sign3A_225 = arith.constant 0 : i32
    %sign3A_226 = arith.cmpi slt, %jit3A_210, %sign3A_225 : i32
    %sign3A_227 = arith.extui %sign3A_226 : i1 to i32
    %sign3A_228 = arith.subi %sign3A_224, %sign3A_227 : i32
    %ne3A_229 = vector.broadcast %sign3A_228 : i32 to vector<16xi32>
    %ne3A_230 = arith.cmpi ne, %sign3A_221, %ne3A_229 : vector<16xi32>
    %rem3A_231 = vector.broadcast %jit3A_210 : i32 to vector<16xi32>
    %rem3A_232 = arith.remsi %get3A_209, %rem3A_231 : vector<16xi32>
    %ne3A_233 = arith.constant 0 : i32
    %ne3A_234 = vector.broadcast %ne3A_233 : i32 to vector<16xi32>
    %ne3A_235 = arith.cmpi ne, %rem3A_232, %ne3A_234 : vector<16xi32>
    %and3A_236 = arith.andi %ne3A_230, %ne3A_235 : vector<16xi1>
    %sub3A_237 = arith.constant 1 : i32
    %sub3A_238 = vector.broadcast %sub3A_237 : i32 to vector<16xi32>
    %sub3A_239 = arith.subi %div3A_212, %sub3A_238 : vector<16xi32>
    %select_n3A_240 = arith.select %and3A_236, %sub3A_239, %div3A_212 : vector<16xi1>, vector<16xi32>
    %mul3A_241 = arith.constant 384 : i32
    %mul3A_242 = vector.broadcast %mul3A_241 : i32 to vector<16xi32>
    %mul3A_243 = arith.muli %select_n3A_240, %mul3A_242 : vector<16xi32>
    %sub3A_244 = arith.subi %get3A_209, %mul3A_243 : vector<16xi32>
    %shift_right_arithmetic3A_245 = arith.constant 3 : i32
    %shift_right_arithmetic3A_246 = vector.broadcast %shift_right_arithmetic3A_245 : i32 to vector<16xi32>
    %shift_right_arithmetic3A_247 = arith.shrsi %select_n3A_240, %shift_right_arithmetic3A_246 : vector<16xi32>
    %mul3A_248 = arith.constant 3 : i32
    %mul3A_249 = vector.broadcast %mul3A_248 : i32 to vector<16xi32>
    %mul3A_250 = arith.muli %shift_right_arithmetic3A_247, %mul3A_249 : vector<16xi32>
    %shift_right_arithmetic3A_251 = arith.constant 7 : i32
    %shift_right_arithmetic3A_252 = vector.broadcast %shift_right_arithmetic3A_251 : i32 to vector<16xi32>
    %shift_right_arithmetic3A_253 = arith.shrsi %sub3A_244, %shift_right_arithmetic3A_252 : vector<16xi32>
    %add3A_254 = arith.addi %mul3A_250, %shift_right_arithmetic3A_253 : vector<16xi32>
    %shift_left3A_255 = arith.constant 10 : i32
    %shift_left3A_256 = vector.broadcast %shift_left3A_255 : i32 to vector<16xi32>
    %shift_left3A_257 = arith.shli %add3A_254, %shift_left3A_256 : vector<16xi32>
    %and3A_258 = arith.constant 7 : i32
    %and3A_259 = vector.broadcast %and3A_258 : i32 to vector<16xi32>
    %and3A_260 = arith.andi %select_n3A_240, %and3A_259 : vector<16xi32>
    %shift_left3A_261 = arith.constant 7 : i32
    %shift_left3A_262 = vector.broadcast %shift_left3A_261 : i32 to vector<16xi32>
    %shift_left3A_263 = arith.shli %and3A_260, %shift_left3A_262 : vector<16xi32>
    %add3A_264 = arith.addi %shift_left3A_257, %shift_left3A_263 : vector<16xi32>
    %and3A_265 = arith.constant 127 : i32
    %and3A_266 = vector.broadcast %and3A_265 : i32 to vector<16xi32>
    %and3A_267 = arith.andi %sub3A_244, %and3A_266 : vector<16xi32>
    %add3A_268 = arith.addi %add3A_264, %and3A_267 : vector<16xi32>
    %add3A_269 = arith.constant 48 : i32
    %add3A_270 = arith.addi %select_n3A_82, %add3A_269 : i32
    %get3A_271 = arith.index_cast %add3A_270 : i32 to index
    %get3A_272 = tpu.vector_load %arg6[%get3A_271] {strides = array<i32>} : memref<256xi32, #tpu.memory_space<vmem>>, vector<16xi32>,
    %jit3A_273 = arith.constant 384 : i32
    %div3A_274 = vector.broadcast %jit3A_273 : i32 to vector<16xi32>
    %div3A_275 = arith.divsi %get3A_272, %div3A_274 : vector<16xi32>
    %sign3A_276 = arith.constant 0 : i32
    %sign3A_277 = vector.broadcast %sign3A_276 : i32 to vector<16xi32>
    %sign3A_278 = arith.cmpi sgt, %get3A_272, %sign3A_277 : vector<16xi32>
    %sign3A_279 = arith.extui %sign3A_278 : vector<16xi1> to vector<16xi32>
    %sign3A_280 = arith.constant 0 : i32
    %sign3A_281 = vector.broadcast %sign3A_280 : i32 to vector<16xi32>
    %sign3A_282 = arith.cmpi slt, %get3A_272, %sign3A_281 : vector<16xi32>
    %sign3A_283 = arith.extui %sign3A_282 : vector<16xi1> to vector<16xi32>
    %sign3A_284 = arith.subi %sign3A_279, %sign3A_283 : vector<16xi32>
    %sign3A_285 = arith.constant 0 : i32
    %sign3A_286 = arith.cmpi sgt, %jit3A_273, %sign3A_285 : i32
    %sign3A_287 = arith.extui %sign3A_286 : i1 to i32
    %sign3A_288 = arith.constant 0 : i32
    %sign3A_289 = arith.cmpi slt, %jit3A_273, %sign3A_288 : i32
    %sign3A_290 = arith.extui %sign3A_289 : i1 to i32
    %sign3A_291 = arith.subi %sign3A_287, %sign3A_290 : i32
    %ne3A_292 = vector.broadcast %sign3A_291 : i32 to vector<16xi32>
    %ne3A_293 = arith.cmpi ne, %sign3A_284, %ne3A_292 : vector<16xi32>
    %rem3A_294 = vector.broadcast %jit3A_273 : i32 to vector<16xi32>
    %rem3A_295 = arith.remsi %get3A_272, %rem3A_294 : vector<16xi32>
    %ne3A_296 = arith.constant 0 : i32
    %ne3A_297 = vector.broadcast %ne3A_296 : i32 to vector<16xi32>
    %ne3A_298 = arith.cmpi ne, %rem3A_295, %ne3A_297 : vector<16xi32>
    %and3A_299 = arith.andi %ne3A_293, %ne3A_298 : vector<16xi1>
    %sub3A_300 = arith.constant 1 : i32
    %sub3A_301 = vector.broadcast %sub3A_300 : i32 to vector<16xi32>
    %sub3A_302 = arith.subi %div3A_275, %sub3A_301 : vector<16xi32>
    %select_n3A_303 = arith.select %and3A_299, %sub3A_302, %div3A_275 : vector<16xi1>, vector<16xi32>
    %mul3A_304 = arith.constant 384 : i32
    %mul3A_305 = vector.broadcast %mul3A_304 : i32 to vector<16xi32>
    %mul3A_306 = arith.muli %select_n3A_303, %mul3A_305 : vector<16xi32>
    %sub3A_307 = arith.subi %get3A_272, %mul3A_306 : vector<16xi32>
    %shift_right_arithmetic3A_308 = arith.constant 3 : i32
    %shift_right_arithmetic3A_309 = vector.broadcast %shift_right_arithmetic3A_308 : i32 to vector<16xi32>
    %shift_right_arithmetic3A_310 = arith.shrsi %select_n3A_303, %shift_right_arithmetic3A_309 : vector<16xi32>
    %mul3A_311 = arith.constant 3 : i32
    %mul3A_312 = vector.broadcast %mul3A_311 : i32 to vector<16xi32>
    %mul3A_313 = arith.muli %shift_right_arithmetic3A_310, %mul3A_312 : vector<16xi32>
    %shift_right_arithmetic3A_314 = arith.constant 7 : i32
    %shift_right_arithmetic3A_315 = vector.broadcast %shift_right_arithmetic3A_314 : i32 to vector<16xi32>
    %shift_right_arithmetic3A_316 = arith.shrsi %sub3A_307, %shift_right_arithmetic3A_315 : vector<16xi32>
    %add3A_317 = arith.addi %mul3A_313, %shift_right_arithmetic3A_316 : vector<16xi32>
    %shift_left3A_318 = arith.constant 10 : i32
    %shift_left3A_319 = vector.broadcast %shift_left3A_318 : i32 to vector<16xi32>
    %shift_left3A_320 = arith.shli %add3A_317, %shift_left3A_319 : vector<16xi32>
    %and3A_321 = arith.constant 7 : i32
    %and3A_322 = vector.broadcast %and3A_321 : i32 to vector<16xi32>
    %and3A_323 = arith.andi %select_n3A_303, %and3A_322 : vector<16xi32>
    %shift_left3A_324 = arith.constant 7 : i32
    %shift_left3A_325 = vector.broadcast %shift_left3A_324 : i32 to vector<16xi32>
    %shift_left3A_326 = arith.shli %and3A_323, %shift_left3A_325 : vector<16xi32>
    %add3A_327 = arith.addi %shift_left3A_320, %shift_left3A_326 : vector<16xi32>
    %and3A_328 = arith.constant 127 : i32
    %and3A_329 = vector.broadcast %and3A_328 : i32 to vector<16xi32>
    %and3A_330 = arith.andi %sub3A_307, %and3A_329 : vector<16xi32>
    %add3A_331 = arith.addi %add3A_327, %and3A_330 : vector<16xi32>
    %add3A_332 = arith.constant 64 : i32
    %add3A_333 = arith.addi %select_n3A_82, %add3A_332 : i32
    %get3A_334 = arith.index_cast %add3A_333 : i32 to index
    %get3A_335 = tpu.vector_load %arg6[%get3A_334] {strides = array<i32>} : memref<256xi32, #tpu.memory_space<vmem>>, vector<16xi32>,
    %jit3A_336 = arith.constant 384 : i32
    %div3A_337 = vector.broadcast %jit3A_336 : i32 to vector<16xi32>
    %div3A_338 = arith.divsi %get3A_335, %div3A_337 : vector<16xi32>
    %sign3A_339 = arith.constant 0 : i32
    %sign3A_340 = vector.broadcast %sign3A_339 : i32 to vector<16xi32>
    %sign3A_341 = arith.cmpi sgt, %get3A_335, %sign3A_340 : vector<16xi32>
    %sign3A_342 = arith.extui %sign3A_341 : vector<16xi1> to vector<16xi32>
    %sign3A_343 = arith.constant 0 : i32
    %sign3A_344 = vector.broadcast %sign3A_343 : i32 to vector<16xi32>
    %sign3A_345 = arith.cmpi slt, %get3A_335, %sign3A_344 : vector<16xi32>
    %sign3A_346 = arith.extui %sign3A_345 : vector<16xi1> to vector<16xi32>
    %sign3A_347 = arith.subi %sign3A_342, %sign3A_346 : vector<16xi32>
    %sign3A_348 = arith.constant 0 : i32
    %sign3A_349 = arith.cmpi sgt, %jit3A_336, %sign3A_348 : i32
    %sign3A_350 = arith.extui %sign3A_349 : i1 to i32
    %sign3A_351 = arith.constant 0 : i32
    %sign3A_352 = arith.cmpi slt, %jit3A_336, %sign3A_351 : i32
    %sign3A_353 = arith.extui %sign3A_352 : i1 to i32
    %sign3A_354 = arith.subi %sign3A_350, %sign3A_353 : i32
    %ne3A_355 = vector.broadcast %sign3A_354 : i32 to vector<16xi32>
    %ne3A_356 = arith.cmpi ne, %sign3A_347, %ne3A_355 : vector<16xi32>
    %rem3A_357 = vector.broadcast %jit3A_336 : i32 to vector<16xi32>
    %rem3A_358 = arith.remsi %get3A_335, %rem3A_357 : vector<16xi32>
    %ne3A_359 = arith.constant 0 : i32
    %ne3A_360 = vector.broadcast %ne3A_359 : i32 to vector<16xi32>
    %ne3A_361 = arith.cmpi ne, %rem3A_358, %ne3A_360 : vector<16xi32>
    %and3A_362 = arith.andi %ne3A_356, %ne3A_361 : vector<16xi1>
    %sub3A_363 = arith.constant 1 : i32
    %sub3A_364 = vector.broadcast %sub3A_363 : i32 to vector<16xi32>
    %sub3A_365 = arith.subi %div3A_338, %sub3A_364 : vector<16xi32>
    %select_n3A_366 = arith.select %and3A_362, %sub3A_365, %div3A_338 : vector<16xi1>, vector<16xi32>
    %mul3A_367 = arith.constant 384 : i32
    %mul3A_368 = vector.broadcast %mul3A_367 : i32 to vector<16xi32>
    %mul3A_369 = arith.muli %select_n3A_366, %mul3A_368 : vector<16xi32>
    %sub3A_370 = arith.subi %get3A_335, %mul3A_369 : vector<16xi32>
    %shift_right_arithmetic3A_371 = arith.constant 3 : i32
    %shift_right_arithmetic3A_372 = vector.broadcast %shift_right_arithmetic3A_371 : i32 to vector<16xi32>
    %shift_right_arithmetic3A_373 = arith.shrsi %select_n3A_366, %shift_right_arithmetic3A_372 : vector<16xi32>
    %mul3A_374 = arith.constant 3 : i32
    %mul3A_375 = vector.broadcast %mul3A_374 : i32 to vector<16xi32>
    %mul3A_376 = arith.muli %shift_right_arithmetic3A_373, %mul3A_375 : vector<16xi32>
    %shift_right_arithmetic3A_377 = arith.constant 7 : i32
    %shift_right_arithmetic3A_378 = vector.broadcast %shift_right_arithmetic3A_377 : i32 to vector<16xi32>
    %shift_right_arithmetic3A_379 = arith.shrsi %sub3A_370, %shift_right_arithmetic3A_378 : vector<16xi32>
    %add3A_380 = arith.addi %mul3A_376, %shift_right_arithmetic3A_379 : vector<16xi32>
    %shift_left3A_381 = arith.constant 10 : i32
    %shift_left3A_382 = vector.broadcast %shift_left3A_381 : i32 to vector<16xi32>
    %shift_left3A_383 = arith.shli %add3A_380, %shift_left3A_382 : vector<16xi32>
    %and3A_384 = arith.constant 7 : i32
    %and3A_385 = vector.broadcast %and3A_384 : i32 to vector<16xi32>
    %and3A_386 = arith.andi %select_n3A_366, %and3A_385 : vector<16xi32>
    %shift_left3A_387 = arith.constant 7 : i32
    %shift_left3A_388 = vector.broadcast %shift_left3A_387 : i32 to vector<16xi32>
    %shift_left3A_389 = arith.shli %and3A_386, %shift_left3A_388 : vector<16xi32>
    %add3A_390 = arith.addi %shift_left3A_383, %shift_left3A_389 : vector<16xi32>
    %and3A_391 = arith.constant 127 : i32
    %and3A_392 = vector.broadcast %and3A_391 : i32 to vector<16xi32>
    %and3A_393 = arith.andi %sub3A_370, %and3A_392 : vector<16xi32>
    %add3A_394 = arith.addi %add3A_390, %and3A_393 : vector<16xi32>
    %add3A_395 = arith.constant 80 : i32
    %add3A_396 = arith.addi %select_n3A_82, %add3A_395 : i32
    %get3A_397 = arith.index_cast %add3A_396 : i32 to index
    %get3A_398 = tpu.vector_load %arg6[%get3A_397] {strides = array<i32>} : memref<256xi32, #tpu.memory_space<vmem>>, vector<16xi32>,
    %jit3A_399 = arith.constant 384 : i32
    %div3A_400 = vector.broadcast %jit3A_399 : i32 to vector<16xi32>
    %div3A_401 = arith.divsi %get3A_398, %div3A_400 : vector<16xi32>
    %sign3A_402 = arith.constant 0 : i32
    %sign3A_403 = vector.broadcast %sign3A_402 : i32 to vector<16xi32>
    %sign3A_404 = arith.cmpi sgt, %get3A_398, %sign3A_403 : vector<16xi32>
    %sign3A_405 = arith.extui %sign3A_404 : vector<16xi1> to vector<16xi32>
    %sign3A_406 = arith.constant 0 : i32
    %sign3A_407 = vector.broadcast %sign3A_406 : i32 to vector<16xi32>
    %sign3A_408 = arith.cmpi slt, %get3A_398, %sign3A_407 : vector<16xi32>
    %sign3A_409 = arith.extui %sign3A_408 : vector<16xi1> to vector<16xi32>
    %sign3A_410 = arith.subi %sign3A_405, %sign3A_409 : vector<16xi32>
    %sign3A_411 = arith.constant 0 : i32
    %sign3A_412 = arith.cmpi sgt, %jit3A_399, %sign3A_411 : i32
    %sign3A_413 = arith.extui %sign3A_412 : i1 to i32
    %sign3A_414 = arith.constant 0 : i32
    %sign3A_415 = arith.cmpi slt, %jit3A_399, %sign3A_414 : i32
    %sign3A_416 = arith.extui %sign3A_415 : i1 to i32
    %sign3A_417 = arith.subi %sign3A_413, %sign3A_416 : i32
    %ne3A_418 = vector.broadcast %sign3A_417 : i32 to vector<16xi32>
    %ne3A_419 = arith.cmpi ne, %sign3A_410, %ne3A_418 : vector<16xi32>
    %rem3A_420 = vector.broadcast %jit3A_399 : i32 to vector<16xi32>
    %rem3A_421 = arith.remsi %get3A_398, %rem3A_420 : vector<16xi32>
    %ne3A_422 = arith.constant 0 : i32
    %ne3A_423 = vector.broadcast %ne3A_422 : i32 to vector<16xi32>
    %ne3A_424 = arith.cmpi ne, %rem3A_421, %ne3A_423 : vector<16xi32>
    %and3A_425 = arith.andi %ne3A_419, %ne3A_424 : vector<16xi1>
    %sub3A_426 = arith.constant 1 : i32
    %sub3A_427 = vector.broadcast %sub3A_426 : i32 to vector<16xi32>
    %sub3A_428 = arith.subi %div3A_401, %sub3A_427 : vector<16xi32>
    %select_n3A_429 = arith.select %and3A_425, %sub3A_428, %div3A_401 : vector<16xi1>, vector<16xi32>
    %mul3A_430 = arith.constant 384 : i32
    %mul3A_431 = vector.broadcast %mul3A_430 : i32 to vector<16xi32>
    %mul3A_432 = arith.muli %select_n3A_429, %mul3A_431 : vector<16xi32>
    %sub3A_433 = arith.subi %get3A_398, %mul3A_432 : vector<16xi32>
    %shift_right_arithmetic3A_434 = arith.constant 3 : i32
    %shift_right_arithmetic3A_435 = vector.broadcast %shift_right_arithmetic3A_434 : i32 to vector<16xi32>
    %shift_right_arithmetic3A_436 = arith.shrsi %select_n3A_429, %shift_right_arithmetic3A_435 : vector<16xi32>
    %mul3A_437 = arith.constant 3 : i32
    %mul3A_438 = vector.broadcast %mul3A_437 : i32 to vector<16xi32>
    %mul3A_439 = arith.muli %shift_right_arithmetic3A_436, %mul3A_438 : vector<16xi32>
    %shift_right_arithmetic3A_440 = arith.constant 7 : i32
    %shift_right_arithmetic3A_441 = vector.broadcast %shift_right_arithmetic3A_440 : i32 to vector<16xi32>
    %shift_right_arithmetic3A_442 = arith.shrsi %sub3A_433, %shift_right_arithmetic3A_441 : vector<16xi32>
    %add3A_443 = arith.addi %mul3A_439, %shift_right_arithmetic3A_442 : vector<16xi32>
    %shift_left3A_444 = arith.constant 10 : i32
    %shift_left3A_445 = vector.broadcast %shift_left3A_444 : i32 to vector<16xi32>
    %shift_left3A_446 = arith.shli %add3A_443, %shift_left3A_445 : vector<16xi32>
    %and3A_447 = arith.constant 7 : i32
    %and3A_448 = vector.broadcast %and3A_447 : i32 to vector<16xi32>
    %and3A_449 = arith.andi %select_n3A_429, %and3A_448 : vector<16xi32>
    %shift_left3A_450 = arith.constant 7 : i32
    %shift_left3A_451 = vector.broadcast %shift_left3A_450 : i32 to vector<16xi32>
    %shift_left3A_452 = arith.shli %and3A_449, %shift_left3A_451 : vector<16xi32>
    %add3A_453 = arith.addi %shift_left3A_446, %shift_left3A_452 : vector<16xi32>
    %and3A_454 = arith.constant 127 : i32
    %and3A_455 = vector.broadcast %and3A_454 : i32 to vector<16xi32>
    %and3A_456 = arith.andi %sub3A_433, %and3A_455 : vector<16xi32>
    %add3A_457 = arith.addi %add3A_453, %and3A_456 : vector<16xi32>
    %add3A_458 = arith.constant 96 : i32
    %add3A_459 = arith.addi %select_n3A_82, %add3A_458 : i32
    %get3A_460 = arith.index_cast %add3A_459 : i32 to index
    %get3A_461 = tpu.vector_load %arg6[%get3A_460] {strides = array<i32>} : memref<256xi32, #tpu.memory_space<vmem>>, vector<16xi32>,
    %jit3A_462 = arith.constant 384 : i32
    %div3A_463 = vector.broadcast %jit3A_462 : i32 to vector<16xi32>
    %div3A_464 = arith.divsi %get3A_461, %div3A_463 : vector<16xi32>
    %sign3A_465 = arith.constant 0 : i32
    %sign3A_466 = vector.broadcast %sign3A_465 : i32 to vector<16xi32>
    %sign3A_467 = arith.cmpi sgt, %get3A_461, %sign3A_466 : vector<16xi32>
    %sign3A_468 = arith.extui %sign3A_467 : vector<16xi1> to vector<16xi32>
    %sign3A_469 = arith.constant 0 : i32
    %sign3A_470 = vector.broadcast %sign3A_469 : i32 to vector<16xi32>
    %sign3A_471 = arith.cmpi slt, %get3A_461, %sign3A_470 : vector<16xi32>
    %sign3A_472 = arith.extui %sign3A_471 : vector<16xi1> to vector<16xi32>
    %sign3A_473 = arith.subi %sign3A_468, %sign3A_472 : vector<16xi32>
    %sign3A_474 = arith.constant 0 : i32
    %sign3A_475 = arith.cmpi sgt, %jit3A_462, %sign3A_474 : i32
    %sign3A_476 = arith.extui %sign3A_475 : i1 to i32
    %sign3A_477 = arith.constant 0 : i32
    %sign3A_478 = arith.cmpi slt, %jit3A_462, %sign3A_477 : i32
    %sign3A_479 = arith.extui %sign3A_478 : i1 to i32
    %sign3A_480 = arith.subi %sign3A_476, %sign3A_479 : i32
    %ne3A_481 = vector.broadcast %sign3A_480 : i32 to vector<16xi32>
    %ne3A_482 = arith.cmpi ne, %sign3A_473, %ne3A_481 : vector<16xi32>
    %rem3A_483 = vector.broadcast %jit3A_462 : i32 to vector<16xi32>
    %rem3A_484 = arith.remsi %get3A_461, %rem3A_483 : vector<16xi32>
    %ne3A_485 = arith.constant 0 : i32
    %ne3A_486 = vector.broadcast %ne3A_485 : i32 to vector<16xi32>
    %ne3A_487 = arith.cmpi ne, %rem3A_484, %ne3A_486 : vector<16xi32>
    %and3A_488 = arith.andi %ne3A_482, %ne3A_487 : vector<16xi1>
    %sub3A_489 = arith.constant 1 : i32
    %sub3A_490 = vector.broadcast %sub3A_489 : i32 to vector<16xi32>
    %sub3A_491 = arith.subi %div3A_464, %sub3A_490 : vector<16xi32>
    %select_n3A_492 = arith.select %and3A_488, %sub3A_491, %div3A_464 : vector<16xi1>, vector<16xi32>
    %mul3A_493 = arith.constant 384 : i32
    %mul3A_494 = vector.broadcast %mul3A_493 : i32 to vector<16xi32>
    %mul3A_495 = arith.muli %select_n3A_492, %mul3A_494 : vector<16xi32>
    %sub3A_496 = arith.subi %get3A_461, %mul3A_495 : vector<16xi32>
    %shift_right_arithmetic3A_497 = arith.constant 3 : i32
    %shift_right_arithmetic3A_498 = vector.broadcast %shift_right_arithmetic3A_497 : i32 to vector<16xi32>
    %shift_right_arithmetic3A_499 = arith.shrsi %select_n3A_492, %shift_right_arithmetic3A_498 : vector<16xi32>
    %mul3A_500 = arith.constant 3 : i32
    %mul3A_501 = vector.broadcast %mul3A_500 : i32 to vector<16xi32>
    %mul3A_502 = arith.muli %shift_right_arithmetic3A_499, %mul3A_501 : vector<16xi32>
    %shift_right_arithmetic3A_503 = arith.constant 7 : i32
    %shift_right_arithmetic3A_504 = vector.broadcast %shift_right_arithmetic3A_503 : i32 to vector<16xi32>
    %shift_right_arithmetic3A_505 = arith.shrsi %sub3A_496, %shift_right_arithmetic3A_504 : vector<16xi32>
    %add3A_506 = arith.addi %mul3A_502, %shift_right_arithmetic3A_505 : vector<16xi32>
    %shift_left3A_507 = arith.constant 10 : i32
    %shift_left3A_508 = vector.broadcast %shift_left3A_507 : i32 to vector<16xi32>
    %shift_left3A_509 = arith.shli %add3A_506, %shift_left3A_508 : vector<16xi32>
    %and3A_510 = arith.constant 7 : i32
    %and3A_511 = vector.broadcast %and3A_510 : i32 to vector<16xi32>
    %and3A_512 = arith.andi %select_n3A_492, %and3A_511 : vector<16xi32>
    %shift_left3A_513 = arith.constant 7 : i32
    %shift_left3A_514 = vector.broadcast %shift_left3A_513 : i32 to vector<16xi32>
    %shift_left3A_515 = arith.shli %and3A_512, %shift_left3A_514 : vector<16xi32>
    %add3A_516 = arith.addi %shift_left3A_509, %shift_left3A_515 : vector<16xi32>
    %and3A_517 = arith.constant 127 : i32
    %and3A_518 = vector.broadcast %and3A_517 : i32 to vector<16xi32>
    %and3A_519 = arith.andi %sub3A_496, %and3A_518 : vector<16xi32>
    %add3A_520 = arith.addi %add3A_516, %and3A_519 : vector<16xi32>
    %add3A_521 = arith.constant 112 : i32
    %add3A_522 = arith.addi %select_n3A_82, %add3A_521 : i32
    %get3A_523 = arith.index_cast %add3A_522 : i32 to index
    %get3A_524 = tpu.vector_load %arg6[%get3A_523] {strides = array<i32>} : memref<256xi32, #tpu.memory_space<vmem>>, vector<16xi32>,
    %jit3A_525 = arith.constant 384 : i32
    %div3A_526 = vector.broadcast %jit3A_525 : i32 to vector<16xi32>
    %div3A_527 = arith.divsi %get3A_524, %div3A_526 : vector<16xi32>
    %sign3A_528 = arith.constant 0 : i32
    %sign3A_529 = vector.broadcast %sign3A_528 : i32 to vector<16xi32>
    %sign3A_530 = arith.cmpi sgt, %get3A_524, %sign3A_529 : vector<16xi32>
    %sign3A_531 = arith.extui %sign3A_530 : vector<16xi1> to vector<16xi32>
    %sign3A_532 = arith.constant 0 : i32
    %sign3A_533 = vector.broadcast %sign3A_532 : i32 to vector<16xi32>
    %sign3A_534 = arith.cmpi slt, %get3A_524, %sign3A_533 : vector<16xi32>
    %sign3A_535 = arith.extui %sign3A_534 : vector<16xi1> to vector<16xi32>
    %sign3A_536 = arith.subi %sign3A_531, %sign3A_535 : vector<16xi32>
    %sign3A_537 = arith.constant 0 : i32
    %sign3A_538 = arith.cmpi sgt, %jit3A_525, %sign3A_537 : i32
    %sign3A_539 = arith.extui %sign3A_538 : i1 to i32
    %sign3A_540 = arith.constant 0 : i32
    %sign3A_541 = arith.cmpi slt, %jit3A_525, %sign3A_540 : i32
    %sign3A_542 = arith.extui %sign3A_541 : i1 to i32
    %sign3A_543 = arith.subi %sign3A_539, %sign3A_542 : i32
    %ne3A_544 = vector.broadcast %sign3A_543 : i32 to vector<16xi32>
    %ne3A_545 = arith.cmpi ne, %sign3A_536, %ne3A_544 : vector<16xi32>
    %rem3A_546 = vector.broadcast %jit3A_525 : i32 to vector<16xi32>
    %rem3A_547 = arith.remsi %get3A_524, %rem3A_546 : vector<16xi32>
    %ne3A_548 = arith.constant 0 : i32
    %ne3A_549 = vector.broadcast %ne3A_548 : i32 to vector<16xi32>
    %ne3A_550 = arith.cmpi ne, %rem3A_547, %ne3A_549 : vector<16xi32>
    %and3A_551 = arith.andi %ne3A_545, %ne3A_550 : vector<16xi1>
    %sub3A_552 = arith.constant 1 : i32
    %sub3A_553 = vector.broadcast %sub3A_552 : i32 to vector<16xi32>
    %sub3A_554 = arith.subi %div3A_527, %sub3A_553 : vector<16xi32>
    %select_n3A_555 = arith.select %and3A_551, %sub3A_554, %div3A_527 : vector<16xi1>, vector<16xi32>
    %mul3A_556 = arith.constant 384 : i32
    %mul3A_557 = vector.broadcast %mul3A_556 : i32 to vector<16xi32>
    %mul3A_558 = arith.muli %select_n3A_555, %mul3A_557 : vector<16xi32>
    %sub3A_559 = arith.subi %get3A_524, %mul3A_558 : vector<16xi32>
    %shift_right_arithmetic3A_560 = arith.constant 3 : i32
    %shift_right_arithmetic3A_561 = vector.broadcast %shift_right_arithmetic3A_560 : i32 to vector<16xi32>
    %shift_right_arithmetic3A_562 = arith.shrsi %select_n3A_555, %shift_right_arithmetic3A_561 : vector<16xi32>
    %mul3A_563 = arith.constant 3 : i32
    %mul3A_564 = vector.broadcast %mul3A_563 : i32 to vector<16xi32>
    %mul3A_565 = arith.muli %shift_right_arithmetic3A_562, %mul3A_564 : vector<16xi32>
    %shift_right_arithmetic3A_566 = arith.constant 7 : i32
    %shift_right_arithmetic3A_567 = vector.broadcast %shift_right_arithmetic3A_566 : i32 to vector<16xi32>
    %shift_right_arithmetic3A_568 = arith.shrsi %sub3A_559, %shift_right_arithmetic3A_567 : vector<16xi32>
    %add3A_569 = arith.addi %mul3A_565, %shift_right_arithmetic3A_568 : vector<16xi32>
    %shift_left3A_570 = arith.constant 10 : i32
    %shift_left3A_571 = vector.broadcast %shift_left3A_570 : i32 to vector<16xi32>
    %shift_left3A_572 = arith.shli %add3A_569, %shift_left3A_571 : vector<16xi32>
    %and3A_573 = arith.constant 7 : i32
    %and3A_574 = vector.broadcast %and3A_573 : i32 to vector<16xi32>
    %and3A_575 = arith.andi %select_n3A_555, %and3A_574 : vector<16xi32>
    %shift_left3A_576 = arith.constant 7 : i32
    %shift_left3A_577 = vector.broadcast %shift_left3A_576 : i32 to vector<16xi32>
    %shift_left3A_578 = arith.shli %and3A_575, %shift_left3A_577 : vector<16xi32>
    %add3A_579 = arith.addi %shift_left3A_572, %shift_left3A_578 : vector<16xi32>
    %and3A_580 = arith.constant 127 : i32
    %and3A_581 = vector.broadcast %and3A_580 : i32 to vector<16xi32>
    %and3A_582 = arith.andi %sub3A_559, %and3A_581 : vector<16xi32>
    %add3A_583 = arith.addi %add3A_579, %and3A_582 : vector<16xi32>
    %mul3A_584 = arith.constant 96 : i32
    %mul3A_585 = arith.muli %select_n3A_64, %mul3A_584 : i32
    %add3A_586 = arith.addi %mul3A_585, %mul3A_32 : i32
    %mul3A_587 = arith.constant 147456 : i32
    %mul3A_588 = arith.muli %add3A_586, %mul3A_587 : i32
    %scan3A = arith.constant 0 : i32
    %scan3A_589 = arith.constant 0 : i32
    %scan3A_590 = arith.constant 24 : i32
    %scan3A_591 = arith.addi %scan3A_589, %scan3A_590 : i32
    %scan3A_592 = arith.constant 2 : i32
    scf.for %scan3A_1198 = %scan3A_589 to %scan3A_591 step %scan3A_592  : i32 {
      %mul3A_1199 = arith.constant 147456 : i32
      %mul3A_1200 = arith.muli %scan3A_1198, %mul3A_1199 : i32
      %add3A_1201 = arith.addi %mul3A_588, %mul3A_1200 : i32
      %add3A_1202 = vector.broadcast %add3A_1201 : i32 to vector<16xi32>
      %add3A_1203 = arith.addi %add3A_142, %add3A_1202 : vector<16xi32>
      %mul3A_1204 = arith.constant 128 : i32
      %mul3A_1205 = arith.muli %scan3A_1198, %mul3A_1204 : i32
      %add3A_1206 = arith.constant 0 : i32
      %add3A_1207 = arith.addi %mul3A_1205, %add3A_1206 : i32
      %swap3A_1208 = arith.index_cast %add3A_1207 : i32 to index
      %swap3A_1209 = tpu.vector_load %arg7[%swap3A_1208] {strides = array<i32>} : memref<3072xi32, #tpu.memory_space<vmem>>, vector<16xi32>,
      tpu.vector_store %arg7[%swap3A_1208], %add3A_1203 {strides = array<i32>} : memref<3072xi32, #tpu.memory_space<vmem>>, vector<16xi32>,
      %add3A_1210 = vector.broadcast %add3A_1201 : i32 to vector<16xi32>
      %add3A_1211 = arith.addi %add3A_205, %add3A_1210 : vector<16xi32>
      %mul3A_1212 = arith.constant 128 : i32
      %mul3A_1213 = arith.muli %scan3A_1198, %mul3A_1212 : i32
      %add3A_1214 = arith.constant 16 : i32
      %add3A_1215 = arith.addi %mul3A_1213, %add3A_1214 : i32
      %swap3A_1216 = arith.index_cast %add3A_1215 : i32 to index
      %swap3A_1217 = tpu.vector_load %arg7[%swap3A_1216] {strides = array<i32>} : memref<3072xi32, #tpu.memory_space<vmem>>, vector<16xi32>,
      tpu.vector_store %arg7[%swap3A_1216], %add3A_1211 {strides = array<i32>} : memref<3072xi32, #tpu.memory_space<vmem>>, vector<16xi32>,
      %add3A_1218 = vector.broadcast %add3A_1201 : i32 to vector<16xi32>
      %add3A_1219 = arith.addi %add3A_268, %add3A_1218 : vector<16xi32>
      %mul3A_1220 = arith.constant 128 : i32
      %mul3A_1221 = arith.muli %scan3A_1198, %mul3A_1220 : i32
      %add3A_1222 = arith.constant 32 : i32
      %add3A_1223 = arith.addi %mul3A_1221, %add3A_1222 : i32
      %swap3A_1224 = arith.index_cast %add3A_1223 : i32 to index
      %swap3A_1225 = tpu.vector_load %arg7[%swap3A_1224] {strides = array<i32>} : memref<3072xi32, #tpu.memory_space<vmem>>, vector<16xi32>,
      tpu.vector_store %arg7[%swap3A_1224], %add3A_1219 {strides = array<i32>} : memref<3072xi32, #tpu.memory_space<vmem>>, vector<16xi32>,
      %add3A_1226 = vector.broadcast %add3A_1201 : i32 to vector<16xi32>
      %add3A_1227 = arith.addi %add3A_331, %add3A_1226 : vector<16xi32>
      %mul3A_1228 = arith.constant 128 : i32
      %mul3A_1229 = arith.muli %scan3A_1198, %mul3A_1228 : i32
      %add3A_1230 = arith.constant 48 : i32
      %add3A_1231 = arith.addi %mul3A_1229, %add3A_1230 : i32
      %swap3A_1232 = arith.index_cast %add3A_1231 : i32 to index
      %swap3A_1233 = tpu.vector_load %arg7[%swap3A_1232] {strides = array<i32>} : memref<3072xi32, #tpu.memory_space<vmem>>, vector<16xi32>,
      tpu.vector_store %arg7[%swap3A_1232], %add3A_1227 {strides = array<i32>} : memref<3072xi32, #tpu.memory_space<vmem>>, vector<16xi32>,
      %add3A_1234 = vector.broadcast %add3A_1201 : i32 to vector<16xi32>
      %add3A_1235 = arith.addi %add3A_394, %add3A_1234 : vector<16xi32>
      %mul3A_1236 = arith.constant 128 : i32
      %mul3A_1237 = arith.muli %scan3A_1198, %mul3A_1236 : i32
      %add3A_1238 = arith.constant 64 : i32
      %add3A_1239 = arith.addi %mul3A_1237, %add3A_1238 : i32
      %swap3A_1240 = arith.index_cast %add3A_1239 : i32 to index
      %swap3A_1241 = tpu.vector_load %arg7[%swap3A_1240] {strides = array<i32>} : memref<3072xi32, #tpu.memory_space<vmem>>, vector<16xi32>,
      tpu.vector_store %arg7[%swap3A_1240], %add3A_1235 {strides = array<i32>} : memref<3072xi32, #tpu.memory_space<vmem>>, vector<16xi32>,
      %add3A_1242 = vector.broadcast %add3A_1201 : i32 to vector<16xi32>
      %add3A_1243 = arith.addi %add3A_457, %add3A_1242 : vector<16xi32>
      %mul3A_1244 = arith.constant 128 : i32
      %mul3A_1245 = arith.muli %scan3A_1198, %mul3A_1244 : i32
      %add3A_1246 = arith.constant 80 : i32
      %add3A_1247 = arith.addi %mul3A_1245, %add3A_1246 : i32
      %swap3A_1248 = arith.index_cast %add3A_1247 : i32 to index
      %swap3A_1249 = tpu.vector_load %arg7[%swap3A_1248] {strides = array<i32>} : memref<3072xi32, #tpu.memory_space<vmem>>, vector<16xi32>,
      tpu.vector_store %arg7[%swap3A_1248], %add3A_1243 {strides = array<i32>} : memref<3072xi32, #tpu.memory_space<vmem>>, vector<16xi32>,
      %add3A_1250 = vector.broadcast %add3A_1201 : i32 to vector<16xi32>
      %add3A_1251 = arith.addi %add3A_520, %add3A_1250 : vector<16xi32>
      %mul3A_1252 = arith.constant 128 : i32
      %mul3A_1253 = arith.muli %scan3A_1198, %mul3A_1252 : i32
      %add3A_1254 = arith.constant 96 : i32
      %add3A_1255 = arith.addi %mul3A_1253, %add3A_1254 : i32
      %swap3A_1256 = arith.index_cast %add3A_1255 : i32 to index
      %swap3A_1257 = tpu.vector_load %arg7[%swap3A_1256] {strides = array<i32>} : memref<3072xi32, #tpu.memory_space<vmem>>, vector<16xi32>,
      tpu.vector_store %arg7[%swap3A_1256], %add3A_1251 {strides = array<i32>} : memref<3072xi32, #tpu.memory_space<vmem>>, vector<16xi32>,
      %add3A_1258 = vector.broadcast %add3A_1201 : i32 to vector<16xi32>
      %add3A_1259 = arith.addi %add3A_583, %add3A_1258 : vector<16xi32>
      %mul3A_1260 = arith.constant 128 : i32
      %mul3A_1261 = arith.muli %scan3A_1198, %mul3A_1260 : i32
      %add3A_1262 = arith.constant 112 : i32
      %add3A_1263 = arith.addi %mul3A_1261, %add3A_1262 : i32
      %swap3A_1264 = arith.index_cast %add3A_1263 : i32 to index
      %swap3A_1265 = tpu.vector_load %arg7[%swap3A_1264] {strides = array<i32>} : memref<3072xi32, #tpu.memory_space<vmem>>, vector<16xi32>,
      tpu.vector_store %arg7[%swap3A_1264], %add3A_1259 {strides = array<i32>} : memref<3072xi32, #tpu.memory_space<vmem>>, vector<16xi32>,
      %mul3A_1266 = arith.constant 128 : i32
      %mul3A_1267 = arith.muli %scan3A_1198, %mul3A_1266 : i32
      %mul3A_1268 = arith.constant 128 : i32
      %mul3A_1269 = arith.muli %scan3A_1198, %mul3A_1268 : i32
      %dma_start3A_1270 = tpu.memref_slice %arg8[%mul3A_1269] : memref<3072xf32, #tpu.memory_space<vmem>> -> memref<128xf32, #tpu.memory_space<vmem>>
      %dma_start3A_1271 = tpu.memref_slice %arg7[%mul3A_1267] : memref<3072xi32, #tpu.memory_space<vmem>> -> memref<128xi32, #tpu.memory_space<vmem>>
      %dma_start3A_1272 = arith.constant 0 : i32
      %dma_start3A_1273 = tpu.memref_slice %arg2[%dma_start3A_1272] : memref<56623104xf32, #tpu.memory_space<hbm>> -> memref<56623104xf32, #tpu.memory_space<hbm>>
      %dma_start3A_1274 = tpu.memref_slice %arg13[%scan3A_1198] : memref<24x!tpu.dma_semaphore, #tpu.memory_space<semaphore_mem>> -> memref<1x!tpu.dma_semaphore, #tpu.memory_space<semaphore_mem>>
      %dma_start3A_1275 = tpu.memref_squeeze %dma_start3A_1274 : memref<1x!tpu.dma_semaphore, #tpu.memory_space<semaphore_mem>> -> memref<!tpu.dma_semaphore, #tpu.memory_space<semaphore_mem>>
      tpu.enqueue_indirect_dma source(%dma_start3A_1273 : memref<56623104xf32, #tpu.memory_space<hbm>>) target(%dma_start3A_1270 : memref<128xf32, #tpu.memory_space<vmem>>) offsets(%dma_start3A_1271 : memref<128xi32, #tpu.memory_space<vmem>>) semaphore(%dma_start3A_1275 : memref<!tpu.dma_semaphore, #tpu.memory_space<semaphore_mem>>)
      %scan3A_1276 = arith.constant 1 : i32
      %scan3A_1277 = arith.addi %scan3A_1198, %scan3A_1276 : i32
      %mul3A_1278 = arith.constant 147456 : i32
      %mul3A_1279 = arith.muli %scan3A_1277, %mul3A_1278 : i32
      %add3A_1280 = arith.addi %mul3A_588, %mul3A_1279 : i32
      %add3A_1281 = vector.broadcast %add3A_1280 : i32 to vector<16xi32>
      %add3A_1282 = arith.addi %add3A_142, %add3A_1281 : vector<16xi32>
      %mul3A_1283 = arith.constant 128 : i32
      %mul3A_1284 = arith.muli %scan3A_1277, %mul3A_1283 : i32
      %add3A_1285 = arith.constant 0 : i32
      %add3A_1286 = arith.addi %mul3A_1284, %add3A_1285 : i32
      %swap3A_1287 = arith.index_cast %add3A_1286 : i32 to index
      %swap3A_1288 = tpu.vector_load %arg7[%swap3A_1287] {strides = array<i32>} : memref<3072xi32, #tpu.memory_space<vmem>>, vector<16xi32>,
      tpu.vector_store %arg7[%swap3A_1287], %add3A_1282 {strides = array<i32>} : memref<3072xi32, #tpu.memory_space<vmem>>, vector<16xi32>,
      %add3A_1289 = vector.broadcast %add3A_1280 : i32 to vector<16xi32>
      %add3A_1290 = arith.addi %add3A_205, %add3A_1289 : vector<16xi32>
      %mul3A_1291 = arith.constant 128 : i32
      %mul3A_1292 = arith.muli %scan3A_1277, %mul3A_1291 : i32
      %add3A_1293 = arith.constant 16 : i32
      %add3A_1294 = arith.addi %mul3A_1292, %add3A_1293 : i32
      %swap3A_1295 = arith.index_cast %add3A_1294 : i32 to index
      %swap3A_1296 = tpu.vector_load %arg7[%swap3A_1295] {strides = array<i32>} : memref<3072xi32, #tpu.memory_space<vmem>>, vector<16xi32>,
      tpu.vector_store %arg7[%swap3A_1295], %add3A_1290 {strides = array<i32>} : memref<3072xi32, #tpu.memory_space<vmem>>, vector<16xi32>,
      %add3A_1297 = vector.broadcast %add3A_1280 : i32 to vector<16xi32>
      %add3A_1298 = arith.addi %add3A_268, %add3A_1297 : vector<16xi32>
      %mul3A_1299 = arith.constant 128 : i32
      %mul3A_1300 = arith.muli %scan3A_1277, %mul3A_1299 : i32
      %add3A_1301 = arith.constant 32 : i32
      %add3A_1302 = arith.addi %mul3A_1300, %add3A_1301 : i32
      %swap3A_1303 = arith.index_cast %add3A_1302 : i32 to index
      %swap3A_1304 = tpu.vector_load %arg7[%swap3A_1303] {strides = array<i32>} : memref<3072xi32, #tpu.memory_space<vmem>>, vector<16xi32>,
      tpu.vector_store %arg7[%swap3A_1303], %add3A_1298 {strides = array<i32>} : memref<3072xi32, #tpu.memory_space<vmem>>, vector<16xi32>,
      %add3A_1305 = vector.broadcast %add3A_1280 : i32 to vector<16xi32>
      %add3A_1306 = arith.addi %add3A_331, %add3A_1305 : vector<16xi32>
      %mul3A_1307 = arith.constant 128 : i32
      %mul3A_1308 = arith.muli %scan3A_1277, %mul3A_1307 : i32
      %add3A_1309 = arith.constant 48 : i32
      %add3A_1310 = arith.addi %mul3A_1308, %add3A_1309 : i32
      %swap3A_1311 = arith.index_cast %add3A_1310 : i32 to index
      %swap3A_1312 = tpu.vector_load %arg7[%swap3A_1311] {strides = array<i32>} : memref<3072xi32, #tpu.memory_space<vmem>>, vector<16xi32>,
      tpu.vector_store %arg7[%swap3A_1311], %add3A_1306 {strides = array<i32>} : memref<3072xi32, #tpu.memory_space<vmem>>, vector<16xi32>,
      %add3A_1313 = vector.broadcast %add3A_1280 : i32 to vector<16xi32>
      %add3A_1314 = arith.addi %add3A_394, %add3A_1313 : vector<16xi32>
      %mul3A_1315 = arith.constant 128 : i32
      %mul3A_1316 = arith.muli %scan3A_1277, %mul3A_1315 : i32
      %add3A_1317 = arith.constant 64 : i32
      %add3A_1318 = arith.addi %mul3A_1316, %add3A_1317 : i32
      %swap3A_1319 = arith.index_cast %add3A_1318 : i32 to index
      %swap3A_1320 = tpu.vector_load %arg7[%swap3A_1319] {strides = array<i32>} : memref<3072xi32, #tpu.memory_space<vmem>>, vector<16xi32>,
      tpu.vector_store %arg7[%swap3A_1319], %add3A_1314 {strides = array<i32>} : memref<3072xi32, #tpu.memory_space<vmem>>, vector<16xi32>,
      %add3A_1321 = vector.broadcast %add3A_1280 : i32 to vector<16xi32>
      %add3A_1322 = arith.addi %add3A_457, %add3A_1321 : vector<16xi32>
      %mul3A_1323 = arith.constant 128 : i32
      %mul3A_1324 = arith.muli %scan3A_1277, %mul3A_1323 : i32
      %add3A_1325 = arith.constant 80 : i32
      %add3A_1326 = arith.addi %mul3A_1324, %add3A_1325 : i32
      %swap3A_1327 = arith.index_cast %add3A_1326 : i32 to index
      %swap3A_1328 = tpu.vector_load %arg7[%swap3A_1327] {strides = array<i32>} : memref<3072xi32, #tpu.memory_space<vmem>>, vector<16xi32>,
      tpu.vector_store %arg7[%swap3A_1327], %add3A_1322 {strides = array<i32>} : memref<3072xi32, #tpu.memory_space<vmem>>, vector<16xi32>,
      %add3A_1329 = vector.broadcast %add3A_1280 : i32 to vector<16xi32>
      %add3A_1330 = arith.addi %add3A_520, %add3A_1329 : vector<16xi32>
      %mul3A_1331 = arith.constant 128 : i32
      %mul3A_1332 = arith.muli %scan3A_1277, %mul3A_1331 : i32
      %add3A_1333 = arith.constant 96 : i32
      %add3A_1334 = arith.addi %mul3A_1332, %add3A_1333 : i32
      %swap3A_1335 = arith.index_cast %add3A_1334 : i32 to index
      %swap3A_1336 = tpu.vector_load %arg7[%swap3A_1335] {strides = array<i32>} : memref<3072xi32, #tpu.memory_space<vmem>>, vector<16xi32>,
      tpu.vector_store %arg7[%swap3A_1335], %add3A_1330 {strides = array<i32>} : memref<3072xi32, #tpu.memory_space<vmem>>, vector<16xi32>,
      %add3A_1337 = vector.broadcast %add3A_1280 : i32 to vector<16xi32>
      %add3A_1338 = arith.addi %add3A_583, %add3A_1337 : vector<16xi32>
      %mul3A_1339 = arith.constant 128 : i32
      %mul3A_1340 = arith.muli %scan3A_1277, %mul3A_1339 : i32
      %add3A_1341 = arith.constant 112 : i32
      %add3A_1342 = arith.addi %mul3A_1340, %add3A_1341 : i32
      %swap3A_1343 = arith.index_cast %add3A_1342 : i32 to index
      %swap3A_1344 = tpu.vector_load %arg7[%swap3A_1343] {strides = array<i32>} : memref<3072xi32, #tpu.memory_space<vmem>>, vector<16xi32>,
      tpu.vector_store %arg7[%swap3A_1343], %add3A_1338 {strides = array<i32>} : memref<3072xi32, #tpu.memory_space<vmem>>, vector<16xi32>,
      %mul3A_1345 = arith.constant 128 : i32
      %mul3A_1346 = arith.muli %scan3A_1277, %mul3A_1345 : i32
      %mul3A_1347 = arith.constant 128 : i32
      %mul3A_1348 = arith.muli %scan3A_1277, %mul3A_1347 : i32
      %dma_start3A_1349 = tpu.memref_slice %arg8[%mul3A_1348] : memref<3072xf32, #tpu.memory_space<vmem>> -> memref<128xf32, #tpu.memory_space<vmem>>
      %dma_start3A_1350 = tpu.memref_slice %arg7[%mul3A_1346] : memref<3072xi32, #tpu.memory_space<vmem>> -> memref<128xi32, #tpu.memory_space<vmem>>
      %dma_start3A_1351 = arith.constant 0 : i32
      %dma_start3A_1352 = tpu.memref_slice %arg2[%dma_start3A_1351] : memref<56623104xf32, #tpu.memory_space<hbm>> -> memref<56623104xf32, #tpu.memory_space<hbm>>
      %dma_start3A_1353 = tpu.memref_slice %arg13[%scan3A_1277] : memref<24x!tpu.dma_semaphore, #tpu.memory_space<semaphore_mem>> -> memref<1x!tpu.dma_semaphore, #tpu.memory_space<semaphore_mem>>
      %dma_start3A_1354 = tpu.memref_squeeze %dma_start3A_1353 : memref<1x!tpu.dma_semaphore, #tpu.memory_space<semaphore_mem>> -> memref<!tpu.dma_semaphore, #tpu.memory_space<semaphore_mem>>
      tpu.enqueue_indirect_dma source(%dma_start3A_1352 : memref<56623104xf32, #tpu.memory_space<hbm>>) target(%dma_start3A_1349 : memref<128xf32, #tpu.memory_space<vmem>>) offsets(%dma_start3A_1350 : memref<128xi32, #tpu.memory_space<vmem>>) semaphore(%dma_start3A_1354 : memref<!tpu.dma_semaphore, #tpu.memory_space<semaphore_mem>>)
    }
    %scan3A_593 = arith.constant 24 : i32
    %broadcast_in_dim3A = arith.constant 0.000000e+00 : f32
    %broadcast_in_dim3A_594 = vector.broadcast %broadcast_in_dim3A : f32 to vector<16xf32>
    %broadcast_in_dim3A_595 = arith.constant 0.000000e+00 : f32
    %broadcast_in_dim3A_596 = vector.broadcast %broadcast_in_dim3A_595 : f32 to vector<16xf32>
    %broadcast_in_dim3A_597 = arith.constant 0.000000e+00 : f32
    %broadcast_in_dim3A_598 = vector.broadcast %broadcast_in_dim3A_597 : f32 to vector<16xf32>
    %broadcast_in_dim3A_599 = arith.constant 0.000000e+00 : f32
    %broadcast_in_dim3A_600 = vector.broadcast %broadcast_in_dim3A_599 : f32 to vector<16xf32>
    %broadcast_in_dim3A_601 = arith.constant 0.000000e+00 : f32
    %broadcast_in_dim3A_602 = vector.broadcast %broadcast_in_dim3A_601 : f32 to vector<16xf32>
    %broadcast_in_dim3A_603 = arith.constant 0.000000e+00 : f32
    %broadcast_in_dim3A_604 = vector.broadcast %broadcast_in_dim3A_603 : f32 to vector<16xf32>
    %broadcast_in_dim3A_605 = arith.constant 0.000000e+00 : f32
    %broadcast_in_dim3A_606 = vector.broadcast %broadcast_in_dim3A_605 : f32 to vector<16xf32>
    %broadcast_in_dim3A_607 = arith.constant 0.000000e+00 : f32
    %broadcast_in_dim3A_608 = vector.broadcast %broadcast_in_dim3A_607 : f32 to vector<16xf32>
    %scan3A_609 = arith.constant 0 : i32
    %scan3A_610 = arith.constant 24 : i32
    %scan3A_611 = arith.addi %scan3A_609, %scan3A_610 : i32
    %scan3A_612 = arith.constant 4 : i32
    %scan3A_613:8 = scf.for %scan3A_1198 = %scan3A_609 to %scan3A_611 step %scan3A_612 iter_args(%scan3A_1199 = %broadcast_in_dim3A_594, %scan3A_1200 = %broadcast_in_dim3A_596, %scan3A_1201 = %broadcast_in_dim3A_598, %scan3A_1202 = %broadcast_in_dim3A_600, %scan3A_1203 = %broadcast_in_dim3A_602, %scan3A_1204 = %broadcast_in_dim3A_604, %scan3A_1205 = %broadcast_in_dim3A_606, %scan3A_1206 = %broadcast_in_dim3A_608) -> (vector<16xf32>, vector<16xf32>, vector<16xf32>, vector<16xf32>, vector<16xf32>, vector<16xf32>, vector<16xf32>, vector<16xf32>)  : i32 {
      %mul3A_1207 = arith.constant 128 : i32
      %mul3A_1208 = arith.muli %scan3A_1198, %mul3A_1207 : i32
      %dma_wait3A_1209 = tpu.memref_slice %arg8[%mul3A_1208] : memref<3072xf32, #tpu.memory_space<vmem>> -> memref<128xf32, #tpu.memory_space<vmem>>
      %dma_wait3A_1210 = arith.constant 0 : i32
      %dma_wait3A_1211 = tpu.memref_slice %arg2[%dma_wait3A_1210] : memref<56623104xf32, #tpu.memory_space<hbm>> -> memref<128xf32, #tpu.memory_space<hbm>>
      %dma_wait3A_1212 = tpu.memref_slice %arg13[%scan3A_1198] : memref<24x!tpu.dma_semaphore, #tpu.memory_space<semaphore_mem>> -> memref<1x!tpu.dma_semaphore, #tpu.memory_space<semaphore_mem>>
      %dma_wait3A_1213 = tpu.memref_squeeze %dma_wait3A_1212 : memref<1x!tpu.dma_semaphore, #tpu.memory_space<semaphore_mem>> -> memref<!tpu.dma_semaphore, #tpu.memory_space<semaphore_mem>>
      %dma_wait3A_1214 = tpu.memref_slice %arg8[%mul3A_1208] : memref<3072xf32, #tpu.memory_space<vmem>> -> memref<128xf32, #tpu.memory_space<vmem>>
      %dma_wait3A_1215 = arith.constant 0 : i32
      %dma_wait3A_1216 = tpu.memref_slice %arg2[%dma_wait3A_1215] : memref<56623104xf32, #tpu.memory_space<hbm>> -> memref<128xf32, #tpu.memory_space<hbm>>
      tpu.wait_dma2 semaphore(%dma_wait3A_1213 : memref<!tpu.dma_semaphore, #tpu.memory_space<semaphore_mem>>) src(%dma_wait3A_1216 : memref<128xf32, #tpu.memory_space<hbm>>) dst(%dma_wait3A_1214 : memref<128xf32, #tpu.memory_space<vmem>>)
      %mul3A_1217 = arith.constant 128 : i32
      %mul3A_1218 = arith.muli %scan3A_1198, %mul3A_1217 : i32
      %add3A_1219 = arith.constant 0 : i32
      %add3A_1220 = arith.addi %mul3A_1218, %add3A_1219 : i32
      %get3A_1221 = arith.index_cast %add3A_1220 : i32 to index
      %get3A_1222 = tpu.vector_load %arg8[%get3A_1221] {strides = array<i32>} : memref<3072xf32, #tpu.memory_space<vmem>>, vector<16xf32>,
      %mul3A_1223 = arith.mulf %get3A_1222, %get3A_1222 : vector<16xf32>
      %add3A_1224 = arith.addf %scan3A_1199, %mul3A_1223 : vector<16xf32>
      %mul3A_1225 = arith.constant 128 : i32
      %mul3A_1226 = arith.muli %scan3A_1198, %mul3A_1225 : i32
      %add3A_1227 = arith.constant 16 : i32
      %add3A_1228 = arith.addi %mul3A_1226, %add3A_1227 : i32
      %get3A_1229 = arith.index_cast %add3A_1228 : i32 to index
      %get3A_1230 = tpu.vector_load %arg8[%get3A_1229] {strides = array<i32>} : memref<3072xf32, #tpu.memory_space<vmem>>, vector<16xf32>,
      %mul3A_1231 = arith.mulf %get3A_1230, %get3A_1230 : vector<16xf32>
      %add3A_1232 = arith.addf %scan3A_1200, %mul3A_1231 : vector<16xf32>
      %mul3A_1233 = arith.constant 128 : i32
      %mul3A_1234 = arith.muli %scan3A_1198, %mul3A_1233 : i32
      %add3A_1235 = arith.constant 32 : i32
      %add3A_1236 = arith.addi %mul3A_1234, %add3A_1235 : i32
      %get3A_1237 = arith.index_cast %add3A_1236 : i32 to index
      %get3A_1238 = tpu.vector_load %arg8[%get3A_1237] {strides = array<i32>} : memref<3072xf32, #tpu.memory_space<vmem>>, vector<16xf32>,
      %mul3A_1239 = arith.mulf %get3A_1238, %get3A_1238 : vector<16xf32>
      %add3A_1240 = arith.addf %scan3A_1201, %mul3A_1239 : vector<16xf32>
      %mul3A_1241 = arith.constant 128 : i32
      %mul3A_1242 = arith.muli %scan3A_1198, %mul3A_1241 : i32
      %add3A_1243 = arith.constant 48 : i32
      %add3A_1244 = arith.addi %mul3A_1242, %add3A_1243 : i32
      %get3A_1245 = arith.index_cast %add3A_1244 : i32 to index
      %get3A_1246 = tpu.vector_load %arg8[%get3A_1245] {strides = array<i32>} : memref<3072xf32, #tpu.memory_space<vmem>>, vector<16xf32>,
      %mul3A_1247 = arith.mulf %get3A_1246, %get3A_1246 : vector<16xf32>
      %add3A_1248 = arith.addf %scan3A_1202, %mul3A_1247 : vector<16xf32>
      %mul3A_1249 = arith.constant 128 : i32
      %mul3A_1250 = arith.muli %scan3A_1198, %mul3A_1249 : i32
      %add3A_1251 = arith.constant 64 : i32
      %add3A_1252 = arith.addi %mul3A_1250, %add3A_1251 : i32
      %get3A_1253 = arith.index_cast %add3A_1252 : i32 to index
      %get3A_1254 = tpu.vector_load %arg8[%get3A_1253] {strides = array<i32>} : memref<3072xf32, #tpu.memory_space<vmem>>, vector<16xf32>,
      %mul3A_1255 = arith.mulf %get3A_1254, %get3A_1254 : vector<16xf32>
      %add3A_1256 = arith.addf %scan3A_1203, %mul3A_1255 : vector<16xf32>
      %mul3A_1257 = arith.constant 128 : i32
      %mul3A_1258 = arith.muli %scan3A_1198, %mul3A_1257 : i32
      %add3A_1259 = arith.constant 80 : i32
      %add3A_1260 = arith.addi %mul3A_1258, %add3A_1259 : i32
      %get3A_1261 = arith.index_cast %add3A_1260 : i32 to index
      %get3A_1262 = tpu.vector_load %arg8[%get3A_1261] {strides = array<i32>} : memref<3072xf32, #tpu.memory_space<vmem>>, vector<16xf32>,
      %mul3A_1263 = arith.mulf %get3A_1262, %get3A_1262 : vector<16xf32>
      %add3A_1264 = arith.addf %scan3A_1204, %mul3A_1263 : vector<16xf32>
      %mul3A_1265 = arith.constant 128 : i32
      %mul3A_1266 = arith.muli %scan3A_1198, %mul3A_1265 : i32
      %add3A_1267 = arith.constant 96 : i32
      %add3A_1268 = arith.addi %mul3A_1266, %add3A_1267 : i32
      %get3A_1269 = arith.index_cast %add3A_1268 : i32 to index
      %get3A_1270 = tpu.vector_load %arg8[%get3A_1269] {strides = array<i32>} : memref<3072xf32, #tpu.memory_space<vmem>>, vector<16xf32>,
      %mul3A_1271 = arith.mulf %get3A_1270, %get3A_1270 : vector<16xf32>
      %add3A_1272 = arith.addf %scan3A_1205, %mul3A_1271 : vector<16xf32>
      %mul3A_1273 = arith.constant 128 : i32
      %mul3A_1274 = arith.muli %scan3A_1198, %mul3A_1273 : i32
      %add3A_1275 = arith.constant 112 : i32
      %add3A_1276 = arith.addi %mul3A_1274, %add3A_1275 : i32
      %get3A_1277 = arith.index_cast %add3A_1276 : i32 to index
      %get3A_1278 = tpu.vector_load %arg8[%get3A_1277] {strides = array<i32>} : memref<3072xf32, #tpu.memory_space<vmem>>, vector<16xf32>,
      %mul3A_1279 = arith.mulf %get3A_1278, %get3A_1278 : vector<16xf32>
      %add3A_1280 = arith.addf %scan3A_1206, %mul3A_1279 : vector<16xf32>
      %scan3A_1281 = arith.constant 1 : i32
      %scan3A_1282 = arith.addi %scan3A_1198, %scan3A_1281 : i32
      %mul3A_1283 = arith.constant 128 : i32
      %mul3A_1284 = arith.muli %scan3A_1282, %mul3A_1283 : i32
      %dma_wait3A_1285 = tpu.memref_slice %arg8[%mul3A_1284] : memref<3072xf32, #tpu.memory_space<vmem>> -> memref<128xf32, #tpu.memory_space<vmem>>
      %dma_wait3A_1286 = arith.constant 0 : i32
      %dma_wait3A_1287 = tpu.memref_slice %arg2[%dma_wait3A_1286] : memref<56623104xf32, #tpu.memory_space<hbm>> -> memref<128xf32, #tpu.memory_space<hbm>>
      %dma_wait3A_1288 = tpu.memref_slice %arg13[%scan3A_1282] : memref<24x!tpu.dma_semaphore, #tpu.memory_space<semaphore_mem>> -> memref<1x!tpu.dma_semaphore, #tpu.memory_space<semaphore_mem>>
      %dma_wait3A_1289 = tpu.memref_squeeze %dma_wait3A_1288 : memref<1x!tpu.dma_semaphore, #tpu.memory_space<semaphore_mem>> -> memref<!tpu.dma_semaphore, #tpu.memory_space<semaphore_mem>>
      %dma_wait3A_1290 = tpu.memref_slice %arg8[%mul3A_1284] : memref<3072xf32, #tpu.memory_space<vmem>> -> memref<128xf32, #tpu.memory_space<vmem>>
      %dma_wait3A_1291 = arith.constant 0 : i32
      %dma_wait3A_1292 = tpu.memref_slice %arg2[%dma_wait3A_1291] : memref<56623104xf32, #tpu.memory_space<hbm>> -> memref<128xf32, #tpu.memory_space<hbm>>
      tpu.wait_dma2 semaphore(%dma_wait3A_1289 : memref<!tpu.dma_semaphore, #tpu.memory_space<semaphore_mem>>) src(%dma_wait3A_1292 : memref<128xf32, #tpu.memory_space<hbm>>) dst(%dma_wait3A_1290 : memref<128xf32, #tpu.memory_space<vmem>>)
      %mul3A_1293 = arith.constant 128 : i32
      %mul3A_1294 = arith.muli %scan3A_1282, %mul3A_1293 : i32
      %add3A_1295 = arith.constant 0 : i32
      %add3A_1296 = arith.addi %mul3A_1294, %add3A_1295 : i32
      %get3A_1297 = arith.index_cast %add3A_1296 : i32 to index
      %get3A_1298 = tpu.vector_load %arg8[%get3A_1297] {strides = array<i32>} : memref<3072xf32, #tpu.memory_space<vmem>>, vector<16xf32>,
      %mul3A_1299 = arith.mulf %get3A_1298, %get3A_1298 : vector<16xf32>
      %add3A_1300 = arith.addf %add3A_1224, %mul3A_1299 : vector<16xf32>
      %mul3A_1301 = arith.constant 128 : i32
      %mul3A_1302 = arith.muli %scan3A_1282, %mul3A_1301 : i32
      %add3A_1303 = arith.constant 16 : i32
      %add3A_1304 = arith.addi %mul3A_1302, %add3A_1303 : i32
      %get3A_1305 = arith.index_cast %add3A_1304 : i32 to index
      %get3A_1306 = tpu.vector_load %arg8[%get3A_1305] {strides = array<i32>} : memref<3072xf32, #tpu.memory_space<vmem>>, vector<16xf32>,
      %mul3A_1307 = arith.mulf %get3A_1306, %get3A_1306 : vector<16xf32>
      %add3A_1308 = arith.addf %add3A_1232, %mul3A_1307 : vector<16xf32>
      %mul3A_1309 = arith.constant 128 : i32
      %mul3A_1310 = arith.muli %scan3A_1282, %mul3A_1309 : i32
      %add3A_1311 = arith.constant 32 : i32
      %add3A_1312 = arith.addi %mul3A_1310, %add3A_1311 : i32
      %get3A_1313 = arith.index_cast %add3A_1312 : i32 to index
      %get3A_1314 = tpu.vector_load %arg8[%get3A_1313] {strides = array<i32>} : memref<3072xf32, #tpu.memory_space<vmem>>, vector<16xf32>,
      %mul3A_1315 = arith.mulf %get3A_1314, %get3A_1314 : vector<16xf32>
      %add3A_1316 = arith.addf %add3A_1240, %mul3A_1315 : vector<16xf32>
      %mul3A_1317 = arith.constant 128 : i32
      %mul3A_1318 = arith.muli %scan3A_1282, %mul3A_1317 : i32
      %add3A_1319 = arith.constant 48 : i32
      %add3A_1320 = arith.addi %mul3A_1318, %add3A_1319 : i32
      %get3A_1321 = arith.index_cast %add3A_1320 : i32 to index
      %get3A_1322 = tpu.vector_load %arg8[%get3A_1321] {strides = array<i32>} : memref<3072xf32, #tpu.memory_space<vmem>>, vector<16xf32>,
      %mul3A_1323 = arith.mulf %get3A_1322, %get3A_1322 : vector<16xf32>
      %add3A_1324 = arith.addf %add3A_1248, %mul3A_1323 : vector<16xf32>
      %mul3A_1325 = arith.constant 128 : i32
      %mul3A_1326 = arith.muli %scan3A_1282, %mul3A_1325 : i32
      %add3A_1327 = arith.constant 64 : i32
      %add3A_1328 = arith.addi %mul3A_1326, %add3A_1327 : i32
      %get3A_1329 = arith.index_cast %add3A_1328 : i32 to index
      %get3A_1330 = tpu.vector_load %arg8[%get3A_1329] {strides = array<i32>} : memref<3072xf32, #tpu.memory_space<vmem>>, vector<16xf32>,
      %mul3A_1331 = arith.mulf %get3A_1330, %get3A_1330 : vector<16xf32>
      %add3A_1332 = arith.addf %add3A_1256, %mul3A_1331 : vector<16xf32>
      %mul3A_1333 = arith.constant 128 : i32
      %mul3A_1334 = arith.muli %scan3A_1282, %mul3A_1333 : i32
      %add3A_1335 = arith.constant 80 : i32
      %add3A_1336 = arith.addi %mul3A_1334, %add3A_1335 : i32
      %get3A_1337 = arith.index_cast %add3A_1336 : i32 to index
      %get3A_1338 = tpu.vector_load %arg8[%get3A_1337] {strides = array<i32>} : memref<3072xf32, #tpu.memory_space<vmem>>, vector<16xf32>,
      %mul3A_1339 = arith.mulf %get3A_1338, %get3A_1338 : vector<16xf32>
      %add3A_1340 = arith.addf %add3A_1264, %mul3A_1339 : vector<16xf32>
      %mul3A_1341 = arith.constant 128 : i32
      %mul3A_1342 = arith.muli %scan3A_1282, %mul3A_1341 : i32
      %add3A_1343 = arith.constant 96 : i32
      %add3A_1344 = arith.addi %mul3A_1342, %add3A_1343 : i32
      %get3A_1345 = arith.index_cast %add3A_1344 : i32 to index
      %get3A_1346 = tpu.vector_load %arg8[%get3A_1345] {strides = array<i32>} : memref<3072xf32, #tpu.memory_space<vmem>>, vector<16xf32>,
      %mul3A_1347 = arith.mulf %get3A_1346, %get3A_1346 : vector<16xf32>
      %add3A_1348 = arith.addf %add3A_1272, %mul3A_1347 : vector<16xf32>
      %mul3A_1349 = arith.constant 128 : i32
      %mul3A_1350 = arith.muli %scan3A_1282, %mul3A_1349 : i32
      %add3A_1351 = arith.constant 112 : i32
      %add3A_1352 = arith.addi %mul3A_1350, %add3A_1351 : i32
      %get3A_1353 = arith.index_cast %add3A_1352 : i32 to index
      %get3A_1354 = tpu.vector_load %arg8[%get3A_1353] {strides = array<i32>} : memref<3072xf32, #tpu.memory_space<vmem>>, vector<16xf32>,
      %mul3A_1355 = arith.mulf %get3A_1354, %get3A_1354 : vector<16xf32>
      %add3A_1356 = arith.addf %add3A_1280, %mul3A_1355 : vector<16xf32>
      %scan3A_1357 = arith.constant 2 : i32
      %scan3A_1358 = arith.addi %scan3A_1198, %scan3A_1357 : i32
      %mul3A_1359 = arith.constant 128 : i32
      %mul3A_1360 = arith.muli %scan3A_1358, %mul3A_1359 : i32
      %dma_wait3A_1361 = tpu.memref_slice %arg8[%mul3A_1360] : memref<3072xf32, #tpu.memory_space<vmem>> -> memref<128xf32, #tpu.memory_space<vmem>>
      %dma_wait3A_1362 = arith.constant 0 : i32
      %dma_wait3A_1363 = tpu.memref_slice %arg2[%dma_wait3A_1362] : memref<56623104xf32, #tpu.memory_space<hbm>> -> memref<128xf32, #tpu.memory_space<hbm>>
      %dma_wait3A_1364 = tpu.memref_slice %arg13[%scan3A_1358] : memref<24x!tpu.dma_semaphore, #tpu.memory_space<semaphore_mem>> -> memref<1x!tpu.dma_semaphore, #tpu.memory_space<semaphore_mem>>
      %dma_wait3A_1365 = tpu.memref_squeeze %dma_wait3A_1364 : memref<1x!tpu.dma_semaphore, #tpu.memory_space<semaphore_mem>> -> memref<!tpu.dma_semaphore, #tpu.memory_space<semaphore_mem>>
      %dma_wait3A_1366 = tpu.memref_slice %arg8[%mul3A_1360] : memref<3072xf32, #tpu.memory_space<vmem>> -> memref<128xf32, #tpu.memory_space<vmem>>
      %dma_wait3A_1367 = arith.constant 0 : i32
      %dma_wait3A_1368 = tpu.memref_slice %arg2[%dma_wait3A_1367] : memref<56623104xf32, #tpu.memory_space<hbm>> -> memref<128xf32, #tpu.memory_space<hbm>>
      tpu.wait_dma2 semaphore(%dma_wait3A_1365 : memref<!tpu.dma_semaphore, #tpu.memory_space<semaphore_mem>>) src(%dma_wait3A_1368 : memref<128xf32, #tpu.memory_space<hbm>>) dst(%dma_wait3A_1366 : memref<128xf32, #tpu.memory_space<vmem>>)
      %mul3A_1369 = arith.constant 128 : i32
      %mul3A_1370 = arith.muli %scan3A_1358, %mul3A_1369 : i32
      %add3A_1371 = arith.constant 0 : i32
      %add3A_1372 = arith.addi %mul3A_1370, %add3A_1371 : i32
      %get3A_1373 = arith.index_cast %add3A_1372 : i32 to index
      %get3A_1374 = tpu.vector_load %arg8[%get3A_1373] {strides = array<i32>} : memref<3072xf32, #tpu.memory_space<vmem>>, vector<16xf32>,
      %mul3A_1375 = arith.mulf %get3A_1374, %get3A_1374 : vector<16xf32>
      %add3A_1376 = arith.addf %add3A_1300, %mul3A_1375 : vector<16xf32>
      %mul3A_1377 = arith.constant 128 : i32
      %mul3A_1378 = arith.muli %scan3A_1358, %mul3A_1377 : i32
      %add3A_1379 = arith.constant 16 : i32
      %add3A_1380 = arith.addi %mul3A_1378, %add3A_1379 : i32
      %get3A_1381 = arith.index_cast %add3A_1380 : i32 to index
      %get3A_1382 = tpu.vector_load %arg8[%get3A_1381] {strides = array<i32>} : memref<3072xf32, #tpu.memory_space<vmem>>, vector<16xf32>,
      %mul3A_1383 = arith.mulf %get3A_1382, %get3A_1382 : vector<16xf32>
      %add3A_1384 = arith.addf %add3A_1308, %mul3A_1383 : vector<16xf32>
      %mul3A_1385 = arith.constant 128 : i32
      %mul3A_1386 = arith.muli %scan3A_1358, %mul3A_1385 : i32
      %add3A_1387 = arith.constant 32 : i32
      %add3A_1388 = arith.addi %mul3A_1386, %add3A_1387 : i32
      %get3A_1389 = arith.index_cast %add3A_1388 : i32 to index
      %get3A_1390 = tpu.vector_load %arg8[%get3A_1389] {strides = array<i32>} : memref<3072xf32, #tpu.memory_space<vmem>>, vector<16xf32>,
      %mul3A_1391 = arith.mulf %get3A_1390, %get3A_1390 : vector<16xf32>
      %add3A_1392 = arith.addf %add3A_1316, %mul3A_1391 : vector<16xf32>
      %mul3A_1393 = arith.constant 128 : i32
      %mul3A_1394 = arith.muli %scan3A_1358, %mul3A_1393 : i32
      %add3A_1395 = arith.constant 48 : i32
      %add3A_1396 = arith.addi %mul3A_1394, %add3A_1395 : i32
      %get3A_1397 = arith.index_cast %add3A_1396 : i32 to index
      %get3A_1398 = tpu.vector_load %arg8[%get3A_1397] {strides = array<i32>} : memref<3072xf32, #tpu.memory_space<vmem>>, vector<16xf32>,
      %mul3A_1399 = arith.mulf %get3A_1398, %get3A_1398 : vector<16xf32>
      %add3A_1400 = arith.addf %add3A_1324, %mul3A_1399 : vector<16xf32>
      %mul3A_1401 = arith.constant 128 : i32
      %mul3A_1402 = arith.muli %scan3A_1358, %mul3A_1401 : i32
      %add3A_1403 = arith.constant 64 : i32
      %add3A_1404 = arith.addi %mul3A_1402, %add3A_1403 : i32
      %get3A_1405 = arith.index_cast %add3A_1404 : i32 to index
      %get3A_1406 = tpu.vector_load %arg8[%get3A_1405] {strides = array<i32>} : memref<3072xf32, #tpu.memory_space<vmem>>, vector<16xf32>,
      %mul3A_1407 = arith.mulf %get3A_1406, %get3A_1406 : vector<16xf32>
      %add3A_1408 = arith.addf %add3A_1332, %mul3A_1407 : vector<16xf32>
      %mul3A_1409 = arith.constant 128 : i32
      %mul3A_1410 = arith.muli %scan3A_1358, %mul3A_1409 : i32
      %add3A_1411 = arith.constant 80 : i32
      %add3A_1412 = arith.addi %mul3A_1410, %add3A_1411 : i32
      %get3A_1413 = arith.index_cast %add3A_1412 : i32 to index
      %get3A_1414 = tpu.vector_load %arg8[%get3A_1413] {strides = array<i32>} : memref<3072xf32, #tpu.memory_space<vmem>>, vector<16xf32>,
      %mul3A_1415 = arith.mulf %get3A_1414, %get3A_1414 : vector<16xf32>
      %add3A_1416 = arith.addf %add3A_1340, %mul3A_1415 : vector<16xf32>
      %mul3A_1417 = arith.constant 128 : i32
      %mul3A_1418 = arith.muli %scan3A_1358, %mul3A_1417 : i32
      %add3A_1419 = arith.constant 96 : i32
      %add3A_1420 = arith.addi %mul3A_1418, %add3A_1419 : i32
      %get3A_1421 = arith.index_cast %add3A_1420 : i32 to index
      %get3A_1422 = tpu.vector_load %arg8[%get3A_1421] {strides = array<i32>} : memref<3072xf32, #tpu.memory_space<vmem>>, vector<16xf32>,
      %mul3A_1423 = arith.mulf %get3A_1422, %get3A_1422 : vector<16xf32>
      %add3A_1424 = arith.addf %add3A_1348, %mul3A_1423 : vector<16xf32>
      %mul3A_1425 = arith.constant 128 : i32
      %mul3A_1426 = arith.muli %scan3A_1358, %mul3A_1425 : i32
      %add3A_1427 = arith.constant 112 : i32
      %add3A_1428 = arith.addi %mul3A_1426, %add3A_1427 : i32
      %get3A_1429 = arith.index_cast %add3A_1428 : i32 to index
      %get3A_1430 = tpu.vector_load %arg8[%get3A_1429] {strides = array<i32>} : memref<3072xf32, #tpu.memory_space<vmem>>, vector<16xf32>,
      %mul3A_1431 = arith.mulf %get3A_1430, %get3A_1430 : vector<16xf32>
      %add3A_1432 = arith.addf %add3A_1356, %mul3A_1431 : vector<16xf32>
      %scan3A_1433 = arith.constant 3 : i32
      %scan3A_1434 = arith.addi %scan3A_1198, %scan3A_1433 : i32
      %mul3A_1435 = arith.constant 128 : i32
      %mul3A_1436 = arith.muli %scan3A_1434, %mul3A_1435 : i32
      %dma_wait3A_1437 = tpu.memref_slice %arg8[%mul3A_1436] : memref<3072xf32, #tpu.memory_space<vmem>> -> memref<128xf32, #tpu.memory_space<vmem>>
      %dma_wait3A_1438 = arith.constant 0 : i32
      %dma_wait3A_1439 = tpu.memref_slice %arg2[%dma_wait3A_1438] : memref<56623104xf32, #tpu.memory_space<hbm>> -> memref<128xf32, #tpu.memory_space<hbm>>
      %dma_wait3A_1440 = tpu.memref_slice %arg13[%scan3A_1434] : memref<24x!tpu.dma_semaphore, #tpu.memory_space<semaphore_mem>> -> memref<1x!tpu.dma_semaphore, #tpu.memory_space<semaphore_mem>>
      %dma_wait3A_1441 = tpu.memref_squeeze %dma_wait3A_1440 : memref<1x!tpu.dma_semaphore, #tpu.memory_space<semaphore_mem>> -> memref<!tpu.dma_semaphore, #tpu.memory_space<semaphore_mem>>
      %dma_wait3A_1442 = tpu.memref_slice %arg8[%mul3A_1436] : memref<3072xf32, #tpu.memory_space<vmem>> -> memref<128xf32, #tpu.memory_space<vmem>>
      %dma_wait3A_1443 = arith.constant 0 : i32
      %dma_wait3A_1444 = tpu.memref_slice %arg2[%dma_wait3A_1443] : memref<56623104xf32, #tpu.memory_space<hbm>> -> memref<128xf32, #tpu.memory_space<hbm>>
      tpu.wait_dma2 semaphore(%dma_wait3A_1441 : memref<!tpu.dma_semaphore, #tpu.memory_space<semaphore_mem>>) src(%dma_wait3A_1444 : memref<128xf32, #tpu.memory_space<hbm>>) dst(%dma_wait3A_1442 : memref<128xf32, #tpu.memory_space<vmem>>)
      %mul3A_1445 = arith.constant 128 : i32
      %mul3A_1446 = arith.muli %scan3A_1434, %mul3A_1445 : i32
      %add3A_1447 = arith.constant 0 : i32
      %add3A_1448 = arith.addi %mul3A_1446, %add3A_1447 : i32
      %get3A_1449 = arith.index_cast %add3A_1448 : i32 to index
      %get3A_1450 = tpu.vector_load %arg8[%get3A_1449] {strides = array<i32>} : memref<3072xf32, #tpu.memory_space<vmem>>, vector<16xf32>,
      %mul3A_1451 = arith.mulf %get3A_1450, %get3A_1450 : vector<16xf32>
      %add3A_1452 = arith.addf %add3A_1376, %mul3A_1451 : vector<16xf32>
      %mul3A_1453 = arith.constant 128 : i32
      %mul3A_1454 = arith.muli %scan3A_1434, %mul3A_1453 : i32
      %add3A_1455 = arith.constant 16 : i32
      %add3A_1456 = arith.addi %mul3A_1454, %add3A_1455 : i32
      %get3A_1457 = arith.index_cast %add3A_1456 : i32 to index
      %get3A_1458 = tpu.vector_load %arg8[%get3A_1457] {strides = array<i32>} : memref<3072xf32, #tpu.memory_space<vmem>>, vector<16xf32>,
      %mul3A_1459 = arith.mulf %get3A_1458, %get3A_1458 : vector<16xf32>
      %add3A_1460 = arith.addf %add3A_1384, %mul3A_1459 : vector<16xf32>
      %mul3A_1461 = arith.constant 128 : i32
      %mul3A_1462 = arith.muli %scan3A_1434, %mul3A_1461 : i32
      %add3A_1463 = arith.constant 32 : i32
      %add3A_1464 = arith.addi %mul3A_1462, %add3A_1463 : i32
      %get3A_1465 = arith.index_cast %add3A_1464 : i32 to index
      %get3A_1466 = tpu.vector_load %arg8[%get3A_1465] {strides = array<i32>} : memref<3072xf32, #tpu.memory_space<vmem>>, vector<16xf32>,
      %mul3A_1467 = arith.mulf %get3A_1466, %get3A_1466 : vector<16xf32>
      %add3A_1468 = arith.addf %add3A_1392, %mul3A_1467 : vector<16xf32>
      %mul3A_1469 = arith.constant 128 : i32
      %mul3A_1470 = arith.muli %scan3A_1434, %mul3A_1469 : i32
      %add3A_1471 = arith.constant 48 : i32
      %add3A_1472 = arith.addi %mul3A_1470, %add3A_1471 : i32
      %get3A_1473 = arith.index_cast %add3A_1472 : i32 to index
      %get3A_1474 = tpu.vector_load %arg8[%get3A_1473] {strides = array<i32>} : memref<3072xf32, #tpu.memory_space<vmem>>, vector<16xf32>,
      %mul3A_1475 = arith.mulf %get3A_1474, %get3A_1474 : vector<16xf32>
      %add3A_1476 = arith.addf %add3A_1400, %mul3A_1475 : vector<16xf32>
      %mul3A_1477 = arith.constant 128 : i32
      %mul3A_1478 = arith.muli %scan3A_1434, %mul3A_1477 : i32
      %add3A_1479 = arith.constant 64 : i32
      %add3A_1480 = arith.addi %mul3A_1478, %add3A_1479 : i32
      %get3A_1481 = arith.index_cast %add3A_1480 : i32 to index
      %get3A_1482 = tpu.vector_load %arg8[%get3A_1481] {strides = array<i32>} : memref<3072xf32, #tpu.memory_space<vmem>>, vector<16xf32>,
      %mul3A_1483 = arith.mulf %get3A_1482, %get3A_1482 : vector<16xf32>
      %add3A_1484 = arith.addf %add3A_1408, %mul3A_1483 : vector<16xf32>
      %mul3A_1485 = arith.constant 128 : i32
      %mul3A_1486 = arith.muli %scan3A_1434, %mul3A_1485 : i32
      %add3A_1487 = arith.constant 80 : i32
      %add3A_1488 = arith.addi %mul3A_1486, %add3A_1487 : i32
      %get3A_1489 = arith.index_cast %add3A_1488 : i32 to index
      %get3A_1490 = tpu.vector_load %arg8[%get3A_1489] {strides = array<i32>} : memref<3072xf32, #tpu.memory_space<vmem>>, vector<16xf32>,
      %mul3A_1491 = arith.mulf %get3A_1490, %get3A_1490 : vector<16xf32>
      %add3A_1492 = arith.addf %add3A_1416, %mul3A_1491 : vector<16xf32>
      %mul3A_1493 = arith.constant 128 : i32
      %mul3A_1494 = arith.muli %scan3A_1434, %mul3A_1493 : i32
      %add3A_1495 = arith.constant 96 : i32
      %add3A_1496 = arith.addi %mul3A_1494, %add3A_1495 : i32
      %get3A_1497 = arith.index_cast %add3A_1496 : i32 to index
      %get3A_1498 = tpu.vector_load %arg8[%get3A_1497] {strides = array<i32>} : memref<3072xf32, #tpu.memory_space<vmem>>, vector<16xf32>,
      %mul3A_1499 = arith.mulf %get3A_1498, %get3A_1498 : vector<16xf32>
      %add3A_1500 = arith.addf %add3A_1424, %mul3A_1499 : vector<16xf32>
      %mul3A_1501 = arith.constant 128 : i32
      %mul3A_1502 = arith.muli %scan3A_1434, %mul3A_1501 : i32
      %add3A_1503 = arith.constant 112 : i32
      %add3A_1504 = arith.addi %mul3A_1502, %add3A_1503 : i32
      %get3A_1505 = arith.index_cast %add3A_1504 : i32 to index
      %get3A_1506 = tpu.vector_load %arg8[%get3A_1505] {strides = array<i32>} : memref<3072xf32, #tpu.memory_space<vmem>>, vector<16xf32>,
      %mul3A_1507 = arith.mulf %get3A_1506, %get3A_1506 : vector<16xf32>
      %add3A_1508 = arith.addf %add3A_1432, %mul3A_1507 : vector<16xf32>
      scf.yield %add3A_1452, %add3A_1460, %add3A_1468, %add3A_1476, %add3A_1484, %add3A_1492, %add3A_1500, %add3A_1508 : vector<16xf32>, vector<16xf32>, vector<16xf32>, vector<16xf32>, vector<16xf32>, vector<16xf32>, vector<16xf32>, vector<16xf32>
    }
    %scan3A_614 = arith.constant 24 : i32
    %swap3A = arith.constant 0 : index
    %swap3A_615 = tpu.vector_load %arg10[%swap3A] {strides = array<i32>} : memref<128xf32, #tpu.memory_space<vmem>>, vector<16xf32>,
    tpu.vector_store %arg10[%swap3A], %scan3A_613#0 {strides = array<i32>} : memref<128xf32, #tpu.memory_space<vmem>>, vector<16xf32>,
    %swap3A_616 = arith.constant 16 : index
    %swap3A_617 = tpu.vector_load %arg10[%swap3A_616] {strides = array<i32>} : memref<128xf32, #tpu.memory_space<vmem>>, vector<16xf32>,
    tpu.vector_store %arg10[%swap3A_616], %scan3A_613#1 {strides = array<i32>} : memref<128xf32, #tpu.memory_space<vmem>>, vector<16xf32>,
    %swap3A_618 = arith.constant 32 : index
    %swap3A_619 = tpu.vector_load %arg10[%swap3A_618] {strides = array<i32>} : memref<128xf32, #tpu.memory_space<vmem>>, vector<16xf32>,
    tpu.vector_store %arg10[%swap3A_618], %scan3A_613#2 {strides = array<i32>} : memref<128xf32, #tpu.memory_space<vmem>>, vector<16xf32>,
    %swap3A_620 = arith.constant 48 : index
    %swap3A_621 = tpu.vector_load %arg10[%swap3A_620] {strides = array<i32>} : memref<128xf32, #tpu.memory_space<vmem>>, vector<16xf32>,
    tpu.vector_store %arg10[%swap3A_620], %scan3A_613#3 {strides = array<i32>} : memref<128xf32, #tpu.memory_space<vmem>>, vector<16xf32>,
    %swap3A_622 = arith.constant 64 : index
    %swap3A_623 = tpu.vector_load %arg10[%swap3A_622] {strides = array<i32>} : memref<128xf32, #tpu.memory_space<vmem>>, vector<16xf32>,
    tpu.vector_store %arg10[%swap3A_622], %scan3A_613#4 {strides = array<i32>} : memref<128xf32, #tpu.memory_space<vmem>>, vector<16xf32>,
    %swap3A_624 = arith.constant 80 : index
    %swap3A_625 = tpu.vector_load %arg10[%swap3A_624] {strides = array<i32>} : memref<128xf32, #tpu.memory_space<vmem>>, vector<16xf32>,
    tpu.vector_store %arg10[%swap3A_624], %scan3A_613#5 {strides = array<i32>} : memref<128xf32, #tpu.memory_space<vmem>>, vector<16xf32>,
    %swap3A_626 = arith.constant 96 : index
    %swap3A_627 = tpu.vector_load %arg10[%swap3A_626] {strides = array<i32>} : memref<128xf32, #tpu.memory_space<vmem>>, vector<16xf32>,
    tpu.vector_store %arg10[%swap3A_626], %scan3A_613#6 {strides = array<i32>} : memref<128xf32, #tpu.memory_space<vmem>>, vector<16xf32>,
    %swap3A_628 = arith.constant 112 : index
    %swap3A_629 = tpu.vector_load %arg10[%swap3A_628] {strides = array<i32>} : memref<128xf32, #tpu.memory_space<vmem>>, vector<16xf32>,
    tpu.vector_store %arg10[%swap3A_628], %scan3A_613#7 {strides = array<i32>} : memref<128xf32, #tpu.memory_space<vmem>>, vector<16xf32>,
    %mul3A_630 = arith.constant 4 : i32
    %mul3A_631 = arith.muli %select_n3A_7, %mul3A_630 : i32
    %add3A_632 = arith.addi %mul3A_631, %select_n3A_30 : i32
    %mul3A_633 = arith.constant 128 : i32
    %mul3A_634 = arith.muli %add3A_632, %mul3A_633 : i32
    "tpu.region"() ({
      %run_scoped3A = tpu.sem_alloc : memref<!tpu.dma_semaphore, #tpu.memory_space<semaphore_mem>>
      %dma_start3A_1198 = tpu.memref_slice %arg12[%mul3A_634] : memref<2048xf32, #tpu.memory_space<vmem_shared>> -> memref<128xf32, #tpu.memory_space<vmem_shared>>
      %dma_start3A_1199 = tpu.memref_slice %arg12[%mul3A_634] : memref<2048xf32, #tpu.memory_space<vmem_shared>> -> memref<128xf32, #tpu.memory_space<vmem_shared>>
      tpu.enqueue_dma source(%arg10 : memref<128xf32, #tpu.memory_space<vmem>>) target(%dma_start3A_1199 : memref<128xf32, #tpu.memory_space<vmem_shared>>) target_semaphore(%run_scoped3A : memref<!tpu.dma_semaphore, #tpu.memory_space<semaphore_mem>>)
      %dma_wait3A_1200 = tpu.memref_slice %arg12[%mul3A_634] : memref<2048xf32, #tpu.memory_space<vmem_shared>> -> memref<128xf32, #tpu.memory_space<vmem_shared>>
      %dma_wait3A_1201 = tpu.memref_slice %arg12[%mul3A_634] : memref<2048xf32, #tpu.memory_space<vmem_shared>> -> memref<128xf32, #tpu.memory_space<vmem_shared>>
      tpu.wait_dma2 semaphore(%run_scoped3A : memref<!tpu.dma_semaphore, #tpu.memory_space<semaphore_mem>>) src(%arg10 : memref<128xf32, #tpu.memory_space<vmem>>) dst(%dma_wait3A_1201 : memref<128xf32, #tpu.memory_space<vmem_shared>>)
      tpu.yield
    }) : () -> ()
    %barrier3A = arith.constant 0 : index
    tpu.barrier barrier_id(%barrier3A)
    %mul3A_635 = arith.constant 4 : i32
    %mul3A_636 = arith.muli %select_n3A_7, %mul3A_635 : i32
    %mul3A_637 = arith.constant 128 : i32
    %mul3A_638 = arith.muli %mul3A_636, %mul3A_637 : i32
    "tpu.region"() ({
      %run_scoped3A = tpu.sem_alloc : memref<!tpu.dma_semaphore, #tpu.memory_space<semaphore_mem>>
      %dma_start3A_1198 = tpu.memref_slice %arg12[%mul3A_638] : memref<2048xf32, #tpu.memory_space<vmem_shared>> -> memref<512xf32, #tpu.memory_space<vmem_shared>>
      %dma_start3A_1199 = tpu.memref_slice %arg12[%mul3A_638] : memref<2048xf32, #tpu.memory_space<vmem_shared>> -> memref<512xf32, #tpu.memory_space<vmem_shared>>
      tpu.enqueue_dma source(%dma_start3A_1199 : memref<512xf32, #tpu.memory_space<vmem_shared>>) target(%arg11 : memref<512xf32, #tpu.memory_space<vmem>>) target_semaphore(%run_scoped3A : memref<!tpu.dma_semaphore, #tpu.memory_space<semaphore_mem>>)
      %dma_wait3A_1200 = tpu.memref_slice %arg12[%mul3A_638] : memref<2048xf32, #tpu.memory_space<vmem_shared>> -> memref<512xf32, #tpu.memory_space<vmem_shared>>
      %dma_wait3A_1201 = tpu.memref_slice %arg12[%mul3A_638] : memref<2048xf32, #tpu.memory_space<vmem_shared>> -> memref<512xf32, #tpu.memory_space<vmem_shared>>
      tpu.wait_dma2 semaphore(%run_scoped3A : memref<!tpu.dma_semaphore, #tpu.memory_space<semaphore_mem>>) src(%dma_wait3A_1201 : memref<512xf32, #tpu.memory_space<vmem_shared>>) dst(%arg11 : memref<512xf32, #tpu.memory_space<vmem>>)
      tpu.yield
    }) : () -> ()
    %broadcast_in_dim3A_639 = arith.constant 0.000000e+00 : f32
    %broadcast_in_dim3A_640 = vector.broadcast %broadcast_in_dim3A_639 : f32 to vector<16xf32>
    %get3A_641 = arith.constant 0 : index
    %get3A_642 = tpu.vector_load %arg11[%get3A_641] {strides = array<i32>} : memref<512xf32, #tpu.memory_space<vmem>>, vector<16xf32>,
    %add3A_643 = arith.addf %broadcast_in_dim3A_640, %get3A_642 : vector<16xf32>
    %get3A_644 = arith.constant 128 : index
    %get3A_645 = tpu.vector_load %arg11[%get3A_644] {strides = array<i32>} : memref<512xf32, #tpu.memory_space<vmem>>, vector<16xf32>,
    %add3A_646 = arith.addf %add3A_643, %get3A_645 : vector<16xf32>
    %get3A_647 = arith.constant 256 : index
    %get3A_648 = tpu.vector_load %arg11[%get3A_647] {strides = array<i32>} : memref<512xf32, #tpu.memory_space<vmem>>, vector<16xf32>,
    %add3A_649 = arith.addf %add3A_646, %get3A_648 : vector<16xf32>
    %get3A_650 = arith.constant 384 : index
    %get3A_651 = tpu.vector_load %arg11[%get3A_650] {strides = array<i32>} : memref<512xf32, #tpu.memory_space<vmem>>, vector<16xf32>,
    %add3A_652 = arith.addf %add3A_649, %get3A_651 : vector<16xf32>
    %bitcast_convert_type3A = tpu.bitcast %add3A_652 : vector<16xf32> -> vector<16xi32>
    %shift_right_arithmetic3A_653 = arith.constant 1 : i32
    %shift_right_arithmetic3A_654 = vector.broadcast %shift_right_arithmetic3A_653 : i32 to vector<16xi32>
    %shift_right_arithmetic3A_655 = arith.shrsi %bitcast_convert_type3A, %shift_right_arithmetic3A_654 : vector<16xi32>
    %sub3A_656 = arith.constant 1597463007 : i32
    %sub3A_657 = vector.broadcast %sub3A_656 : i32 to vector<16xi32>
    %sub3A_658 = arith.subi %sub3A_657, %shift_right_arithmetic3A_655 : vector<16xi32>
    %bitcast_convert_type3A_659 = tpu.bitcast %sub3A_658 : vector<16xi32> -> vector<16xf32>
    %mul3A_660 = arith.constant 5.000000e-01 : f32
    %mul3A_661 = vector.broadcast %mul3A_660 : f32 to vector<16xf32>
    %mul3A_662 = arith.mulf %mul3A_661, %add3A_652 : vector<16xf32>
    %mul3A_663 = arith.mulf %mul3A_662, %bitcast_convert_type3A_659 : vector<16xf32>
    %mul3A_664 = arith.mulf %mul3A_663, %bitcast_convert_type3A_659 : vector<16xf32>
    %sub3A_665 = arith.constant 1.500000e+00 : f32
    %sub3A_666 = vector.broadcast %sub3A_665 : f32 to vector<16xf32>
    %sub3A_667 = arith.subf %sub3A_666, %mul3A_664 : vector<16xf32>
    %mul3A_668 = arith.mulf %bitcast_convert_type3A_659, %sub3A_667 : vector<16xf32>
    %mul3A_669 = arith.constant 5.000000e-01 : f32
    %mul3A_670 = vector.broadcast %mul3A_669 : f32 to vector<16xf32>
    %mul3A_671 = arith.mulf %mul3A_670, %add3A_652 : vector<16xf32>
    %mul3A_672 = arith.mulf %mul3A_671, %mul3A_668 : vector<16xf32>
    %mul3A_673 = arith.mulf %mul3A_672, %mul3A_668 : vector<16xf32>
    %sub3A_674 = arith.constant 1.500000e+00 : f32
    %sub3A_675 = vector.broadcast %sub3A_674 : f32 to vector<16xf32>
    %sub3A_676 = arith.subf %sub3A_675, %mul3A_673 : vector<16xf32>
    %mul3A_677 = arith.mulf %mul3A_668, %sub3A_676 : vector<16xf32>
    %mul3A_678 = arith.constant 5.000000e-01 : f32
    %mul3A_679 = vector.broadcast %mul3A_678 : f32 to vector<16xf32>
    %mul3A_680 = arith.mulf %mul3A_679, %add3A_652 : vector<16xf32>
    %mul3A_681 = arith.mulf %mul3A_680, %mul3A_677 : vector<16xf32>
    %mul3A_682 = arith.mulf %mul3A_681, %mul3A_677 : vector<16xf32>
    %sub3A_683 = arith.constant 1.500000e+00 : f32
    %sub3A_684 = vector.broadcast %sub3A_683 : f32 to vector<16xf32>
    %sub3A_685 = arith.subf %sub3A_684, %mul3A_682 : vector<16xf32>
    %mul3A_686 = arith.mulf %mul3A_677, %sub3A_685 : vector<16xf32>
    %gt3A = arith.constant 0.000000e+00 : f32
    %gt3A_687 = vector.broadcast %gt3A : f32 to vector<16xf32>
    %gt3A_688 = arith.cmpf ogt, %add3A_652, %gt3A_687 : vector<16xf32>
    %jit3A_689 = arith.constant 0.000000e+00 : f32
    %broadcast_in_dim3A_690 = vector.broadcast %jit3A_689 : f32 to vector<16xf32>
    %select_n3A_691 = arith.select %gt3A_688, %mul3A_686, %broadcast_in_dim3A_690 : vector<16xi1>, vector<16xf32>
    %mul3A_692 = arith.mulf %add3A_652, %select_n3A_691 : vector<16xf32>
    %add3A_693 = arith.constant 1.000000e-07 : f32
    %add3A_694 = vector.broadcast %add3A_693 : f32 to vector<16xf32>
    %add3A_695 = arith.addf %mul3A_692, %add3A_694 : vector<16xf32>
    %div3A_696 = arith.constant 1.000000e+00 : f32
    %div3A_697 = vector.broadcast %div3A_696 : f32 to vector<16xf32>
    %div3A_698 = arith.divf %div3A_697, %add3A_695 : vector<16xf32>
    %broadcast_in_dim3A_699 = arith.constant 0.000000e+00 : f32
    %broadcast_in_dim3A_700 = vector.broadcast %broadcast_in_dim3A_699 : f32 to vector<16xf32>
    %get3A_701 = arith.constant 16 : index
    %get3A_702 = tpu.vector_load %arg11[%get3A_701] {strides = array<i32>} : memref<512xf32, #tpu.memory_space<vmem>>, vector<16xf32>,
    %add3A_703 = arith.addf %broadcast_in_dim3A_700, %get3A_702 : vector<16xf32>
    %get3A_704 = arith.constant 144 : index
    %get3A_705 = tpu.vector_load %arg11[%get3A_704] {strides = array<i32>} : memref<512xf32, #tpu.memory_space<vmem>>, vector<16xf32>,
    %add3A_706 = arith.addf %add3A_703, %get3A_705 : vector<16xf32>
    %get3A_707 = arith.constant 272 : index
    %get3A_708 = tpu.vector_load %arg11[%get3A_707] {strides = array<i32>} : memref<512xf32, #tpu.memory_space<vmem>>, vector<16xf32>,
    %add3A_709 = arith.addf %add3A_706, %get3A_708 : vector<16xf32>
    %get3A_710 = arith.constant 400 : index
    %get3A_711 = tpu.vector_load %arg11[%get3A_710] {strides = array<i32>} : memref<512xf32, #tpu.memory_space<vmem>>, vector<16xf32>,
    %add3A_712 = arith.addf %add3A_709, %get3A_711 : vector<16xf32>
    %bitcast_convert_type3A_713 = tpu.bitcast %add3A_712 : vector<16xf32> -> vector<16xi32>
    %shift_right_arithmetic3A_714 = arith.constant 1 : i32
    %shift_right_arithmetic3A_715 = vector.broadcast %shift_right_arithmetic3A_714 : i32 to vector<16xi32>
    %shift_right_arithmetic3A_716 = arith.shrsi %bitcast_convert_type3A_713, %shift_right_arithmetic3A_715 : vector<16xi32>
    %sub3A_717 = arith.constant 1597463007 : i32
    %sub3A_718 = vector.broadcast %sub3A_717 : i32 to vector<16xi32>
    %sub3A_719 = arith.subi %sub3A_718, %shift_right_arithmetic3A_716 : vector<16xi32>
    %bitcast_convert_type3A_720 = tpu.bitcast %sub3A_719 : vector<16xi32> -> vector<16xf32>
    %mul3A_721 = arith.constant 5.000000e-01 : f32
    %mul3A_722 = vector.broadcast %mul3A_721 : f32 to vector<16xf32>
    %mul3A_723 = arith.mulf %mul3A_722, %add3A_712 : vector<16xf32>
    %mul3A_724 = arith.mulf %mul3A_723, %bitcast_convert_type3A_720 : vector<16xf32>
    %mul3A_725 = arith.mulf %mul3A_724, %bitcast_convert_type3A_720 : vector<16xf32>
    %sub3A_726 = arith.constant 1.500000e+00 : f32
    %sub3A_727 = vector.broadcast %sub3A_726 : f32 to vector<16xf32>
    %sub3A_728 = arith.subf %sub3A_727, %mul3A_725 : vector<16xf32>
    %mul3A_729 = arith.mulf %bitcast_convert_type3A_720, %sub3A_728 : vector<16xf32>
    %mul3A_730 = arith.constant 5.000000e-01 : f32
    %mul3A_731 = vector.broadcast %mul3A_730 : f32 to vector<16xf32>
    %mul3A_732 = arith.mulf %mul3A_731, %add3A_712 : vector<16xf32>
    %mul3A_733 = arith.mulf %mul3A_732, %mul3A_729 : vector<16xf32>
    %mul3A_734 = arith.mulf %mul3A_733, %mul3A_729 : vector<16xf32>
    %sub3A_735 = arith.constant 1.500000e+00 : f32
    %sub3A_736 = vector.broadcast %sub3A_735 : f32 to vector<16xf32>
    %sub3A_737 = arith.subf %sub3A_736, %mul3A_734 : vector<16xf32>
    %mul3A_738 = arith.mulf %mul3A_729, %sub3A_737 : vector<16xf32>
    %mul3A_739 = arith.constant 5.000000e-01 : f32
    %mul3A_740 = vector.broadcast %mul3A_739 : f32 to vector<16xf32>
    %mul3A_741 = arith.mulf %mul3A_740, %add3A_712 : vector<16xf32>
    %mul3A_742 = arith.mulf %mul3A_741, %mul3A_738 : vector<16xf32>
    %mul3A_743 = arith.mulf %mul3A_742, %mul3A_738 : vector<16xf32>
    %sub3A_744 = arith.constant 1.500000e+00 : f32
    %sub3A_745 = vector.broadcast %sub3A_744 : f32 to vector<16xf32>
    %sub3A_746 = arith.subf %sub3A_745, %mul3A_743 : vector<16xf32>
    %mul3A_747 = arith.mulf %mul3A_738, %sub3A_746 : vector<16xf32>
    %gt3A_748 = arith.constant 0.000000e+00 : f32
    %gt3A_749 = vector.broadcast %gt3A_748 : f32 to vector<16xf32>
    %gt3A_750 = arith.cmpf ogt, %add3A_712, %gt3A_749 : vector<16xf32>
    %jit3A_751 = arith.constant 0.000000e+00 : f32
    %broadcast_in_dim3A_752 = vector.broadcast %jit3A_751 : f32 to vector<16xf32>
    %select_n3A_753 = arith.select %gt3A_750, %mul3A_747, %broadcast_in_dim3A_752 : vector<16xi1>, vector<16xf32>
    %mul3A_754 = arith.mulf %add3A_712, %select_n3A_753 : vector<16xf32>
    %add3A_755 = arith.constant 1.000000e-07 : f32
    %add3A_756 = vector.broadcast %add3A_755 : f32 to vector<16xf32>
    %add3A_757 = arith.addf %mul3A_754, %add3A_756 : vector<16xf32>
    %div3A_758 = arith.constant 1.000000e+00 : f32
    %div3A_759 = vector.broadcast %div3A_758 : f32 to vector<16xf32>
    %div3A_760 = arith.divf %div3A_759, %add3A_757 : vector<16xf32>
    %broadcast_in_dim3A_761 = arith.constant 0.000000e+00 : f32
    %broadcast_in_dim3A_762 = vector.broadcast %broadcast_in_dim3A_761 : f32 to vector<16xf32>
    %get3A_763 = arith.constant 32 : index
    %get3A_764 = tpu.vector_load %arg11[%get3A_763] {strides = array<i32>} : memref<512xf32, #tpu.memory_space<vmem>>, vector<16xf32>,
    %add3A_765 = arith.addf %broadcast_in_dim3A_762, %get3A_764 : vector<16xf32>
    %get3A_766 = arith.constant 160 : index
    %get3A_767 = tpu.vector_load %arg11[%get3A_766] {strides = array<i32>} : memref<512xf32, #tpu.memory_space<vmem>>, vector<16xf32>,
    %add3A_768 = arith.addf %add3A_765, %get3A_767 : vector<16xf32>
    %get3A_769 = arith.constant 288 : index
    %get3A_770 = tpu.vector_load %arg11[%get3A_769] {strides = array<i32>} : memref<512xf32, #tpu.memory_space<vmem>>, vector<16xf32>,
    %add3A_771 = arith.addf %add3A_768, %get3A_770 : vector<16xf32>
    %get3A_772 = arith.constant 416 : index
    %get3A_773 = tpu.vector_load %arg11[%get3A_772] {strides = array<i32>} : memref<512xf32, #tpu.memory_space<vmem>>, vector<16xf32>,
    %add3A_774 = arith.addf %add3A_771, %get3A_773 : vector<16xf32>
    %bitcast_convert_type3A_775 = tpu.bitcast %add3A_774 : vector<16xf32> -> vector<16xi32>
    %shift_right_arithmetic3A_776 = arith.constant 1 : i32
    %shift_right_arithmetic3A_777 = vector.broadcast %shift_right_arithmetic3A_776 : i32 to vector<16xi32>
    %shift_right_arithmetic3A_778 = arith.shrsi %bitcast_convert_type3A_775, %shift_right_arithmetic3A_777 : vector<16xi32>
    %sub3A_779 = arith.constant 1597463007 : i32
    %sub3A_780 = vector.broadcast %sub3A_779 : i32 to vector<16xi32>
    %sub3A_781 = arith.subi %sub3A_780, %shift_right_arithmetic3A_778 : vector<16xi32>
    %bitcast_convert_type3A_782 = tpu.bitcast %sub3A_781 : vector<16xi32> -> vector<16xf32>
    %mul3A_783 = arith.constant 5.000000e-01 : f32
    %mul3A_784 = vector.broadcast %mul3A_783 : f32 to vector<16xf32>
    %mul3A_785 = arith.mulf %mul3A_784, %add3A_774 : vector<16xf32>
    %mul3A_786 = arith.mulf %mul3A_785, %bitcast_convert_type3A_782 : vector<16xf32>
    %mul3A_787 = arith.mulf %mul3A_786, %bitcast_convert_type3A_782 : vector<16xf32>
    %sub3A_788 = arith.constant 1.500000e+00 : f32
    %sub3A_789 = vector.broadcast %sub3A_788 : f32 to vector<16xf32>
    %sub3A_790 = arith.subf %sub3A_789, %mul3A_787 : vector<16xf32>
    %mul3A_791 = arith.mulf %bitcast_convert_type3A_782, %sub3A_790 : vector<16xf32>
    %mul3A_792 = arith.constant 5.000000e-01 : f32
    %mul3A_793 = vector.broadcast %mul3A_792 : f32 to vector<16xf32>
    %mul3A_794 = arith.mulf %mul3A_793, %add3A_774 : vector<16xf32>
    %mul3A_795 = arith.mulf %mul3A_794, %mul3A_791 : vector<16xf32>
    %mul3A_796 = arith.mulf %mul3A_795, %mul3A_791 : vector<16xf32>
    %sub3A_797 = arith.constant 1.500000e+00 : f32
    %sub3A_798 = vector.broadcast %sub3A_797 : f32 to vector<16xf32>
    %sub3A_799 = arith.subf %sub3A_798, %mul3A_796 : vector<16xf32>
    %mul3A_800 = arith.mulf %mul3A_791, %sub3A_799 : vector<16xf32>
    %mul3A_801 = arith.constant 5.000000e-01 : f32
    %mul3A_802 = vector.broadcast %mul3A_801 : f32 to vector<16xf32>
    %mul3A_803 = arith.mulf %mul3A_802, %add3A_774 : vector<16xf32>
    %mul3A_804 = arith.mulf %mul3A_803, %mul3A_800 : vector<16xf32>
    %mul3A_805 = arith.mulf %mul3A_804, %mul3A_800 : vector<16xf32>
    %sub3A_806 = arith.constant 1.500000e+00 : f32
    %sub3A_807 = vector.broadcast %sub3A_806 : f32 to vector<16xf32>
    %sub3A_808 = arith.subf %sub3A_807, %mul3A_805 : vector<16xf32>
    %mul3A_809 = arith.mulf %mul3A_800, %sub3A_808 : vector<16xf32>
    %gt3A_810 = arith.constant 0.000000e+00 : f32
    %gt3A_811 = vector.broadcast %gt3A_810 : f32 to vector<16xf32>
    %gt3A_812 = arith.cmpf ogt, %add3A_774, %gt3A_811 : vector<16xf32>
    %jit3A_813 = arith.constant 0.000000e+00 : f32
    %broadcast_in_dim3A_814 = vector.broadcast %jit3A_813 : f32 to vector<16xf32>
    %select_n3A_815 = arith.select %gt3A_812, %mul3A_809, %broadcast_in_dim3A_814 : vector<16xi1>, vector<16xf32>
    %mul3A_816 = arith.mulf %add3A_774, %select_n3A_815 : vector<16xf32>
    %add3A_817 = arith.constant 1.000000e-07 : f32
    %add3A_818 = vector.broadcast %add3A_817 : f32 to vector<16xf32>
    %add3A_819 = arith.addf %mul3A_816, %add3A_818 : vector<16xf32>
    %div3A_820 = arith.constant 1.000000e+00 : f32
    %div3A_821 = vector.broadcast %div3A_820 : f32 to vector<16xf32>
    %div3A_822 = arith.divf %div3A_821, %add3A_819 : vector<16xf32>
    %broadcast_in_dim3A_823 = arith.constant 0.000000e+00 : f32
    %broadcast_in_dim3A_824 = vector.broadcast %broadcast_in_dim3A_823 : f32 to vector<16xf32>
    %get3A_825 = arith.constant 48 : index
    %get3A_826 = tpu.vector_load %arg11[%get3A_825] {strides = array<i32>} : memref<512xf32, #tpu.memory_space<vmem>>, vector<16xf32>,
    %add3A_827 = arith.addf %broadcast_in_dim3A_824, %get3A_826 : vector<16xf32>
    %get3A_828 = arith.constant 176 : index
    %get3A_829 = tpu.vector_load %arg11[%get3A_828] {strides = array<i32>} : memref<512xf32, #tpu.memory_space<vmem>>, vector<16xf32>,
    %add3A_830 = arith.addf %add3A_827, %get3A_829 : vector<16xf32>
    %get3A_831 = arith.constant 304 : index
    %get3A_832 = tpu.vector_load %arg11[%get3A_831] {strides = array<i32>} : memref<512xf32, #tpu.memory_space<vmem>>, vector<16xf32>,
    %add3A_833 = arith.addf %add3A_830, %get3A_832 : vector<16xf32>
    %get3A_834 = arith.constant 432 : index
    %get3A_835 = tpu.vector_load %arg11[%get3A_834] {strides = array<i32>} : memref<512xf32, #tpu.memory_space<vmem>>, vector<16xf32>,
    %add3A_836 = arith.addf %add3A_833, %get3A_835 : vector<16xf32>
    %bitcast_convert_type3A_837 = tpu.bitcast %add3A_836 : vector<16xf32> -> vector<16xi32>
    %shift_right_arithmetic3A_838 = arith.constant 1 : i32
    %shift_right_arithmetic3A_839 = vector.broadcast %shift_right_arithmetic3A_838 : i32 to vector<16xi32>
    %shift_right_arithmetic3A_840 = arith.shrsi %bitcast_convert_type3A_837, %shift_right_arithmetic3A_839 : vector<16xi32>
    %sub3A_841 = arith.constant 1597463007 : i32
    %sub3A_842 = vector.broadcast %sub3A_841 : i32 to vector<16xi32>
    %sub3A_843 = arith.subi %sub3A_842, %shift_right_arithmetic3A_840 : vector<16xi32>
    %bitcast_convert_type3A_844 = tpu.bitcast %sub3A_843 : vector<16xi32> -> vector<16xf32>
    %mul3A_845 = arith.constant 5.000000e-01 : f32
    %mul3A_846 = vector.broadcast %mul3A_845 : f32 to vector<16xf32>
    %mul3A_847 = arith.mulf %mul3A_846, %add3A_836 : vector<16xf32>
    %mul3A_848 = arith.mulf %mul3A_847, %bitcast_convert_type3A_844 : vector<16xf32>
    %mul3A_849 = arith.mulf %mul3A_848, %bitcast_convert_type3A_844 : vector<16xf32>
    %sub3A_850 = arith.constant 1.500000e+00 : f32
    %sub3A_851 = vector.broadcast %sub3A_850 : f32 to vector<16xf32>
    %sub3A_852 = arith.subf %sub3A_851, %mul3A_849 : vector<16xf32>
    %mul3A_853 = arith.mulf %bitcast_convert_type3A_844, %sub3A_852 : vector<16xf32>
    %mul3A_854 = arith.constant 5.000000e-01 : f32
    %mul3A_855 = vector.broadcast %mul3A_854 : f32 to vector<16xf32>
    %mul3A_856 = arith.mulf %mul3A_855, %add3A_836 : vector<16xf32>
    %mul3A_857 = arith.mulf %mul3A_856, %mul3A_853 : vector<16xf32>
    %mul3A_858 = arith.mulf %mul3A_857, %mul3A_853 : vector<16xf32>
    %sub3A_859 = arith.constant 1.500000e+00 : f32
    %sub3A_860 = vector.broadcast %sub3A_859 : f32 to vector<16xf32>
    %sub3A_861 = arith.subf %sub3A_860, %mul3A_858 : vector<16xf32>
    %mul3A_862 = arith.mulf %mul3A_853, %sub3A_861 : vector<16xf32>
    %mul3A_863 = arith.constant 5.000000e-01 : f32
    %mul3A_864 = vector.broadcast %mul3A_863 : f32 to vector<16xf32>
    %mul3A_865 = arith.mulf %mul3A_864, %add3A_836 : vector<16xf32>
    %mul3A_866 = arith.mulf %mul3A_865, %mul3A_862 : vector<16xf32>
    %mul3A_867 = arith.mulf %mul3A_866, %mul3A_862 : vector<16xf32>
    %sub3A_868 = arith.constant 1.500000e+00 : f32
    %sub3A_869 = vector.broadcast %sub3A_868 : f32 to vector<16xf32>
    %sub3A_870 = arith.subf %sub3A_869, %mul3A_867 : vector<16xf32>
    %mul3A_871 = arith.mulf %mul3A_862, %sub3A_870 : vector<16xf32>
    %gt3A_872 = arith.constant 0.000000e+00 : f32
    %gt3A_873 = vector.broadcast %gt3A_872 : f32 to vector<16xf32>
    %gt3A_874 = arith.cmpf ogt, %add3A_836, %gt3A_873 : vector<16xf32>
    %jit3A_875 = arith.constant 0.000000e+00 : f32
    %broadcast_in_dim3A_876 = vector.broadcast %jit3A_875 : f32 to vector<16xf32>
    %select_n3A_877 = arith.select %gt3A_874, %mul3A_871, %broadcast_in_dim3A_876 : vector<16xi1>, vector<16xf32>
    %mul3A_878 = arith.mulf %add3A_836, %select_n3A_877 : vector<16xf32>
    %add3A_879 = arith.constant 1.000000e-07 : f32
    %add3A_880 = vector.broadcast %add3A_879 : f32 to vector<16xf32>
    %add3A_881 = arith.addf %mul3A_878, %add3A_880 : vector<16xf32>
    %div3A_882 = arith.constant 1.000000e+00 : f32
    %div3A_883 = vector.broadcast %div3A_882 : f32 to vector<16xf32>
    %div3A_884 = arith.divf %div3A_883, %add3A_881 : vector<16xf32>
    %broadcast_in_dim3A_885 = arith.constant 0.000000e+00 : f32
    %broadcast_in_dim3A_886 = vector.broadcast %broadcast_in_dim3A_885 : f32 to vector<16xf32>
    %get3A_887 = arith.constant 64 : index
    %get3A_888 = tpu.vector_load %arg11[%get3A_887] {strides = array<i32>} : memref<512xf32, #tpu.memory_space<vmem>>, vector<16xf32>,
    %add3A_889 = arith.addf %broadcast_in_dim3A_886, %get3A_888 : vector<16xf32>
    %get3A_890 = arith.constant 192 : index
    %get3A_891 = tpu.vector_load %arg11[%get3A_890] {strides = array<i32>} : memref<512xf32, #tpu.memory_space<vmem>>, vector<16xf32>,
    %add3A_892 = arith.addf %add3A_889, %get3A_891 : vector<16xf32>
    %get3A_893 = arith.constant 320 : index
    %get3A_894 = tpu.vector_load %arg11[%get3A_893] {strides = array<i32>} : memref<512xf32, #tpu.memory_space<vmem>>, vector<16xf32>,
    %add3A_895 = arith.addf %add3A_892, %get3A_894 : vector<16xf32>
    %get3A_896 = arith.constant 448 : index
    %get3A_897 = tpu.vector_load %arg11[%get3A_896] {strides = array<i32>} : memref<512xf32, #tpu.memory_space<vmem>>, vector<16xf32>,
    %add3A_898 = arith.addf %add3A_895, %get3A_897 : vector<16xf32>
    %bitcast_convert_type3A_899 = tpu.bitcast %add3A_898 : vector<16xf32> -> vector<16xi32>
    %shift_right_arithmetic3A_900 = arith.constant 1 : i32
    %shift_right_arithmetic3A_901 = vector.broadcast %shift_right_arithmetic3A_900 : i32 to vector<16xi32>
    %shift_right_arithmetic3A_902 = arith.shrsi %bitcast_convert_type3A_899, %shift_right_arithmetic3A_901 : vector<16xi32>
    %sub3A_903 = arith.constant 1597463007 : i32
    %sub3A_904 = vector.broadcast %sub3A_903 : i32 to vector<16xi32>
    %sub3A_905 = arith.subi %sub3A_904, %shift_right_arithmetic3A_902 : vector<16xi32>
    %bitcast_convert_type3A_906 = tpu.bitcast %sub3A_905 : vector<16xi32> -> vector<16xf32>
    %mul3A_907 = arith.constant 5.000000e-01 : f32
    %mul3A_908 = vector.broadcast %mul3A_907 : f32 to vector<16xf32>
    %mul3A_909 = arith.mulf %mul3A_908, %add3A_898 : vector<16xf32>
    %mul3A_910 = arith.mulf %mul3A_909, %bitcast_convert_type3A_906 : vector<16xf32>
    %mul3A_911 = arith.mulf %mul3A_910, %bitcast_convert_type3A_906 : vector<16xf32>
    %sub3A_912 = arith.constant 1.500000e+00 : f32
    %sub3A_913 = vector.broadcast %sub3A_912 : f32 to vector<16xf32>
    %sub3A_914 = arith.subf %sub3A_913, %mul3A_911 : vector<16xf32>
    %mul3A_915 = arith.mulf %bitcast_convert_type3A_906, %sub3A_914 : vector<16xf32>
    %mul3A_916 = arith.constant 5.000000e-01 : f32
    %mul3A_917 = vector.broadcast %mul3A_916 : f32 to vector<16xf32>
    %mul3A_918 = arith.mulf %mul3A_917, %add3A_898 : vector<16xf32>
    %mul3A_919 = arith.mulf %mul3A_918, %mul3A_915 : vector<16xf32>
    %mul3A_920 = arith.mulf %mul3A_919, %mul3A_915 : vector<16xf32>
    %sub3A_921 = arith.constant 1.500000e+00 : f32
    %sub3A_922 = vector.broadcast %sub3A_921 : f32 to vector<16xf32>
    %sub3A_923 = arith.subf %sub3A_922, %mul3A_920 : vector<16xf32>
    %mul3A_924 = arith.mulf %mul3A_915, %sub3A_923 : vector<16xf32>
    %mul3A_925 = arith.constant 5.000000e-01 : f32
    %mul3A_926 = vector.broadcast %mul3A_925 : f32 to vector<16xf32>
    %mul3A_927 = arith.mulf %mul3A_926, %add3A_898 : vector<16xf32>
    %mul3A_928 = arith.mulf %mul3A_927, %mul3A_924 : vector<16xf32>
    %mul3A_929 = arith.mulf %mul3A_928, %mul3A_924 : vector<16xf32>
    %sub3A_930 = arith.constant 1.500000e+00 : f32
    %sub3A_931 = vector.broadcast %sub3A_930 : f32 to vector<16xf32>
    %sub3A_932 = arith.subf %sub3A_931, %mul3A_929 : vector<16xf32>
    %mul3A_933 = arith.mulf %mul3A_924, %sub3A_932 : vector<16xf32>
    %gt3A_934 = arith.constant 0.000000e+00 : f32
    %gt3A_935 = vector.broadcast %gt3A_934 : f32 to vector<16xf32>
    %gt3A_936 = arith.cmpf ogt, %add3A_898, %gt3A_935 : vector<16xf32>
    %jit3A_937 = arith.constant 0.000000e+00 : f32
    %broadcast_in_dim3A_938 = vector.broadcast %jit3A_937 : f32 to vector<16xf32>
    %select_n3A_939 = arith.select %gt3A_936, %mul3A_933, %broadcast_in_dim3A_938 : vector<16xi1>, vector<16xf32>
    %mul3A_940 = arith.mulf %add3A_898, %select_n3A_939 : vector<16xf32>
    %add3A_941 = arith.constant 1.000000e-07 : f32
    %add3A_942 = vector.broadcast %add3A_941 : f32 to vector<16xf32>
    %add3A_943 = arith.addf %mul3A_940, %add3A_942 : vector<16xf32>
    %div3A_944 = arith.constant 1.000000e+00 : f32
    %div3A_945 = vector.broadcast %div3A_944 : f32 to vector<16xf32>
    %div3A_946 = arith.divf %div3A_945, %add3A_943 : vector<16xf32>
    %broadcast_in_dim3A_947 = arith.constant 0.000000e+00 : f32
    %broadcast_in_dim3A_948 = vector.broadcast %broadcast_in_dim3A_947 : f32 to vector<16xf32>
    %get3A_949 = arith.constant 80 : index
    %get3A_950 = tpu.vector_load %arg11[%get3A_949] {strides = array<i32>} : memref<512xf32, #tpu.memory_space<vmem>>, vector<16xf32>,
    %add3A_951 = arith.addf %broadcast_in_dim3A_948, %get3A_950 : vector<16xf32>
    %get3A_952 = arith.constant 208 : index
    %get3A_953 = tpu.vector_load %arg11[%get3A_952] {strides = array<i32>} : memref<512xf32, #tpu.memory_space<vmem>>, vector<16xf32>,
    %add3A_954 = arith.addf %add3A_951, %get3A_953 : vector<16xf32>
    %get3A_955 = arith.constant 336 : index
    %get3A_956 = tpu.vector_load %arg11[%get3A_955] {strides = array<i32>} : memref<512xf32, #tpu.memory_space<vmem>>, vector<16xf32>,
    %add3A_957 = arith.addf %add3A_954, %get3A_956 : vector<16xf32>
    %get3A_958 = arith.constant 464 : index
    %get3A_959 = tpu.vector_load %arg11[%get3A_958] {strides = array<i32>} : memref<512xf32, #tpu.memory_space<vmem>>, vector<16xf32>,
    %add3A_960 = arith.addf %add3A_957, %get3A_959 : vector<16xf32>
    %bitcast_convert_type3A_961 = tpu.bitcast %add3A_960 : vector<16xf32> -> vector<16xi32>
    %shift_right_arithmetic3A_962 = arith.constant 1 : i32
    %shift_right_arithmetic3A_963 = vector.broadcast %shift_right_arithmetic3A_962 : i32 to vector<16xi32>
    %shift_right_arithmetic3A_964 = arith.shrsi %bitcast_convert_type3A_961, %shift_right_arithmetic3A_963 : vector<16xi32>
    %sub3A_965 = arith.constant 1597463007 : i32
    %sub3A_966 = vector.broadcast %sub3A_965 : i32 to vector<16xi32>
    %sub3A_967 = arith.subi %sub3A_966, %shift_right_arithmetic3A_964 : vector<16xi32>
    %bitcast_convert_type3A_968 = tpu.bitcast %sub3A_967 : vector<16xi32> -> vector<16xf32>
    %mul3A_969 = arith.constant 5.000000e-01 : f32
    %mul3A_970 = vector.broadcast %mul3A_969 : f32 to vector<16xf32>
    %mul3A_971 = arith.mulf %mul3A_970, %add3A_960 : vector<16xf32>
    %mul3A_972 = arith.mulf %mul3A_971, %bitcast_convert_type3A_968 : vector<16xf32>
    %mul3A_973 = arith.mulf %mul3A_972, %bitcast_convert_type3A_968 : vector<16xf32>
    %sub3A_974 = arith.constant 1.500000e+00 : f32
    %sub3A_975 = vector.broadcast %sub3A_974 : f32 to vector<16xf32>
    %sub3A_976 = arith.subf %sub3A_975, %mul3A_973 : vector<16xf32>
    %mul3A_977 = arith.mulf %bitcast_convert_type3A_968, %sub3A_976 : vector<16xf32>
    %mul3A_978 = arith.constant 5.000000e-01 : f32
    %mul3A_979 = vector.broadcast %mul3A_978 : f32 to vector<16xf32>
    %mul3A_980 = arith.mulf %mul3A_979, %add3A_960 : vector<16xf32>
    %mul3A_981 = arith.mulf %mul3A_980, %mul3A_977 : vector<16xf32>
    %mul3A_982 = arith.mulf %mul3A_981, %mul3A_977 : vector<16xf32>
    %sub3A_983 = arith.constant 1.500000e+00 : f32
    %sub3A_984 = vector.broadcast %sub3A_983 : f32 to vector<16xf32>
    %sub3A_985 = arith.subf %sub3A_984, %mul3A_982 : vector<16xf32>
    %mul3A_986 = arith.mulf %mul3A_977, %sub3A_985 : vector<16xf32>
    %mul3A_987 = arith.constant 5.000000e-01 : f32
    %mul3A_988 = vector.broadcast %mul3A_987 : f32 to vector<16xf32>
    %mul3A_989 = arith.mulf %mul3A_988, %add3A_960 : vector<16xf32>
    %mul3A_990 = arith.mulf %mul3A_989, %mul3A_986 : vector<16xf32>
    %mul3A_991 = arith.mulf %mul3A_990, %mul3A_986 : vector<16xf32>
    %sub3A_992 = arith.constant 1.500000e+00 : f32
    %sub3A_993 = vector.broadcast %sub3A_992 : f32 to vector<16xf32>
    %sub3A_994 = arith.subf %sub3A_993, %mul3A_991 : vector<16xf32>
    %mul3A_995 = arith.mulf %mul3A_986, %sub3A_994 : vector<16xf32>
    %gt3A_996 = arith.constant 0.000000e+00 : f32
    %gt3A_997 = vector.broadcast %gt3A_996 : f32 to vector<16xf32>
    %gt3A_998 = arith.cmpf ogt, %add3A_960, %gt3A_997 : vector<16xf32>
    %jit3A_999 = arith.constant 0.000000e+00 : f32
    %broadcast_in_dim3A_1000 = vector.broadcast %jit3A_999 : f32 to vector<16xf32>
    %select_n3A_1001 = arith.select %gt3A_998, %mul3A_995, %broadcast_in_dim3A_1000 : vector<16xi1>, vector<16xf32>
    %mul3A_1002 = arith.mulf %add3A_960, %select_n3A_1001 : vector<16xf32>
    %add3A_1003 = arith.constant 1.000000e-07 : f32
    %add3A_1004 = vector.broadcast %add3A_1003 : f32 to vector<16xf32>
    %add3A_1005 = arith.addf %mul3A_1002, %add3A_1004 : vector<16xf32>
    %div3A_1006 = arith.constant 1.000000e+00 : f32
    %div3A_1007 = vector.broadcast %div3A_1006 : f32 to vector<16xf32>
    %div3A_1008 = arith.divf %div3A_1007, %add3A_1005 : vector<16xf32>
    %broadcast_in_dim3A_1009 = arith.constant 0.000000e+00 : f32
    %broadcast_in_dim3A_1010 = vector.broadcast %broadcast_in_dim3A_1009 : f32 to vector<16xf32>
    %get3A_1011 = arith.constant 96 : index
    %get3A_1012 = tpu.vector_load %arg11[%get3A_1011] {strides = array<i32>} : memref<512xf32, #tpu.memory_space<vmem>>, vector<16xf32>,
    %add3A_1013 = arith.addf %broadcast_in_dim3A_1010, %get3A_1012 : vector<16xf32>
    %get3A_1014 = arith.constant 224 : index
    %get3A_1015 = tpu.vector_load %arg11[%get3A_1014] {strides = array<i32>} : memref<512xf32, #tpu.memory_space<vmem>>, vector<16xf32>,
    %add3A_1016 = arith.addf %add3A_1013, %get3A_1015 : vector<16xf32>
    %get3A_1017 = arith.constant 352 : index
    %get3A_1018 = tpu.vector_load %arg11[%get3A_1017] {strides = array<i32>} : memref<512xf32, #tpu.memory_space<vmem>>, vector<16xf32>,
    %add3A_1019 = arith.addf %add3A_1016, %get3A_1018 : vector<16xf32>
    %get3A_1020 = arith.constant 480 : index
    %get3A_1021 = tpu.vector_load %arg11[%get3A_1020] {strides = array<i32>} : memref<512xf32, #tpu.memory_space<vmem>>, vector<16xf32>,
    %add3A_1022 = arith.addf %add3A_1019, %get3A_1021 : vector<16xf32>
    %bitcast_convert_type3A_1023 = tpu.bitcast %add3A_1022 : vector<16xf32> -> vector<16xi32>
    %shift_right_arithmetic3A_1024 = arith.constant 1 : i32
    %shift_right_arithmetic3A_1025 = vector.broadcast %shift_right_arithmetic3A_1024 : i32 to vector<16xi32>
    %shift_right_arithmetic3A_1026 = arith.shrsi %bitcast_convert_type3A_1023, %shift_right_arithmetic3A_1025 : vector<16xi32>
    %sub3A_1027 = arith.constant 1597463007 : i32
    %sub3A_1028 = vector.broadcast %sub3A_1027 : i32 to vector<16xi32>
    %sub3A_1029 = arith.subi %sub3A_1028, %shift_right_arithmetic3A_1026 : vector<16xi32>
    %bitcast_convert_type3A_1030 = tpu.bitcast %sub3A_1029 : vector<16xi32> -> vector<16xf32>
    %mul3A_1031 = arith.constant 5.000000e-01 : f32
    %mul3A_1032 = vector.broadcast %mul3A_1031 : f32 to vector<16xf32>
    %mul3A_1033 = arith.mulf %mul3A_1032, %add3A_1022 : vector<16xf32>
    %mul3A_1034 = arith.mulf %mul3A_1033, %bitcast_convert_type3A_1030 : vector<16xf32>
    %mul3A_1035 = arith.mulf %mul3A_1034, %bitcast_convert_type3A_1030 : vector<16xf32>
    %sub3A_1036 = arith.constant 1.500000e+00 : f32
    %sub3A_1037 = vector.broadcast %sub3A_1036 : f32 to vector<16xf32>
    %sub3A_1038 = arith.subf %sub3A_1037, %mul3A_1035 : vector<16xf32>
    %mul3A_1039 = arith.mulf %bitcast_convert_type3A_1030, %sub3A_1038 : vector<16xf32>
    %mul3A_1040 = arith.constant 5.000000e-01 : f32
    %mul3A_1041 = vector.broadcast %mul3A_1040 : f32 to vector<16xf32>
    %mul3A_1042 = arith.mulf %mul3A_1041, %add3A_1022 : vector<16xf32>
    %mul3A_1043 = arith.mulf %mul3A_1042, %mul3A_1039 : vector<16xf32>
    %mul3A_1044 = arith.mulf %mul3A_1043, %mul3A_1039 : vector<16xf32>
    %sub3A_1045 = arith.constant 1.500000e+00 : f32
    %sub3A_1046 = vector.broadcast %sub3A_1045 : f32 to vector<16xf32>
    %sub3A_1047 = arith.subf %sub3A_1046, %mul3A_1044 : vector<16xf32>
    %mul3A_1048 = arith.mulf %mul3A_1039, %sub3A_1047 : vector<16xf32>
    %mul3A_1049 = arith.constant 5.000000e-01 : f32
    %mul3A_1050 = vector.broadcast %mul3A_1049 : f32 to vector<16xf32>
    %mul3A_1051 = arith.mulf %mul3A_1050, %add3A_1022 : vector<16xf32>
    %mul3A_1052 = arith.mulf %mul3A_1051, %mul3A_1048 : vector<16xf32>
    %mul3A_1053 = arith.mulf %mul3A_1052, %mul3A_1048 : vector<16xf32>
    %sub3A_1054 = arith.constant 1.500000e+00 : f32
    %sub3A_1055 = vector.broadcast %sub3A_1054 : f32 to vector<16xf32>
    %sub3A_1056 = arith.subf %sub3A_1055, %mul3A_1053 : vector<16xf32>
    %mul3A_1057 = arith.mulf %mul3A_1048, %sub3A_1056 : vector<16xf32>
    %gt3A_1058 = arith.constant 0.000000e+00 : f32
    %gt3A_1059 = vector.broadcast %gt3A_1058 : f32 to vector<16xf32>
    %gt3A_1060 = arith.cmpf ogt, %add3A_1022, %gt3A_1059 : vector<16xf32>
    %jit3A_1061 = arith.constant 0.000000e+00 : f32
    %broadcast_in_dim3A_1062 = vector.broadcast %jit3A_1061 : f32 to vector<16xf32>
    %select_n3A_1063 = arith.select %gt3A_1060, %mul3A_1057, %broadcast_in_dim3A_1062 : vector<16xi1>, vector<16xf32>
    %mul3A_1064 = arith.mulf %add3A_1022, %select_n3A_1063 : vector<16xf32>
    %add3A_1065 = arith.constant 1.000000e-07 : f32
    %add3A_1066 = vector.broadcast %add3A_1065 : f32 to vector<16xf32>
    %add3A_1067 = arith.addf %mul3A_1064, %add3A_1066 : vector<16xf32>
    %div3A_1068 = arith.constant 1.000000e+00 : f32
    %div3A_1069 = vector.broadcast %div3A_1068 : f32 to vector<16xf32>
    %div3A_1070 = arith.divf %div3A_1069, %add3A_1067 : vector<16xf32>
    %broadcast_in_dim3A_1071 = arith.constant 0.000000e+00 : f32
    %broadcast_in_dim3A_1072 = vector.broadcast %broadcast_in_dim3A_1071 : f32 to vector<16xf32>
    %get3A_1073 = arith.constant 112 : index
    %get3A_1074 = tpu.vector_load %arg11[%get3A_1073] {strides = array<i32>} : memref<512xf32, #tpu.memory_space<vmem>>, vector<16xf32>,
    %add3A_1075 = arith.addf %broadcast_in_dim3A_1072, %get3A_1074 : vector<16xf32>
    %get3A_1076 = arith.constant 240 : index
    %get3A_1077 = tpu.vector_load %arg11[%get3A_1076] {strides = array<i32>} : memref<512xf32, #tpu.memory_space<vmem>>, vector<16xf32>,
    %add3A_1078 = arith.addf %add3A_1075, %get3A_1077 : vector<16xf32>
    %get3A_1079 = arith.constant 368 : index
    %get3A_1080 = tpu.vector_load %arg11[%get3A_1079] {strides = array<i32>} : memref<512xf32, #tpu.memory_space<vmem>>, vector<16xf32>,
    %add3A_1081 = arith.addf %add3A_1078, %get3A_1080 : vector<16xf32>
    %get3A_1082 = arith.constant 496 : index
    %get3A_1083 = tpu.vector_load %arg11[%get3A_1082] {strides = array<i32>} : memref<512xf32, #tpu.memory_space<vmem>>, vector<16xf32>,
    %add3A_1084 = arith.addf %add3A_1081, %get3A_1083 : vector<16xf32>
    %bitcast_convert_type3A_1085 = tpu.bitcast %add3A_1084 : vector<16xf32> -> vector<16xi32>
    %shift_right_arithmetic3A_1086 = arith.constant 1 : i32
    %shift_right_arithmetic3A_1087 = vector.broadcast %shift_right_arithmetic3A_1086 : i32 to vector<16xi32>
    %shift_right_arithmetic3A_1088 = arith.shrsi %bitcast_convert_type3A_1085, %shift_right_arithmetic3A_1087 : vector<16xi32>
    %sub3A_1089 = arith.constant 1597463007 : i32
    %sub3A_1090 = vector.broadcast %sub3A_1089 : i32 to vector<16xi32>
    %sub3A_1091 = arith.subi %sub3A_1090, %shift_right_arithmetic3A_1088 : vector<16xi32>
    %bitcast_convert_type3A_1092 = tpu.bitcast %sub3A_1091 : vector<16xi32> -> vector<16xf32>
    %mul3A_1093 = arith.constant 5.000000e-01 : f32
    %mul3A_1094 = vector.broadcast %mul3A_1093 : f32 to vector<16xf32>
    %mul3A_1095 = arith.mulf %mul3A_1094, %add3A_1084 : vector<16xf32>
    %mul3A_1096 = arith.mulf %mul3A_1095, %bitcast_convert_type3A_1092 : vector<16xf32>
    %mul3A_1097 = arith.mulf %mul3A_1096, %bitcast_convert_type3A_1092 : vector<16xf32>
    %sub3A_1098 = arith.constant 1.500000e+00 : f32
    %sub3A_1099 = vector.broadcast %sub3A_1098 : f32 to vector<16xf32>
    %sub3A_1100 = arith.subf %sub3A_1099, %mul3A_1097 : vector<16xf32>
    %mul3A_1101 = arith.mulf %bitcast_convert_type3A_1092, %sub3A_1100 : vector<16xf32>
    %mul3A_1102 = arith.constant 5.000000e-01 : f32
    %mul3A_1103 = vector.broadcast %mul3A_1102 : f32 to vector<16xf32>
    %mul3A_1104 = arith.mulf %mul3A_1103, %add3A_1084 : vector<16xf32>
    %mul3A_1105 = arith.mulf %mul3A_1104, %mul3A_1101 : vector<16xf32>
    %mul3A_1106 = arith.mulf %mul3A_1105, %mul3A_1101 : vector<16xf32>
    %sub3A_1107 = arith.constant 1.500000e+00 : f32
    %sub3A_1108 = vector.broadcast %sub3A_1107 : f32 to vector<16xf32>
    %sub3A_1109 = arith.subf %sub3A_1108, %mul3A_1106 : vector<16xf32>
    %mul3A_1110 = arith.mulf %mul3A_1101, %sub3A_1109 : vector<16xf32>
    %mul3A_1111 = arith.constant 5.000000e-01 : f32
    %mul3A_1112 = vector.broadcast %mul3A_1111 : f32 to vector<16xf32>
    %mul3A_1113 = arith.mulf %mul3A_1112, %add3A_1084 : vector<16xf32>
    %mul3A_1114 = arith.mulf %mul3A_1113, %mul3A_1110 : vector<16xf32>
    %mul3A_1115 = arith.mulf %mul3A_1114, %mul3A_1110 : vector<16xf32>
    %sub3A_1116 = arith.constant 1.500000e+00 : f32
    %sub3A_1117 = vector.broadcast %sub3A_1116 : f32 to vector<16xf32>
    %sub3A_1118 = arith.subf %sub3A_1117, %mul3A_1115 : vector<16xf32>
    %mul3A_1119 = arith.mulf %mul3A_1110, %sub3A_1118 : vector<16xf32>
    %gt3A_1120 = arith.constant 0.000000e+00 : f32
    %gt3A_1121 = vector.broadcast %gt3A_1120 : f32 to vector<16xf32>
    %gt3A_1122 = arith.cmpf ogt, %add3A_1084, %gt3A_1121 : vector<16xf32>
    %jit3A_1123 = arith.constant 0.000000e+00 : f32
    %broadcast_in_dim3A_1124 = vector.broadcast %jit3A_1123 : f32 to vector<16xf32>
    %select_n3A_1125 = arith.select %gt3A_1122, %mul3A_1119, %broadcast_in_dim3A_1124 : vector<16xi1>, vector<16xf32>
    %mul3A_1126 = arith.mulf %add3A_1084, %select_n3A_1125 : vector<16xf32>
    %add3A_1127 = arith.constant 1.000000e-07 : f32
    %add3A_1128 = vector.broadcast %add3A_1127 : f32 to vector<16xf32>
    %add3A_1129 = arith.addf %mul3A_1126, %add3A_1128 : vector<16xf32>
    %div3A_1130 = arith.constant 1.000000e+00 : f32
    %div3A_1131 = vector.broadcast %div3A_1130 : f32 to vector<16xf32>
    %div3A_1132 = arith.divf %div3A_1131, %add3A_1129 : vector<16xf32>
    %scan3A_1133 = arith.constant 0 : i32
    %scan3A_1134 = arith.constant 0 : i32
    %scan3A_1135 = arith.constant 8 : i32
    %scan3A_1136 = arith.addi %scan3A_1134, %scan3A_1135 : i32
    %scan3A_1137 = arith.constant 2 : i32
    scf.for %scan3A_1198 = %scan3A_1134 to %scan3A_1136 step %scan3A_1137  : i32 {
      %add3A_1199 = arith.constant 0 : i32
      %add3A_1200 = arith.addi %add3A_1199, %scan3A_1198 : i32
      %mul3A_1201 = arith.constant 128 : i32
      %mul3A_1202 = arith.muli %add3A_1200, %mul3A_1201 : i32
      %add3A_1203 = arith.constant 0 : i32
      %add3A_1204 = arith.addi %mul3A_1202, %add3A_1203 : i32
      %get3A_1205 = arith.index_cast %add3A_1204 : i32 to index
      %get3A_1206 = tpu.vector_load %arg8[%get3A_1205] {strides = array<i32>} : memref<3072xf32, #tpu.memory_space<vmem>>, vector<16xf32>,
      %mul3A_1207 = arith.mulf %get3A_1206, %div3A_698 : vector<16xf32>
      %mul3A_1208 = arith.constant 128 : i32
      %mul3A_1209 = arith.muli %scan3A_1198, %mul3A_1208 : i32
      %add3A_1210 = arith.constant 0 : i32
      %add3A_1211 = arith.addi %add3A_1210, %mul3A_1209 : i32
      %add3A_1212 = arith.constant 0 : i32
      %add3A_1213 = arith.addi %add3A_1211, %add3A_1212 : i32
      %swap3A_1214 = arith.index_cast %add3A_1213 : i32 to index
      %swap3A_1215 = tpu.vector_load %arg9[%swap3A_1214] {strides = array<i32>} : memref<3072xf32, #tpu.memory_space<vmem>>, vector<16xf32>,
      tpu.vector_store %arg9[%swap3A_1214], %mul3A_1207 {strides = array<i32>} : memref<3072xf32, #tpu.memory_space<vmem>>, vector<16xf32>,
      %mul3A_1216 = arith.constant 128 : i32
      %mul3A_1217 = arith.muli %add3A_1200, %mul3A_1216 : i32
      %add3A_1218 = arith.constant 16 : i32
      %add3A_1219 = arith.addi %mul3A_1217, %add3A_1218 : i32
      %get3A_1220 = arith.index_cast %add3A_1219 : i32 to index
      %get3A_1221 = tpu.vector_load %arg8[%get3A_1220] {strides = array<i32>} : memref<3072xf32, #tpu.memory_space<vmem>>, vector<16xf32>,
      %mul3A_1222 = arith.mulf %get3A_1221, %div3A_760 : vector<16xf32>
      %mul3A_1223 = arith.constant 128 : i32
      %mul3A_1224 = arith.muli %scan3A_1198, %mul3A_1223 : i32
      %add3A_1225 = arith.constant 0 : i32
      %add3A_1226 = arith.addi %add3A_1225, %mul3A_1224 : i32
      %add3A_1227 = arith.constant 16 : i32
      %add3A_1228 = arith.addi %add3A_1226, %add3A_1227 : i32
      %swap3A_1229 = arith.index_cast %add3A_1228 : i32 to index
      %swap3A_1230 = tpu.vector_load %arg9[%swap3A_1229] {strides = array<i32>} : memref<3072xf32, #tpu.memory_space<vmem>>, vector<16xf32>,
      tpu.vector_store %arg9[%swap3A_1229], %mul3A_1222 {strides = array<i32>} : memref<3072xf32, #tpu.memory_space<vmem>>, vector<16xf32>,
      %mul3A_1231 = arith.constant 128 : i32
      %mul3A_1232 = arith.muli %add3A_1200, %mul3A_1231 : i32
      %add3A_1233 = arith.constant 32 : i32
      %add3A_1234 = arith.addi %mul3A_1232, %add3A_1233 : i32
      %get3A_1235 = arith.index_cast %add3A_1234 : i32 to index
      %get3A_1236 = tpu.vector_load %arg8[%get3A_1235] {strides = array<i32>} : memref<3072xf32, #tpu.memory_space<vmem>>, vector<16xf32>,
      %mul3A_1237 = arith.mulf %get3A_1236, %div3A_822 : vector<16xf32>
      %mul3A_1238 = arith.constant 128 : i32
      %mul3A_1239 = arith.muli %scan3A_1198, %mul3A_1238 : i32
      %add3A_1240 = arith.constant 0 : i32
      %add3A_1241 = arith.addi %add3A_1240, %mul3A_1239 : i32
      %add3A_1242 = arith.constant 32 : i32
      %add3A_1243 = arith.addi %add3A_1241, %add3A_1242 : i32
      %swap3A_1244 = arith.index_cast %add3A_1243 : i32 to index
      %swap3A_1245 = tpu.vector_load %arg9[%swap3A_1244] {strides = array<i32>} : memref<3072xf32, #tpu.memory_space<vmem>>, vector<16xf32>,
      tpu.vector_store %arg9[%swap3A_1244], %mul3A_1237 {strides = array<i32>} : memref<3072xf32, #tpu.memory_space<vmem>>, vector<16xf32>,
      %mul3A_1246 = arith.constant 128 : i32
      %mul3A_1247 = arith.muli %add3A_1200, %mul3A_1246 : i32
      %add3A_1248 = arith.constant 48 : i32
      %add3A_1249 = arith.addi %mul3A_1247, %add3A_1248 : i32
      %get3A_1250 = arith.index_cast %add3A_1249 : i32 to index
      %get3A_1251 = tpu.vector_load %arg8[%get3A_1250] {strides = array<i32>} : memref<3072xf32, #tpu.memory_space<vmem>>, vector<16xf32>,
      %mul3A_1252 = arith.mulf %get3A_1251, %div3A_884 : vector<16xf32>
      %mul3A_1253 = arith.constant 128 : i32
      %mul3A_1254 = arith.muli %scan3A_1198, %mul3A_1253 : i32
      %add3A_1255 = arith.constant 0 : i32
      %add3A_1256 = arith.addi %add3A_1255, %mul3A_1254 : i32
      %add3A_1257 = arith.constant 48 : i32
      %add3A_1258 = arith.addi %add3A_1256, %add3A_1257 : i32
      %swap3A_1259 = arith.index_cast %add3A_1258 : i32 to index
      %swap3A_1260 = tpu.vector_load %arg9[%swap3A_1259] {strides = array<i32>} : memref<3072xf32, #tpu.memory_space<vmem>>, vector<16xf32>,
      tpu.vector_store %arg9[%swap3A_1259], %mul3A_1252 {strides = array<i32>} : memref<3072xf32, #tpu.memory_space<vmem>>, vector<16xf32>,
      %mul3A_1261 = arith.constant 128 : i32
      %mul3A_1262 = arith.muli %add3A_1200, %mul3A_1261 : i32
      %add3A_1263 = arith.constant 64 : i32
      %add3A_1264 = arith.addi %mul3A_1262, %add3A_1263 : i32
      %get3A_1265 = arith.index_cast %add3A_1264 : i32 to index
      %get3A_1266 = tpu.vector_load %arg8[%get3A_1265] {strides = array<i32>} : memref<3072xf32, #tpu.memory_space<vmem>>, vector<16xf32>,
      %mul3A_1267 = arith.mulf %get3A_1266, %div3A_946 : vector<16xf32>
      %mul3A_1268 = arith.constant 128 : i32
      %mul3A_1269 = arith.muli %scan3A_1198, %mul3A_1268 : i32
      %add3A_1270 = arith.constant 0 : i32
      %add3A_1271 = arith.addi %add3A_1270, %mul3A_1269 : i32
      %add3A_1272 = arith.constant 64 : i32
      %add3A_1273 = arith.addi %add3A_1271, %add3A_1272 : i32
      %swap3A_1274 = arith.index_cast %add3A_1273 : i32 to index
      %swap3A_1275 = tpu.vector_load %arg9[%swap3A_1274] {strides = array<i32>} : memref<3072xf32, #tpu.memory_space<vmem>>, vector<16xf32>,
      tpu.vector_store %arg9[%swap3A_1274], %mul3A_1267 {strides = array<i32>} : memref<3072xf32, #tpu.memory_space<vmem>>, vector<16xf32>,
      %mul3A_1276 = arith.constant 128 : i32
      %mul3A_1277 = arith.muli %add3A_1200, %mul3A_1276 : i32
      %add3A_1278 = arith.constant 80 : i32
      %add3A_1279 = arith.addi %mul3A_1277, %add3A_1278 : i32
      %get3A_1280 = arith.index_cast %add3A_1279 : i32 to index
      %get3A_1281 = tpu.vector_load %arg8[%get3A_1280] {strides = array<i32>} : memref<3072xf32, #tpu.memory_space<vmem>>, vector<16xf32>,
      %mul3A_1282 = arith.mulf %get3A_1281, %div3A_1008 : vector<16xf32>
      %mul3A_1283 = arith.constant 128 : i32
      %mul3A_1284 = arith.muli %scan3A_1198, %mul3A_1283 : i32
      %add3A_1285 = arith.constant 0 : i32
      %add3A_1286 = arith.addi %add3A_1285, %mul3A_1284 : i32
      %add3A_1287 = arith.constant 80 : i32
      %add3A_1288 = arith.addi %add3A_1286, %add3A_1287 : i32
      %swap3A_1289 = arith.index_cast %add3A_1288 : i32 to index
      %swap3A_1290 = tpu.vector_load %arg9[%swap3A_1289] {strides = array<i32>} : memref<3072xf32, #tpu.memory_space<vmem>>, vector<16xf32>,
      tpu.vector_store %arg9[%swap3A_1289], %mul3A_1282 {strides = array<i32>} : memref<3072xf32, #tpu.memory_space<vmem>>, vector<16xf32>,
      %mul3A_1291 = arith.constant 128 : i32
      %mul3A_1292 = arith.muli %add3A_1200, %mul3A_1291 : i32
      %add3A_1293 = arith.constant 96 : i32
      %add3A_1294 = arith.addi %mul3A_1292, %add3A_1293 : i32
      %get3A_1295 = arith.index_cast %add3A_1294 : i32 to index
      %get3A_1296 = tpu.vector_load %arg8[%get3A_1295] {strides = array<i32>} : memref<3072xf32, #tpu.memory_space<vmem>>, vector<16xf32>,
      %mul3A_1297 = arith.mulf %get3A_1296, %div3A_1070 : vector<16xf32>
      %mul3A_1298 = arith.constant 128 : i32
      %mul3A_1299 = arith.muli %scan3A_1198, %mul3A_1298 : i32
      %add3A_1300 = arith.constant 0 : i32
      %add3A_1301 = arith.addi %add3A_1300, %mul3A_1299 : i32
      %add3A_1302 = arith.constant 96 : i32
      %add3A_1303 = arith.addi %add3A_1301, %add3A_1302 : i32
      %swap3A_1304 = arith.index_cast %add3A_1303 : i32 to index
      %swap3A_1305 = tpu.vector_load %arg9[%swap3A_1304] {strides = array<i32>} : memref<3072xf32, #tpu.memory_space<vmem>>, vector<16xf32>,
      tpu.vector_store %arg9[%swap3A_1304], %mul3A_1297 {strides = array<i32>} : memref<3072xf32, #tpu.memory_space<vmem>>, vector<16xf32>,
      %mul3A_1306 = arith.constant 128 : i32
      %mul3A_1307 = arith.muli %add3A_1200, %mul3A_1306 : i32
      %add3A_1308 = arith.constant 112 : i32
      %add3A_1309 = arith.addi %mul3A_1307, %add3A_1308 : i32
      %get3A_1310 = arith.index_cast %add3A_1309 : i32 to index
      %get3A_1311 = tpu.vector_load %arg8[%get3A_1310] {strides = array<i32>} : memref<3072xf32, #tpu.memory_space<vmem>>, vector<16xf32>,
      %mul3A_1312 = arith.mulf %get3A_1311, %div3A_1132 : vector<16xf32>
      %mul3A_1313 = arith.constant 128 : i32
      %mul3A_1314 = arith.muli %scan3A_1198, %mul3A_1313 : i32
      %add3A_1315 = arith.constant 0 : i32
      %add3A_1316 = arith.addi %add3A_1315, %mul3A_1314 : i32
      %add3A_1317 = arith.constant 112 : i32
      %add3A_1318 = arith.addi %add3A_1316, %add3A_1317 : i32
      %swap3A_1319 = arith.index_cast %add3A_1318 : i32 to index
      %swap3A_1320 = tpu.vector_load %arg9[%swap3A_1319] {strides = array<i32>} : memref<3072xf32, #tpu.memory_space<vmem>>, vector<16xf32>,
      tpu.vector_store %arg9[%swap3A_1319], %mul3A_1312 {strides = array<i32>} : memref<3072xf32, #tpu.memory_space<vmem>>, vector<16xf32>,
      %scan3A_1321 = arith.constant 1 : i32
      %scan3A_1322 = arith.addi %scan3A_1198, %scan3A_1321 : i32
      %add3A_1323 = arith.constant 0 : i32
      %add3A_1324 = arith.addi %add3A_1323, %scan3A_1322 : i32
      %mul3A_1325 = arith.constant 128 : i32
      %mul3A_1326 = arith.muli %add3A_1324, %mul3A_1325 : i32
      %add3A_1327 = arith.constant 0 : i32
      %add3A_1328 = arith.addi %mul3A_1326, %add3A_1327 : i32
      %get3A_1329 = arith.index_cast %add3A_1328 : i32 to index
      %get3A_1330 = tpu.vector_load %arg8[%get3A_1329] {strides = array<i32>} : memref<3072xf32, #tpu.memory_space<vmem>>, vector<16xf32>,
      %mul3A_1331 = arith.mulf %get3A_1330, %div3A_698 : vector<16xf32>
      %mul3A_1332 = arith.constant 128 : i32
      %mul3A_1333 = arith.muli %scan3A_1322, %mul3A_1332 : i32
      %add3A_1334 = arith.constant 0 : i32
      %add3A_1335 = arith.addi %add3A_1334, %mul3A_1333 : i32
      %add3A_1336 = arith.constant 0 : i32
      %add3A_1337 = arith.addi %add3A_1335, %add3A_1336 : i32
      %swap3A_1338 = arith.index_cast %add3A_1337 : i32 to index
      %swap3A_1339 = tpu.vector_load %arg9[%swap3A_1338] {strides = array<i32>} : memref<3072xf32, #tpu.memory_space<vmem>>, vector<16xf32>,
      tpu.vector_store %arg9[%swap3A_1338], %mul3A_1331 {strides = array<i32>} : memref<3072xf32, #tpu.memory_space<vmem>>, vector<16xf32>,
      %mul3A_1340 = arith.constant 128 : i32
      %mul3A_1341 = arith.muli %add3A_1324, %mul3A_1340 : i32
      %add3A_1342 = arith.constant 16 : i32
      %add3A_1343 = arith.addi %mul3A_1341, %add3A_1342 : i32
      %get3A_1344 = arith.index_cast %add3A_1343 : i32 to index
      %get3A_1345 = tpu.vector_load %arg8[%get3A_1344] {strides = array<i32>} : memref<3072xf32, #tpu.memory_space<vmem>>, vector<16xf32>,
      %mul3A_1346 = arith.mulf %get3A_1345, %div3A_760 : vector<16xf32>
      %mul3A_1347 = arith.constant 128 : i32
      %mul3A_1348 = arith.muli %scan3A_1322, %mul3A_1347 : i32
      %add3A_1349 = arith.constant 0 : i32
      %add3A_1350 = arith.addi %add3A_1349, %mul3A_1348 : i32
      %add3A_1351 = arith.constant 16 : i32
      %add3A_1352 = arith.addi %add3A_1350, %add3A_1351 : i32
      %swap3A_1353 = arith.index_cast %add3A_1352 : i32 to index
      %swap3A_1354 = tpu.vector_load %arg9[%swap3A_1353] {strides = array<i32>} : memref<3072xf32, #tpu.memory_space<vmem>>, vector<16xf32>,
      tpu.vector_store %arg9[%swap3A_1353], %mul3A_1346 {strides = array<i32>} : memref<3072xf32, #tpu.memory_space<vmem>>, vector<16xf32>,
      %mul3A_1355 = arith.constant 128 : i32
      %mul3A_1356 = arith.muli %add3A_1324, %mul3A_1355 : i32
      %add3A_1357 = arith.constant 32 : i32
      %add3A_1358 = arith.addi %mul3A_1356, %add3A_1357 : i32
      %get3A_1359 = arith.index_cast %add3A_1358 : i32 to index
      %get3A_1360 = tpu.vector_load %arg8[%get3A_1359] {strides = array<i32>} : memref<3072xf32, #tpu.memory_space<vmem>>, vector<16xf32>,
      %mul3A_1361 = arith.mulf %get3A_1360, %div3A_822 : vector<16xf32>
      %mul3A_1362 = arith.constant 128 : i32
      %mul3A_1363 = arith.muli %scan3A_1322, %mul3A_1362 : i32
      %add3A_1364 = arith.constant 0 : i32
      %add3A_1365 = arith.addi %add3A_1364, %mul3A_1363 : i32
      %add3A_1366 = arith.constant 32 : i32
      %add3A_1367 = arith.addi %add3A_1365, %add3A_1366 : i32
      %swap3A_1368 = arith.index_cast %add3A_1367 : i32 to index
      %swap3A_1369 = tpu.vector_load %arg9[%swap3A_1368] {strides = array<i32>} : memref<3072xf32, #tpu.memory_space<vmem>>, vector<16xf32>,
      tpu.vector_store %arg9[%swap3A_1368], %mul3A_1361 {strides = array<i32>} : memref<3072xf32, #tpu.memory_space<vmem>>, vector<16xf32>,
      %mul3A_1370 = arith.constant 128 : i32
      %mul3A_1371 = arith.muli %add3A_1324, %mul3A_1370 : i32
      %add3A_1372 = arith.constant 48 : i32
      %add3A_1373 = arith.addi %mul3A_1371, %add3A_1372 : i32
      %get3A_1374 = arith.index_cast %add3A_1373 : i32 to index
      %get3A_1375 = tpu.vector_load %arg8[%get3A_1374] {strides = array<i32>} : memref<3072xf32, #tpu.memory_space<vmem>>, vector<16xf32>,
      %mul3A_1376 = arith.mulf %get3A_1375, %div3A_884 : vector<16xf32>
      %mul3A_1377 = arith.constant 128 : i32
      %mul3A_1378 = arith.muli %scan3A_1322, %mul3A_1377 : i32
      %add3A_1379 = arith.constant 0 : i32
      %add3A_1380 = arith.addi %add3A_1379, %mul3A_1378 : i32
      %add3A_1381 = arith.constant 48 : i32
      %add3A_1382 = arith.addi %add3A_1380, %add3A_1381 : i32
      %swap3A_1383 = arith.index_cast %add3A_1382 : i32 to index
      %swap3A_1384 = tpu.vector_load %arg9[%swap3A_1383] {strides = array<i32>} : memref<3072xf32, #tpu.memory_space<vmem>>, vector<16xf32>,
      tpu.vector_store %arg9[%swap3A_1383], %mul3A_1376 {strides = array<i32>} : memref<3072xf32, #tpu.memory_space<vmem>>, vector<16xf32>,
      %mul3A_1385 = arith.constant 128 : i32
      %mul3A_1386 = arith.muli %add3A_1324, %mul3A_1385 : i32
      %add3A_1387 = arith.constant 64 : i32
      %add3A_1388 = arith.addi %mul3A_1386, %add3A_1387 : i32
      %get3A_1389 = arith.index_cast %add3A_1388 : i32 to index
      %get3A_1390 = tpu.vector_load %arg8[%get3A_1389] {strides = array<i32>} : memref<3072xf32, #tpu.memory_space<vmem>>, vector<16xf32>,
      %mul3A_1391 = arith.mulf %get3A_1390, %div3A_946 : vector<16xf32>
      %mul3A_1392 = arith.constant 128 : i32
      %mul3A_1393 = arith.muli %scan3A_1322, %mul3A_1392 : i32
      %add3A_1394 = arith.constant 0 : i32
      %add3A_1395 = arith.addi %add3A_1394, %mul3A_1393 : i32
      %add3A_1396 = arith.constant 64 : i32
      %add3A_1397 = arith.addi %add3A_1395, %add3A_1396 : i32
      %swap3A_1398 = arith.index_cast %add3A_1397 : i32 to index
      %swap3A_1399 = tpu.vector_load %arg9[%swap3A_1398] {strides = array<i32>} : memref<3072xf32, #tpu.memory_space<vmem>>, vector<16xf32>,
      tpu.vector_store %arg9[%swap3A_1398], %mul3A_1391 {strides = array<i32>} : memref<3072xf32, #tpu.memory_space<vmem>>, vector<16xf32>,
      %mul3A_1400 = arith.constant 128 : i32
      %mul3A_1401 = arith.muli %add3A_1324, %mul3A_1400 : i32
      %add3A_1402 = arith.constant 80 : i32
      %add3A_1403 = arith.addi %mul3A_1401, %add3A_1402 : i32
      %get3A_1404 = arith.index_cast %add3A_1403 : i32 to index
      %get3A_1405 = tpu.vector_load %arg8[%get3A_1404] {strides = array<i32>} : memref<3072xf32, #tpu.memory_space<vmem>>, vector<16xf32>,
      %mul3A_1406 = arith.mulf %get3A_1405, %div3A_1008 : vector<16xf32>
      %mul3A_1407 = arith.constant 128 : i32
      %mul3A_1408 = arith.muli %scan3A_1322, %mul3A_1407 : i32
      %add3A_1409 = arith.constant 0 : i32
      %add3A_1410 = arith.addi %add3A_1409, %mul3A_1408 : i32
      %add3A_1411 = arith.constant 80 : i32
      %add3A_1412 = arith.addi %add3A_1410, %add3A_1411 : i32
      %swap3A_1413 = arith.index_cast %add3A_1412 : i32 to index
      %swap3A_1414 = tpu.vector_load %arg9[%swap3A_1413] {strides = array<i32>} : memref<3072xf32, #tpu.memory_space<vmem>>, vector<16xf32>,
      tpu.vector_store %arg9[%swap3A_1413], %mul3A_1406 {strides = array<i32>} : memref<3072xf32, #tpu.memory_space<vmem>>, vector<16xf32>,
      %mul3A_1415 = arith.constant 128 : i32
      %mul3A_1416 = arith.muli %add3A_1324, %mul3A_1415 : i32
      %add3A_1417 = arith.constant 96 : i32
      %add3A_1418 = arith.addi %mul3A_1416, %add3A_1417 : i32
      %get3A_1419 = arith.index_cast %add3A_1418 : i32 to index
      %get3A_1420 = tpu.vector_load %arg8[%get3A_1419] {strides = array<i32>} : memref<3072xf32, #tpu.memory_space<vmem>>, vector<16xf32>,
      %mul3A_1421 = arith.mulf %get3A_1420, %div3A_1070 : vector<16xf32>
      %mul3A_1422 = arith.constant 128 : i32
      %mul3A_1423 = arith.muli %scan3A_1322, %mul3A_1422 : i32
      %add3A_1424 = arith.constant 0 : i32
      %add3A_1425 = arith.addi %add3A_1424, %mul3A_1423 : i32
      %add3A_1426 = arith.constant 96 : i32
      %add3A_1427 = arith.addi %add3A_1425, %add3A_1426 : i32
      %swap3A_1428 = arith.index_cast %add3A_1427 : i32 to index
      %swap3A_1429 = tpu.vector_load %arg9[%swap3A_1428] {strides = array<i32>} : memref<3072xf32, #tpu.memory_space<vmem>>, vector<16xf32>,
      tpu.vector_store %arg9[%swap3A_1428], %mul3A_1421 {strides = array<i32>} : memref<3072xf32, #tpu.memory_space<vmem>>, vector<16xf32>,
      %mul3A_1430 = arith.constant 128 : i32
      %mul3A_1431 = arith.muli %add3A_1324, %mul3A_1430 : i32
      %add3A_1432 = arith.constant 112 : i32
      %add3A_1433 = arith.addi %mul3A_1431, %add3A_1432 : i32
      %get3A_1434 = arith.index_cast %add3A_1433 : i32 to index
      %get3A_1435 = tpu.vector_load %arg8[%get3A_1434] {strides = array<i32>} : memref<3072xf32, #tpu.memory_space<vmem>>, vector<16xf32>,
      %mul3A_1436 = arith.mulf %get3A_1435, %div3A_1132 : vector<16xf32>
      %mul3A_1437 = arith.constant 128 : i32
      %mul3A_1438 = arith.muli %scan3A_1322, %mul3A_1437 : i32
      %add3A_1439 = arith.constant 0 : i32
      %add3A_1440 = arith.addi %add3A_1439, %mul3A_1438 : i32
      %add3A_1441 = arith.constant 112 : i32
      %add3A_1442 = arith.addi %add3A_1440, %add3A_1441 : i32
      %swap3A_1443 = arith.index_cast %add3A_1442 : i32 to index
      %swap3A_1444 = tpu.vector_load %arg9[%swap3A_1443] {strides = array<i32>} : memref<3072xf32, #tpu.memory_space<vmem>>, vector<16xf32>,
      tpu.vector_store %arg9[%swap3A_1443], %mul3A_1436 {strides = array<i32>} : memref<3072xf32, #tpu.memory_space<vmem>>, vector<16xf32>,
    }
    %scan3A_1138 = arith.constant 8 : i32
    %mul3A_1139 = arith.constant 3 : i32
    %mul3A_1140 = arith.muli %select_n3A_30, %mul3A_1139 : i32
    %add3A_1141 = arith.constant 0 : i32
    %add3A_1142 = arith.addi %mul3A_1140, %add3A_1141 : i32
    %mul3A_1143 = arith.constant 8 : i32
    %mul3A_1144 = arith.muli %add3A_1142, %mul3A_1143 : i32
    %add3A_1145 = arith.addi %mul3A_1144, %add3A_9 : i32
    %mul3A_1146 = arith.constant 1024 : i32
    %mul3A_1147 = arith.muli %add3A_1145, %mul3A_1146 : i32
    %dma_start3A = arith.constant 0 : i32
    %dma_start3A_1148 = tpu.memref_slice %arg9[%dma_start3A] : memref<3072xf32, #tpu.memory_space<vmem>> -> memref<1024xf32, #tpu.memory_space<vmem>>
    %dma_start3A_1149 = tpu.memref_slice %arg4[%mul3A_1147] : memref<98304xf32, #tpu.memory_space<hbm>> -> memref<1024xf32, #tpu.memory_space<hbm>>
    %dma_start3A_1150 = tpu.memref_slice %arg4[%mul3A_1147] : memref<98304xf32, #tpu.memory_space<hbm>> -> memref<1024xf32, #tpu.memory_space<hbm>>
    %dma_start3A_1151 = arith.constant 0 : i32
    %dma_start3A_1152 = tpu.memref_slice %arg9[%dma_start3A_1151] : memref<3072xf32, #tpu.memory_space<vmem>> -> memref<1024xf32, #tpu.memory_space<vmem>>
    tpu.enqueue_dma source(%dma_start3A_1152 : memref<1024xf32, #tpu.memory_space<vmem>>) target(%dma_start3A_1150 : memref<1024xf32, #tpu.memory_space<hbm>>) target_semaphore(%arg14 : memref<!tpu.dma_semaphore, #tpu.memory_space<semaphore_mem>>)
    %scan3A_1153 = arith.constant 0 : i32
    %scan3A_1154 = arith.constant 0 : i32
    %scan3A_1155 = arith.constant 8 : i32
    %scan3A_1156 = arith.addi %scan3A_1154, %scan3A_1155 : i32
    %scan3A_1157 = arith.constant 2 : i32
    scf.for %scan3A_1198 = %scan3A_1154 to %scan3A_1156 step %scan3A_1157  : i32 {
      %add3A_1199 = arith.constant 8 : i32
      %add3A_1200 = arith.addi %add3A_1199, %scan3A_1198 : i32
      %mul3A_1201 = arith.constant 128 : i32
      %mul3A_1202 = arith.muli %add3A_1200, %mul3A_1201 : i32
      %add3A_1203 = arith.constant 0 : i32
      %add3A_1204 = arith.addi %mul3A_1202, %add3A_1203 : i32
      %get3A_1205 = arith.index_cast %add3A_1204 : i32 to index
      %get3A_1206 = tpu.vector_load %arg8[%get3A_1205] {strides = array<i32>} : memref<3072xf32, #tpu.memory_space<vmem>>, vector<16xf32>,
      %mul3A_1207 = arith.mulf %get3A_1206, %div3A_698 : vector<16xf32>
      %mul3A_1208 = arith.constant 128 : i32
      %mul3A_1209 = arith.muli %scan3A_1198, %mul3A_1208 : i32
      %add3A_1210 = arith.constant 1024 : i32
      %add3A_1211 = arith.addi %add3A_1210, %mul3A_1209 : i32
      %add3A_1212 = arith.constant 0 : i32
      %add3A_1213 = arith.addi %add3A_1211, %add3A_1212 : i32
      %swap3A_1214 = arith.index_cast %add3A_1213 : i32 to index
      %swap3A_1215 = tpu.vector_load %arg9[%swap3A_1214] {strides = array<i32>} : memref<3072xf32, #tpu.memory_space<vmem>>, vector<16xf32>,
      tpu.vector_store %arg9[%swap3A_1214], %mul3A_1207 {strides = array<i32>} : memref<3072xf32, #tpu.memory_space<vmem>>, vector<16xf32>,
      %mul3A_1216 = arith.constant 128 : i32
      %mul3A_1217 = arith.muli %add3A_1200, %mul3A_1216 : i32
      %add3A_1218 = arith.constant 16 : i32
      %add3A_1219 = arith.addi %mul3A_1217, %add3A_1218 : i32
      %get3A_1220 = arith.index_cast %add3A_1219 : i32 to index
      %get3A_1221 = tpu.vector_load %arg8[%get3A_1220] {strides = array<i32>} : memref<3072xf32, #tpu.memory_space<vmem>>, vector<16xf32>,
      %mul3A_1222 = arith.mulf %get3A_1221, %div3A_760 : vector<16xf32>
      %mul3A_1223 = arith.constant 128 : i32
      %mul3A_1224 = arith.muli %scan3A_1198, %mul3A_1223 : i32
      %add3A_1225 = arith.constant 1024 : i32
      %add3A_1226 = arith.addi %add3A_1225, %mul3A_1224 : i32
      %add3A_1227 = arith.constant 16 : i32
      %add3A_1228 = arith.addi %add3A_1226, %add3A_1227 : i32
      %swap3A_1229 = arith.index_cast %add3A_1228 : i32 to index
      %swap3A_1230 = tpu.vector_load %arg9[%swap3A_1229] {strides = array<i32>} : memref<3072xf32, #tpu.memory_space<vmem>>, vector<16xf32>,
      tpu.vector_store %arg9[%swap3A_1229], %mul3A_1222 {strides = array<i32>} : memref<3072xf32, #tpu.memory_space<vmem>>, vector<16xf32>,
      %mul3A_1231 = arith.constant 128 : i32
      %mul3A_1232 = arith.muli %add3A_1200, %mul3A_1231 : i32
      %add3A_1233 = arith.constant 32 : i32
      %add3A_1234 = arith.addi %mul3A_1232, %add3A_1233 : i32
      %get3A_1235 = arith.index_cast %add3A_1234 : i32 to index
      %get3A_1236 = tpu.vector_load %arg8[%get3A_1235] {strides = array<i32>} : memref<3072xf32, #tpu.memory_space<vmem>>, vector<16xf32>,
      %mul3A_1237 = arith.mulf %get3A_1236, %div3A_822 : vector<16xf32>
      %mul3A_1238 = arith.constant 128 : i32
      %mul3A_1239 = arith.muli %scan3A_1198, %mul3A_1238 : i32
      %add3A_1240 = arith.constant 1024 : i32
      %add3A_1241 = arith.addi %add3A_1240, %mul3A_1239 : i32
      %add3A_1242 = arith.constant 32 : i32
      %add3A_1243 = arith.addi %add3A_1241, %add3A_1242 : i32
      %swap3A_1244 = arith.index_cast %add3A_1243 : i32 to index
      %swap3A_1245 = tpu.vector_load %arg9[%swap3A_1244] {strides = array<i32>} : memref<3072xf32, #tpu.memory_space<vmem>>, vector<16xf32>,
      tpu.vector_store %arg9[%swap3A_1244], %mul3A_1237 {strides = array<i32>} : memref<3072xf32, #tpu.memory_space<vmem>>, vector<16xf32>,
      %mul3A_1246 = arith.constant 128 : i32
      %mul3A_1247 = arith.muli %add3A_1200, %mul3A_1246 : i32
      %add3A_1248 = arith.constant 48 : i32
      %add3A_1249 = arith.addi %mul3A_1247, %add3A_1248 : i32
      %get3A_1250 = arith.index_cast %add3A_1249 : i32 to index
      %get3A_1251 = tpu.vector_load %arg8[%get3A_1250] {strides = array<i32>} : memref<3072xf32, #tpu.memory_space<vmem>>, vector<16xf32>,
      %mul3A_1252 = arith.mulf %get3A_1251, %div3A_884 : vector<16xf32>
      %mul3A_1253 = arith.constant 128 : i32
      %mul3A_1254 = arith.muli %scan3A_1198, %mul3A_1253 : i32
      %add3A_1255 = arith.constant 1024 : i32
      %add3A_1256 = arith.addi %add3A_1255, %mul3A_1254 : i32
      %add3A_1257 = arith.constant 48 : i32
      %add3A_1258 = arith.addi %add3A_1256, %add3A_1257 : i32
      %swap3A_1259 = arith.index_cast %add3A_1258 : i32 to index
      %swap3A_1260 = tpu.vector_load %arg9[%swap3A_1259] {strides = array<i32>} : memref<3072xf32, #tpu.memory_space<vmem>>, vector<16xf32>,
      tpu.vector_store %arg9[%swap3A_1259], %mul3A_1252 {strides = array<i32>} : memref<3072xf32, #tpu.memory_space<vmem>>, vector<16xf32>,
      %mul3A_1261 = arith.constant 128 : i32
      %mul3A_1262 = arith.muli %add3A_1200, %mul3A_1261 : i32
      %add3A_1263 = arith.constant 64 : i32
      %add3A_1264 = arith.addi %mul3A_1262, %add3A_1263 : i32
      %get3A_1265 = arith.index_cast %add3A_1264 : i32 to index
      %get3A_1266 = tpu.vector_load %arg8[%get3A_1265] {strides = array<i32>} : memref<3072xf32, #tpu.memory_space<vmem>>, vector<16xf32>,
      %mul3A_1267 = arith.mulf %get3A_1266, %div3A_946 : vector<16xf32>
      %mul3A_1268 = arith.constant 128 : i32
      %mul3A_1269 = arith.muli %scan3A_1198, %mul3A_1268 : i32
      %add3A_1270 = arith.constant 1024 : i32
      %add3A_1271 = arith.addi %add3A_1270, %mul3A_1269 : i32
      %add3A_1272 = arith.constant 64 : i32
      %add3A_1273 = arith.addi %add3A_1271, %add3A_1272 : i32
      %swap3A_1274 = arith.index_cast %add3A_1273 : i32 to index
      %swap3A_1275 = tpu.vector_load %arg9[%swap3A_1274] {strides = array<i32>} : memref<3072xf32, #tpu.memory_space<vmem>>, vector<16xf32>,
      tpu.vector_store %arg9[%swap3A_1274], %mul3A_1267 {strides = array<i32>} : memref<3072xf32, #tpu.memory_space<vmem>>, vector<16xf32>,
      %mul3A_1276 = arith.constant 128 : i32
      %mul3A_1277 = arith.muli %add3A_1200, %mul3A_1276 : i32
      %add3A_1278 = arith.constant 80 : i32
      %add3A_1279 = arith.addi %mul3A_1277, %add3A_1278 : i32
      %get3A_1280 = arith.index_cast %add3A_1279 : i32 to index
      %get3A_1281 = tpu.vector_load %arg8[%get3A_1280] {strides = array<i32>} : memref<3072xf32, #tpu.memory_space<vmem>>, vector<16xf32>,
      %mul3A_1282 = arith.mulf %get3A_1281, %div3A_1008 : vector<16xf32>
      %mul3A_1283 = arith.constant 128 : i32
      %mul3A_1284 = arith.muli %scan3A_1198, %mul3A_1283 : i32
      %add3A_1285 = arith.constant 1024 : i32
      %add3A_1286 = arith.addi %add3A_1285, %mul3A_1284 : i32
      %add3A_1287 = arith.constant 80 : i32
      %add3A_1288 = arith.addi %add3A_1286, %add3A_1287 : i32
      %swap3A_1289 = arith.index_cast %add3A_1288 : i32 to index
      %swap3A_1290 = tpu.vector_load %arg9[%swap3A_1289] {strides = array<i32>} : memref<3072xf32, #tpu.memory_space<vmem>>, vector<16xf32>,
      tpu.vector_store %arg9[%swap3A_1289], %mul3A_1282 {strides = array<i32>} : memref<3072xf32, #tpu.memory_space<vmem>>, vector<16xf32>,
      %mul3A_1291 = arith.constant 128 : i32
      %mul3A_1292 = arith.muli %add3A_1200, %mul3A_1291 : i32
      %add3A_1293 = arith.constant 96 : i32
      %add3A_1294 = arith.addi %mul3A_1292, %add3A_1293 : i32
      %get3A_1295 = arith.index_cast %add3A_1294 : i32 to index
      %get3A_1296 = tpu.vector_load %arg8[%get3A_1295] {strides = array<i32>} : memref<3072xf32, #tpu.memory_space<vmem>>, vector<16xf32>,
      %mul3A_1297 = arith.mulf %get3A_1296, %div3A_1070 : vector<16xf32>
      %mul3A_1298 = arith.constant 128 : i32
      %mul3A_1299 = arith.muli %scan3A_1198, %mul3A_1298 : i32
      %add3A_1300 = arith.constant 1024 : i32
      %add3A_1301 = arith.addi %add3A_1300, %mul3A_1299 : i32
      %add3A_1302 = arith.constant 96 : i32
      %add3A_1303 = arith.addi %add3A_1301, %add3A_1302 : i32
      %swap3A_1304 = arith.index_cast %add3A_1303 : i32 to index
      %swap3A_1305 = tpu.vector_load %arg9[%swap3A_1304] {strides = array<i32>} : memref<3072xf32, #tpu.memory_space<vmem>>, vector<16xf32>,
      tpu.vector_store %arg9[%swap3A_1304], %mul3A_1297 {strides = array<i32>} : memref<3072xf32, #tpu.memory_space<vmem>>, vector<16xf32>,
      %mul3A_1306 = arith.constant 128 : i32
      %mul3A_1307 = arith.muli %add3A_1200, %mul3A_1306 : i32
      %add3A_1308 = arith.constant 112 : i32
      %add3A_1309 = arith.addi %mul3A_1307, %add3A_1308 : i32
      %get3A_1310 = arith.index_cast %add3A_1309 : i32 to index
      %get3A_1311 = tpu.vector_load %arg8[%get3A_1310] {strides = array<i32>} : memref<3072xf32, #tpu.memory_space<vmem>>, vector<16xf32>,
      %mul3A_1312 = arith.mulf %get3A_1311, %div3A_1132 : vector<16xf32>
      %mul3A_1313 = arith.constant 128 : i32
      %mul3A_1314 = arith.muli %scan3A_1198, %mul3A_1313 : i32
      %add3A_1315 = arith.constant 1024 : i32
      %add3A_1316 = arith.addi %add3A_1315, %mul3A_1314 : i32
      %add3A_1317 = arith.constant 112 : i32
      %add3A_1318 = arith.addi %add3A_1316, %add3A_1317 : i32
      %swap3A_1319 = arith.index_cast %add3A_1318 : i32 to index
      %swap3A_1320 = tpu.vector_load %arg9[%swap3A_1319] {strides = array<i32>} : memref<3072xf32, #tpu.memory_space<vmem>>, vector<16xf32>,
      tpu.vector_store %arg9[%swap3A_1319], %mul3A_1312 {strides = array<i32>} : memref<3072xf32, #tpu.memory_space<vmem>>, vector<16xf32>,
      %scan3A_1321 = arith.constant 1 : i32
      %scan3A_1322 = arith.addi %scan3A_1198, %scan3A_1321 : i32
      %add3A_1323 = arith.constant 8 : i32
      %add3A_1324 = arith.addi %add3A_1323, %scan3A_1322 : i32
      %mul3A_1325 = arith.constant 128 : i32
      %mul3A_1326 = arith.muli %add3A_1324, %mul3A_1325 : i32
      %add3A_1327 = arith.constant 0 : i32
      %add3A_1328 = arith.addi %mul3A_1326, %add3A_1327 : i32
      %get3A_1329 = arith.index_cast %add3A_1328 : i32 to index
      %get3A_1330 = tpu.vector_load %arg8[%get3A_1329] {strides = array<i32>} : memref<3072xf32, #tpu.memory_space<vmem>>, vector<16xf32>,
      %mul3A_1331 = arith.mulf %get3A_1330, %div3A_698 : vector<16xf32>
      %mul3A_1332 = arith.constant 128 : i32
      %mul3A_1333 = arith.muli %scan3A_1322, %mul3A_1332 : i32
      %add3A_1334 = arith.constant 1024 : i32
      %add3A_1335 = arith.addi %add3A_1334, %mul3A_1333 : i32
      %add3A_1336 = arith.constant 0 : i32
      %add3A_1337 = arith.addi %add3A_1335, %add3A_1336 : i32
      %swap3A_1338 = arith.index_cast %add3A_1337 : i32 to index
      %swap3A_1339 = tpu.vector_load %arg9[%swap3A_1338] {strides = array<i32>} : memref<3072xf32, #tpu.memory_space<vmem>>, vector<16xf32>,
      tpu.vector_store %arg9[%swap3A_1338], %mul3A_1331 {strides = array<i32>} : memref<3072xf32, #tpu.memory_space<vmem>>, vector<16xf32>,
      %mul3A_1340 = arith.constant 128 : i32
      %mul3A_1341 = arith.muli %add3A_1324, %mul3A_1340 : i32
      %add3A_1342 = arith.constant 16 : i32
      %add3A_1343 = arith.addi %mul3A_1341, %add3A_1342 : i32
      %get3A_1344 = arith.index_cast %add3A_1343 : i32 to index
      %get3A_1345 = tpu.vector_load %arg8[%get3A_1344] {strides = array<i32>} : memref<3072xf32, #tpu.memory_space<vmem>>, vector<16xf32>,
      %mul3A_1346 = arith.mulf %get3A_1345, %div3A_760 : vector<16xf32>
      %mul3A_1347 = arith.constant 128 : i32
      %mul3A_1348 = arith.muli %scan3A_1322, %mul3A_1347 : i32
      %add3A_1349 = arith.constant 1024 : i32
      %add3A_1350 = arith.addi %add3A_1349, %mul3A_1348 : i32
      %add3A_1351 = arith.constant 16 : i32
      %add3A_1352 = arith.addi %add3A_1350, %add3A_1351 : i32
      %swap3A_1353 = arith.index_cast %add3A_1352 : i32 to index
      %swap3A_1354 = tpu.vector_load %arg9[%swap3A_1353] {strides = array<i32>} : memref<3072xf32, #tpu.memory_space<vmem>>, vector<16xf32>,
      tpu.vector_store %arg9[%swap3A_1353], %mul3A_1346 {strides = array<i32>} : memref<3072xf32, #tpu.memory_space<vmem>>, vector<16xf32>,
      %mul3A_1355 = arith.constant 128 : i32
      %mul3A_1356 = arith.muli %add3A_1324, %mul3A_1355 : i32
      %add3A_1357 = arith.constant 32 : i32
      %add3A_1358 = arith.addi %mul3A_1356, %add3A_1357 : i32
      %get3A_1359 = arith.index_cast %add3A_1358 : i32 to index
      %get3A_1360 = tpu.vector_load %arg8[%get3A_1359] {strides = array<i32>} : memref<3072xf32, #tpu.memory_space<vmem>>, vector<16xf32>,
      %mul3A_1361 = arith.mulf %get3A_1360, %div3A_822 : vector<16xf32>
      %mul3A_1362 = arith.constant 128 : i32
      %mul3A_1363 = arith.muli %scan3A_1322, %mul3A_1362 : i32
      %add3A_1364 = arith.constant 1024 : i32
      %add3A_1365 = arith.addi %add3A_1364, %mul3A_1363 : i32
      %add3A_1366 = arith.constant 32 : i32
      %add3A_1367 = arith.addi %add3A_1365, %add3A_1366 : i32
      %swap3A_1368 = arith.index_cast %add3A_1367 : i32 to index
      %swap3A_1369 = tpu.vector_load %arg9[%swap3A_1368] {strides = array<i32>} : memref<3072xf32, #tpu.memory_space<vmem>>, vector<16xf32>,
      tpu.vector_store %arg9[%swap3A_1368], %mul3A_1361 {strides = array<i32>} : memref<3072xf32, #tpu.memory_space<vmem>>, vector<16xf32>,
      %mul3A_1370 = arith.constant 128 : i32
      %mul3A_1371 = arith.muli %add3A_1324, %mul3A_1370 : i32
      %add3A_1372 = arith.constant 48 : i32
      %add3A_1373 = arith.addi %mul3A_1371, %add3A_1372 : i32
      %get3A_1374 = arith.index_cast %add3A_1373 : i32 to index
      %get3A_1375 = tpu.vector_load %arg8[%get3A_1374] {strides = array<i32>} : memref<3072xf32, #tpu.memory_space<vmem>>, vector<16xf32>,
      %mul3A_1376 = arith.mulf %get3A_1375, %div3A_884 : vector<16xf32>
      %mul3A_1377 = arith.constant 128 : i32
      %mul3A_1378 = arith.muli %scan3A_1322, %mul3A_1377 : i32
      %add3A_1379 = arith.constant 1024 : i32
      %add3A_1380 = arith.addi %add3A_1379, %mul3A_1378 : i32
      %add3A_1381 = arith.constant 48 : i32
      %add3A_1382 = arith.addi %add3A_1380, %add3A_1381 : i32
      %swap3A_1383 = arith.index_cast %add3A_1382 : i32 to index
      %swap3A_1384 = tpu.vector_load %arg9[%swap3A_1383] {strides = array<i32>} : memref<3072xf32, #tpu.memory_space<vmem>>, vector<16xf32>,
      tpu.vector_store %arg9[%swap3A_1383], %mul3A_1376 {strides = array<i32>} : memref<3072xf32, #tpu.memory_space<vmem>>, vector<16xf32>,
      %mul3A_1385 = arith.constant 128 : i32
      %mul3A_1386 = arith.muli %add3A_1324, %mul3A_1385 : i32
      %add3A_1387 = arith.constant 64 : i32
      %add3A_1388 = arith.addi %mul3A_1386, %add3A_1387 : i32
      %get3A_1389 = arith.index_cast %add3A_1388 : i32 to index
      %get3A_1390 = tpu.vector_load %arg8[%get3A_1389] {strides = array<i32>} : memref<3072xf32, #tpu.memory_space<vmem>>, vector<16xf32>,
      %mul3A_1391 = arith.mulf %get3A_1390, %div3A_946 : vector<16xf32>
      %mul3A_1392 = arith.constant 128 : i32
      %mul3A_1393 = arith.muli %scan3A_1322, %mul3A_1392 : i32
      %add3A_1394 = arith.constant 1024 : i32
      %add3A_1395 = arith.addi %add3A_1394, %mul3A_1393 : i32
      %add3A_1396 = arith.constant 64 : i32
      %add3A_1397 = arith.addi %add3A_1395, %add3A_1396 : i32
      %swap3A_1398 = arith.index_cast %add3A_1397 : i32 to index
      %swap3A_1399 = tpu.vector_load %arg9[%swap3A_1398] {strides = array<i32>} : memref<3072xf32, #tpu.memory_space<vmem>>, vector<16xf32>,
      tpu.vector_store %arg9[%swap3A_1398], %mul3A_1391 {strides = array<i32>} : memref<3072xf32, #tpu.memory_space<vmem>>, vector<16xf32>,
      %mul3A_1400 = arith.constant 128 : i32
      %mul3A_1401 = arith.muli %add3A_1324, %mul3A_1400 : i32
      %add3A_1402 = arith.constant 80 : i32
      %add3A_1403 = arith.addi %mul3A_1401, %add3A_1402 : i32
      %get3A_1404 = arith.index_cast %add3A_1403 : i32 to index
      %get3A_1405 = tpu.vector_load %arg8[%get3A_1404] {strides = array<i32>} : memref<3072xf32, #tpu.memory_space<vmem>>, vector<16xf32>,
      %mul3A_1406 = arith.mulf %get3A_1405, %div3A_1008 : vector<16xf32>
      %mul3A_1407 = arith.constant 128 : i32
      %mul3A_1408 = arith.muli %scan3A_1322, %mul3A_1407 : i32
      %add3A_1409 = arith.constant 1024 : i32
      %add3A_1410 = arith.addi %add3A_1409, %mul3A_1408 : i32
      %add3A_1411 = arith.constant 80 : i32
      %add3A_1412 = arith.addi %add3A_1410, %add3A_1411 : i32
      %swap3A_1413 = arith.index_cast %add3A_1412 : i32 to index
      %swap3A_1414 = tpu.vector_load %arg9[%swap3A_1413] {strides = array<i32>} : memref<3072xf32, #tpu.memory_space<vmem>>, vector<16xf32>,
      tpu.vector_store %arg9[%swap3A_1413], %mul3A_1406 {strides = array<i32>} : memref<3072xf32, #tpu.memory_space<vmem>>, vector<16xf32>,
      %mul3A_1415 = arith.constant 128 : i32
      %mul3A_1416 = arith.muli %add3A_1324, %mul3A_1415 : i32
      %add3A_1417 = arith.constant 96 : i32
      %add3A_1418 = arith.addi %mul3A_1416, %add3A_1417 : i32
      %get3A_1419 = arith.index_cast %add3A_1418 : i32 to index
      %get3A_1420 = tpu.vector_load %arg8[%get3A_1419] {strides = array<i32>} : memref<3072xf32, #tpu.memory_space<vmem>>, vector<16xf32>,
      %mul3A_1421 = arith.mulf %get3A_1420, %div3A_1070 : vector<16xf32>
      %mul3A_1422 = arith.constant 128 : i32
      %mul3A_1423 = arith.muli %scan3A_1322, %mul3A_1422 : i32
      %add3A_1424 = arith.constant 1024 : i32
      %add3A_1425 = arith.addi %add3A_1424, %mul3A_1423 : i32
      %add3A_1426 = arith.constant 96 : i32
      %add3A_1427 = arith.addi %add3A_1425, %add3A_1426 : i32
      %swap3A_1428 = arith.index_cast %add3A_1427 : i32 to index
      %swap3A_1429 = tpu.vector_load %arg9[%swap3A_1428] {strides = array<i32>} : memref<3072xf32, #tpu.memory_space<vmem>>, vector<16xf32>,
      tpu.vector_store %arg9[%swap3A_1428], %mul3A_1421 {strides = array<i32>} : memref<3072xf32, #tpu.memory_space<vmem>>, vector<16xf32>,
      %mul3A_1430 = arith.constant 128 : i32
      %mul3A_1431 = arith.muli %add3A_1324, %mul3A_1430 : i32
      %add3A_1432 = arith.constant 112 : i32
      %add3A_1433 = arith.addi %mul3A_1431, %add3A_1432 : i32
      %get3A_1434 = arith.index_cast %add3A_1433 : i32 to index
      %get3A_1435 = tpu.vector_load %arg8[%get3A_1434] {strides = array<i32>} : memref<3072xf32, #tpu.memory_space<vmem>>, vector<16xf32>,
      %mul3A_1436 = arith.mulf %get3A_1435, %div3A_1132 : vector<16xf32>
      %mul3A_1437 = arith.constant 128 : i32
      %mul3A_1438 = arith.muli %scan3A_1322, %mul3A_1437 : i32
      %add3A_1439 = arith.constant 1024 : i32
      %add3A_1440 = arith.addi %add3A_1439, %mul3A_1438 : i32
      %add3A_1441 = arith.constant 112 : i32
      %add3A_1442 = arith.addi %add3A_1440, %add3A_1441 : i32
      %swap3A_1443 = arith.index_cast %add3A_1442 : i32 to index
      %swap3A_1444 = tpu.vector_load %arg9[%swap3A_1443] {strides = array<i32>} : memref<3072xf32, #tpu.memory_space<vmem>>, vector<16xf32>,
      tpu.vector_store %arg9[%swap3A_1443], %mul3A_1436 {strides = array<i32>} : memref<3072xf32, #tpu.memory_space<vmem>>, vector<16xf32>,
    }
    %scan3A_1158 = arith.constant 8 : i32
    %mul3A_1159 = arith.constant 3 : i32
    %mul3A_1160 = arith.muli %select_n3A_30, %mul3A_1159 : i32
    %add3A_1161 = arith.constant 1 : i32
    %add3A_1162 = arith.addi %mul3A_1160, %add3A_1161 : i32
    %mul3A_1163 = arith.constant 8 : i32
    %mul3A_1164 = arith.muli %add3A_1162, %mul3A_1163 : i32
    %add3A_1165 = arith.addi %mul3A_1164, %add3A_9 : i32
    %mul3A_1166 = arith.constant 1024 : i32
    %mul3A_1167 = arith.muli %add3A_1165, %mul3A_1166 : i32
    %dma_start3A_1168 = arith.constant 1024 : i32
    %dma_start3A_1169 = tpu.memref_slice %arg9[%dma_start3A_1168] : memref<3072xf32, #tpu.memory_space<vmem>> -> memref<1024xf32, #tpu.memory_space<vmem>>
    %dma_start3A_1170 = tpu.memref_slice %arg4[%mul3A_1167] : memref<98304xf32, #tpu.memory_space<hbm>> -> memref<1024xf32, #tpu.memory_space<hbm>>
    %dma_start3A_1171 = tpu.memref_slice %arg4[%mul3A_1167] : memref<98304xf32, #tpu.memory_space<hbm>> -> memref<1024xf32, #tpu.memory_space<hbm>>
    %dma_start3A_1172 = arith.constant 1024 : i32
    %dma_start3A_1173 = tpu.memref_slice %arg9[%dma_start3A_1172] : memref<3072xf32, #tpu.memory_space<vmem>> -> memref<1024xf32, #tpu.memory_space<vmem>>
    tpu.enqueue_dma source(%dma_start3A_1173 : memref<1024xf32, #tpu.memory_space<vmem>>) target(%dma_start3A_1171 : memref<1024xf32, #tpu.memory_space<hbm>>) target_semaphore(%arg14 : memref<!tpu.dma_semaphore, #tpu.memory_space<semaphore_mem>>)
    %scan3A_1174 = arith.constant 0 : i32
    %scan3A_1175 = arith.constant 0 : i32
    %scan3A_1176 = arith.constant 8 : i32
    %scan3A_1177 = arith.addi %scan3A_1175, %scan3A_1176 : i32
    %scan3A_1178 = arith.constant 2 : i32
    scf.for %scan3A_1198 = %scan3A_1175 to %scan3A_1177 step %scan3A_1178  : i32 {
      %add3A_1199 = arith.constant 16 : i32
      %add3A_1200 = arith.addi %add3A_1199, %scan3A_1198 : i32
      %mul3A_1201 = arith.constant 128 : i32
      %mul3A_1202 = arith.muli %add3A_1200, %mul3A_1201 : i32
      %add3A_1203 = arith.constant 0 : i32
      %add3A_1204 = arith.addi %mul3A_1202, %add3A_1203 : i32
      %get3A_1205 = arith.index_cast %add3A_1204 : i32 to index
      %get3A_1206 = tpu.vector_load %arg8[%get3A_1205] {strides = array<i32>} : memref<3072xf32, #tpu.memory_space<vmem>>, vector<16xf32>,
      %mul3A_1207 = arith.mulf %get3A_1206, %div3A_698 : vector<16xf32>
      %mul3A_1208 = arith.constant 128 : i32
      %mul3A_1209 = arith.muli %scan3A_1198, %mul3A_1208 : i32
      %add3A_1210 = arith.constant 2048 : i32
      %add3A_1211 = arith.addi %add3A_1210, %mul3A_1209 : i32
      %add3A_1212 = arith.constant 0 : i32
      %add3A_1213 = arith.addi %add3A_1211, %add3A_1212 : i32
      %swap3A_1214 = arith.index_cast %add3A_1213 : i32 to index
      %swap3A_1215 = tpu.vector_load %arg9[%swap3A_1214] {strides = array<i32>} : memref<3072xf32, #tpu.memory_space<vmem>>, vector<16xf32>,
      tpu.vector_store %arg9[%swap3A_1214], %mul3A_1207 {strides = array<i32>} : memref<3072xf32, #tpu.memory_space<vmem>>, vector<16xf32>,
      %mul3A_1216 = arith.constant 128 : i32
      %mul3A_1217 = arith.muli %add3A_1200, %mul3A_1216 : i32
      %add3A_1218 = arith.constant 16 : i32
      %add3A_1219 = arith.addi %mul3A_1217, %add3A_1218 : i32
      %get3A_1220 = arith.index_cast %add3A_1219 : i32 to index
      %get3A_1221 = tpu.vector_load %arg8[%get3A_1220] {strides = array<i32>} : memref<3072xf32, #tpu.memory_space<vmem>>, vector<16xf32>,
      %mul3A_1222 = arith.mulf %get3A_1221, %div3A_760 : vector<16xf32>
      %mul3A_1223 = arith.constant 128 : i32
      %mul3A_1224 = arith.muli %scan3A_1198, %mul3A_1223 : i32
      %add3A_1225 = arith.constant 2048 : i32
      %add3A_1226 = arith.addi %add3A_1225, %mul3A_1224 : i32
      %add3A_1227 = arith.constant 16 : i32
      %add3A_1228 = arith.addi %add3A_1226, %add3A_1227 : i32
      %swap3A_1229 = arith.index_cast %add3A_1228 : i32 to index
      %swap3A_1230 = tpu.vector_load %arg9[%swap3A_1229] {strides = array<i32>} : memref<3072xf32, #tpu.memory_space<vmem>>, vector<16xf32>,
      tpu.vector_store %arg9[%swap3A_1229], %mul3A_1222 {strides = array<i32>} : memref<3072xf32, #tpu.memory_space<vmem>>, vector<16xf32>,
      %mul3A_1231 = arith.constant 128 : i32
      %mul3A_1232 = arith.muli %add3A_1200, %mul3A_1231 : i32
      %add3A_1233 = arith.constant 32 : i32
      %add3A_1234 = arith.addi %mul3A_1232, %add3A_1233 : i32
      %get3A_1235 = arith.index_cast %add3A_1234 : i32 to index
      %get3A_1236 = tpu.vector_load %arg8[%get3A_1235] {strides = array<i32>} : memref<3072xf32, #tpu.memory_space<vmem>>, vector<16xf32>,
      %mul3A_1237 = arith.mulf %get3A_1236, %div3A_822 : vector<16xf32>
      %mul3A_1238 = arith.constant 128 : i32
      %mul3A_1239 = arith.muli %scan3A_1198, %mul3A_1238 : i32
      %add3A_1240 = arith.constant 2048 : i32
      %add3A_1241 = arith.addi %add3A_1240, %mul3A_1239 : i32
      %add3A_1242 = arith.constant 32 : i32
      %add3A_1243 = arith.addi %add3A_1241, %add3A_1242 : i32
      %swap3A_1244 = arith.index_cast %add3A_1243 : i32 to index
      %swap3A_1245 = tpu.vector_load %arg9[%swap3A_1244] {strides = array<i32>} : memref<3072xf32, #tpu.memory_space<vmem>>, vector<16xf32>,
      tpu.vector_store %arg9[%swap3A_1244], %mul3A_1237 {strides = array<i32>} : memref<3072xf32, #tpu.memory_space<vmem>>, vector<16xf32>,
      %mul3A_1246 = arith.constant 128 : i32
      %mul3A_1247 = arith.muli %add3A_1200, %mul3A_1246 : i32
      %add3A_1248 = arith.constant 48 : i32
      %add3A_1249 = arith.addi %mul3A_1247, %add3A_1248 : i32
      %get3A_1250 = arith.index_cast %add3A_1249 : i32 to index
      %get3A_1251 = tpu.vector_load %arg8[%get3A_1250] {strides = array<i32>} : memref<3072xf32, #tpu.memory_space<vmem>>, vector<16xf32>,
      %mul3A_1252 = arith.mulf %get3A_1251, %div3A_884 : vector<16xf32>
      %mul3A_1253 = arith.constant 128 : i32
      %mul3A_1254 = arith.muli %scan3A_1198, %mul3A_1253 : i32
      %add3A_1255 = arith.constant 2048 : i32
      %add3A_1256 = arith.addi %add3A_1255, %mul3A_1254 : i32
      %add3A_1257 = arith.constant 48 : i32
      %add3A_1258 = arith.addi %add3A_1256, %add3A_1257 : i32
      %swap3A_1259 = arith.index_cast %add3A_1258 : i32 to index
      %swap3A_1260 = tpu.vector_load %arg9[%swap3A_1259] {strides = array<i32>} : memref<3072xf32, #tpu.memory_space<vmem>>, vector<16xf32>,
      tpu.vector_store %arg9[%swap3A_1259], %mul3A_1252 {strides = array<i32>} : memref<3072xf32, #tpu.memory_space<vmem>>, vector<16xf32>,
      %mul3A_1261 = arith.constant 128 : i32
      %mul3A_1262 = arith.muli %add3A_1200, %mul3A_1261 : i32
      %add3A_1263 = arith.constant 64 : i32
      %add3A_1264 = arith.addi %mul3A_1262, %add3A_1263 : i32
      %get3A_1265 = arith.index_cast %add3A_1264 : i32 to index
      %get3A_1266 = tpu.vector_load %arg8[%get3A_1265] {strides = array<i32>} : memref<3072xf32, #tpu.memory_space<vmem>>, vector<16xf32>,
      %mul3A_1267 = arith.mulf %get3A_1266, %div3A_946 : vector<16xf32>
      %mul3A_1268 = arith.constant 128 : i32
      %mul3A_1269 = arith.muli %scan3A_1198, %mul3A_1268 : i32
      %add3A_1270 = arith.constant 2048 : i32
      %add3A_1271 = arith.addi %add3A_1270, %mul3A_1269 : i32
      %add3A_1272 = arith.constant 64 : i32
      %add3A_1273 = arith.addi %add3A_1271, %add3A_1272 : i32
      %swap3A_1274 = arith.index_cast %add3A_1273 : i32 to index
      %swap3A_1275 = tpu.vector_load %arg9[%swap3A_1274] {strides = array<i32>} : memref<3072xf32, #tpu.memory_space<vmem>>, vector<16xf32>,
      tpu.vector_store %arg9[%swap3A_1274], %mul3A_1267 {strides = array<i32>} : memref<3072xf32, #tpu.memory_space<vmem>>, vector<16xf32>,
      %mul3A_1276 = arith.constant 128 : i32
      %mul3A_1277 = arith.muli %add3A_1200, %mul3A_1276 : i32
      %add3A_1278 = arith.constant 80 : i32
      %add3A_1279 = arith.addi %mul3A_1277, %add3A_1278 : i32
      %get3A_1280 = arith.index_cast %add3A_1279 : i32 to index
      %get3A_1281 = tpu.vector_load %arg8[%get3A_1280] {strides = array<i32>} : memref<3072xf32, #tpu.memory_space<vmem>>, vector<16xf32>,
      %mul3A_1282 = arith.mulf %get3A_1281, %div3A_1008 : vector<16xf32>
      %mul3A_1283 = arith.constant 128 : i32
      %mul3A_1284 = arith.muli %scan3A_1198, %mul3A_1283 : i32
      %add3A_1285 = arith.constant 2048 : i32
      %add3A_1286 = arith.addi %add3A_1285, %mul3A_1284 : i32
      %add3A_1287 = arith.constant 80 : i32
      %add3A_1288 = arith.addi %add3A_1286, %add3A_1287 : i32
      %swap3A_1289 = arith.index_cast %add3A_1288 : i32 to index
      %swap3A_1290 = tpu.vector_load %arg9[%swap3A_1289] {strides = array<i32>} : memref<3072xf32, #tpu.memory_space<vmem>>, vector<16xf32>,
      tpu.vector_store %arg9[%swap3A_1289], %mul3A_1282 {strides = array<i32>} : memref<3072xf32, #tpu.memory_space<vmem>>, vector<16xf32>,
      %mul3A_1291 = arith.constant 128 : i32
      %mul3A_1292 = arith.muli %add3A_1200, %mul3A_1291 : i32
      %add3A_1293 = arith.constant 96 : i32
      %add3A_1294 = arith.addi %mul3A_1292, %add3A_1293 : i32
      %get3A_1295 = arith.index_cast %add3A_1294 : i32 to index
      %get3A_1296 = tpu.vector_load %arg8[%get3A_1295] {strides = array<i32>} : memref<3072xf32, #tpu.memory_space<vmem>>, vector<16xf32>,
      %mul3A_1297 = arith.mulf %get3A_1296, %div3A_1070 : vector<16xf32>
      %mul3A_1298 = arith.constant 128 : i32
      %mul3A_1299 = arith.muli %scan3A_1198, %mul3A_1298 : i32
      %add3A_1300 = arith.constant 2048 : i32
      %add3A_1301 = arith.addi %add3A_1300, %mul3A_1299 : i32
      %add3A_1302 = arith.constant 96 : i32
      %add3A_1303 = arith.addi %add3A_1301, %add3A_1302 : i32
      %swap3A_1304 = arith.index_cast %add3A_1303 : i32 to index
      %swap3A_1305 = tpu.vector_load %arg9[%swap3A_1304] {strides = array<i32>} : memref<3072xf32, #tpu.memory_space<vmem>>, vector<16xf32>,
      tpu.vector_store %arg9[%swap3A_1304], %mul3A_1297 {strides = array<i32>} : memref<3072xf32, #tpu.memory_space<vmem>>, vector<16xf32>,
      %mul3A_1306 = arith.constant 128 : i32
      %mul3A_1307 = arith.muli %add3A_1200, %mul3A_1306 : i32
      %add3A_1308 = arith.constant 112 : i32
      %add3A_1309 = arith.addi %mul3A_1307, %add3A_1308 : i32
      %get3A_1310 = arith.index_cast %add3A_1309 : i32 to index
      %get3A_1311 = tpu.vector_load %arg8[%get3A_1310] {strides = array<i32>} : memref<3072xf32, #tpu.memory_space<vmem>>, vector<16xf32>,
      %mul3A_1312 = arith.mulf %get3A_1311, %div3A_1132 : vector<16xf32>
      %mul3A_1313 = arith.constant 128 : i32
      %mul3A_1314 = arith.muli %scan3A_1198, %mul3A_1313 : i32
      %add3A_1315 = arith.constant 2048 : i32
      %add3A_1316 = arith.addi %add3A_1315, %mul3A_1314 : i32
      %add3A_1317 = arith.constant 112 : i32
      %add3A_1318 = arith.addi %add3A_1316, %add3A_1317 : i32
      %swap3A_1319 = arith.index_cast %add3A_1318 : i32 to index
      %swap3A_1320 = tpu.vector_load %arg9[%swap3A_1319] {strides = array<i32>} : memref<3072xf32, #tpu.memory_space<vmem>>, vector<16xf32>,
      tpu.vector_store %arg9[%swap3A_1319], %mul3A_1312 {strides = array<i32>} : memref<3072xf32, #tpu.memory_space<vmem>>, vector<16xf32>,
      %scan3A_1321 = arith.constant 1 : i32
      %scan3A_1322 = arith.addi %scan3A_1198, %scan3A_1321 : i32
      %add3A_1323 = arith.constant 16 : i32
      %add3A_1324 = arith.addi %add3A_1323, %scan3A_1322 : i32
      %mul3A_1325 = arith.constant 128 : i32
      %mul3A_1326 = arith.muli %add3A_1324, %mul3A_1325 : i32
      %add3A_1327 = arith.constant 0 : i32
      %add3A_1328 = arith.addi %mul3A_1326, %add3A_1327 : i32
      %get3A_1329 = arith.index_cast %add3A_1328 : i32 to index
      %get3A_1330 = tpu.vector_load %arg8[%get3A_1329] {strides = array<i32>} : memref<3072xf32, #tpu.memory_space<vmem>>, vector<16xf32>,
      %mul3A_1331 = arith.mulf %get3A_1330, %div3A_698 : vector<16xf32>
      %mul3A_1332 = arith.constant 128 : i32
      %mul3A_1333 = arith.muli %scan3A_1322, %mul3A_1332 : i32
      %add3A_1334 = arith.constant 2048 : i32
      %add3A_1335 = arith.addi %add3A_1334, %mul3A_1333 : i32
      %add3A_1336 = arith.constant 0 : i32
      %add3A_1337 = arith.addi %add3A_1335, %add3A_1336 : i32
      %swap3A_1338 = arith.index_cast %add3A_1337 : i32 to index
      %swap3A_1339 = tpu.vector_load %arg9[%swap3A_1338] {strides = array<i32>} : memref<3072xf32, #tpu.memory_space<vmem>>, vector<16xf32>,
      tpu.vector_store %arg9[%swap3A_1338], %mul3A_1331 {strides = array<i32>} : memref<3072xf32, #tpu.memory_space<vmem>>, vector<16xf32>,
      %mul3A_1340 = arith.constant 128 : i32
      %mul3A_1341 = arith.muli %add3A_1324, %mul3A_1340 : i32
      %add3A_1342 = arith.constant 16 : i32
      %add3A_1343 = arith.addi %mul3A_1341, %add3A_1342 : i32
      %get3A_1344 = arith.index_cast %add3A_1343 : i32 to index
      %get3A_1345 = tpu.vector_load %arg8[%get3A_1344] {strides = array<i32>} : memref<3072xf32, #tpu.memory_space<vmem>>, vector<16xf32>,
      %mul3A_1346 = arith.mulf %get3A_1345, %div3A_760 : vector<16xf32>
      %mul3A_1347 = arith.constant 128 : i32
      %mul3A_1348 = arith.muli %scan3A_1322, %mul3A_1347 : i32
      %add3A_1349 = arith.constant 2048 : i32
      %add3A_1350 = arith.addi %add3A_1349, %mul3A_1348 : i32
      %add3A_1351 = arith.constant 16 : i32
      %add3A_1352 = arith.addi %add3A_1350, %add3A_1351 : i32
      %swap3A_1353 = arith.index_cast %add3A_1352 : i32 to index
      %swap3A_1354 = tpu.vector_load %arg9[%swap3A_1353] {strides = array<i32>} : memref<3072xf32, #tpu.memory_space<vmem>>, vector<16xf32>,
      tpu.vector_store %arg9[%swap3A_1353], %mul3A_1346 {strides = array<i32>} : memref<3072xf32, #tpu.memory_space<vmem>>, vector<16xf32>,
      %mul3A_1355 = arith.constant 128 : i32
      %mul3A_1356 = arith.muli %add3A_1324, %mul3A_1355 : i32
      %add3A_1357 = arith.constant 32 : i32
      %add3A_1358 = arith.addi %mul3A_1356, %add3A_1357 : i32
      %get3A_1359 = arith.index_cast %add3A_1358 : i32 to index
      %get3A_1360 = tpu.vector_load %arg8[%get3A_1359] {strides = array<i32>} : memref<3072xf32, #tpu.memory_space<vmem>>, vector<16xf32>,
      %mul3A_1361 = arith.mulf %get3A_1360, %div3A_822 : vector<16xf32>
      %mul3A_1362 = arith.constant 128 : i32
      %mul3A_1363 = arith.muli %scan3A_1322, %mul3A_1362 : i32
      %add3A_1364 = arith.constant 2048 : i32
      %add3A_1365 = arith.addi %add3A_1364, %mul3A_1363 : i32
      %add3A_1366 = arith.constant 32 : i32
      %add3A_1367 = arith.addi %add3A_1365, %add3A_1366 : i32
      %swap3A_1368 = arith.index_cast %add3A_1367 : i32 to index
      %swap3A_1369 = tpu.vector_load %arg9[%swap3A_1368] {strides = array<i32>} : memref<3072xf32, #tpu.memory_space<vmem>>, vector<16xf32>,
      tpu.vector_store %arg9[%swap3A_1368], %mul3A_1361 {strides = array<i32>} : memref<3072xf32, #tpu.memory_space<vmem>>, vector<16xf32>,
      %mul3A_1370 = arith.constant 128 : i32
      %mul3A_1371 = arith.muli %add3A_1324, %mul3A_1370 : i32
      %add3A_1372 = arith.constant 48 : i32
      %add3A_1373 = arith.addi %mul3A_1371, %add3A_1372 : i32
      %get3A_1374 = arith.index_cast %add3A_1373 : i32 to index
      %get3A_1375 = tpu.vector_load %arg8[%get3A_1374] {strides = array<i32>} : memref<3072xf32, #tpu.memory_space<vmem>>, vector<16xf32>,
      %mul3A_1376 = arith.mulf %get3A_1375, %div3A_884 : vector<16xf32>
      %mul3A_1377 = arith.constant 128 : i32
      %mul3A_1378 = arith.muli %scan3A_1322, %mul3A_1377 : i32
      %add3A_1379 = arith.constant 2048 : i32
      %add3A_1380 = arith.addi %add3A_1379, %mul3A_1378 : i32
      %add3A_1381 = arith.constant 48 : i32
      %add3A_1382 = arith.addi %add3A_1380, %add3A_1381 : i32
      %swap3A_1383 = arith.index_cast %add3A_1382 : i32 to index
      %swap3A_1384 = tpu.vector_load %arg9[%swap3A_1383] {strides = array<i32>} : memref<3072xf32, #tpu.memory_space<vmem>>, vector<16xf32>,
      tpu.vector_store %arg9[%swap3A_1383], %mul3A_1376 {strides = array<i32>} : memref<3072xf32, #tpu.memory_space<vmem>>, vector<16xf32>,
      %mul3A_1385 = arith.constant 128 : i32
      %mul3A_1386 = arith.muli %add3A_1324, %mul3A_1385 : i32
      %add3A_1387 = arith.constant 64 : i32
      %add3A_1388 = arith.addi %mul3A_1386, %add3A_1387 : i32
      %get3A_1389 = arith.index_cast %add3A_1388 : i32 to index
      %get3A_1390 = tpu.vector_load %arg8[%get3A_1389] {strides = array<i32>} : memref<3072xf32, #tpu.memory_space<vmem>>, vector<16xf32>,
      %mul3A_1391 = arith.mulf %get3A_1390, %div3A_946 : vector<16xf32>
      %mul3A_1392 = arith.constant 128 : i32
      %mul3A_1393 = arith.muli %scan3A_1322, %mul3A_1392 : i32
      %add3A_1394 = arith.constant 2048 : i32
      %add3A_1395 = arith.addi %add3A_1394, %mul3A_1393 : i32
      %add3A_1396 = arith.constant 64 : i32
      %add3A_1397 = arith.addi %add3A_1395, %add3A_1396 : i32
      %swap3A_1398 = arith.index_cast %add3A_1397 : i32 to index
      %swap3A_1399 = tpu.vector_load %arg9[%swap3A_1398] {strides = array<i32>} : memref<3072xf32, #tpu.memory_space<vmem>>, vector<16xf32>,
      tpu.vector_store %arg9[%swap3A_1398], %mul3A_1391 {strides = array<i32>} : memref<3072xf32, #tpu.memory_space<vmem>>, vector<16xf32>,
      %mul3A_1400 = arith.constant 128 : i32
      %mul3A_1401 = arith.muli %add3A_1324, %mul3A_1400 : i32
      %add3A_1402 = arith.constant 80 : i32
      %add3A_1403 = arith.addi %mul3A_1401, %add3A_1402 : i32
      %get3A_1404 = arith.index_cast %add3A_1403 : i32 to index
      %get3A_1405 = tpu.vector_load %arg8[%get3A_1404] {strides = array<i32>} : memref<3072xf32, #tpu.memory_space<vmem>>, vector<16xf32>,
      %mul3A_1406 = arith.mulf %get3A_1405, %div3A_1008 : vector<16xf32>
      %mul3A_1407 = arith.constant 128 : i32
      %mul3A_1408 = arith.muli %scan3A_1322, %mul3A_1407 : i32
      %add3A_1409 = arith.constant 2048 : i32
      %add3A_1410 = arith.addi %add3A_1409, %mul3A_1408 : i32
      %add3A_1411 = arith.constant 80 : i32
      %add3A_1412 = arith.addi %add3A_1410, %add3A_1411 : i32
      %swap3A_1413 = arith.index_cast %add3A_1412 : i32 to index
      %swap3A_1414 = tpu.vector_load %arg9[%swap3A_1413] {strides = array<i32>} : memref<3072xf32, #tpu.memory_space<vmem>>, vector<16xf32>,
      tpu.vector_store %arg9[%swap3A_1413], %mul3A_1406 {strides = array<i32>} : memref<3072xf32, #tpu.memory_space<vmem>>, vector<16xf32>,
      %mul3A_1415 = arith.constant 128 : i32
      %mul3A_1416 = arith.muli %add3A_1324, %mul3A_1415 : i32
      %add3A_1417 = arith.constant 96 : i32
      %add3A_1418 = arith.addi %mul3A_1416, %add3A_1417 : i32
      %get3A_1419 = arith.index_cast %add3A_1418 : i32 to index
      %get3A_1420 = tpu.vector_load %arg8[%get3A_1419] {strides = array<i32>} : memref<3072xf32, #tpu.memory_space<vmem>>, vector<16xf32>,
      %mul3A_1421 = arith.mulf %get3A_1420, %div3A_1070 : vector<16xf32>
      %mul3A_1422 = arith.constant 128 : i32
      %mul3A_1423 = arith.muli %scan3A_1322, %mul3A_1422 : i32
      %add3A_1424 = arith.constant 2048 : i32
      %add3A_1425 = arith.addi %add3A_1424, %mul3A_1423 : i32
      %add3A_1426 = arith.constant 96 : i32
      %add3A_1427 = arith.addi %add3A_1425, %add3A_1426 : i32
      %swap3A_1428 = arith.index_cast %add3A_1427 : i32 to index
      %swap3A_1429 = tpu.vector_load %arg9[%swap3A_1428] {strides = array<i32>} : memref<3072xf32, #tpu.memory_space<vmem>>, vector<16xf32>,
      tpu.vector_store %arg9[%swap3A_1428], %mul3A_1421 {strides = array<i32>} : memref<3072xf32, #tpu.memory_space<vmem>>, vector<16xf32>,
      %mul3A_1430 = arith.constant 128 : i32
      %mul3A_1431 = arith.muli %add3A_1324, %mul3A_1430 : i32
      %add3A_1432 = arith.constant 112 : i32
      %add3A_1433 = arith.addi %mul3A_1431, %add3A_1432 : i32
      %get3A_1434 = arith.index_cast %add3A_1433 : i32 to index
      %get3A_1435 = tpu.vector_load %arg8[%get3A_1434] {strides = array<i32>} : memref<3072xf32, #tpu.memory_space<vmem>>, vector<16xf32>,
      %mul3A_1436 = arith.mulf %get3A_1435, %div3A_1132 : vector<16xf32>
      %mul3A_1437 = arith.constant 128 : i32
      %mul3A_1438 = arith.muli %scan3A_1322, %mul3A_1437 : i32
      %add3A_1439 = arith.constant 2048 : i32
      %add3A_1440 = arith.addi %add3A_1439, %mul3A_1438 : i32
      %add3A_1441 = arith.constant 112 : i32
      %add3A_1442 = arith.addi %add3A_1440, %add3A_1441 : i32
      %swap3A_1443 = arith.index_cast %add3A_1442 : i32 to index
      %swap3A_1444 = tpu.vector_load %arg9[%swap3A_1443] {strides = array<i32>} : memref<3072xf32, #tpu.memory_space<vmem>>, vector<16xf32>,
      tpu.vector_store %arg9[%swap3A_1443], %mul3A_1436 {strides = array<i32>} : memref<3072xf32, #tpu.memory_space<vmem>>, vector<16xf32>,
    }
    %scan3A_1179 = arith.constant 8 : i32
    %mul3A_1180 = arith.constant 3 : i32
    %mul3A_1181 = arith.muli %select_n3A_30, %mul3A_1180 : i32
    %add3A_1182 = arith.constant 2 : i32
    %add3A_1183 = arith.addi %mul3A_1181, %add3A_1182 : i32
    %mul3A_1184 = arith.constant 8 : i32
    %mul3A_1185 = arith.muli %add3A_1183, %mul3A_1184 : i32
    %add3A_1186 = arith.addi %mul3A_1185, %add3A_9 : i32
    %mul3A_1187 = arith.constant 1024 : i32
    %mul3A_1188 = arith.muli %add3A_1186, %mul3A_1187 : i32
    %dma_start3A_1189 = arith.constant 2048 : i32
    %dma_start3A_1190 = tpu.memref_slice %arg9[%dma_start3A_1189] : memref<3072xf32, #tpu.memory_space<vmem>> -> memref<1024xf32, #tpu.memory_space<vmem>>
    %dma_start3A_1191 = tpu.memref_slice %arg4[%mul3A_1188] : memref<98304xf32, #tpu.memory_space<hbm>> -> memref<1024xf32, #tpu.memory_space<hbm>>
    %dma_start3A_1192 = tpu.memref_slice %arg4[%mul3A_1188] : memref<98304xf32, #tpu.memory_space<hbm>> -> memref<1024xf32, #tpu.memory_space<hbm>>
    %dma_start3A_1193 = arith.constant 2048 : i32
    %dma_start3A_1194 = tpu.memref_slice %arg9[%dma_start3A_1193] : memref<3072xf32, #tpu.memory_space<vmem>> -> memref<1024xf32, #tpu.memory_space<vmem>>
    tpu.enqueue_dma source(%dma_start3A_1194 : memref<1024xf32, #tpu.memory_space<vmem>>) target(%dma_start3A_1192 : memref<1024xf32, #tpu.memory_space<hbm>>) target_semaphore(%arg14 : memref<!tpu.dma_semaphore, #tpu.memory_space<semaphore_mem>>)
    %dma_wait3A = arith.constant 0 : i32
    %dma_wait3A_1195 = tpu.memref_slice %arg2[%dma_wait3A] : memref<56623104xf32, #tpu.memory_space<hbm>> -> memref<3072xf32, #tpu.memory_space<hbm>>
    %dma_wait3A_1196 = arith.constant 0 : i32
    %dma_wait3A_1197 = tpu.memref_slice %arg2[%dma_wait3A_1196] : memref<56623104xf32, #tpu.memory_space<hbm>> -> memref<3072xf32, #tpu.memory_space<hbm>>
    tpu.wait_dma2 semaphore(%arg14 : memref<!tpu.dma_semaphore, #tpu.memory_space<semaphore_mem>>) src(%dma_wait3A_1197 : memref<3072xf32, #tpu.memory_space<hbm>>) dst(%arg9 : memref<3072xf32, #tpu.memory_space<vmem>>)
    return
  }
}

</mosaic_0001>

<sc_bundles>
// kernel: kernel.3.cloned.1.call-start
scs
__scs_entry_jumppad:
0x0: {  	(pc) =	sbr.rel $0x88, $3  }
0x1: {  	(tag) =	ssettag $0x0;
	lr =	simm.s32 $0x1  }
0x2: {  	[smem:$0x3F9F] =	sst lr;
	_ =	strace $0xD0000000  }
0x3: {  	_ = 	snop  }
0x4: {  	_ = 	snop  }
0x5: {  	_ = 	snop  }
0x6: {  	_ = 	snop  }
0x7: {  	_ = 	snop  }
__scs_overlays_trampoline_lowered:
0x8: {  	[smem:$0x3FAE] =	sst s0  }
0x9: {  	[smem:$0x3FAF] =	sst s1  }
0xa: {  	[smem:$0x3FB0] =	sst s2  }
0xb: {  	[smem:$0x3FB1] =	sst s3  }
0xc: {  	[smem:$0x3FB2] =	sst s4  }
0xd: {  	[smem:$0x3FB3] =	sst s5  }
0xe: {  	[smem:$0x3FB4] =	sst s6  }
0xf: {  	[smem:$0x3FB5] =	sst s7  }
0x10: {  	[smem:$0x3FB6] =	sst s8  }
0x11: {  	[smem:$0x3FB7] =	sst s9;
	s0 =	simm.s32 @!p0 $0x0  }
0x12: {  	s1 =	sld [smem:$0x3F9D];
	s0 =	simm.s32 @p0 $0x1  }
0x13: {  	[smem:$0x3FB8] =	sst s0;
	s0 =	simm.s32 @!p1 $0x0  }
0x14: {  	s2 =	sld [smem:$0x3F9C];
	s0 =	simm.s32 @p1 $0x1  }
0x15: {  	[smem:$0x3FB9] =	sst s0;
	s0 =	simm.s32 @!p2 $0x0  }
0x16: {  	s3 =	sld [smem:$0x3FDB];
	s0 =	simm.s32 @p2 $0x1  }
0x17: {  	s4 =	simm.s32 $0x1BF5;
	[smem:$0x3FBB] =	sst s0  }
0x18: {  	s0 =	sld [smem:$0x3F9E];
	_ =	swait.ge [sflag:s4], $0x0  }
0x19: {  	s7 =	sld [smem:$0x3F9F]  }
0x1a: {  	s8 =	sadd.s32 $0xFFFFE003, lr  }
0x1b: {  	s9 =	sadd.s32 $0xFFFFFEF7, lr;
	s5 =	simm.s32 $0xFFFFFFFF;
	p2 =	slt.u32 s8, $0xFFFFF086  }
0x1c: {  	p1 =	slt.u32 s9, $0xF7A;
	s5 =	simm.s32 @!p2 $0x0  }
0x1d: {  	s5 =	simm.s32 @p1 $0x1;
	p0 =	seq.s32 s7, s2  }
0x1e: {  	s7 =	smul.u32 @!p0 $0xF7A, s2;
	p2 =	seq.s32 @!p0 s5, $0x0  }
0x1f: {  	s9 =	smul.u32 $0xF7A, s1;
	s8 =	simm.s32 @!p0 $0x1BF5;
	p2 =	por !p2, p0  }
0x20: {  	[sflag:s8] =	ssyncset.s32 @!p0 $0xFFFFF086;
	s6 =	sadd.s32 @!p0 s3, s7;
	s7 =	simm.s32 @!p0 $0x108  }
0x21: {  	s3 =	sadd.s32 s3, s9;
	s6 =	sadd.s32 @!p0 $0x88, s6;
	s7 =	simm.s32 @p2 $0x1082  }
0x22: {  	[simem:s7], [sflag:s8] =	dma.local @!p0 [hbm:s6], $0xF7A  }
0x23: {  	s9 =	sor.u32 $0xD0000000, s2;
	s6 =	simm.s32 $0x108;
	_ =	swait.ge @!p0 [sflag:s8], $0x0  }
0x24: {  	s3 =	sadd.s32 $0x88, s3;
	s6 =	simm.s32 @!p1 $0x1082;
	[sflag:s4] =	ssyncset.s32 $0xFFFFF086  }
0x25: {  	[simem:s6], [sflag:s4] =	dma.local [hbm:s3], $0xF7A  }
0x26: {  	[smem:$0x3F9F] =	sst s1;
	(tag) =	ssettag s2;
	_ =	strace s9  }
0x27: {  	s1 =	sld [smem:$0x3FAF]  }
0x28: {  	s2 =	sld [smem:$0x3FB0]  }
0x29: {  	s4 =	sld [smem:$0x3FB2]  }
0x2a: {  	p0 =	seq.s32 s5, $0x0;
	s5 =	sld [smem:$0x3FB3]  }
0x2b: {  	s6 =	sld [smem:$0x3FB4]  }
0x2c: {  	s7 =	sld [smem:$0x3FB5]  }
0x2d: {  	s3 =	simm.s32 $0x108;
	s8 =	sld [smem:$0x3FB6]  }
0x2e: {  	s3 =	simm.s32 @!p0 $0x1082;
	s9 =	sld [smem:$0x3FB7]  }
0x2f: {  	lr =	sadd.s32 s0, s3;
	s0 =	sld [smem:$0x3FAE]  }
0x30: {  	s3 =	sld [smem:$0x3FB1]  }
0x31: {  	[smem:$0x3FBA] =	sst s10  }
0x32: {  	s10 =	sld [smem:$0x3FB8];
	_ =	sdelay $0x3  }
0x33: {  	p0 =	seq.s32 s10, $0x1;
	s10 =	sld [smem:$0x3FBA];
	_ =	sdelay $0x3  }
0x34: {  	[smem:$0x3FBA] =	sst s10  }
0x35: {  	s10 =	sld [smem:$0x3FB9];
	_ =	sdelay $0x3  }
0x36: {  	p1 =	seq.s32 s10, $0x1;
	s10 =	sld [smem:$0x3FBA];
	_ =	sdelay $0x3  }
0x37: {  	[smem:$0x3FBA] =	sst s10  }
0x38: {  	s10 =	sld [smem:$0x3FBB]  }
0x39: {  	_ = 	snop;
	(pc) =	sbr.ind lr, $3  }
0x3a: {  	_ = 	snop  }
0x3b: {  	_ = 	snop  }
0x3c: {  	p2 =	seq.s32 s10, $0x1;
	s10 =	sld [smem:$0x3FBA]  }
0x3d: {  	_ =	shalt  }
0x3e: {  	_ =	shalt  }
0x3f: {  	_ =	shalt  }
0x40: {  	_ =	shalt  }
0x41: {  	_ =	shalt  }
0x42: {  	_ =	shalt  }
0x43: {  	_ =	shalt  }
0x44: {  	_ =	shalt  }
0x45: {  	_ =	shalt  }
0x46: {  	_ =	shalt  }
0x47: {  	_ =	shalt  }
0x48: {  	_ =	shalt  }
0x49: {  	_ =	shalt  }
0x4a: {  	_ =	shalt  }
0x4b: {  	_ =	shalt  }
0x4c: {  	_ =	shalt  }
0x4d: {  	_ =	shalt  }
0x4e: {  	_ =	shalt  }
0x4f: {  	_ =	shalt  }
0x50: {  	_ =	shalt  }
0x51: {  	_ =	shalt  }
0x52: {  	_ =	shalt  }
0x53: {  	_ =	shalt  }
0x54: {  	_ =	shalt  }
0x55: {  	_ =	shalt  }
0x56: {  	_ =	shalt  }
0x57: {  	_ =	shalt  }
0x58: {  	_ =	shalt  }
0x59: {  	_ =	shalt  }
0x5a: {  	_ =	shalt  }
0x5b: {  	_ =	shalt  }
0x5c: {  	_ =	shalt  }
0x5d: {  	_ =	shalt  }
0x5e: {  	_ =	shalt  }
0x5f: {  	_ =	shalt  }
0x60: {  	_ =	shalt  }
0x61: {  	_ =	shalt  }
0x62: {  	_ =	shalt  }
0x63: {  	_ =	shalt  }
0x64: {  	_ =	shalt  }
0x65: {  	_ =	shalt  }
0x66: {  	_ =	shalt  }
0x67: {  	_ =	shalt  }
0x68: {  	_ =	shalt  }
0x69: {  	_ =	shalt  }
0x6a: {  	_ =	shalt  }
0x6b: {  	_ =	shalt  }
0x6c: {  	_ =	shalt  }
0x6d: {  	_ =	shalt  }
0x6e: {  	_ =	shalt  }
0x6f: {  	_ =	shalt  }
0x70: {  	_ =	shalt  }
0x71: {  	_ =	shalt  }
0x72: {  	_ =	shalt  }
0x73: {  	_ =	shalt  }
0x74: {  	_ =	shalt  }
0x75: {  	_ =	shalt  }
0x76: {  	_ =	shalt  }
0x77: {  	_ =	shalt  }
0x78: {  	_ =	shalt  }
0x79: {  	_ =	shalt  }
0x7a: {  	_ =	shalt  }
0x7b: {  	_ =	shalt  }
0x7c: {  	_ =	shalt  }
0x7d: {  	_ =	shalt  }
0x7e: {  	_ =	shalt  }
0x7f: {  	_ =	shalt  }
0x80: {  	_ =	shalt  }
0x81: {  	_ =	shalt  }
0x82: {  	_ =	shalt  }
0x83: {  	_ =	shalt  }
0x84: {  	_ =	shalt  }
0x85: {  	_ =	shalt  }
0x86: {  	_ =	shalt  }
0x87: {  	_ =	shalt  }
.Lfunc_end0:
.L_simem_size_0:
called_computation_lowered:
.L_overlay_start_0:
0x88: {  	s2 =	sld [smem:$0x3FD9]  }
0x89: {  	s3 =	sld [smem:$0x3FFE];
	_ =	sdelay $0x1  }
0x8a: {  	s1 =	srdreg.scid  }
0x8b: {  	s0 =	sand.u32 $0x1, s1  }
0x8c: {  	s15 =	sshll.u32 s0, $0xA;
	s2 =	sadd.s32 s3, s2  }
0x8d: {  	s2 =	sadd.s32 s2, s15  }
0x8e: {  	[smem:$0x3FC6] =	sst s2  }
0x8f: {  	_ = 	snop  }
0x90: {  	s2 =	sld [smem:$0x3FD0];
	_ =	sdelay $0x1  }
0x91: {  	s16 =	sld [smem:$0x3FC9]  }
0x92: {  	s5 =	simm.s32 $0xA;
	s6 =	simm.s32 $0x10;
	s4 =	sld [smem:$0x3FC8]  }
0x93: {  	[smem:s6], [sflag:s5] =	dma.local [hbm:s2], $0x1  }
0x94: {  	_ =	swait.eq [sflag:s5], $0x1  }
0x95: {  	[sflag:s5] =	ssyncset.done $0x0  }
0x96: {  	s17 =	sld [smem:$0x10];
	[sflag:s5] =	ssyncadd.s32 $0xFFFFFFFF  }
0x97: {  	s18 =	sld [smem:$0x11];
	(tm) =	ssettm $0x1  }
0x98: {  	s19 =	sld [smem:$0x3FFB];
	_ =	sdelay $0x3  }
0x99: {  	_ =	strace s19  }
0x9a: {  	s6 =	sld [smem:$0x3FFC];
	_ =	sdelay $0x3  }
0x9b: {  	_ =	strace s6  }
0x9c: {  	s6 =	sld [smem:$0x3FFD];
	_ =	sdelay $0x3  }
0x9d: {  	_ =	strace s6  }
0x9e: {  	_ =	strace $0x8FFFFFFF  }
0x9f: {  	s20 =	sld [smem:$0x3FDB];
	_ =	sdelay $0x1  }
0xa0: {  	s7 =	simm.s32 $_scs_section_size  }
0xa1: {  	s8 =	simm.s32 $_size__tile_overlayer_lowered;
	s9 =	simm.s32 $_tile_overlayer_lowered  }
0xa2: {  	s23 =	simm.s32 $0x1BFF;
	s22 =	sshll.u32 s9, $0x1;
	s6 =	sadd.s32 s7, s20  }
0xa3: {  	s10 =	simm.s32 $0x0;
	s21 =	sshll.u32 s8, $0x1;
	s8 =	sadd.s32 s22, s6  }
0xa4: {  	[timem:s10], [sflag:s23] =	dma.local [hbm:s8], s21  }
0xa5: {  	_ =	swait.ge [sflag:s23], s21  }
0xa6: {  	s7 =	ssub.s32 $0x0, s21;
	[sflag:s23] =	ssyncset.done $0x0  }
0xa7: {  	[sflag:s23] =	ssyncadd.s32 s7;
	_ =	sdelay $0x1  }
0xa8: {  	s24 =	simm.s32 $0x1B8B  }
0xa9: {  	_ =	swait.ge [sflag:s24], $0x1  }
0xaa: {  	[sflag:s24] =	ssyncset.done $0x0  }
0xab: {  	s25 =	simm.s32 $0x1B8E;
	[sflag:s24] =	ssyncadd.s32 $0xFFFFFFFF  }
0xac: {  	s26 =	simm.s32 $execute0_lowered;
	[smem:$0x3FD2] =	sst s25  }
0xad: {  	s7 =	sshll.u32 s26, $0x1;
	_ =	strace $0x80000046;
	[dreg:$0x1] =	wrdreg $0xFFFFFFFF  }
0xae: {  	s28 =	simm.s32 $_size_execute0_lowered;
	s6 =	sadd.s32 s6, s7;
	[dreg:$0x0] =	wrdreg $0x0  }
0xaf: {  	s7 =	sshll.u32 s28, $0x1;
	[dreg:$0x2] =	wrdreg s6  }
0xb0: {  	[dreg:$0x3] =	wrdreg s7  }
0xb1: {  	[dreg:$0x4] =	wrdreg $0xC0  }
0xb2: {  	_ =	task [dreg:s10], $0x5FFFF  }
0xb3: {  	[dreg:$0x1] =	wrdreg $0xFFFFFFFF  }
0xb4: {  	[dreg:$0x0] =	wrdreg $0x60  }
0xb5: {  	[dreg:$0x2] =	wrdreg s16  }
0xb6: {  	[dreg:$0x3] =	wrdreg s4  }
0xb7: {  	[dreg:$0x4] =	wrdreg s17  }
0xb8: {  	[dreg:$0x5] =	wrdreg s18  }
0xb9: {  	[dreg:$0x6] =	wrdreg $0x27800  }
0xba: {  	[dreg:$0x7] =	wrdreg $0x9  }
0xbb: {  	_ =	task.clear_ibuf [dreg:s10], $0x8FFFF;
	_ =	strace $0x90000046  }
0xbc: {  	s29 =	simm.s32 $0x9;
	_ =	strace $0x80000048  }
0xbd: {  	_ =	swait.ge [sflag:s29], $0x1  }
0xbe: {  	[sflag:s29] =	ssyncadd.s32 $0xFFFFFFFF  }
0xbf: {  	_ =	strace $0x90000048  }
0xc0: {  	_ =	sfence  }
0xc1: {  	s30 =	sld [smem:$0x0];
	_ =	sdelay $0x2  }
0xc2: {  	s31 =	sshll.u32 s1, $0xD;
	s1 =	sshrl.u32 s1, $0x2  }
0xc3: {  	s3 =	sand.u32 $0x4000, s31;
	s1 =	sadd.s32 s1, s30  }
0xc4: {  	s0 =	sor.u32 s3, s0;
	s1 =	sshll.u32 s1, $0x11  }
0xc5: {  	s0 =	sor.u32 s1, s0  }
0xc6: {  	s0 =	sadd.s32 $0x8F2B, s0  }
0xc7: {  	[sflag:s0] =	ssyncadd.remote.s32 $0x1  }
0xc8: {  	_ =	sfence.sel $0xFFFF  }
0xc9: {  	[dreg:$0x0] =	wrdreg $0xFFFFFFFF;
	(pc) =	sbr.abs _section_cstart, $3  }
0xca: {  	[dreg:$0x1] =	wrdreg $0xFFFFFFFF  }
0xcb: {  	_ =	task.clear_ibuf [dreg:s10], $0x2FFFF;
	_ =	strace $0x9FFFFFFF  }
0xcc: {  	(tm) =	ssettm $0x7FFFFFFF  }
0xcd: {  	_ =	shalt  }
tec
execute0_lowered:
.L_overlay_start_1:
0x0: {  	(tag) =	ssettag $0x1  }
0x1: {  	s1 =	rddreg [dreg:$0x0]  }
0x2: {  	s0 =	rddreg [dreg:$0x2]  }
0x3: {  	s2 =	rddreg [dreg:$0x4];
	s3 =	srdreg.scid  }
0x4: {  	s10 =	simm.s32 $0x0;
	s11 =	stileid.u32;
	s15 =	simm.s32 $0x80  }
0x5: {  	s3 =	sand.u32 $0x1, s3;
	[smem:$0x7FF] =	sst s10;
	s22 =	sand.u32 $0x3, s11  }
0x6: {  	s6 =	sshrl.u32 s11, $0x2;
	s9 =	sshll.u32 s11, $0x7;
	s4 =	ssub.s32 $0x2, s3  }
0x7: {  	_ =	strace $0x80000047;
	s7 =	sshll.u32 s3, $0x2;
	s8 =	smul.u32 $0x18, s6  }
0x8: {  	s9 =	sand.u32 $0x80, s9;
	s26 =	sshll.u32 s6, $0x7;
	s5 =	sshrl.u32 s4, $0x1  }
0x9: {  	s28 =	smul.u32 $0x360000, s6;
	s4 =	ssub.s32 s4, s5;
	s5 =	sshll.u32 s22, $0x9  }
0xa: {  	s7 =	sor.u32 s22, s7;
	[dreg:$0x6] =	wrdreg s9;
	s23 =	sadd.s32 s5, s2  }
0xb: {  	s8 =	sor.u32 s7, s8;
	s31 =	smax.u32 s4, $0x1;
	[dreg:$0x7] =	wrdreg s23  }
0xc: {  	v0 =	vimm.s32 $0xECA86420;
	v1 =	vlaneseq.u32;
	s24 =	sshll.u32 s8, $0x7;
	s29 =	sadd.s32 s26, s23;
	[dreg:$0xc] =	wrdreg s31  }
0xd: {  	vm0 =	vmmov $0xff;
	v2 =	vimm.s32 $0x0;
	vm2 =	vcmask $0x1310;
	s7 =	sshrl.u32 s7, $0x1;
	s2 =	sadd.s32 s0, s24;
	[dreg:$0x9] =	wrdreg s29  }
0xe: {  	vm4 =	vcmask $0x1B18;
	vm5 =	vcmask $0x2320;
	vm6 =	vcmask $0x2B28;
	s25 =	smul.u32 $0xD80000, s7;
	s30 =	sadd.s32 $0x400, s2;
	[dreg:$0x8] =	wrdreg s2  }
0xf: {  	vm7 =	vcmask $0x3330;
	vm8 =	vcmask $0x3B38;
	v0 =	vunpack.c.l.s4.s8 v0;
	s3 =	sor.u32 s3, s11;
	s2 =	sadd.s32 $0x800, s2;
	[dreg:$0xa] =	wrdreg s30  }
0x10: {  	vm14 =	vcmask $0x2F2C;
	vm15 =	vcmask $0x3734;
	v2 =	vsel vm0, $0xFFFFFFFF, v2;
	p0 =	sne.s32 s3, $0x0;
	s0 =	sadd.s32 s28, s25;
	[dreg:$0xb] =	wrdreg s2  }
0x11: {  	v1 =	vmul.u32 $0x2, v1;
	[tilespmem:$0x1FFF0] =	vst v2;
	v2 =	vimm.s32 $0x0;
	v0 =	vunpack.c.0.s8.s32 v0;
	s3 =	simm.s32 $0x0;
	s4 =	simm.s32 $0x1A;
	[dreg:$0xd] =	wrdreg s0  }
.LBB2_1:
0x12: {  	[dreg:$0xe] =	wrdreg s3  }
0x13: {  	s0 =	rddreg [dreg:$0x1]  }
0x14: {  	[tilespmem:s10], [sflag:$0x1A] =	stream.linear.gather [hbm4b:s0+s10], $0x100, $0x38;
	[tilespmem:$0x2800] =	vst v63  }
0x15: {  	_ =	swait.ge [sflag:s4], $0x100  }
0x16: {  	[sflag:s4] =	ssyncset.done $0x0  }
0x17: {  	[sflag:s4] =	ssyncadd.s32 $0xFFFFFF00  }
0x18: {  	s0 =	simm.s32 @!p0 $0x0;
	s2 =	rddreg [dreg:$0x3]  }
0x19: {  	[hbm4b:s2+s0] =	stream.linear.scatter @!p0 [tilespmem:s0], [sflag:$0x1A], $0x100, $0x38;
	[tilespmem:$0x2800] =	vst v63  }
0x1a: {  	s0 =	simm.s32 @!p0 $0x1A  }
0x1b: {  	_ =	swait.ge @!p0 [sflag:s0], $0x100  }
0x1c: {  	[sflag:s0] =	ssyncset.done @!p0 $0x0  }
0x1d: {  	s12 =	rddreg [dreg:$0x6];
	[sflag:s0] =	ssyncadd.s32 @!p0 $0xFFFFFF00  }
0x1e: {  	v3 =	vld [tilespmem:s12+$0x0];
	_ =	sdelay $0x4  }
0x1f: {  	(v2sf) =	vpush v3, $0xD;
	_ =	sdelay $0x1  }
0x20: {  	(v2sf) =	vpush v3, $0xC;
	_ =	sdelay $0x1  }
0x21: {  	(v2sf) =	vpush v3, $0xE;
	_ =	sdelay $0x1  }
0x22: {  	(v2sf) =	vpush v3, $0xF;
	_ =	sdelay $0x1  }
0x23: {  	(v2sf) =	vpush v3, $0x9;
	_ =	sdelay $0x1  }
0x24: {  	(v2sf) =	vpush v3, $0x8;
	_ =	sdelay $0x1  }
0x25: {  	(v2sf) =	vpush v3, $0xA;
	_ =	sdelay $0x1  }
0x26: {  	(v2sf) =	vpush v3, $0xB  }
0x27: {  	s23 =	spop (v2sf)  }
0x28: {  	(v2sf) =	vpush v3, $0x0;
	s24 =	smulhi.u32 $0x2AAAAAAB, s23;
	s0 =	sshra.s32 s23, $0x1F  }
0x29: {  	s25 =	spop (v2sf);
	s16 =	smul.u32 $0x2AAAAAAB, s0  }
0x2a: {  	(v2sf) =	vpush v3, $0x1;
	s14 =	smulhi.u32 $0x2AAAAAAB, s25;
	s0 =	sshra.s32 s25, $0x1F  }
0x2b: {  	s26 =	spop (v2sf);
	s18 =	smul.u32 $0x2AAAAAAB, s0  }
0x2c: {  	(v2sf) =	vpush v3, $0x2;
	s17 =	smulhi.u32 $0x2AAAAAAB, s26;
	s0 =	sshra.s32 s26, $0x1F  }
0x2d: {  	s28 =	spop (v2sf);
	s20 =	smul.u32 $0x2AAAAAAB, s0  }
0x2e: {  	(v2sf) =	vpush v3, $0x3;
	s19 =	smulhi.u32 $0x2AAAAAAB, s28;
	s0 =	sshra.s32 s28, $0x1F  }
0x2f: {  	s29 =	spop (v2sf);
	s23 =	smul.u32 $0x2AAAAAAB, s0  }
0x30: {  	[smem:$0x746] =	sst s24;
	(v2sf) =	vpush v3, $0x4;
	s21 =	smulhi.u32 $0x2AAAAAAB, s29;
	s0 =	sshra.s32 s29, $0x1F  }
0x31: {  	s30 =	spop (v2sf);
	s24 =	smul.u32 $0x2AAAAAAB, s0  }
0x32: {  	s13 =	smov.u32 s12;
	(v2sf) =	vpush v3, $0x5;
	s22 =	smulhi.u32 $0x2AAAAAAB, s30;
	s0 =	sshra.s32 s30, $0x1F  }
0x33: {  	v4 =	vld [tilespmem:s13+$0x10];
	s31 =	spop (v2sf);
	(v2sf) =	vpush v3, $0x6;
	s26 =	smul.u32 $0x2AAAAAAB, s0  }
0x34: {  	s25 =	smulhi.u32 $0x2AAAAAAB, s31;
	s0 =	sshra.s32 s31, $0x1F  }
0x35: {  	s2 =	spop (v2sf);
	(v2sf) =	vpush v3, $0x7;
	s29 =	smul.u32 $0x2AAAAAAB, s0  }
0x36: {  	s28 =	smulhi.u32 $0x2AAAAAAB, s2;
	s0 =	sshra.s32 s2, $0x1F  }
0x37: {  	s31 =	smul.u32 $0x2AAAAAAB, s0;
	s3 =	spop (v2sf)  }
0x38: {  	(v2sf) =	vpush v4, $0xD;
	s30 =	smulhi.u32 $0x2AAAAAAB, s3;
	s0 =	sshra.s32 s3, $0x1F  }
0x39: {  	s4 =	spop (v2sf);
	s10 =	smul.u32 $0x2AAAAAAB, s0  }
0x3a: {  	s5 =	smulhi.u32 $0x2AAAAAAB, s4;
	s0 =	sshra.s32 s4, $0x1F  }
0x3b: {  	(v2sf) =	vpush v4, $0xC;
	s7 =	spop (v2sf);
	s9 =	smul.u32 $0x2AAAAAAB, s0  }
0x3c: {  	s8 =	smulhi.u32 $0x2AAAAAAB, s7;
	s0 =	sshra.s32 s7, $0x1F  }
0x3d: {  	s11 =	spop (v2sf);
	s4 =	smul.u32 $0x2AAAAAAB, s0  }
0x3e: {  	(v2sf) =	vpush v4, $0xE;
	[smem:$0x747] =	sst s5;
	s12 =	smulhi.u32 $0x2AAAAAAB, s11;
	s0 =	sshra.s32 s11, $0x1F  }
0x3f: {  	s6 =	smov.u32 s13;
	s13 =	spop (v2sf);
	s2 =	smul.u32 $0x2AAAAAAB, s0  }
0x40: {  	[smem:$0x748] =	sst s8;
	s5 =	smulhi.u32 $0x2AAAAAAB, s13  }
0x41: {  	(v2sf) =	vpush v4, $0xF;
	s7 =	spop (v2sf);
	[smem:$0x749] =	sst s12  }
0x42: {  	s0 =	sshra.s32 s13, $0x1F;
	s8 =	smulhi.u32 $0x2AAAAAAB, s7;
	s11 =	spop (v2sf)  }
0x43: {  	[smem:$0x74A] =	sst s5;
	s5 =	smul.u32 $0x2AAAAAAB, s0  }
0x44: {  	(v2sf) =	vpush v4, $0x9;
	s0 =	sshra.s32 s7, $0x1F;
	s12 =	smulhi.u32 $0x2AAAAAAB, s11;
	s13 =	spop (v2sf)  }
0x45: {  	[smem:$0x74B] =	sst s8;
	s8 =	smul.u32 $0x2AAAAAAB, s0  }
0x46: {  	s0 =	sshra.s32 s11, $0x1F;
	s11 =	smulhi.u32 $0x2AAAAAAB, s13  }
0x47: {  	(v2sf) =	vpush v4, $0x8;
	[smem:$0x74C] =	sst s12;
	s12 =	spop (v2sf)  }
0x48: {  	s7 =	smul.u32 $0x2AAAAAAB, s0;
	s3 =	sshra.s32 s12, $0x1F  }
0x49: {  	[smem:$0x74D] =	sst s11;
	s3 =	smul.u32 $0x2AAAAAAB, s3  }
0x4a: {  	(v2sf) =	vpush v4, $0xA;
	s0 =	sshra.s32 s13, $0x1F;
	s11 =	smulhi.u32 $0x2AAAAAAB, s12;
	s13 =	spop (v2sf)  }
0x4b: {  	s12 =	smulhi.u32 $0x2AAAAAAB, s13;
	[smem:$0x74F] =	sst s3;
	s3 =	sshra.s32 s13, $0x1F  }
0x4c: {  	s3 =	smul.u32 $0x2AAAAAAB, s3  }
0x4d: {  	(v2sf) =	vpush v4, $0xB;
	[smem:$0x74E] =	sst s11;
	s13 =	spop (v2sf)  }
0x4e: {  	[smem:$0x751] =	sst s3;
	s3 =	sshra.s32 s13, $0x1F  }
0x4f: {  	[smem:$0x750] =	sst s12;
	s3 =	smul.u32 $0x2AAAAAAB, s3  }
0x50: {  	(v2sf) =	vpush v4, $0x0;
	s12 =	smulhi.u32 $0x2AAAAAAB, s13;
	s13 =	spop (v2sf)  }
0x51: {  	[smem:$0x753] =	sst s3;
	s3 =	sshra.s32 s13, $0x1F  }
0x52: {  	(v2sf) =	vpush v4, $0x1;
	[smem:$0x752] =	sst s12;
	s3 =	smul.u32 $0x2AAAAAAB, s3  }
0x53: {  	s12 =	smulhi.u32 $0x2AAAAAAB, s13;
	s13 =	spop (v2sf)  }
0x54: {  	(v2sf) =	vpush v4, $0x2;
	[smem:$0x755] =	sst s3;
	s3 =	sshra.s32 s13, $0x1F  }
0x55: {  	[smem:$0x754] =	sst s12;
	s3 =	smul.u32 $0x2AAAAAAB, s3  }
0x56: {  	s12 =	smulhi.u32 $0x2AAAAAAB, s13;
	s13 =	spop (v2sf)  }
0x57: {  	[smem:$0x757] =	sst s3;
	s3 =	sshra.s32 s13, $0x1F  }
0x58: {  	(v2sf) =	vpush v4, $0x3;
	[smem:$0x756] =	sst s12;
	s3 =	smul.u32 $0x2AAAAAAB, s3  }
0x59: {  	s12 =	smulhi.u32 $0x2AAAAAAB, s13;
	s13 =	spop (v2sf)  }
0x5a: {  	s11 =	smulhi.u32 $0x2AAAAAAB, s13;
	[smem:$0x759] =	sst s3;
	s3 =	sshra.s32 s13, $0x1F  }
0x5b: {  	s3 =	smul.u32 $0x2AAAAAAB, s3  }
0x5c: {  	(v2sf) =	vpush v4, $0x4;
	[smem:$0x75A] =	sst s11;
	s13 =	spop (v2sf)  }
0x5d: {  	s11 =	smulhi.u32 $0x2AAAAAAB, s13;
	[smem:$0x75B] =	sst s3;
	s3 =	sshra.s32 s13, $0x1F  }
0x5e: {  	[smem:$0x758] =	sst s12;
	s3 =	smul.u32 $0x2AAAAAAB, s3  }
0x5f: {  	[smem:$0x75C] =	sst s11;
	s13 =	spop (v2sf)  }
0x60: {  	(v2sf) =	vpush v4, $0x5;
	s11 =	smulhi.u32 $0x2AAAAAAB, s13;
	[smem:$0x75D] =	sst s3;
	s3 =	sshra.s32 s13, $0x1F  }
0x61: {  	v5 =	vld [tilespmem:s6+$0x20];
	s12 =	smov.u32 s6;
	s6 =	smul.u32 $0x2AAAAAAB, s3;
	s3 =	spop (v2sf)  }
0x62: {  	s13 =	smulhi.u32 $0x2AAAAAAB, s3  }
0x63: {  	[smem:$0x75E] =	sst s11;
	s11 =	spop (v2sf)  }
0x64: {  	(v2sf) =	vpush v4, $0x6;
	[smem:$0x75F] =	sst s13;
	s13 =	smulhi.u32 $0x2AAAAAAB, s11;
	s11 =	sshra.s32 s11, $0x1F  }
0x65: {  	s11 =	smul.u32 $0x2AAAAAAB, s11;
	_ =	sdelay $0x1  }
0x66: {  	[smem:$0x761] =	sst s11;
	s11 =	spop (v2sf)  }
0x67: {  	(v2sf) =	vpush v4, $0x7;
	[smem:$0x760] =	sst s13;
	s13 =	smulhi.u32 $0x2AAAAAAB, s11;
	s11 =	sshra.s32 s11, $0x1F  }
0x68: {  	s11 =	smul.u32 $0x2AAAAAAB, s11;
	_ =	sdelay $0x1  }
0x69: {  	[smem:$0x763] =	sst s11;
	s11 =	spop (v2sf)  }
0x6a: {  	(v2sf) =	vpush v5, $0xD;
	[smem:$0x762] =	sst s13;
	s13 =	smulhi.u32 $0x2AAAAAAB, s11;
	s11 =	sshra.s32 s11, $0x1F  }
0x6b: {  	s11 =	smul.u32 $0x2AAAAAAB, s11;
	_ =	sdelay $0x1  }
0x6c: {  	[smem:$0x765] =	sst s11;
	s11 =	spop (v2sf)  }
0x6d: {  	(v2sf) =	vpush v5, $0xC;
	[smem:$0x764] =	sst s13;
	s13 =	smulhi.u32 $0x2AAAAAAB, s11;
	s11 =	sshra.s32 s11, $0x1F  }
0x6e: {  	s11 =	smul.u32 $0x2AAAAAAB, s11;
	_ =	sdelay $0x1  }
0x6f: {  	[smem:$0x767] =	sst s11;
	s11 =	spop (v2sf)  }
0x70: {  	(v2sf) =	vpush v5, $0xE;
	[smem:$0x766] =	sst s13;
	s13 =	smulhi.u32 $0x2AAAAAAB, s11;
	s11 =	sshra.s32 s11, $0x1F  }
0x71: {  	s11 =	smul.u32 $0x2AAAAAAB, s11;
	_ =	sdelay $0x1  }
0x72: {  	[smem:$0x769] =	sst s11;
	s11 =	spop (v2sf)  }
0x73: {  	(v2sf) =	vpush v5, $0xF;
	[smem:$0x768] =	sst s13;
	s13 =	smulhi.u32 $0x2AAAAAAB, s11;
	s11 =	sshra.s32 s11, $0x1F  }
0x74: {  	s11 =	smul.u32 $0x2AAAAAAB, s11;
	_ =	sdelay $0x1  }
0x75: {  	[smem:$0x76B] =	sst s11;
	s11 =	spop (v2sf)  }
0x76: {  	(v2sf) =	vpush v5, $0x9;
	[smem:$0x76A] =	sst s13;
	s13 =	smulhi.u32 $0x2AAAAAAB, s11;
	s11 =	sshra.s32 s11, $0x1F  }
0x77: {  	s11 =	smul.u32 $0x2AAAAAAB, s11;
	_ =	sdelay $0x1  }
0x78: {  	[smem:$0x76D] =	sst s11;
	s11 =	spop (v2sf)  }
0x79: {  	(v2sf) =	vpush v5, $0x8;
	[smem:$0x76C] =	sst s13;
	s13 =	smulhi.u32 $0x2AAAAAAB, s11;
	s11 =	sshra.s32 s11, $0x1F  }
0x7a: {  	s11 =	smul.u32 $0x2AAAAAAB, s11;
	_ =	sdelay $0x1  }
0x7b: {  	[smem:$0x76F] =	sst s11;
	s11 =	spop (v2sf)  }
0x7c: {  	(v2sf) =	vpush v5, $0xA;
	[smem:$0x76E] =	sst s13;
	s13 =	smulhi.u32 $0x2AAAAAAB, s11;
	s11 =	sshra.s32 s11, $0x1F  }
0x7d: {  	s11 =	smul.u32 $0x2AAAAAAB, s11;
	_ =	sdelay $0x1  }
0x7e: {  	[smem:$0x771] =	sst s11;
	s11 =	spop (v2sf)  }
0x7f: {  	(v2sf) =	vpush v5, $0xB;
	[smem:$0x770] =	sst s13;
	s13 =	smulhi.u32 $0x2AAAAAAB, s11;
	s11 =	sshra.s32 s11, $0x1F  }
0x80: {  	s11 =	smul.u32 $0x2AAAAAAB, s11;
	_ =	sdelay $0x1  }
0x81: {  	[smem:$0x773] =	sst s11;
	s11 =	spop (v2sf)  }
0x82: {  	(v2sf) =	vpush v5, $0x0;
	[smem:$0x772] =	sst s13;
	s13 =	smulhi.u32 $0x2AAAAAAB, s11;
	s11 =	sshra.s32 s11, $0x1F  }
0x83: {  	s11 =	smul.u32 $0x2AAAAAAB, s11;
	_ =	sdelay $0x1  }
0x84: {  	[smem:$0x775] =	sst s11;
	s11 =	spop (v2sf)  }
0x85: {  	(v2sf) =	vpush v5, $0x1;
	[smem:$0x774] =	sst s13;
	s13 =	smulhi.u32 $0x2AAAAAAB, s11;
	s11 =	sshra.s32 s11, $0x1F  }
0x86: {  	s11 =	smul.u32 $0x2AAAAAAB, s11;
	_ =	sdelay $0x1  }
0x87: {  	[smem:$0x777] =	sst s11;
	s11 =	spop (v2sf)  }
0x88: {  	(v2sf) =	vpush v5, $0x2;
	[smem:$0x776] =	sst s13;
	s13 =	smulhi.u32 $0x2AAAAAAB, s11;
	s11 =	sshra.s32 s11, $0x1F  }
0x89: {  	s11 =	smul.u32 $0x2AAAAAAB, s11;
	_ =	sdelay $0x1  }
0x8a: {  	[smem:$0x779] =	sst s11;
	s11 =	spop (v2sf)  }
0x8b: {  	(v2sf) =	vpush v5, $0x3;
	[smem:$0x778] =	sst s13;
	s13 =	smulhi.u32 $0x2AAAAAAB, s11;
	s11 =	sshra.s32 s11, $0x1F  }
0x8c: {  	s11 =	smul.u32 $0x2AAAAAAB, s11;
	_ =	sdelay $0x1  }
0x8d: {  	[smem:$0x77B] =	sst s11;
	s11 =	spop (v2sf)  }
0x8e: {  	(v2sf) =	vpush v5, $0x4;
	[smem:$0x77A] =	sst s13;
	s13 =	smulhi.u32 $0x2AAAAAAB, s11;
	s11 =	sshra.s32 s11, $0x1F  }
0x8f: {  	s11 =	smul.u32 $0x2AAAAAAB, s11;
	_ =	sdelay $0x1  }
0x90: {  	[smem:$0x77D] =	sst s11;
	s11 =	spop (v2sf)  }
0x91: {  	(v2sf) =	vpush v5, $0x5;
	[smem:$0x77C] =	sst s13;
	s13 =	smulhi.u32 $0x2AAAAAAB, s11;
	s11 =	sshra.s32 s11, $0x1F  }
0x92: {  	s11 =	smul.u32 $0x2AAAAAAB, s11;
	_ =	sdelay $0x1  }
0x93: {  	[smem:$0x77F] =	sst s11;
	s11 =	spop (v2sf)  }
0x94: {  	(v2sf) =	vpush v5, $0x6;
	[smem:$0x77E] =	sst s13;
	s13 =	smulhi.u32 $0x2AAAAAAB, s11;
	s11 =	sshra.s32 s11, $0x1F  }
0x95: {  	s11 =	smul.u32 $0x2AAAAAAB, s11;
	_ =	sdelay $0x1  }
0x96: {  	[smem:$0x781] =	sst s11;
	s11 =	spop (v2sf)  }
0x97: {  	[smem:$0x780] =	sst s13;
	s13 =	smulhi.u32 $0x2AAAAAAB, s11;
	s11 =	sshra.s32 s11, $0x1F  }
0x98: {  	s11 =	smul.u32 $0x2AAAAAAB, s11;
	_ =	sdelay $0x1  }
0x99: {  	[smem:$0x783] =	sst s11;
	s11 =	spop (v2sf)  }
0x9a: {  	v6 =	vld [tilespmem:s12+$0x30];
	[smem:$0x782] =	sst s13;
	s13 =	smulhi.u32 $0x2AAAAAAB, s11;
	s11 =	sshra.s32 s11, $0x1F  }
0x9b: {  	s11 =	smul.u32 $0x2AAAAAAB, s11  }
0x9c: {  	(v2sf) =	vpush v5, $0x7  }
0x9d: {  	[smem:$0x785] =	sst s11;
	s11 =	spop (v2sf)  }
0x9e: {  	[smem:$0x784] =	sst s13;
	s13 =	smulhi.u32 $0x2AAAAAAB, s11;
	s11 =	sshra.s32 s11, $0x1F  }
0x9f: {  	(v2sf) =	vpush v6, $0xD;
	s11 =	smul.u32 $0x2AAAAAAB, s11  }
0xa0: {  	(v2sf) =	vpush v6, $0xC  }
0xa1: {  	(v2sf) =	vpush v6, $0xE;
	[smem:$0x787] =	sst s11;
	s11 =	spop (v2sf)  }
0xa2: {  	(v2sf) =	vpush v6, $0xF;
	[smem:$0x786] =	sst s13;
	s13 =	smulhi.u32 $0x2AAAAAAB, s11;
	s11 =	sshra.s32 s11, $0x1F  }
0xa3: {  	(v2sf) =	vpush v6, $0x9;
	s11 =	smul.u32 $0x2AAAAAAB, s11  }
0xa4: {  	(v2sf) =	vpush v6, $0x8;
	[smem:$0x788] =	sst s13  }
0xa5: {  	s14 =	sadd.s32 s18, s14;
	(v2sf) =	vpush v6, $0xA;
	[smem:$0x789] =	sst s11  }
0xa6: {  	s18 =	sadd.s32 s20, s17;
	[smem:$0x7B5] =	sst s14  }
0xa7: {  	s20 =	sadd.s32 s23, s19;
	[smem:$0x7B8] =	sst s18  }
0xa8: {  	s21 =	sadd.s32 s24, s21;
	[smem:$0x7B9] =	sst s20  }
0xa9: {  	s24 =	sadd.s32 s26, s22;
	[smem:$0x7BD] =	sst s21  }
0xaa: {  	s26 =	sadd.s32 s29, s25;
	s22 =	sadd.s32 s31, s28;
	[smem:$0x7BB] =	sst s24  }
0xab: {  	s10 =	sadd.s32 s10, s30;
	[smem:$0x7BF] =	sst s26;
	s11 =	spop (v2sf)  }
0xac: {  	[smem:$0x7C1] =	sst s22;
	s13 =	smulhi.u32 $0x2AAAAAAB, s11;
	s11 =	sshra.s32 s11, $0x1F  }
0xad: {  	[smem:$0x7B4] =	sst s10;
	s11 =	smul.u32 $0x2AAAAAAB, s11  }
0xae: {  	s25 =	sld [smem:$0x747]  }
0xaf: {  	[smem:$0x78B] =	sst s11;
	s11 =	spop (v2sf)  }
0xb0: {  	[smem:$0x78A] =	sst s13;
	s13 =	smulhi.u32 $0x2AAAAAAB, s11;
	s11 =	sshra.s32 s11, $0x1F  }
0xb1: {  	s28 =	sld [smem:$0x748];
	s11 =	smul.u32 $0x2AAAAAAB, s11  }
0xb2: {  	s30 =	sld [smem:$0x749]  }
0xb3: {  	[smem:$0x78D] =	sst s11;
	s11 =	spop (v2sf)  }
0xb4: {  	[smem:$0x78C] =	sst s13;
	s13 =	smulhi.u32 $0x2AAAAAAB, s11;
	s11 =	sshra.s32 s11, $0x1F  }
0xb5: {  	s22 =	sld [smem:$0x74A];
	s11 =	smul.u32 $0x2AAAAAAB, s11  }
0xb6: {  	s9 =	sadd.s32 s9, s25;
	s25 =	sld [smem:$0x74C]  }
0xb7: {  	[smem:$0x78F] =	sst s11;
	s11 =	spop (v2sf)  }
0xb8: {  	[smem:$0x78E] =	sst s13;
	s13 =	smulhi.u32 $0x2AAAAAAB, s11;
	s11 =	sshra.s32 s11, $0x1F  }
0xb9: {  	(v2sf) =	vpush v6, $0xB;
	s4 =	sadd.s32 s4, s28;
	s28 =	sld [smem:$0x74D];
	s11 =	smul.u32 $0x2AAAAAAB, s11  }
0xba: {  	s2 =	sadd.s32 s2, s30;
	s30 =	sld [smem:$0x74E]  }
0xbb: {  	(v2sf) =	vpush v6, $0x0;
	[smem:$0x791] =	sst s11;
	s11 =	spop (v2sf)  }
0xbc: {  	[smem:$0x790] =	sst s13;
	s13 =	smulhi.u32 $0x2AAAAAAB, s11  }
0xbd: {  	[smem:$0x7B7] =	sst s9  }
0xbe: {  	(v2sf) =	vpush v6, $0x1;
	[smem:$0x792] =	sst s13  }
0xbf: {  	s13 =	sld [smem:$0x746]  }
0xc0: {  	s0 =	smul.u32 $0x2AAAAAAB, s0;
	[smem:$0x7BA] =	sst s4  }
0xc1: {  	[smem:$0x7BC] =	sst s2;
	s4 =	sadd.s32 s5, s22;
	s11 =	sshra.s32 s11, $0x1F  }
0xc2: {  	(v2sf) =	vpush v6, $0x2;
	s13 =	sadd.s32 s16, s13;
	s16 =	smul.u32 $0x2AAAAAAB, s11;
	s11 =	spop (v2sf)  }
0xc3: {  	[smem:$0x7BE] =	sst s4;
	s14 =	smulhi.u32 $0x2AAAAAAB, s11;
	s11 =	sshra.s32 s11, $0x1F  }
0xc4: {  	s0 =	sadd.s32 s0, s28;
	(v2sf) =	vpush v6, $0x3;
	s17 =	smul.u32 $0x2AAAAAAB, s11;
	s11 =	spop (v2sf)  }
0xc5: {  	s28 =	sld [smem:$0x753];
	s18 =	smulhi.u32 $0x2AAAAAAB, s11;
	s11 =	sshra.s32 s11, $0x1F  }
0xc6: {  	s23 =	spop (v2sf);
	s19 =	smul.u32 $0x2AAAAAAB, s11  }
0xc7: {  	[smem:$0x7B3] =	sst s0;
	s20 =	smulhi.u32 $0x2AAAAAAB, s23;
	s11 =	sshra.s32 s23, $0x1F  }
0xc8: {  	s29 =	spop (v2sf);
	s21 =	smul.u32 $0x2AAAAAAB, s11  }
0xc9: {  	[smem:$0x7B6] =	sst s13;
	s13 =	smulhi.u32 $0x2AAAAAAB, s29;
	s11 =	sshra.s32 s29, $0x1F  }
0xca: {  	s14 =	sadd.s32 s17, s14;
	s24 =	spop (v2sf);
	s23 =	smul.u32 $0x2AAAAAAB, s11  }
0xcb: {  	[smem:$0x7EE] =	sst s14;
	s11 =	smulhi.u32 $0x2AAAAAAB, s24  }
0xcc: {  	s26 =	sshra.s32 s24, $0x1F;
	s24 =	sld [smem:$0x74B];
	s17 =	sadd.s32 s19, s18  }
0xcd: {  	s29 =	spop (v2sf);
	[smem:$0x7EC] =	sst s17  }
0xce: {  	s10 =	smul.u32 $0x2AAAAAAB, s26;
	s31 =	sshra.s32 s29, $0x1F;
	[smem:$0x793] =	sst s23  }
0xcf: {  	s18 =	sadd.s32 s21, s20;
	s2 =	smul.u32 $0x2AAAAAAB, s31;
	s31 =	sld [smem:$0x74F]  }
0xd0: {  	(v2sf) =	vpush v6, $0x4;
	s9 =	smulhi.u32 $0x2AAAAAAB, s29;
	[smem:$0x7F0] =	sst s18  }
0xd1: {  	s23 =	spop (v2sf);
	s4 =	sadd.s32 s8, s24;
	s24 =	sld [smem:$0x751]  }
0xd2: {  	s5 =	smulhi.u32 $0x2AAAAAAB, s23;
	[smem:$0x794] =	sst s2  }
0xd3: {  	s26 =	spop (v2sf);
	[smem:$0x7C0] =	sst s4  }
0xd4: {  	s2 =	sshra.s32 s23, $0x1F;
	s4 =	sadd.s32 s7, s25;
	s23 =	sld [smem:$0x750]  }
0xd5: {  	(v2sf) =	vpush v6, $0x5;
	s8 =	smulhi.u32 $0x2AAAAAAB, s26;
	s29 =	sshra.s32 s26, $0x1F;
	s26 =	sld [smem:$0x752]  }
0xd6: {  	[smem:$0x7C2] =	sst s4  }
0xd7: {  	s7 =	smul.u32 $0x2AAAAAAB, s2;
	s2 =	sadd.s32 s31, s30;
	s30 =	sld [smem:$0x754]  }
0xd8: {  	s0 =	smul.u32 $0x2AAAAAAB, s29;
	s31 =	sld [smem:$0x755]  }
0xd9: {  	[smem:$0x7C6] =	sst s2  }
0xda: {  	(v2sf) =	vpush v6, $0x6;
	[smem:$0x795] =	sst s0  }
0xdb: {  	s2 =	sadd.s32 s24, s23;
	s23 =	sld [smem:$0x757]  }
0xdc: {  	[smem:$0x7C4] =	sst s2  }
0xdd: {  	s2 =	sadd.s32 s28, s26;
	s26 =	sld [smem:$0x759]  }
0xde: {  	[smem:$0x7C7] =	sst s2  }
0xdf: {  	s22 =	spop (v2sf);
	s2 =	sadd.s32 s31, s30;
	s30 =	sld [smem:$0x75B]  }
0xe0: {  	s25 =	smulhi.u32 $0x2AAAAAAB, s22;
	[smem:$0x7C9] =	sst s2  }
0xe1: {  	s0 =	sshra.s32 s22, $0x1F;
	s22 =	sld [smem:$0x756]  }
0xe2: {  	s0 =	smul.u32 $0x2AAAAAAB, s0;
	[smem:$0x796] =	sst s25  }
0xe3: {  	s25 =	sld [smem:$0x758]  }
0xe4: {  	(v2sf) =	vpush v6, $0x7;
	s29 =	spop (v2sf);
	[smem:$0x797] =	sst s0  }
0xe5: {  	s4 =	smulhi.u32 $0x2AAAAAAB, s29;
	s0 =	sshra.s32 s29, $0x1F;
	s29 =	sld [smem:$0x75A]  }
0xe6: {  	s2 =	sadd.s32 s23, s22;
	s22 =	sld [smem:$0x75C]  }
0xe7: {  	v7 =	vld [tilespmem:s12+$0x40];
	s23 =	sld [smem:$0x75D]  }
0xe8: {  	s14 =	sld [smem:$0x796]  }
0xe9: {  	s24 =	spop (v2sf);
	[smem:$0x798] =	sst s4  }
0xea: {  	s28 =	smulhi.u32 $0x2AAAAAAB, s24;
	[smem:$0x7CC] =	sst s2  }
0xeb: {  	s4 =	sld [smem:$0x763]  }
0xec: {  	(v2sf) =	vpush v7, $0xD;
	[smem:$0x79A] =	sst s28  }
0xed: {  	(v2sf) =	vpush v7, $0xC;
	s0 =	smul.u32 $0x2AAAAAAB, s0;
	s2 =	sadd.s32 s26, s25;
	s25 =	sld [smem:$0x75E]  }
0xee: {  	s28 =	sld [smem:$0x75F]  }
0xef: {  	[smem:$0x799] =	sst s0  }
0xf0: {  	[smem:$0x7CA] =	sst s2  }
0xf1: {  	s2 =	sadd.s32 s30, s29;
	s29 =	sld [smem:$0x760]  }
0xf2: {  	s30 =	sld [smem:$0x761]  }
0xf3: {  	(v2sf) =	vpush v7, $0xE;
	s31 =	spop (v2sf);
	s0 =	sshra.s32 s24, $0x1F;
	[smem:$0x7CE] =	sst s2  }
0xf4: {  	s24 =	smulhi.u32 $0x2AAAAAAB, s31;
	s2 =	sadd.s32 s23, s22;
	s23 =	sld [smem:$0x764]  }
0xf5: {  	[smem:$0x7D0] =	sst s2  }
0xf6: {  	s0 =	smul.u32 $0x2AAAAAAB, s0;
	[smem:$0x79C] =	sst s24  }
0xf7: {  	s3 =	sshra.s32 s3, $0x1F;
	s24 =	sld [smem:$0x765]  }
0xf8: {  	s3 =	smul.u32 $0x2AAAAAAB, s3;
	s2 =	sadd.s32 s6, s25;
	[smem:$0x79B] =	sst s0  }
0xf9: {  	(v2sf) =	vpush v7, $0xF;
	[smem:$0x7C5] =	sst s2  }
0xfa: {  	s2 =	sadd.s32 s3, s28;
	s3 =	sld [smem:$0x762]  }
0xfb: {  	s26 =	spop (v2sf);
	s28 =	sld [smem:$0x767]  }
0xfc: {  	s0 =	sshra.s32 s31, $0x1F;
	s31 =	spop (v2sf);
	[smem:$0x7C8] =	sst s2  }
0xfd: {  	s0 =	smul.u32 $0x2AAAAAAB, s0;
	s2 =	sadd.s32 s30, s29;
	s30 =	sld [smem:$0x768]  }
0xfe: {  	s22 =	smulhi.u32 $0x2AAAAAAB, s31;
	[smem:$0x7CB] =	sst s2  }
0xff: {  	[smem:$0x79D] =	sst s0  }
0x100: {  	[smem:$0x79F] =	sst s22  }
0x101: {  	s6 =	smulhi.u32 $0x2AAAAAAB, s26;
	s0 =	sshra.s32 s26, $0x1F;
	s26 =	sld [smem:$0x766]  }
0x102: {  	s25 =	spop (v2sf);
	s22 =	sld [smem:$0x76A]  }
0x103: {  	(v2sf) =	vpush v7, $0x9;
	s29 =	smulhi.u32 $0x2AAAAAAB, s25;
	s2 =	sadd.s32 s4, s3;
	s3 =	sld [smem:$0x770]  }
0x104: {  	[smem:$0x7CD] =	sst s2  }
0x105: {  	[smem:$0x7A1] =	sst s29  }
0x106: {  	s2 =	sadd.s32 s24, s23;
	s23 =	sld [smem:$0x76B]  }
0x107: {  	s0 =	smul.u32 $0x2AAAAAAB, s0;
	s29 =	sld [smem:$0x76E]  }
0x108: {  	s4 =	spop (v2sf);
	[smem:$0x7CF] =	sst s2  }
0x109: {  	s24 =	smulhi.u32 $0x2AAAAAAB, s4;
	[smem:$0x79E] =	sst s0  }
0x10a: {  	s0 =	sshra.s32 s31, $0x1F;
	s31 =	sld [smem:$0x769]  }
0x10b: {  	(v2sf) =	vpush v7, $0x8;
	[smem:$0x7A3] =	sst s24  }
0x10c: {  	s2 =	sadd.s32 s28, s26;
	s26 =	sld [smem:$0x76D]  }
0x10d: {  	s24 =	sld [smem:$0x773];
	s0 =	smul.u32 $0x2AAAAAAB, s0  }
0x10e: {  	[smem:$0x7D1] =	sst s2  }
0x10f: {  	[smem:$0x7A0] =	sst s0  }
0x110: {  	s0 =	sshra.s32 s25, $0x1F;
	s25 =	sld [smem:$0x76C]  }
0x111: {  	s2 =	sadd.s32 s31, s30;
	s30 =	sld [smem:$0x76F]  }
0x112: {  	s28 =	spop (v2sf);
	[smem:$0x7D2] =	sst s2  }
0x113: {  	s31 =	smulhi.u32 $0x2AAAAAAB, s28;
	s2 =	sadd.s32 s23, s22;
	s23 =	sld [smem:$0x772]  }
0x114: {  	[smem:$0x7C3] =	sst s2  }
0x115: {  	s0 =	smul.u32 $0x2AAAAAAB, s0;
	[smem:$0x7A5] =	sst s31  }
0x116: {  	s31 =	sld [smem:$0x777]  }
0x117: {  	[smem:$0x7A2] =	sst s0  }
0x118: {  	(v2sf) =	vpush v7, $0xA;
	s0 =	sshra.s32 s4, $0x1F;
	s4 =	sld [smem:$0x771]  }
0x119: {  	(v2sf) =	vpush v7, $0xB;
	s2 =	sadd.s32 s26, s25;
	s26 =	sld [smem:$0x774]  }
0x11a: {  	s22 =	spop (v2sf);
	[smem:$0x7D5] =	sst s2  }
0x11b: {  	s25 =	smulhi.u32 $0x2AAAAAAB, s22;
	s2 =	sadd.s32 s30, s29;
	s30 =	sld [smem:$0x776]  }
0x11c: {  	[smem:$0x7D6] =	sst s2  }
0x11d: {  	s0 =	smul.u32 $0x2AAAAAAB, s0;
	[smem:$0x7A7] =	sst s25  }
0x11e: {  	s25 =	sld [smem:$0x77A]  }
0x11f: {  	[smem:$0x7A4] =	sst s0  }
0x120: {  	s0 =	sshra.s32 s28, $0x1F;
	s28 =	sld [smem:$0x775]  }
0x121: {  	s2 =	sadd.s32 s4, s3;
	s4 =	sld [smem:$0x77E]  }
0x122: {  	[smem:$0x7D8] =	sst s2  }
0x123: {  	(v2sf) =	vpush v7, $0x0;
	s2 =	sadd.s32 s24, s23;
	s23 =	sld [smem:$0x779]  }
0x124: {  	s3 =	sadd.s32 s31, s30;
	s30 =	sld [smem:$0x77D]  }
0x125: {  	s0 =	smul.u32 $0x2AAAAAAB, s0;
	[smem:$0x7DA] =	sst s2  }
0x126: {  	[smem:$0x7DC] =	sst s3  }
0x127: {  	s29 =	spop (v2sf);
	[smem:$0x7A6] =	sst s0  }
0x128: {  	s24 =	spop (v2sf);
	s0 =	sshra.s32 s22, $0x1F;
	s22 =	sld [smem:$0x778]  }
0x129: {  	s2 =	sadd.s32 s28, s26;
	s26 =	sld [smem:$0x77B];
	s28 =	smulhi.u32 $0x2AAAAAAB, s24  }
0x12a: {  	(v2sf) =	vpush v7, $0x1;
	[smem:$0x7DE] =	sst s2  }
0x12b: {  	s0 =	smul.u32 $0x2AAAAAAB, s0;
	[smem:$0x7AB] =	sst s28  }
0x12c: {  	v8 =	vld [tilespmem:s12+$0x50];
	s2 =	smov.u32 s12;
	s12 =	smulhi.u32 $0x2AAAAAAB, s29;
	s28 =	sld [smem:$0x783]  }
0x12d: {  	[smem:$0x7A8] =	sst s0  }
0x12e: {  	[smem:$0x7A9] =	sst s12  }
0x12f: {  	s0 =	sshra.s32 s29, $0x1F;
	s29 =	sld [smem:$0x77C]  }
0x130: {  	s12 =	sld [smem:$0x77F]  }
0x131: {  	(v2sf) =	vpush v7, $0x2;
	s3 =	sadd.s32 s23, s22;
	s23 =	sld [smem:$0x780]  }
0x132: {  	s31 =	spop (v2sf);
	[smem:$0x7E0] =	sst s3  }
0x133: {  	s22 =	smulhi.u32 $0x2AAAAAAB, s31;
	s3 =	sadd.s32 s26, s25;
	s26 =	sld [smem:$0x782]  }
0x134: {  	[smem:$0x7E2] =	sst s3  }
0x135: {  	s0 =	smul.u32 $0x2AAAAAAB, s0;
	[smem:$0x7AD] =	sst s22  }
0x136: {  	s22 =	sld [smem:$0x786]  }
0x137: {  	[smem:$0x7AA] =	sst s0  }
0x138: {  	s0 =	sshra.s32 s24, $0x1F;
	s24 =	sld [smem:$0x781]  }
0x139: {  	(v2sf) =	vpush v7, $0x3;
	s25 =	spop (v2sf);
	s3 =	sadd.s32 s30, s29;
	s30 =	sld [smem:$0x784]  }
0x13a: {  	s29 =	smulhi.u32 $0x2AAAAAAB, s25;
	[smem:$0x7D4] =	sst s3;
	s3 =	sadd.s32 s12, s4  }
0x13b: {  	s0 =	smul.u32 $0x2AAAAAAB, s0;
	[smem:$0x7D7] =	sst s3  }
0x13c: {  	[smem:$0x7AF] =	sst s29  }
0x13d: {  	[smem:$0x7AC] =	sst s0  }
0x13e: {  	s0 =	sshra.s32 s31, $0x1F;
	s31 =	sld [smem:$0x785]  }
0x13f: {  	s3 =	sadd.s32 s24, s23;
	s23 =	sld [smem:$0x787]  }
0x140: {  	s12 =	spop (v2sf);
	[smem:$0x7D9] =	sst s3  }
0x141: {  	s24 =	smulhi.u32 $0x2AAAAAAB, s12;
	s3 =	sadd.s32 s28, s26;
	s26 =	sld [smem:$0x789]  }
0x142: {  	s0 =	smul.u32 $0x2AAAAAAB, s0;
	[smem:$0x7DB] =	sst s3  }
0x143: {  	[smem:$0x7B0] =	sst s24  }
0x144: {  	[smem:$0x7AE] =	sst s0  }
0x145: {  	s0 =	sshra.s32 s25, $0x1F;
	s25 =	sld [smem:$0x788]  }
0x146: {  	s3 =	sadd.s32 s31, s30;
	s30 =	sld [smem:$0x78A]  }
0x147: {  	s31 =	sld [smem:$0x78B]  }
0x148: {  	(v2sf) =	vpush v7, $0x4;
	s28 =	spop (v2sf);
	[smem:$0x7DD] =	sst s3  }
0x149: {  	(v2sf) =	vpush v7, $0x5;
	s29 =	smul.u32 $0x2AAAAAAB, s0;
	s3 =	sadd.s32 s23, s22;
	s22 =	sld [smem:$0x78C]  }
0x14a: {  	s0 =	sshra.s32 s12, $0x1F;
	s12 =	smulhi.u32 $0x2AAAAAAB, s28;
	s23 =	sld [smem:$0x78D]  }
0x14b: {  	[smem:$0x7DF] =	sst s3  }
0x14c: {  	[smem:$0x7B2] =	sst s12  }
0x14d: {  	s3 =	sadd.s32 s26, s25;
	s25 =	sld [smem:$0x78E]  }
0x14e: {  	s0 =	smul.u32 $0x2AAAAAAB, s0;
	s12 =	sld [smem:$0x792]  }
0x14f: {  	(v2sf) =	vpush v7, $0x6;
	[smem:$0x7E1] =	sst s3  }
0x150: {  	(v2sf) =	vpush v7, $0x7;
	[smem:$0x7B1] =	sst s0  }
0x151: {  	s0 =	sshra.s32 s28, $0x1F;
	s28 =	sld [smem:$0x78F]  }
0x152: {  	s3 =	sadd.s32 s31, s30;
	s30 =	sld [smem:$0x790]  }
0x153: {  	(v2sf) =	vpush v8, $0xD;
	s31 =	sld [smem:$0x791]  }
0x154: {  	[smem:$0x7D3] =	sst s3;
	s3 =	sadd.s32 s23, s22  }
0x155: {  	(v2sf) =	vpush v8, $0xC;
	[smem:$0x7E3] =	sst s3;
	s3 =	sadd.s32 s28, s25  }
0x156: {  	[smem:$0x7E6] =	sst s3  }
0x157: {  	(v2sf) =	vpush v8, $0xE;
	s24 =	spop (v2sf);
	s3 =	sadd.s32 s31, s30;
	s30 =	sld [smem:$0x793]  }
0x158: {  	s4 =	spop (v2sf);
	s31 =	sadd.s32 s10, s11;
	s10 =	sld [smem:$0x794]  }
0x159: {  	(v2sf) =	vpush v8, $0xF;
	s26 =	smul.u32 $0x2AAAAAAB, s0;
	s11 =	sadd.s32 s7, s5;
	s5 =	sld [smem:$0x798]  }
0x15a: {  	s0 =	sshra.s32 s24, $0x1F;
	s28 =	smulhi.u32 $0x2AAAAAAB, s24;
	s7 =	sld [smem:$0x799]  }
0x15b: {  	s24 =	smul.u32 $0x2AAAAAAB, s0;
	[smem:$0x7E7] =	sst s3  }
0x15c: {  	s25 =	smulhi.u32 $0x2AAAAAAB, s4;
	s0 =	sshra.s32 s4, $0x1F;
	[smem:$0x7E4] =	sst s31  }
0x15d: {  	s22 =	smul.u32 $0x2AAAAAAB, s0;
	s3 =	sadd.s32 s16, s12;
	[smem:$0x7E9] =	sst s11  }
0x15e: {  	s16 =	spop (v2sf);
	s24 =	sadd.s32 s24, s28;
	[smem:$0x7EA] =	sst s3  }
0x15f: {  	s23 =	smulhi.u32 $0x2AAAAAAB, s16;
	s0 =	sshra.s32 s16, $0x1F;
	s19 =	spop (v2sf)  }
0x160: {  	[smem:$0x7FD] =	sst s24;
	s20 =	smul.u32 $0x2AAAAAAB, s0  }
0x161: {  	s3 =	sadd.s32 s30, s13;
	s21 =	smulhi.u32 $0x2AAAAAAB, s19;
	s13 =	sld [smem:$0x795]  }
0x162: {  	s0 =	sshra.s32 s19, $0x1F;
	s4 =	spop (v2sf);
	s30 =	sld [smem:$0x797]  }
0x163: {  	[smem:$0x7F2] =	sst s3;
	s18 =	smul.u32 $0x2AAAAAAB, s0;
	s3 =	sadd.s32 s10, s9  }
0x164: {  	s0 =	sshra.s32 s4, $0x1F;
	s12 =	spop (v2sf);
	s9 =	sld [smem:$0x79B]  }
0x165: {  	[smem:$0x7E8] =	sst s3;
	s16 =	smul.u32 $0x2AAAAAAB, s0  }
0x166: {  	s17 =	smulhi.u32 $0x2AAAAAAB, s12;
	s0 =	sshra.s32 s12, $0x1F;
	s31 =	spop (v2sf)  }
0x167: {  	s3 =	sadd.s32 s13, s8;
	s13 =	smul.u32 $0x2AAAAAAB, s0;
	s8 =	sld [smem:$0x79A]  }
0x168: {  	s0 =	sshra.s32 s31, $0x1F;
	s10 =	spop (v2sf);
	[smem:$0x7EB] =	sst s3  }
0x169: {  	s3 =	sadd.s32 s30, s14;
	s14 =	smulhi.u32 $0x2AAAAAAB, s31;
	s30 =	sld [smem:$0x79C]  }
0x16a: {  	s18 =	sadd.s32 s18, s21;
	s11 =	smul.u32 $0x2AAAAAAB, s0;
	s31 =	sld [smem:$0x79D]  }
0x16b: {  	(v2sf) =	vpush v8, $0x9;
	s12 =	smulhi.u32 $0x2AAAAAAB, s10;
	s0 =	sshra.s32 s10, $0x1F;
	s10 =	sld [smem:$0x7A0]  }
0x16c: {  	s19 =	smulhi.u32 $0x2AAAAAAB, s4;
	[smem:$0x7FB] =	sst s18  }
0x16d: {  	(v2sf) =	vpush v8, $0x8;
	[smem:$0x7ED] =	sst s3  }
0x16e: {  	s16 =	sadd.s32 s16, s19;
	s3 =	sadd.s32 s7, s5;
	s5 =	sld [smem:$0x79E]  }
0x16f: {  	[dreg:$0x1d] =	wrdreg s16  }
0x170: {  	[smem:$0x7EF] =	sst s3  }
0x171: {  	s3 =	sadd.s32 s9, s8;
	s8 =	sld [smem:$0x79F]  }
0x172: {  	(v2sf) =	vpush v8, $0xA;
	[smem:$0x7F1] =	sst s3  }
0x173: {  	s3 =	sadd.s32 s31, s30;
	s30 =	sld [smem:$0x7A1]  }
0x174: {  	s31 =	sld [smem:$0x7A2]  }
0x175: {  	[smem:$0x7E5] =	sst s3  }
0x176: {  	s3 =	sadd.s32 s5, s6;
	s6 =	sld [smem:$0x7A3]  }
0x177: {  	[smem:$0x7F3] =	sst s3  }
0x178: {  	s3 =	sadd.s32 s10, s8;
	s8 =	sld [smem:$0x7A4]  }
0x179: {  	[smem:$0x7F4] =	sst s3  }
0x17a: {  	s7 =	spop (v2sf);
	s3 =	sadd.s32 s31, s30;
	s30 =	sld [smem:$0x7A5]  }
0x17b: {  	s9 =	smul.u32 $0x2AAAAAAB, s0;
	s31 =	sld [smem:$0x7A6]  }
0x17c: {  	s5 =	spop (v2sf);
	[smem:$0x7F6] =	sst s3;
	s3 =	sadd.s32 s8, s6  }
0x17d: {  	s0 =	sshra.s32 s7, $0x1F;
	s10 =	smulhi.u32 $0x2AAAAAAB, s7;
	[smem:$0x7F7] =	sst s3  }
0x17e: {  	s7 =	smul.u32 $0x2AAAAAAB, s0;
	s3 =	sadd.s32 s31, s30;
	s30 =	sld [smem:$0x7A7]  }
0x17f: {  	s0 =	sshra.s32 s5, $0x1F;
	s8 =	smulhi.u32 $0x2AAAAAAB, s5;
	s31 =	sld [smem:$0x7A8]  }
0x180: {  	(v2sf) =	vpush v8, $0xB;
	s6 =	smul.u32 $0x2AAAAAAB, s0;
	[dreg:$0x1f] =	wrdreg s3  }
0x181: {  	s4 =	spop (v2sf);
	s3 =	sld [smem:$0x7A9]  }
0x182: {  	(v2sf) =	vpush v8, $0x0;
	s5 =	smulhi.u32 $0x2AAAAAAB, s4;
	s0 =	sshra.s32 s4, $0x1F;
	s4 =	sld [smem:$0x7AA]  }
0x183: {  	v9 =	vld [tilespmem:s2+$0x60];
	s2 =	sadd.s32 s31, s30;
	s30 =	sld [smem:$0x7AB]  }
0x184: {  	s31 =	sld [smem:$0x7AC]  }
0x185: {  	[smem:$0x7F9] =	sst s2;
	s2 =	sadd.s32 s4, s3  }
0x186: {  	(v2sf) =	vpush v8, $0x1;
	[smem:$0x7FC] =	sst s2  }
0x187: {  	s2 =	sadd.s32 s31, s30;
	s30 =	sld [smem:$0x7AE]  }
0x188: {  	(v2sf) =	vpush v8, $0x2;
	[dreg:$0x1e] =	wrdreg s2  }
0x189: {  	s13 =	sadd.s32 s13, s17;
	s2 =	sld [smem:$0x7AD]  }
0x18a: {  	(v2sf) =	vpush v8, $0x3;
	[dreg:$0x19] =	wrdreg s13;
	s11 =	sadd.s32 s11, s14  }
0x18b: {  	[dreg:$0x1c] =	wrdreg s11  }
0x18c: {  	(v2sf) =	vpush v8, $0x4;
	s9 =	sadd.s32 s9, s12;
	s2 =	sadd.s32 s30, s2;
	s30 =	sld [smem:$0x7AF]  }
0x18d: {  	[dreg:$0x1a] =	wrdreg s9  }
0x18e: {  	(v2sf) =	vpush v8, $0x5;
	s4 =	smul.u32 $0x2AAAAAAB, s0;
	[smem:$0x7F5] =	sst s2  }
0x18f: {  	s0 =	spop (v2sf);
	s31 =	sadd.s32 s29, s30;
	s29 =	sld [smem:$0x7B0]  }
0x190: {  	(v2sf) =	vpush v8, $0x6;
	s3 =	smulhi.u32 $0x2AAAAAAB, s0;
	s0 =	sshra.s32 s0, $0x1F;
	s30 =	sld [smem:$0x7B1]  }
0x191: {  	s2 =	smul.u32 $0x2AAAAAAB, s0;
	s0 =	spop (v2sf)  }
0x192: {  	s7 =	sadd.s32 s7, s10;
	(v2sf) =	vpush v8, $0x7;
	[smem:$0x7F8] =	sst s31;
	s31 =	smulhi.u32 $0x2AAAAAAB, s0  }
0x193: {  	s0 =	sshra.s32 s0, $0x1F;
	s29 =	sadd.s32 s30, s29;
	s30 =	sld [smem:$0x7B2]  }
0x194: {  	[dreg:$0x17] =	wrdreg s7;
	(v2sf) =	vpush v9, $0xD;
	s0 =	smul.u32 $0x2AAAAAAB, s0  }
0x195: {  	[smem:$0x7FA] =	sst s29;
	s29 =	spop (v2sf)  }
0x196: {  	(v2sf) =	vpush v9, $0xC;
	s30 =	sadd.s32 s26, s30;
	s26 =	smulhi.u32 $0x2AAAAAAB, s29;
	s29 =	sshra.s32 s29, $0x1F  }
0x197: {  	s4 =	sadd.s32 s4, s5;
	s28 =	spop (v2sf);
	s24 =	smul.u32 $0x2AAAAAAB, s29  }
0x198: {  	(v2sf) =	vpush v9, $0xE;
	s29 =	sadd.s32 s22, s25;
	s22 =	smulhi.u32 $0x2AAAAAAB, s28;
	s25 =	sshra.s32 s28, $0x1F  }
0x199: {  	s28 =	sadd.s32 s20, s23;
	s20 =	smul.u32 $0x2AAAAAAB, s25;
	s25 =	spop (v2sf)  }
0x19a: {  	[dreg:$0x18] =	wrdreg s4;
	s18 =	smulhi.u32 $0x2AAAAAAB, s25;
	s23 =	sshra.s32 s25, $0x1F  }
0x19b: {  	s2 =	sadd.s32 s2, s3;
	(v2sf) =	vpush v9, $0xF;
	s25 =	spop (v2sf);
	s16 =	smul.u32 $0x2AAAAAAB, s23  }
0x19c: {  	[dreg:$0x15] =	wrdreg s2;
	(v2sf) =	vpush v9, $0x9;
	s13 =	smulhi.u32 $0x2AAAAAAB, s25;
	s19 =	sshra.s32 s25, $0x1F  }
0x19d: {  	s0 =	sadd.s32 s0, s31;
	s21 =	spop (v2sf);
	s11 =	smul.u32 $0x2AAAAAAB, s19  }
0x19e: {  	[dreg:$0x16] =	wrdreg s0;
	s9 =	smulhi.u32 $0x2AAAAAAB, s21;
	s23 =	sshra.s32 s21, $0x1F  }
0x19f: {  	(v2sf) =	vpush v9, $0x8;
	s25 =	spop (v2sf);
	s7 =	smul.u32 $0x2AAAAAAB, s23  }
0x1a0: {  	s19 =	sadd.s32 s6, s8;
	s6 =	smulhi.u32 $0x2AAAAAAB, s25;
	s12 =	sshra.s32 s25, $0x1F  }
0x1a1: {  	(v2sf) =	vpush v9, $0xA;
	s23 =	spop (v2sf);
	s14 =	smul.u32 $0x2AAAAAAB, s12  }
0x1a2: {  	s20 =	sadd.s32 s20, s22;
	s2 =	smulhi.u32 $0x2AAAAAAB, s23;
	s25 =	sshra.s32 s23, $0x1F  }
0x1a3: {  	s21 =	sadd.s32 s16, s18;
	s8 =	spop (v2sf);
	s5 =	smul.u32 $0x2AAAAAAB, s25  }
0x1a4: {  	s23 =	sadd.s32 s24, s26;
	s10 =	smulhi.u32 $0x2AAAAAAB, s8;
	s3 =	sshra.s32 s8, $0x1F  }
0x1a5: {  	s25 =	sadd.s32 s11, s13;
	s3 =	smul.u32 $0x2AAAAAAB, s3;
	s17 =	spop (v2sf)  }
0x1a6: {  	s24 =	sadd.s32 s7, s9;
	s22 =	smulhi.u32 $0x2AAAAAAB, s17;
	s8 =	sshra.s32 s17, $0x1F  }
0x1a7: {  	s3 =	sadd.s32 s3, s10;
	s31 =	spop (v2sf);
	s8 =	smul.u32 $0x2AAAAAAB, s8  }
0x1a8: {  	s26 =	sadd.s32 s14, s6;
	[dreg:$0x13] =	wrdreg s3;
	s7 =	smulhi.u32 $0x2AAAAAAB, s31  }
0x1a9: {  	s12 =	sshra.s32 s31, $0x1F;
	s31 =	sadd.s32 s5, s2;
	s5 =	sld [smem:$0x7B6]  }
0x1aa: {  	s13 =	smul.u32 $0x2AAAAAAB, s12;
	s14 =	spop (v2sf);
	s22 =	sadd.s32 s8, s22  }
0x1ab: {  	s16 =	smulhi.u32 $0x2AAAAAAB, s14;
	s17 =	sshra.s32 s14, $0x1F;
	s18 =	spop (v2sf)  }
0x1ac: {  	[dreg:$0x14] =	wrdreg s22;
	s4 =	sadd.s32 s13, s7;
	s2 =	smul.u32 $0x2AAAAAAB, s17  }
0x1ad: {  	s6 =	smulhi.u32 $0x2AAAAAAB, s18;
	[dreg:$0x11] =	wrdreg s4  }
0x1ae: {  	s3 =	sshra.s32 s18, $0x1F;
	s8 =	spop (v2sf);
	s17 =	sld [smem:$0x7B4]  }
0x1af: {  	s4 =	sld [smem:$0x7B9];
	s3 =	smul.u32 $0x2AAAAAAB, s3  }
0x1b0: {  	s9 =	smulhi.u32 $0x2AAAAAAB, s8;
	s10 =	sshra.s32 s8, $0x1F;
	s11 =	spop (v2sf)  }
0x1b1: {  	s0 =	sadd.s32 s2, s16;
	s2 =	smul.u32 $0x2AAAAAAB, s10;
	s16 =	sld [smem:$0x7B3]  }
0x1b2: {  	s8 =	sld [smem:$0x7B7];
	s12 =	smulhi.u32 $0x2AAAAAAB, s11  }
0x1b3: {  	[dreg:$0x12] =	wrdreg s0;
	s3 =	sadd.s32 s3, s6;
	s18 =	sshra.s32 s17, $0x6  }
0x1b4: {  	s22 =	sshrl.u32 s17, $0x1F;
	[dreg:$0xf] =	wrdreg s3;
	s13 =	sshra.s32 s16, $0x1F  }
0x1b5: {  	vm12 =	vcmask $0x300;
	s3 =	sshra.s32 s11, $0x1F;
	s0 =	sadd.s32 s2, s9;
	s9 =	sld [smem:$0x7B5];
	v10 =	vmov s13  }
0x1b6: {  	vm9 =	vcmask $0x704;
	s14 =	smul.u32 $0x2AAAAAAB, s3;
	s3 =	sshra.s32 s17, $0x1F;
	s17 =	sld [smem:$0x7BA];
	v10 =	vsel vm12, s18, v10  }
0x1b7: {  	vm1 =	vcmask $0xB08;
	vm13 =	vcmask $0xF0C;
	s7 =	sshrl.u32 s5, $0x1F;
	s10 =	sshra.s32 s8, $0x6;
	[dreg:$0x1b] =	wrdreg s0;
	v10 =	vsel vm9, s3, v10  }
0x1b8: {  	vm10 =	vcmask $0x1714;
	v12 =	vmov s22;
	s6 =	sshrl.u32 s9, $0x1F;
	s0 =	sadd.s32 s14, s12;
	s12 =	sshra.s32 s8, $0x1F;
	v10 =	vsel vm1, s10, v10  }
0x1b9: {  	s11 =	sshrl.u32 s8, $0x1F;
	v12 =	vnsel vm12, $0x0, v12;
	v11 =	vmov s6;
	s6 =	sld [smem:$0x7B8];
	s22 =	sshra.s32 s17, $0x6;
	v10 =	vsel vm13, s12, v10  }
0x1ba: {  	v12 =	vsel vm1, s11, v12;
	s11 =	sld [smem:$0x7BB];
	v11 =	vsel vm1, s7, v11;
	s7 =	sshra.s32 s17, $0x1F;
	v10 =	vsel vm2, s22, v10  }
0x1bb: {  	v10 =	vsel vm10, s7, v10;
	s7 =	sld [smem:$0x7BD]  }
0x1bc: {  	s13 =	sshrl.u32 s6, $0x1F  }
0x1bd: {  	s14 =	sshrl.u32 s4, $0x1F;
	s8 =	sshrl.u32 s11, $0x1F;
	s10 =	sld [smem:$0x7BC];
	v11 =	vsel vm2, s13, v11  }
0x1be: {  	v13 =	vmov s8;
	v11 =	vsel vm4, s14, v11;
	s14 =	sld [smem:$0x7BE];
	s13 =	sshrl.u32 s7, $0x1F  }
0x1bf: {  	s18 =	sshrl.u32 s17, $0x1F;
	v13 =	vsel vm1, s13, v13;
	s13 =	sld [smem:$0x7C0]  }
0x1c0: {  	v12 =	vsel vm2, s18, v12;
	s12 =	sshrl.u32 s10, $0x1F;
	s18 =	sshra.s32 s10, $0x6  }
0x1c1: {  	s22 =	sshra.s32 s10, $0x1F;
	s10 =	sld [smem:$0x7BF];
	v12 =	vsel vm4, s12, v12;
	s17 =	sshrl.u32 s14, $0x1F  }
0x1c2: {  	v12 =	vsel vm5, s17, v12;
	s12 =	sshrl.u32 s13, $0x1F  }
0x1c3: {  	v12 =	vsel vm6, s12, v12;
	s12 =	sld [smem:$0x7C2]  }
0x1c4: {  	s8 =	sshrl.u32 s10, $0x1F  }
0x1c5: {  	vm11 =	vcmask $0x1F1C;
	v10 =	vsel vm4, s18, v10;
	v13 =	vsel vm2, s8, v13;
	s8 =	sld [smem:$0x7C1]  }
0x1c6: {  	v10 =	vsel vm11, s22, v10;
	s22 =	sshra.s32 s14, $0x6;
	s18 =	sshrl.u32 s12, $0x1F  }
0x1c7: {  	vm0 =	vcmask $0x2724;
	v10 =	vsel vm5, s22, v10;
	v12 =	vsel vm7, s18, v12;
	s18 =	sshra.s32 s14, $0x1F  }
0x1c8: {  	s17 =	sshrl.u32 s8, $0x1F;
	s14 =	sshra.s32 s13, $0x6;
	v10 =	vsel vm0, s18, v10  }
0x1c9: {  	s11 =	sshra.s32 s11, $0x6;
	v13 =	vsel vm4, s17, v13;
	s17 =	sshra.s32 s9, $0x6;
	v10 =	vsel vm6, s14, v10;
	s14 =	sld [smem:$0x7C3]  }
0x1ca: {  	s22 =	sshrl.u32 s16, $0x1F;
	s9 =	sshra.s32 s5, $0x6;
	s5 =	sshra.s32 s4, $0x6;
	v14 =	vmov s17  }
0x1cb: {  	v15 =	vmov s11;
	s17 =	sshra.s32 s6, $0x6;
	s6 =	sshra.s32 s10, $0x6;
	v14 =	vsel vm1, s9, v14;
	s18 =	sshra.s32 s7, $0x6  }
0x1cc: {  	v14 =	vsel vm2, s17, v14;
	v12 =	vsel vm8, s22, v12;
	s22 =	sshra.s32 s13, $0x1F;
	s13 =	sld [smem:$0x7C5];
	v15 =	vsel vm1, s18, v15;
	s10 =	sshra.s32 s14, $0x1F  }
0x1cd: {  	v16 =	vsel vm4, s5, v14;
	v14 =	vsel vm2, s6, v15;
	v15 =	vmov s10;
	s10 =	sld [smem:$0x7C4]  }
0x1ce: {  	s8 =	sshra.s32 s8, $0x6;
	s7 =	sshra.s32 s12, $0x6;
	v10 =	vsel vm14, s22, v10;
	s22 =	sld [smem:$0x7C6]  }
0x1cf: {  	s9 =	sshra.s32 s12, $0x1F;
	v10 =	vsel vm7, s7, v10;
	v17 =	vsel vm4, s8, v14;
	s8 =	sld [smem:$0x7C7]  }
0x1d0: {  	s11 =	sshra.s32 s16, $0x6;
	v10 =	vsel vm15, s9, v10;
	s12 =	sshrl.u32 s10, $0x1F  }
0x1d1: {  	s7 =	sld [smem:$0x7C8];
	v14 =	vsel vm8, s11, v10;
	s5 =	sshrl.u32 s22, $0x1F;
	v10 =	vmov s12  }
0x1d2: {  	s16 =	sshra.s32 s13, $0x6;
	s6 =	sshrl.u32 s8, $0x1F;
	v10 =	vsel vm1, s5, v10  }
0x1d3: {  	s18 =	sshra.s32 s13, $0x1F;
	v15 =	vsel vm12, s16, v15;
	v10 =	vsel vm2, s6, v10;
	s6 =	sld [smem:$0x7C9]  }
0x1d4: {  	[dreg:$0x10] =	wrdreg s0;
	s17 =	sshrl.u32 s13, $0x1F;
	s9 =	sshra.s32 s7, $0x6;
	v15 =	vsel vm9, s18, v15  }
0x1d5: {  	v18 =	vmov s17;
	s17 =	sld [smem:$0x7CB];
	v19 =	vsel vm1, s9, v15;
	s12 =	sshra.s32 s7, $0x1F  }
0x1d6: {  	v18 =	vnsel vm12, $0x0, v18;
	s11 =	sshrl.u32 s7, $0x1F;
	v54 =	vsel vm13, s12, v19;
	s12 =	sld [smem:$0x7CD];
	s13 =	sshrl.u32 s6, $0x1F  }
0x1d7: {  	v15 =	vsel vm4, s13, v10;
	v10 =	vsel vm1, s11, v18;
	s11 =	sld [smem:$0x7CA]  }
0x1d8: {  	s18 =	sshrl.u32 s17, $0x1F;
	s5 =	sld [smem:$0x7CC]  }
0x1d9: {  	s0 =	sshra.s32 s22, $0x6;
	s22 =	sshra.s32 s17, $0x6;
	s13 =	sshrl.u32 s12, $0x1F;
	v10 =	vsel vm2, s18, v10  }
0x1da: {  	s7 =	sshra.s32 s17, $0x1F;
	v18 =	vsel vm2, s22, v54;
	v10 =	vsel vm4, s13, v10;
	s13 =	sld [smem:$0x7CF];
	s16 =	sshrl.u32 s11, $0x1F  }
0x1db: {  	s9 =	sshrl.u32 s5, $0x1F;
	v18 =	vsel vm10, s7, v18;
	s7 =	sld [smem:$0x7D0];
	v55 =	vmov s16  }
0x1dc: {  	s22 =	sshra.s32 s12, $0x1F;
	v19 =	vsel vm1, s9, v55;
	s9 =	sld [smem:$0x7CE]  }
0x1dd: {  	s18 =	sshra.s32 s12, $0x6;
	s12 =	sld [smem:$0x7D1];
	s17 =	sshrl.u32 s13, $0x1F  }
0x1de: {  	v10 =	vsel vm5, s17, v10;
	s17 =	sshra.s32 s10, $0x6;
	s10 =	sld [smem:$0x7D2]  }
0x1df: {  	s8 =	sshra.s32 s8, $0x6;
	v20 =	vsel vm4, s18, v18;
	s16 =	sshrl.u32 s9, $0x1F  }
0x1e0: {  	s5 =	sshra.s32 s5, $0x6;
	v56 =	vsel vm11, s22, v20;
	s22 =	sshra.s32 s13, $0x6;
	v19 =	vsel vm2, s16, v19;
	s16 =	sshrl.u32 s12, $0x1F  }
0x1e1: {  	s4 =	sshrl.u32 s7, $0x1F;
	s13 =	sshra.s32 s13, $0x1F;
	v21 =	vsel vm5, s22, v56;
	v57 =	vmov s17;
	s18 =	sshrl.u32 s10, $0x1F;
	v10 =	vsel vm6, s16, v10  }
0x1e2: {  	v58 =	vsel vm0, s13, v21;
	s13 =	sld [smem:$0x7D3];
	v18 =	vsel vm4, s4, v19;
	s16 =	sshrl.u32 s14, $0x1F;
	v10 =	vsel vm7, s18, v10;
	s18 =	sshra.s32 s11, $0x6  }
0x1e3: {  	s22 =	sshra.s32 s12, $0x6;
	s11 =	sshra.s32 s10, $0x6;
	v19 =	vsel vm8, s16, v10;
	v10 =	vsel vm1, s0, v57;
	v59 =	vmov s18;
	s18 =	sld [smem:$0x7D4]  }
0x1e4: {  	v22 =	vsel vm6, s22, v58;
	s16 =	sshra.s32 s10, $0x1F;
	s10 =	sld [smem:$0x7D6];
	v10 =	vsel vm2, s8, v10;
	s8 =	sshra.s32 s12, $0x1F  }
0x1e5: {  	s17 =	sshra.s32 s6, $0x6;
	s12 =	sshra.s32 s13, $0x1F;
	v61 =	vsel vm14, s8, v22;
	s8 =	sld [smem:$0x7D5]  }
0x1e6: {  	s6 =	sshra.s32 s9, $0x6;
	s9 =	sshra.s32 s7, $0x6;
	v60 =	vsel vm4, s17, v10;
	v10 =	vsel vm1, s5, v59;
	v62 =	vmov s12;
	s12 =	sld [smem:$0x7D7]  }
0x1e7: {  	s17 =	sshra.s32 s14, $0x6;
	v10 =	vsel vm2, s6, v10;
	s22 =	sshra.s32 s18, $0x6;
	s6 =	sshrl.u32 s18, $0x1F  }
0x1e8: {  	v21 =	vsel vm7, s11, v61;
	s7 =	sshra.s32 s18, $0x1F;
	s11 =	sshrl.u32 s10, $0x1F;
	v24 =	vsel vm4, s9, v10;
	v22 =	vsel vm12, s22, v62;
	s22 =	sld [smem:$0x7D9]  }
0x1e9: {  	v10 =	vsel vm15, s16, v21;
	v23 =	vmov s11;
	s9 =	sshrl.u32 s8, $0x1F;
	v22 =	vsel vm9, s7, v22;
	s14 =	sshra.s32 s12, $0x6;
	s7 =	sld [smem:$0x7D8]  }
0x1ea: {  	v21 =	vsel vm8, s17, v10;
	v10 =	vmov s6;
	s16 =	sshrl.u32 s12, $0x1F;
	s17 =	sshra.s32 s12, $0x1F;
	s12 =	sld [smem:$0x7DB];
	v22 =	vsel vm1, s14, v22  }
0x1eb: {  	s2 =	sshra.s32 s10, $0x6;
	s6 =	sld [smem:$0x7DA];
	v10 =	vnsel vm12, $0x0, v10;
	v23 =	vsel vm1, s9, v23;
	v22 =	vsel vm13, s17, v22;
	s9 =	sshra.s32 s22, $0x6  }
0x1ec: {  	s0 =	sshra.s32 s8, $0x6;
	v10 =	vsel vm1, s16, v10;
	s8 =	sshrl.u32 s22, $0x1F;
	s10 =	sshra.s32 s22, $0x1F;
	v25 =	vsel vm2, s9, v22  }
0x1ed: {  	s18 =	sshrl.u32 s7, $0x1F;
	v10 =	vsel vm2, s8, v10;
	s14 =	sshrl.u32 s12, $0x1F;
	v39 =	vsel vm10, s10, v25;
	s10 =	sld [smem:$0x7DD]  }
0x1ee: {  	s11 =	sshrl.u32 s6, $0x1F;
	v23 =	vsel vm2, s18, v23;
	v10 =	vsel vm4, s14, v10;
	s14 =	sld [smem:$0x7DF]  }
0x1ef: {  	v63 =	vsel vm4, s11, v23;
	s11 =	sld [smem:$0x7DC]  }
0x1f0: {  	s8 =	sld [smem:$0x7DE]  }
0x1f1: {  	s22 =	sshra.s32 s12, $0x1F;
	s17 =	sshrl.u32 s10, $0x1F  }
0x1f2: {  	s18 =	sshra.s32 s12, $0x6;
	s12 =	sshrl.u32 s14, $0x1F;
	s16 =	sshrl.u32 s11, $0x1F;
	v10 =	vsel vm5, s17, v10  }
0x1f3: {  	s9 =	sshrl.u32 s8, $0x1F;
	v40 =	vmov s16;
	v10 =	vsel vm6, s12, v10;
	s12 =	sld [smem:$0x7E1]  }
0x1f4: {  	v25 =	vsel vm1, s9, v40;
	s9 =	sld [smem:$0x7E0]  }
0x1f5: {  	v23 =	vsel vm4, s18, v39  }
0x1f6: {  	v23 =	vsel vm11, s22, v23;
	s18 =	sshra.s32 s10, $0x6;
	s22 =	sshra.s32 s10, $0x1F;
	s10 =	sld [smem:$0x7E2]  }
0x1f7: {  	v41 =	vmov s2;
	v26 =	vsel vm5, s18, v23;
	s18 =	sshra.s32 s11, $0x6;
	s17 =	sshrl.u32 s12, $0x1F;
	s16 =	sshrl.u32 s9, $0x1F  }
0x1f8: {  	v27 =	vmov s18;
	v10 =	vsel vm7, s17, v10;
	s17 =	sshra.s32 s7, $0x6;
	s7 =	sshra.s32 s8, $0x6;
	v25 =	vsel vm2, s16, v25;
	s16 =	sshrl.u32 s13, $0x1F  }
0x1f9: {  	s18 =	sld [smem:$0x7E3];
	s9 =	sshra.s32 s9, $0x6;
	v27 =	vsel vm1, s7, v27;
	v23 =	vsel vm8, s16, v10;
	v10 =	vsel vm0, s22, v26;
	s22 =	sshra.s32 s14, $0x6  }
0x1fa: {  	s8 =	sshra.s32 s14, $0x1F;
	v26 =	vsel vm1, s0, v41;
	v27 =	vsel vm2, s9, v27;
	s9 =	sld [smem:$0x7E6];
	v10 =	vsel vm6, s22, v10  }
0x1fb: {  	s14 =	sshra.s32 s12, $0x6;
	v26 =	vsel vm2, s17, v26;
	s17 =	sshra.s32 s13, $0x6;
	s13 =	sld [smem:$0x7E5];
	v10 =	vsel vm14, s8, v10  }
0x1fc: {  	s16 =	sshra.s32 s12, $0x1F;
	s22 =	sld [smem:$0x7E4];
	v10 =	vsel vm7, s14, v10  }
0x1fd: {  	s6 =	sshra.s32 s6, $0x6;
	s14 =	sld [smem:$0x7E7];
	v10 =	vsel vm15, s16, v10  }
0x1fe: {  	s5 =	sshrl.u32 s10, $0x1F;
	v28 =	vsel vm4, s6, v26;
	s8 =	sshra.s32 s13, $0x1F;
	v26 =	vsel vm8, s17, v10;
	s17 =	sld [smem:$0x7E8]  }
0x1ff: {  	s11 =	sshra.s32 s10, $0x6;
	s10 =	sshrl.u32 s9, $0x1F;
	v42 =	vmov s8;
	s8 =	sld [smem:$0x7EA]  }
0x200: {  	v25 =	vsel vm4, s5, v25;
	s5 =	sshrl.u32 s18, $0x1F;
	v29 =	vsel vm4, s11, v27;
	s3 =	sshra.s32 s9, $0x6;
	s11 =	sshra.s32 s22, $0x6;
	v30 =	vmov s10  }
0x201: {  	s7 =	sshrl.u32 s22, $0x1F;
	s12 =	sshra.s32 s22, $0x1F;
	v30 =	vsel vm1, s5, v30;
	v27 =	vsel vm12, s11, v42;
	s16 =	sshrl.u32 s14, $0x1F  }
0x202: {  	s22 =	sld [smem:$0x7E9];
	v27 =	vsel vm9, s12, v27;
	v30 =	vsel vm2, s16, v30;
	s9 =	sshra.s32 s17, $0x6;
	s11 =	sshrl.u32 s8, $0x1F  }
0x203: {  	v31 =	vsel vm1, s9, v27;
	v27 =	vsel vm4, s11, v30;
	s11 =	sld [smem:$0x7EC]  }
0x204: {  	v10 =	vmov s7;
	s7 =	sld [smem:$0x7EE]  }
0x205: {  	s0 =	sshra.s32 s18, $0x6;
	s2 =	sshra.s32 s14, $0x6;
	s9 =	sld [smem:$0x7EB]  }
0x206: {  	v10 =	vnsel vm12, $0x0, v10;
	s16 =	sld [smem:$0x7ED];
	s18 =	sshrl.u32 s17, $0x1F;
	s14 =	sshrl.u32 s11, $0x1F  }
0x207: {  	s6 =	sshrl.u32 s22, $0x1F;
	s10 =	sshra.s32 s17, $0x1F;
	v10 =	vsel vm1, s18, v10;
	v44 =	vmov s14;
	s14 =	sld [smem:$0x7EF]  }
0x208: {  	v10 =	vsel vm2, s6, v10;
	v43 =	vsel vm13, s10, v31;
	s10 =	sshrl.u32 s7, $0x1F;
	s12 =	sshrl.u32 s9, $0x1F  }
0x209: {  	s17 =	sshrl.u32 s16, $0x1F;
	v10 =	vsel vm4, s12, v10;
	v31 =	vsel vm1, s10, v44;
	s10 =	sld [smem:$0x7F0]  }
0x20a: {  	v10 =	vsel vm5, s17, v10;
	s12 =	sshrl.u32 s14, $0x1F  }
0x20b: {  	s18 =	sshra.s32 s22, $0x6;
	v10 =	vsel vm6, s12, v10;
	s12 =	sld [smem:$0x7F1]  }
0x20c: {  	s22 =	sshra.s32 s22, $0x1F;
	v30 =	vsel vm2, s18, v43;
	s17 =	sshrl.u32 s10, $0x1F  }
0x20d: {  	v30 =	vsel vm10, s22, v30;
	s22 =	sshra.s32 s9, $0x6;
	v31 =	vsel vm2, s17, v31;
	s17 =	sshra.s32 s9, $0x1F;
	s9 =	sld [smem:$0x7F2]  }
0x20e: {  	s18 =	sshrl.u32 s12, $0x1F  }
0x20f: {  	v32 =	vsel vm4, s22, v30;
	s22 =	sshrl.u32 s13, $0x1F;
	v10 =	vsel vm7, s18, v10  }
0x210: {  	s4 =	sshra.s32 s8, $0x6;
	s18 =	sshrl.u32 s9, $0x1F;
	v30 =	vsel vm8, s22, v10;
	v10 =	vsel vm11, s17, v32;
	s17 =	sshra.s32 s16, $0x6  }
0x211: {  	s11 =	sshra.s32 s11, $0x6;
	v31 =	vsel vm4, s18, v31;
	s18 =	sshra.s32 s7, $0x6;
	s7 =	sshra.s32 s16, $0x1F;
	v10 =	vsel vm5, s17, v10  }
0x212: {  	s8 =	sshra.s32 s9, $0x6;
	s9 =	sshra.s32 s14, $0x6;
	s17 =	sld [smem:$0x7F4];
	v10 =	vsel vm0, s7, v10  }
0x213: {  	s22 =	sshra.s32 s10, $0x6;
	s10 =	sshra.s32 s14, $0x1F;
	s14 =	sld [smem:$0x7F3];
	v10 =	vsel vm6, s9, v10  }
0x214: {  	v45 =	vmov s3;
	v33 =	vmov s11;
	s11 =	sshra.s32 s12, $0x6;
	s9 =	sld [smem:$0x7F6];
	v10 =	vsel vm14, s10, v10  }
0x215: {  	s12 =	sshra.s32 s12, $0x1F;
	v32 =	vsel vm1, s0, v45;
	v33 =	vsel vm1, s18, v33;
	s18 =	sshrl.u32 s17, $0x1F;
	s10 =	sld [smem:$0x7F5];
	v10 =	vsel vm7, s11, v10  }
0x216: {  	v32 =	vsel vm2, s2, v32;
	s16 =	sshrl.u32 s14, $0x1F;
	v46 =	vmov s18;
	v10 =	vsel vm15, s12, v10;
	s12 =	sld [smem:$0x7F7]  }
0x217: {  	v34 =	vsel vm2, s22, v33;
	v33 =	vsel vm4, s4, v32;
	v32 =	vsel vm1, s16, v46;
	s16 =	sld [smem:$0x7F8]  }
0x218: {  	s2 =	sshra.s32 s14, $0x6;
	s14 =	sld [smem:$0x7FA];
	s22 =	sshrl.u32 s10, $0x1F  }
0x219: {  	s5 =	sshra.s32 s13, $0x6;
	s4 =	sshra.s32 s17, $0x6;
	v47 =	vmov s22;
	s13 =	sshrl.u32 s12, $0x1F  }
0x21a: {  	v35 =	vsel vm4, s8, v34;
	v34 =	vsel vm8, s5, v10;
	v36 =	vnsel vm12, $0x0, v47;
	s17 =	sshrl.u32 s16, $0x1F;
	s5 =	sshra.s32 s12, $0x6;
	s12 =	sld [smem:$0x7FB]  }
0x21b: {  	s8 =	sld [smem:$0x7F9];
	s11 =	sshrl.u32 s9, $0x1F;
	s22 =	sshrl.u32 s14, $0x1F;
	v36 =	vsel vm1, s17, v36  }
0x21c: {  	s0 =	sshra.s32 s9, $0x6;
	s9 =	sshrl.u32 s30, $0x1F;
	v10 =	vsel vm2, s11, v32;
	s11 =	rddreg [dreg:$0x1f];
	v36 =	vsel vm2, s22, v36  }
0x21d: {  	v32 =	vsel vm4, s13, v10;
	s13 =	sshra.s32 s12, $0x1F;
	v36 =	vsel vm4, s9, v36;
	s9 =	sld [smem:$0x7FC]  }
0x21e: {  	s18 =	sshrl.u32 s8, $0x1F;
	v37 =	vmov s13;
	s13 =	sld [smem:$0x7FD]  }
0x21f: {  	v49 =	vmov s4;
	s4 =	sshra.s32 s29, $0x1F;
	s7 =	sshrl.u32 s11, $0x1F;
	v10 =	vmov s18  }
0x220: {  	s6 =	sshra.s32 s11, $0x6;
	v10 =	vsel vm1, s7, v10;
	s22 =	sshra.s32 s10, $0x6;
	s17 =	sshrl.u32 s9, $0x1F  }
0x221: {  	s18 =	sshrl.u32 s13, $0x1F;
	v10 =	vsel vm2, s17, v10;
	s17 =	sshra.s32 s10, $0x1F;
	s10 =	rddreg [dreg:$0x1e]  }
0x222: {  	s11 =	sshrl.u32 s28, $0x1F;
	v37 =	vsel vm12, s22, v37;
	s22 =	sshrl.u32 s29, $0x1F;
	v38 =	vsel vm5, s18, v36;
	s18 =	sshrl.u32 s10, $0x1F  }
0x223: {  	s7 =	sshra.s32 s8, $0x6;
	s8 =	sshra.s32 s9, $0x6;
	v37 =	vsel vm9, s17, v37;
	s17 =	sshra.s32 s16, $0x6;
	v36 =	vsel vm4, s18, v10;
	v10 =	vsel vm6, s22, v38  }
0x224: {  	(v2sf) =	vpush v9, $0xB;
	s9 =	sshra.s32 s10, $0x6;
	v48 =	vsel vm1, s17, v37;
	s18 =	sshra.s32 s16, $0x1F;
	s22 =	sshrl.u32 s12, $0x1F;
	v10 =	vsel vm7, s11, v10  }
0x225: {  	s17 =	sshra.s32 s30, $0x6;
	v38 =	vsel vm1, s2, v49;
	s11 =	smov.u32 s12;
	s12 =	sshra.s32 s14, $0x6;
	v37 =	vsel vm8, s22, v10;
	v10 =	vsel vm13, s18, v48  }
0x226: {  	(v2sf) =	vpush v9, $0x0;
	s14 =	sshra.s32 s14, $0x1F;
	v38 =	vsel vm2, s0, v38;
	s0 =	rddreg [dreg:$0x17];
	s18 =	sshra.s32 s30, $0x1F;
	v10 =	vsel vm2, s12, v10  }
0x227: {  	(v2sf) =	vpush v9, $0x1;
	s22 =	sshra.s32 s13, $0x6;
	s12 =	sshra.s32 s29, $0x6;
	s29 =	rddreg [dreg:$0x1c];
	v10 =	vsel vm10, s14, v10  }
0x228: {  	(v2sf) =	vpush v9, $0x2;
	s30 =	sshra.s32 s13, $0x1F;
	s13 =	sshra.s32 s28, $0x6;
	v40 =	vsel vm4, s17, v10;
	s17 =	rddreg [dreg:$0x6]  }
0x229: {  	(v2sf) =	vpush v9, $0x3;
	v51 =	vmov s7;
	s10 =	sshra.s32 s11, $0x6;
	s14 =	sshra.s32 s28, $0x1F;
	v50 =	vsel vm11, s18, v40;
	s18 =	rddreg [dreg:$0x1d]  }
0x22a: {  	vm3 =	vmmov vm12;
	(v2sf) =	vpush v9, $0x4;
	v10 =	vld [tilespmem:s17+$0x70];
	s17 =	sshrl.u32 s29, $0x1F;
	v40 =	vsel vm1, s6, v51;
	s6 =	sshra.s32 s29, $0x6;
	s29 =	sshrl.u32 s20, $0x1F  }
0x22b: {  	(v2sf) =	vpush v9, $0x5;
	v39 =	vsel vm4, s5, v38;
	s16 =	sshrl.u32 s18, $0x1F;
	s3 =	sshra.s32 s18, $0x6;
	v38 =	vsel vm5, s22, v50;
	s22 =	rddreg [dreg:$0x19]  }
0x22c: {  	(v2sf) =	vpush v9, $0x6;
	v40 =	vsel vm2, s8, v40;
	s18 =	sshrl.u32 s19, $0x1F;
	s8 =	sshra.s32 s19, $0x6;
	v38 =	vsel vm0, s30, v38;
	s30 =	rddreg [dreg:$0x1a]  }
0x22d: {  	(v2sf) =	vpush v9, $0x7;
	v11 =	vcombine.low v13, v11;
	v17 =	vcombine.low v17, v16;
	s28 =	sshrl.u32 s22, $0x1F;
	s7 =	sshra.s32 s22, $0x6;
	s22 =	rddreg [dreg:$0x15]  }
0x22e: {  	v44 =	vsel vm4, s9, v40;
	v53 =	vmov s18;
	s18 =	sshra.s32 s20, $0x6;
	s20 =	sshra.s32 s20, $0x1F;
	s11 =	sshrl.u32 s30, $0x1F;
	v38 =	vsel vm6, s12, v38  }
0x22f: {  	s5 =	sshra.s32 s30, $0x6;
	s12 =	sshrl.u32 s0, $0x1F;
	v41 =	vmov s28;
	s28 =	rddreg [dreg:$0x16];
	v45 =	vmov s7;
	v38 =	vsel vm14, s4, v38  }
0x230: {  	s30 =	sshra.s32 s0, $0x6;
	s2 =	sshra.s32 s22, $0x6;
	s4 =	rddreg [dreg:$0x18];
	v41 =	vsel vm1, s16, v41;
	v40 =	vsel vm1, s12, v53;
	v45 =	vsel vm1, s3, v45  }
0x231: {  	s0 =	sshrl.u32 s28, $0x1F;
	s16 =	sshra.s32 s21, $0x6;
	(v2sf) =	vpush v10, $0xD;
	v38 =	vsel vm7, s13, v38;
	s13 =	sshrl.u32 s22, $0x1F;
	v52 =	vsel vm2, s17, v41  }
0x232: {  	s22 =	sshra.s32 s28, $0x1F;
	v43 =	vmov s0;
	v45 =	vsel vm2, s6, v45;
	v38 =	vsel vm15, s14, v38;
	s14 =	sshra.s32 s28, $0x6;
	s28 =	sshra.s32 s31, $0x1F  }
0x233: {  	s19 =	sshrl.u32 s4, $0x1F;
	s4 =	sshra.s32 s4, $0x6;
	s17 =	sshrl.u32 s23, $0x1F;
	(v2sf) =	vpush v10, $0xC;
	v43 =	vnsel vm3, $0x0, v43;
	v54 =	vmov s28  }
0x234: {  	s0 =	sshrl.u32 s21, $0x1F;
	s21 =	sshra.s32 s21, $0x1F;
	s6 =	sshra.s32 s31, $0x6;
	v40 =	vsel vm2, s19, v40;
	v43 =	vsel vm1, s17, v43;
	v41 =	vsel vm12, s14, v54  }
0x235: {  	s19 =	sshrl.u32 s24, $0x1F;
	v42 =	vsel vm8, s10, v38;
	s10 =	sshra.s32 s23, $0x6;
	s14 =	spop (v2sf);
	v43 =	vsel vm2, s29, v43;
	v41 =	vsel vm9, s22, v41  }
0x236: {  	v38 =	vsel vm4, s11, v52;
	s11 =	sshra.s32 s23, $0x1F;
	s22 =	sshrl.u32 s25, $0x1F;
	s28 =	spop (v2sf);
	v43 =	vsel vm4, s0, v43;
	v41 =	vsel vm1, s10, v41  }
0x237: {  	(v2sf) =	vpush v10, $0xE;
	s23 =	sshra.s32 s25, $0x6;
	s17 =	sshrl.u32 s31, $0x1F;
	s29 =	spop (v2sf);
	v43 =	vsel vm5, s22, v43;
	v41 =	vsel vm13, s11, v41  }
0x238: {  	s31 =	rddreg [dreg:$0x1b];
	(v2sf) =	vpush v10, $0xF;
	s0 =	sshrl.u32 s26, $0x1F;
	s9 =	spop (v2sf);
	v43 =	vsel vm6, s19, v43;
	v41 =	vsel vm2, s18, v41  }
0x239: {  	(v2sf) =	vpush v10, $0x9;
	s18 =	sshra.s32 s26, $0x6;
	s22 =	spop (v2sf);
	v43 =	vsel vm7, s0, v43;
	s0 =	rddreg [dreg:$0x14];
	v41 =	vsel vm10, s20, v41  }
0x23a: {  	v11 =	vperm.xlane v11, v0;
	v12 =	vperm.xlane v12, v1;
	s20 =	sshra.s32 s26, $0x1F;
	s26 =	smulhi.u32 $0x2AAAAAAB, s14;
	v41 =	vsel vm4, s16, v41;
	s16 =	sshra.s32 s14, $0x1F  }
0x23b: {  	v17 =	vperm.xlane v17, v0;
	v40 =	vsel vm4, s13, v40;
	s10 =	sshra.s32 s25, $0x1F;
	s13 =	spop (v2sf);
	v46 =	vsel vm11, s21, v41;
	s14 =	smul.u32 $0x2AAAAAAB, s16  }
0x23c: {  	s25 =	sshra.s32 s24, $0x6;
	s12 =	spop (v2sf);
	v41 =	vsel vm8, s17, v43;
	v43 =	vsel vm4, s5, v45;
	s5 =	smulhi.u32 $0x2AAAAAAB, s28;
	v55 =	vsel vm5, s23, v46  }
0x23d: {  	v14 =	vperm.xlane v14, v1;
	v15 =	vcombine.low v18, v15;
	s24 =	sshra.s32 s24, $0x1F;
	s7 =	spop (v2sf);
	s17 =	smulhi.u32 $0x2AAAAAAB, s29;
	v45 =	vsel vm0, s10, v55  }
0x23e: {  	v62 =	vcombine.low v25, v63;
	v56 =	vmov s8;
	s29 =	sshra.s32 s29, $0x1F;
	s23 =	sshra.s32 s28, $0x1F;
	s28 =	rddreg [dreg:$0x13];
	v45 =	vsel vm6, s25, v45  }
0x23f: {  	(v2sf) =	vpush v10, $0x8;
	s3 =	spop (v2sf);
	v46 =	vsel vm1, s30, v56;
	s30 =	sshrl.u32 s0, $0x1F;
	s16 =	smul.u32 $0x2AAAAAAB, s23;
	v45 =	vsel vm14, s24, v45  }
0x240: {  	v63 =	vsub.s32 $0x0, v3;
	(v2sf) =	vpush v10, $0xA;
	s21 =	smul.u32 $0x2AAAAAAB, s29;
	s8 =	sshrl.u32 s28, $0x1F;
	s10 =	rddreg [dreg:$0x11];
	v47 =	vsel vm7, s18, v45  }
0x241: {  	(v2sf) =	vpush v10, $0xB;
	v57 =	vmov s30;
	s30 =	sadd.s32 s14, s26;
	s19 =	sadd.s32 s16, s5;
	s18 =	sshrl.u32 s10, $0x1F;
	v13 =	vsel vm15, s20, v47  }
0x242: {  	v46 =	vsel vm2, s4, v46;
	s20 =	sshra.s32 s22, $0x1F;
	v16 =	vsel vm8, s6, v13;
	v13 =	vsel vm1, s8, v57;
	s8 =	smulhi.u32 $0x2AAAAAAB, s22;
	s22 =	sshrl.u32 s19, $0x1F  }
0x243: {  	s26 =	rddreg [dreg:$0xf];
	s11 =	spop (v2sf);
	v45 =	vsel vm4, s2, v46;
	v46 =	vsel vm2, s18, v13;
	v13 =	vmov s22;
	s22 =	sadd.s32 s21, s17  }
0x244: {  	v23 =	vperm.xlane v23, v1;
	(v2sf) =	vpush v10, $0x0;
	s2 =	smulhi.u32 $0x2AAAAAAB, s9;
	s9 =	sshra.s32 s9, $0x1F;
	v13 =	vnsel vm3, $0x0, v13;
	s4 =	sshrl.u32 s22, $0x1F  }
0x245: {  	v25 =	vcombine.low v29, v28;
	(v2sf) =	vpush v10, $0x1;
	s29 =	spop (v2sf);
	s14 =	smul.u32 $0x2AAAAAAB, s9;
	v48 =	vsel vm1, s4, v13;
	v13 =	vld [tilespmem:$0x1FFF0]  }
0x246: {  	v51 =	vperm.xlane v37, v1;
	vm12 =	vmmov vm9;
	s24 =	sshrl.u32 s31, $0x1F;
	(v2sf) =	vpush v10, $0x2;
	s9 =	spop (v2sf);
	s16 =	smul.u32 $0x2AAAAAAB, s20  }
0x247: {  	v52 =	vperm.xlane v42, v1;
	(v2sf) =	vpush v10, $0x3;
	v58 =	vmov s24;
	s24 =	sshrl.u32 s26, $0x1F;
	s6 =	spop (v2sf);
	s17 =	smulhi.u32 $0x2AAAAAAB, s13  }
0x248: {  	v55 =	vsub.s32 $0x0, v6;
	v47 =	vsel vm1, s24, v58;
	s20 =	sadd.s32 s14, s2;
	s21 =	smulhi.u32 $0x2AAAAAAB, s12;
	s31 =	spop (v2sf);
	(v2sf) =	vpush v10, $0x4  }
0x249: {  	v57 =	vsub.s32 $0x0, v7;
	s13 =	sshra.s32 s13, $0x1F;
	s2 =	smulhi.u32 $0x2AAAAAAB, s3;
	v16 =	vperm.xlane v16, v1;
	s24 =	sshrl.u32 s20, $0x1F;
	(v2sf) =	vpush v10, $0x5  }
0x24a: {  	s25 =	rddreg [dreg:$0x12];
	s12 =	sshra.s32 s12, $0x1F;
	s13 =	smul.u32 $0x2AAAAAAB, s13;
	v59 =	vsel vm2, s24, v48;
	v48 =	vcombine.low v36, v32;
	vm0 =	vnez.u8 v13  }
0x24b: {  	s23 =	sshrl.u32 s25, $0x1F;
	s3 =	sshra.s32 s3, $0x1F;
	s12 =	smul.u32 $0x2AAAAAAB, s12;
	v11 =	vsel vm0, v12, v11;
	v12 =	vsel vm0, v14, v17;
	v14 =	vcombine.low v24, v60  }
0x24c: {  	s18 =	sadd.s32 s16, s8;
	s3 =	smul.u32 $0x2AAAAAAB, s3;
	s4 =	rddreg [dreg:$0x10];
	v17 =	vsel vm4, s23, v46;
	v60 =	vperm.xlane v21, v1;
	v24 =	vperm.xlane v62, v0  }
0x24d: {  	s14 =	sshrl.u32 s4, $0x1F;
	s16 =	sadd.s32 s13, s17;
	s23 =	sshrl.u32 s18, $0x1F;
	v46 =	vperm.xlane v34, v1;
	v13 =	vadd.s32 v11, v12;
	v11 =	vperm.xlane v15, v0  }
0x24e: {  	s5 =	spop (v2sf);
	s24 =	sshrl.u32 s16, $0x1F;
	v12 =	vperm.xlane v19, v1;
	v15 =	vsel vm2, s14, v47;
	s14 =	sshrl.u32 s30, $0x1F;
	v61 =	vsel vm4, s23, v59  }
0x24f: {  	s17 =	sadd.s32 s12, s21;
	s21 =	smulhi.u32 $0x2AAAAAAB, s7;
	s7 =	sshra.s32 s7, $0x1F;
	v14 =	vperm.xlane v14, v0;
	v18 =	vsel vm4, s14, v15;
	v15 =	vsel vm5, s24, v61  }
0x250: {  	s7 =	smul.u32 $0x2AAAAAAB, s7;
	s23 =	sshrl.u32 s17, $0x1F;
	s14 =	spop (v2sf);
	(v2sf) =	vpush v10, $0x6;
	v21 =	vsel vm0, v23, v24;
	v61 =	vcombine.low v40, v38  }
0x251: {  	s24 =	sshra.s32 s0, $0x6;
	s0 =	sshra.s32 s28, $0x6;
	s28 =	sshra.s32 s10, $0x6;
	v40 =	vsub.s32 $0x0, v8;
	v11 =	vsel vm0, v12, v11;
	v12 =	vmul.u32 $0xFFFFFE80, v13  }
0x252: {  	s13 =	spop (v2sf);
	v15 =	vsel vm6, s23, v15;
	s23 =	sadd.s32 s7, s21;
	s21 =	sadd.s32 s3, s2;
	v17 =	vcombine.low v18, v17;
	v14 =	vsel vm0, v60, v14  }
0x253: {  	s10 =	sshra.s32 s25, $0x6;
	s12 =	spop (v2sf);
	s25 =	sshra.s32 s21, $0x1F;
	(v2sf) =	vpush v10, $0x7;
	vm9 =	vne.s32 v12, v63;
	v12 =	vmov s24  }
0x254: {  	v11 =	vadd.s32 v11, v14;
	s24 =	sshrl.u32 s23, $0x1F;
	v28 =	vmov s25;
	v63 =	vcombine.low v45, v43  }
0x255: {  	v17 =	vperm.xlane v17, v0;
	v12 =	vsel vm1, s0, v12;
	v15 =	vsel vm7, s24, v15;
	s0 =	sshrl.u32 s21, $0x1F  }
0x256: {  	v14 =	vmul.u32 $0xFFFFFE80, v11;
	v12 =	vsel vm2, s28, v12;
	v19 =	vsel vm8, s0, v15;
	s28 =	rddreg [dreg:$0x1b]  }
0x257: {  	v15 =	vperm.xlane v26, v1;
	v20 =	vsel vm4, s10, v12;
	v12 =	vperm.xlane v25, v0;
	s0 =	sshra.s32 s28, $0x6  }
0x258: {  	s10 =	sshra.s32 s19, $0x6;
	v25 =	vperm.xlane v61, v0;
	v19 =	vperm.xlane v19, v1;
	v29 =	vmov s0  }
0x259: {  	s26 =	sshra.s32 s26, $0x6;
	s25 =	sshra.s32 s19, $0x1F;
	v22 =	vsel vm3, s10, v28;
	v12 =	vsel vm0, v15, v12;
	v15 =	vsub.s32 $0x0, v4  }
0x25a: {  	s24 =	smulhi.u32 $0x2AAAAAAB, s9;
	v22 =	vsel vm12, s25, v22;
	v23 =	vsel vm1, s26, v29;
	vm12 =	vcmask $0x1714  }
0x25b: {  	s19 =	smulhi.u32 $0x2AAAAAAB, s11;
	s28 =	sshra.s32 s11, $0x1F;
	s10 =	sshra.s32 s22, $0x6;
	v17 =	vsel vm0, v19, v17;
	vm10 =	vne.s32 v14, v15;
	v12 =	vadd.s32 v21, v12  }
0x25c: {  	s25 =	smul.u32 $0x2AAAAAAB, s28;
	s28 =	sshra.s32 s29, $0x1F;
	v14 =	vsel vm1, s10, v22;
	v15 =	vcombine.low v31, v27;
	v31 =	vcombine.low v35, v33  }
0x25d: {  	s11 =	sshra.s32 s22, $0x1F;
	s10 =	smul.u32 $0x2AAAAAAB, s28;
	v33 =	vsub.s32 $0x0, v5;
	s28 =	sshra.s32 s4, $0x6;
	v35 =	vperm.xlane v30, v1;
	v21 =	vmul.u32 $0xFFFFFE80, v12  }
0x25e: {  	s8 =	spop (v2sf);
	s22 =	smulhi.u32 $0x2AAAAAAB, s29;
	s29 =	sshra.s32 s20, $0x6;
	v14 =	vsel vm13, s11, v14;
	v47 =	vsel vm2, s28, v23;
	v23 =	vperm.xlane v48, v0  }
0x25f: {  	s26 =	smulhi.u32 $0x2AAAAAAB, s6;
	s4 =	sshra.s32 s9, $0x1F;
	s11 =	sshra.s32 s30, $0x6;
	vm13 =	vlt.s32 v7, $0x1;
	v14 =	vsel vm2, s29, v14;
	v15 =	vperm.xlane v15, v0  }
0x260: {  	s7 =	spop (v2sf);
	s9 =	sshra.s32 s20, $0x1F;
	s20 =	smul.u32 $0x2AAAAAAB, s4;
	v22 =	vperm.xlane v31, v0;
	v58 =	vsel vm4, s11, v47;
	vm11 =	vne.s32 v21, v33  }
0x261: {  	s6 =	sshra.s32 s6, $0x1F;
	s30 =	sshra.s32 s18, $0x6;
	s10 =	sadd.s32 s10, s22;
	v14 =	vsel vm12, s9, v14;
	vm12 =	vcmask $0x1F1C;
	v23 =	vsel vm0, v51, v23  }
0x262: {  	s9 =	smul.u32 $0x2AAAAAAB, s6;
	s6 =	sadd.s32 s20, s24;
	s20 =	sshrl.u32 s10, $0x1F;
	v33 =	vperm.xlane v41, v1;
	v20 =	vcombine.low v58, v20;
	v14 =	vsel vm4, s30, v14  }
0x263: {  	s3 =	spop (v2sf);
	s18 =	sshra.s32 s18, $0x1F;
	s10 =	sshra.s32 s10, $0x6;
	v15 =	vsel vm0, v35, v15;
	v22 =	vsel vm0, v46, v22;
	v60 =	vmov s20  }
0x264: {  	s21 =	sshra.s32 s21, $0x6;
	s2 =	spop (v2sf);
	s29 =	sshra.s32 s16, $0x6;
	v45 =	vmov s10;
	v14 =	vsel vm12, s18, v14;
	vm12 =	vcmask $0x2724  }
0x265: {  	s0 =	spop (v2sf);
	s28 =	smulhi.u32 $0x2AAAAAAB, s31;
	s16 =	sshra.s32 s16, $0x1F;
	v49 =	vsel vm5, s29, v14;
	v14 =	vadd.s32 v15, v22;
	v15 =	vcombine.low v44, v39  }
0x266: {  	s22 =	smulhi.u32 $0x2AAAAAAB, s12;
	s30 =	sshra.s32 s31, $0x1F;
	s31 =	sshra.s32 s17, $0x6;
	v25 =	vsel vm0, v33, v25;
	v20 =	vperm.xlane v20, v0;
	v50 =	vsel vm12, s16, v49  }
0x267: {  	s12 =	sshra.s32 s12, $0x1F;
	s29 =	smul.u32 $0x2AAAAAAB, s30;
	s30 =	sshra.s32 s17, $0x1F;
	vm12 =	vlt.s32 v3, $0x1;
	v22 =	vsel vm6, s31, v50;
	v15 =	vperm.xlane v15, v0  }
0x268: {  	s9 =	sadd.s32 s9, s26;
	s16 =	smulhi.u32 $0x2AAAAAAB, s5;
	s5 =	sshra.s32 s5, $0x1F;
	v54 =	vmul.u32 $0xFFFFFE80, v14;
	vm9 =	vmand vm12, vm9;
	v22 =	vsel vm14, s30, v22  }
0x269: {  	s17 =	sshra.s32 s23, $0x6;
	s31 =	smul.u32 $0x2AAAAAAB, s5;
	s5 =	sadd.s32 s25, s19;
	v53 =	vsel vm9, $0xFFFFFFFF, v2;
	vm9 =	vlt.s32 v4, $0x1;
	v15 =	vsel vm0, v52, v15  }
0x26a: {  	s26 =	smul.u32 $0x2AAAAAAB, s12;
	s25 =	sshrl.u32 s5, $0x1F;
	s5 =	sshra.s32 s5, $0x6;
	vm9 =	vmand vm9, vm10;
	vm10 =	vne.s32 v54, v55;
	v22 =	vsel vm7, s17, v22  }
0x26b: {  	s18 =	sshra.s32 s23, $0x1F;
	s4 =	spop (v2sf);
	s19 =	smulhi.u32 $0x2AAAAAAB, s14;
	v13 =	vadd.s32 v53, v13;
	v24 =	vsel vm1, s5, v45;
	v52 =	vsub.s32 $0x0, v9  }
0x26c: {  	s14 =	sshra.s32 s14, $0x1F;
	s11 =	sadd.s32 s29, s28;
	s28 =	smulhi.u32 $0x2AAAAAAB, s8;
	v54 =	vsub.s32 $0x0, v10;
	v15 =	vadd.s32 v23, v15;
	v59 =	vsel vm9, $0xFFFFFFFF, v2  }
0x26d: {  	s24 =	sshrl.u32 s9, $0x1F;
	s8 =	sshra.s32 s8, $0x1F;
	s30 =	smul.u32 $0x2AAAAAAB, s14;
	vm9 =	vlt.s32 v5, $0x1;
	v22 =	vsel vm15, s18, v22;
	v23 =	vsel vm1, s25, v60  }
0x26e: {  	s14 =	smulhi.u32 $0x2AAAAAAB, s13;
	s13 =	sshra.s32 s13, $0x1F;
	s12 =	sadd.s32 s31, s16;
	v47 =	vmul.u32 $0x1FFFFE80, v13;
	v53 =	vshrl.u32 v13, $0x3;
	v13 =	vshll.u32 v13, $0x7  }
0x26f: {  	s13 =	smul.u32 $0x2AAAAAAB, s13;
	s17 =	sshrl.u32 s6, $0x1F;
	s25 =	sshrl.u32 s12, $0x1F;
	v56 =	vmul.u32 $0xFFFFFE80, v15;
	vm11 =	vmand vm9, vm11;
	vm9 =	vlt.s32 v6, $0x1  }
0x270: {  	s16 =	sshrl.u32 s11, $0x1F;
	s31 =	smul.u32 $0x2AAAAAAB, s8;
	s12 =	sshra.s32 s12, $0x6;
	v62 =	vsel vm8, s21, v22;
	v23 =	vsel vm2, s17, v23;
	v32 =	vmov s25  }
0x271: {  	s8 =	sadd.s32 s30, s19;
	s19 =	smulhi.u32 $0x2AAAAAAB, s7;
	s7 =	sshra.s32 s7, $0x1F;
	v22 =	vperm.xlane v63, v0;
	v46 =	vmov s12;
	v11 =	vadd.s32 v59, v11  }
0x272: {  	s30 =	spop (v2sf);
	s7 =	smul.u32 $0x2AAAAAAB, s7;
	s17 =	sadd.s32 s26, s22;
	v13 =	vand.u32 $0x380, v13;
	vm10 =	vmand vm9, vm10;
	v28 =	vsel vm1, s16, v32  }
0x273: {  	s18 =	sadd.s32 s31, s28;
	s31 =	smulhi.u32 $0x2AAAAAAB, s30;
	s22 =	sshra.s32 s30, $0x1F;
	v23 =	vsel vm4, s24, v23;
	v36 =	vsel vm11, $0xFFFFFFFF, v2;
	v27 =	vperm.xlane v62, v1  }
0x274: {  	s29 =	sshrl.u32 s8, $0x1F;
	s25 =	sshrl.u32 s17, $0x1F;
	s22 =	smul.u32 $0x2AAAAAAB, s22;
	v59 =	vmul.u32 $0x1FFFFE80, v11;
	v60 =	vshrl.u32 v11, $0x3;
	v11 =	vshll.u32 v11, $0x7  }
0x275: {  	s21 =	smulhi.u32 $0x2AAAAAAB, s3;
	s3 =	sshra.s32 s3, $0x1F;
	vm12 =	vne.s32 v56, v57;
	v28 =	vsel vm2, s29, v28;
	v34 =	vmov s25  }
0x276: {  	s28 =	smul.u32 $0x2AAAAAAB, s3;
	v16 =	vsel vm0, v16, v22;
	v48 =	vsel vm10, $0xFFFFFFFF, v2;
	vm10 =	vlt.s32 v9, $0x1;
	s3 =	sadd.s32 s22, s31  }
0x277: {  	s30 =	sshra.s32 s2, $0x1F;
	s26 =	sshrl.u32 s18, $0x1F;
	v56 =	vadd.s32 v3, v47;
	v12 =	vadd.s32 v36, v12;
	v3 =	vand.u32 $0x7F, v3;
	s16 =	sshra.s32 s3, $0x1F  }
0x278: {  	s20 =	sshra.s32 s17, $0x6;
	s17 =	sshra.s32 s17, $0x1F;
	s29 =	smulhi.u32 $0x2AAAAAAB, s2;
	v11 =	vand.u32 $0x380, v11;
	vm9 =	vmand vm13, vm12;
	v39 =	vmov s16  }
0x279: {  	s23 =	sshra.s32 s18, $0x6;
	s18 =	sshra.s32 s18, $0x1F;
	s25 =	smulhi.u32 $0x2AAAAAAB, s4;
	v35 =	vnsel vm3, $0x0, v34;
	v18 =	vsel vm3, s20, v39;
	vm3 =	vcmask $0x704  }
0x27a: {  	s2 =	sadd.s32 s13, s14;
	s7 =	sadd.s32 s7, s19;
	v16 =	vadd.s32 v25, v16;
	s31 =	smul.u32 $0x2AAAAAAB, s30;
	v41 =	vsel vm0, v27, v20;
	v18 =	vsel vm3, s17, v18  }
0x27b: {  	s4 =	sshra.s32 s4, $0x1F;
	s19 =	sadd.s32 s28, s21;
	s21 =	sshrl.u32 s7, $0x1F;
	v62 =	vmul.u32 $0x1FFFFE80, v12;
	vm3 =	vcmask $0xF0C;
	v18 =	vsel vm1, s23, v18  }
0x27c: {  	s22 =	smulhi.u32 $0x2AAAAAAB, s0;
	s0 =	sshra.s32 s0, $0x1F;
	v22 =	vshrl.u32 v12, $0x3;
	v37 =	vsel vm1, s26, v35;
	s26 =	sshra.s32 s7, $0x6;
	v18 =	vsel vm3, s18, v18  }
0x27d: {  	s28 =	sshrl.u32 s2, $0x1F;
	s4 =	smul.u32 $0x2AAAAAAB, s4;
	v12 =	vshll.u32 v12, $0x7;
	s7 =	sshra.s32 s7, $0x1F;
	vm3 =	vcmask $0x1714;
	v18 =	vsel vm2, s26, v18  }
0x27e: {  	v14 =	vadd.s32 v48, v14;
	s24 =	sshrl.u32 s19, $0x1F;
	s30 =	sshra.s32 s19, $0x6;
	s13 =	sadd.s32 s31, s29;
	v25 =	vsel vm2, s21, v37;
	v18 =	vsel vm3, s7, v18  }
0x27f: {  	s0 =	smul.u32 $0x2AAAAAAB, s0;
	v25 =	vsel vm4, s24, v25;
	s29 =	sshrl.u32 s13, $0x1F;
	s18 =	sshra.s32 s19, $0x1F;
	vm3 =	vcmask $0x1F1C;
	v18 =	vsel vm4, s30, v18  }
0x280: {  	v42 =	vsel vm4, s28, v28;
	s20 =	sshra.s32 s11, $0x6;
	v43 =	vsel vm5, s29, v25;
	s19 =	sshra.s32 s13, $0x6;
	v18 =	vsel vm3, s18, v18  }
0x281: {  	s4 =	sadd.s32 s4, s25;
	s0 =	sadd.s32 s0, s22;
	s21 =	sshra.s32 s13, $0x1F;
	v25 =	vsel vm1, s20, v46;
	vm1 =	vcmask $0x2724;
	v18 =	vsel vm5, s19, v18  }
0x282: {  	v38 =	vmul.u32 $0xFFFFFE80, v16;
	v20 =	vcombine.low v42, v23;
	s22 =	sshra.s32 s6, $0x6;
	s31 =	sshrl.u32 s0, $0x1F;
	s24 =	sshra.s32 s0, $0x6;
	v18 =	vsel vm1, s21, v18  }
0x283: {  	s25 =	sshra.s32 s9, $0x6;
	v24 =	vsel vm2, s22, v24;
	s0 =	sshra.s32 s0, $0x1F;
	v44 =	vsel vm6, s31, v43;
	s23 =	sshra.s32 s8, $0x6;
	v18 =	vsel vm6, s24, v18  }
0x284: {  	s2 =	sshra.s32 s2, $0x6;
	s28 =	sshra.s32 s4, $0x6;
	v24 =	vsel vm4, s25, v24;
	v25 =	vsel vm2, s23, v25;
	s26 =	sshrl.u32 s4, $0x1F;
	v18 =	vsel vm14, s0, v18  }
0x285: {  	s29 =	sshrl.u32 s3, $0x1F;
	v25 =	vsel vm4, s2, v25;
	v23 =	vsel vm7, s26, v44;
	s30 =	sshra.s32 s4, $0x1F;
	v18 =	vsel vm7, s28, v18  }
0x286: {  	s31 =	sshra.s32 s3, $0x6;
	v24 =	vcombine.low v25, v24;
	v23 =	vsel vm8, s29, v23;
	v18 =	vsel vm15, s30, v18  }
0x287: {  	v20 =	vperm.xlane v20, v0;
	v23 =	vperm.xlane v23, v1;
	v18 =	vsel vm8, s31, v18  }
0x288: {  	v49 =	vsel vm9, $0xFFFFFFFF, v2;
	v24 =	vperm.xlane v24, v0;
	v18 =	vperm.xlane v18, v1  }
0x289: {  	v17 =	vadd.s32 v17, v41;
	vm9 =	vlt.s32 v8, $0x1;
	v22 =	vmul.u32 $0x3, v22  }
0x28a: {  	v51 =	vmul.u32 $0xFFFFFE80, v17;
	v50 =	vsel vm0, v23, v20;
	v18 =	vsel vm0, v18, v24  }
0x28b: {  	v12 =	vand.u32 $0x380, v12;
	vm11 =	vne.s32 v38, v40;
	v18 =	vadd.s32 v50, v18  }
0x28c: {  	vm9 =	vmand vm9, vm11;
	vm11 =	vne.s32 v51, v52;
	v19 =	vmul.u32 $0xFFFFFE80, v18  }
0x28d: {  	v63 =	vmul.u32 $0x1FFFFE80, v14;
	vm10 =	vmand vm10, vm11;
	v20 =	vmul.u32 $0x3, v53  }
0x28e: {  	v55 =	vsel vm9, $0xFFFFFFFF, v2;
	vm9 =	vne.s32 v19, v54;
	v19 =	vshrl.u32 v56, $0x7  }
0x28f: {  	vm11 =	vlt.s32 v10, $0x1;
	v57 =	vsel vm10, $0xFFFFFFFF, v2;
	v19 =	vadd.s32 v20, v19  }
0x290: {  	v25 =	vmul.u32 $0x3, v60;
	v20 =	vadd.s32 v4, v59;
	v19 =	vshll.u32 v19, $0xA  }
0x291: {  	v61 =	vshrl.u32 v20, $0x7;
	v20 =	vadd.s32 v5, v62;
	v13 =	vor.u32 v13, v19  }
0x292: {  	v19 =	vadd.s32 v25, v61;
	v3 =	vor.u32 v3, v13;
	v13 =	vshrl.u32 v20, $0x7  }
0x293: {  	v4 =	vand.u32 $0x7F, v4;
	v19 =	vshll.u32 v19, $0xA;
	v13 =	vadd.s32 v22, v13  }
0x294: {  	v5 =	vand.u32 $0x7F, v5;
	v11 =	vor.u32 v11, v19;
	v13 =	vshll.u32 v13, $0xA  }
0x295: {  	v19 =	vadd.s32 v6, v63;
	v12 =	vor.u32 v12, v13;
	v13 =	vshrl.u32 v14, $0x3  }
0x296: {  	v6 =	vand.u32 $0x7F, v6;
	v4 =	vor.u32 v4, v11;
	v13 =	vmul.u32 $0x3, v13  }
0x297: {  	v11 =	vshrl.u32 v19, $0x7;
	v5 =	vor.u32 v5, v12;
	v12 =	vshll.u32 v14, $0x7  }
0x298: {  	v12 =	vand.u32 $0x380, v12;
	v11 =	vadd.s32 v13, v11;
	v13 =	vadd.s32 v49, v15  }
0x299: {  	v11 =	vshll.u32 v11, $0xA;
	v14 =	vmul.u32 $0x1FFFFE80, v13;
	v15 =	vshrl.u32 v13, $0x3  }
0x29a: {  	v13 =	vshll.u32 v13, $0x7;
	v11 =	vor.u32 v12, v11;
	v12 =	vadd.s32 v55, v16  }
0x29b: {  	v15 =	vmul.u32 $0x3, v15;
	v14 =	vadd.s32 v7, v14;
	v6 =	vor.u32 v6, v11  }
0x29c: {  	v16 =	vshrl.u32 v12, $0x3;
	v11 =	vshrl.u32 v14, $0x7;
	v14 =	vmul.u32 $0x1FFFFE80, v12  }
0x29d: {  	vm9 =	vmand vm11, vm9;
	v13 =	vand.u32 $0x380, v13;
	v16 =	vmul.u32 $0x3, v16  }
0x29e: {  	v12 =	vshll.u32 v12, $0x7;
	v11 =	vadd.s32 v15, v11;
	v14 =	vadd.s32 v8, v14  }
0x29f: {  	v15 =	vadd.s32 v57, v17;
	v11 =	vshll.u32 v11, $0xA;
	v14 =	vshrl.u32 v14, $0x7  }
0x2a0: {  	v11 =	vor.u32 v13, v11;
	v13 =	vadd.s32 v16, v14;
	v14 =	vmul.u32 $0x1FFFFE80, v15  }
0x2a1: {  	v58 =	vsel vm9, $0xFFFFFFFF, v2;
	v12 =	vand.u32 $0x380, v12;
	v16 =	vshrl.u32 v15, $0x3  }
0x2a2: {  	v13 =	vshll.u32 v13, $0xA;
	v16 =	vmul.u32 $0x3, v16;
	v14 =	vadd.s32 v9, v14  }
0x2a3: {  	v12 =	vor.u32 v12, v13;
	v13 =	vshrl.u32 v14, $0x7;
	v14 =	vadd.s32 v58, v18  }
0x2a4: {  	v15 =	vshll.u32 v15, $0x7;
	v13 =	vadd.s32 v16, v13;
	v16 =	vmul.u32 $0x1FFFFE80, v14  }
0x2a5: {  	v8 =	vand.u32 $0x7F, v8;
	v15 =	vand.u32 $0x380, v15;
	v17 =	vshrl.u32 v14, $0x3  }
0x2a6: {  	v13 =	vshll.u32 v13, $0xA;
	v17 =	vmul.u32 $0x3, v17;
	v16 =	vadd.s32 v10, v16  }
0x2a7: {  	v8 =	vor.u32 v8, v12;
	v12 =	vor.u32 v15, v13;
	v13 =	vshrl.u32 v16, $0x7  }
0x2a8: {  	v9 =	vand.u32 $0x7F, v9;
	v14 =	vshll.u32 v14, $0x7;
	v13 =	vadd.s32 v17, v13  }
0x2a9: {  	s8 =	rddreg [dreg:$0xd];
	v9 =	vor.u32 v9, v12;
	v12 =	vshll.u32 v13, $0xA;
	v13 =	vand.u32 $0x380, v14  }
0x2aa: {  	s10 =	simm.s32 $0x0;
	s2 =	simm.s32 $0x0;
	v10 =	vand.u32 $0x7F, v10;
	v12 =	vor.u32 v13, v12;
	v13 =	vadd.s32 s8, v9  }
0x2ab: {  	s5 =	simm.s32 $0x1;
	s12 =	simm.s32 $0xD00;
	s6 =	simm.s32 $0x0;
	v14 =	vand.u32 $0x7F, v7;
	v7 =	vor.u32 v10, v12;
	v10 =	vadd.s32 s8, v8;
	[tilespmem:s2+$0x160] =	vst v13  }
0x2ac: {  	s11 =	simm.s32 $0x100;
	s3 =	simm.s32 $0xE00;
	s9 =	smov.u32 s8;
	v11 =	vor.u32 v14, v11;
	v14 =	vadd.s32 s8, v6;
	[tilespmem:s2+$0x150] =	vst v10;
	v10 =	vadd.s32 s8, v7  }
0x2ad: {  	s7 =	simm.s32 $0x3;
	s4 =	sadd.s32 $0x24000, s8;
	s0 =	simm.s32 $0x1;
	v12 =	vadd.s32 s8, v4;
	v13 =	vadd.s32 s8, v5;
	v15 =	vadd.s32 s8, v11;
	[tilespmem:s2+$0x170] =	vst v10  }
.LBB2_2:
0x2ae: {  	s6 =	sadd.s32 $0x2, s6;
	[tilespmem:s2+$0x140] =	vst v15;
	s9 =	sadd.s32 $0x48000, s9;
	s10 =	sadd.s32 $0x400, s10;
	v10 =	vimm.f32 $0.0e+00  }
0x2af: {  	s13 =	sadd.s32 $0x24000, s9;
	p1 =	slt.u32 s6, $0x16;
	[tilespmem:s2+$0x130] =	vst v14  }
0x2b0: {  	[tilespmem:s2+$0x120] =	vst v13  }
0x2b1: {  	v13 =	vadd.s32 s8, v3;
	s8 =	smov.u32 s9;
	[tilespmem:s2+$0x110] =	vst v12  }
0x2b2: {  	[tilespmem:s2+$0x100] =	vst v13  }
0x2b3: {  	v12 =	vadd.s32 s4, v3;
	[tilespmem:s12], [sflag:s5] =	stream.indirect.gather [hbm4b:s1+s15], $0x1, s11, s15, $0xb8;
	[tilespmem:$0x2800] =	vst v63  }
0x2b4: {  	[tilespmem:s2+$0x180] =	vst v12;
	v12 =	vadd.s32 s4, v7  }
0x2b5: {  	v13 =	vadd.s32 s4, v9;
	[tilespmem:s2+$0x1F0] =	vst v12  }
0x2b6: {  	v12 =	vadd.s32 s4, v8;
	[tilespmem:s2+$0x1E0] =	vst v13  }
0x2b7: {  	v13 =	vadd.s32 s4, v11;
	[tilespmem:s2+$0x1D0] =	vst v12  }
0x2b8: {  	v12 =	vadd.s32 s4, v5;
	[tilespmem:s2+$0x1C0] =	vst v13  }
0x2b9: {  	v13 =	vadd.s32 s4, v4;
	[tilespmem:s2+$0x1A0] =	vst v12;
	v12 =	vadd.s32 s4, v6;
	s4 =	smov.u32 s13  }
0x2ba: {  	s11 =	sadd.s32 $0x180, s2;
	s12 =	sadd.s32 $0xD80, s2;
	s13 =	sadd.s32 $0x1, s5;
	[tilespmem:s2+$0x190] =	vst v13  }
.Ltmp0:
0x2bb: {  	v15 =	vadd.s32 s9, v9;
	s5 =	smov.u32 s7;
	[tilespmem:s2+$0x1B0] =	vst v12;
	s2 =	sshra.s32 s10, $0x2;
	(pc) =	sbr.rel @p1 .LBB2_2-.Ltmp0, $4  }
0x2bc: {  	v14 =	vadd.s32 s9, v6;
	v13 =	vadd.s32 s9, v5;
	v12 =	vadd.s32 s9, v4;
	[tilespmem:s12], [sflag:s13] =	stream.indirect.gather [hbm4b:s1+s15], $0x1, s11, s15, $0xb8;
	[tilespmem:$0x2800] =	vst v63  }
0x2bd: {  	v16 =	vadd.s32 s9, v8;
	s11 =	sadd.s32 $0x100, s2;
	s12 =	sadd.s32 $0xD00, s2;
	[tilespmem:s2+$0x160] =	vst v15  }
0x2be: {  	[tilespmem:s2+$0x150] =	vst v16;
	v16 =	vadd.s32 s9, v7  }
0x2bf: {  	s7 =	sadd.s32 $0x2, s7;
	v15 =	vadd.s32 s9, v11;
	[tilespmem:s2+$0x170] =	vst v16  }
0x2c0: {  	[tilespmem:s2+$0x140] =	vst v15  }
0x2c1: {  	[tilespmem:s2+$0x130] =	vst v14  }
0x2c2: {  	[tilespmem:s2+$0x120] =	vst v13  }
0x2c3: {  	v13 =	vadd.s32 s8, v3;
	[tilespmem:s2+$0x110] =	vst v12  }
0x2c4: {  	[tilespmem:s2+$0x100] =	vst v13  }
0x2c5: {  	v3 =	vadd.s32 s4, v3;
	[tilespmem:s12], [sflag:s5] =	stream.indirect.gather [hbm4b:s1+s15], $0x1, s11, s15, $0xb8;
	[tilespmem:$0x2800] =	vst v63  }
0x2c6: {  	v4 =	vadd.s32 s4, v4;
	[tilespmem:s2+$0x180] =	vst v3  }
0x2c7: {  	v3 =	vadd.s32 s4, v7;
	[tilespmem:s2+$0x190] =	vst v4  }
0x2c8: {  	v7 =	vadd.s32 s4, v9;
	[tilespmem:s2+$0x1F0] =	vst v3  }
0x2c9: {  	v3 =	vadd.s32 s4, v8;
	[tilespmem:s2+$0x1E0] =	vst v7  }
0x2ca: {  	v7 =	vadd.s32 s4, v11;
	[tilespmem:s2+$0x1D0] =	vst v3  }
0x2cb: {  	v3 =	vadd.s32 s4, v5;
	[tilespmem:s2+$0x1C0] =	vst v7  }
0x2cc: {  	[tilespmem:s2+$0x1A0] =	vst v3;
	v3 =	vadd.s32 s4, v6  }
0x2cd: {  	s26 =	sadd.s32 $0x180, s2;
	s6 =	sadd.s32 $0xD80, s2;
	s28 =	sadd.s32 $0x1, s5;
	[tilespmem:s2+$0x1B0] =	vst v3  }
0x2ce: {  	[tilespmem:s6], [sflag:s28] =	stream.indirect.gather [hbm4b:s1+s15], $0x1, s26, s15, $0xb8;
	[tilespmem:$0x2800] =	vst v63  }
0x2cf: {  	_ =	swait.ge [sflag:s0], $0x80  }
0x2d0: {  	[sflag:s0] =	ssyncset.done $0x0  }
0x2d1: {  	[sflag:s0] =	ssyncadd.s32 $0xFFFFFF80  }
0x2d2: {  	v3 =	vld [tilespmem:s3+$0xFFFFFF70]  }
0x2d3: {  	v4 =	vld [tilespmem:s3+$0xFFFFFF60]  }
0x2d4: {  	v5 =	vld [tilespmem:s3+$0xFFFFFF40]  }
0x2d5: {  	v6 =	vld [tilespmem:s3+$0xFFFFFF50]  }
0x2d6: {  	v7 =	vld [tilespmem:s3+$0xFFFFFF30]  }
0x2d7: {  	v8 =	vld [tilespmem:s3+$0xFFFFFF20]  }
0x2d8: {  	s29 =	simm.s32 $0x2;
	v9 =	vld [tilespmem:s3+$0xFFFFFF00]  }
0x2d9: {  	v12 =	vld [tilespmem:s3+$0xFFFFFF10];
	_ =	swait.ge [sflag:s29], $0x80  }
0x2da: {  	[sflag:s29] =	ssyncset.done $0x0  }
0x2db: {  	[sflag:s29] =	ssyncadd.s32 $0xFFFFFF80  }
0x2dc: {  	v11 =	vld [tilespmem:s3+$0xFFFFFFD0]  }
0x2dd: {  	v13 =	vld [tilespmem:s3+$0xFFFFFFE0]  }
0x2de: {  	v14 =	vld [tilespmem:s3+$0xFFFFFFB0]  }
0x2df: {  	v15 =	vld [tilespmem:s3+$0xFFFFFFA0]  }
0x2e0: {  	v16 =	vld [tilespmem:s3+$0xFFFFFFF0]  }
0x2e1: {  	v17 =	vld [tilespmem:s3+$0xFFFFFF80]  }
0x2e2: {  	s30 =	simm.s32 $0x3;
	v18 =	vld [tilespmem:s3+$0xFFFFFF90]  }
0x2e3: {  	v19 =	vld [tilespmem:s3+$0xFFFFFFC0];
	_ =	swait.ge [sflag:s30], $0x80  }
0x2e4: {  	[sflag:s30] =	ssyncset.done $0x0  }
0x2e5: {  	[sflag:s30] =	ssyncadd.s32 $0xFFFFFF80  }
0x2e6: {  	v20 =	vld [tilespmem:s3+$0x0]  }
0x2e7: {  	v21 =	vld [tilespmem:s3+$0x10]  }
0x2e8: {  	v3 =	vmul.f32 v3, v3;
	v5 =	vmul.f32 v5, v5;
	v22 =	vld [tilespmem:s3+$0x20]  }
0x2e9: {  	v23 =	vmul.f32 v6, v6;
	v6 =	vmul.f32 v7, v7;
	v24 =	vld [tilespmem:s3+$0x70]  }
0x2ea: {  	v25 =	vmul.f32 v8, v8;
	v27 =	vmul.f32 v9, v9;
	v26 =	vld [tilespmem:s3+$0x50]  }
0x2eb: {  	v28 =	vld [tilespmem:s3+$0x30];
	v3 =	vadd.f32 v3, v10;
	v6 =	vadd.f32 v6, v10;
	v8 =	vmul.f32 v11, v11  }
0x2ec: {  	s31 =	simm.s32 $0x4;
	v30 =	vld [tilespmem:s3+$0x60];
	v5 =	vadd.f32 v5, v10;
	v29 =	vmul.f32 v13, v13;
	v7 =	vmul.f32 v14, v14  }
0x2ed: {  	v32 =	vld [tilespmem:s3+$0x40];
	_ =	swait.ge [sflag:s31], $0x80;
	v59 =	vadd.f32 v27, v10;
	v31 =	vmul.f32 v15, v15;
	v9 =	vmul.f32 v16, v16  }
0x2ee: {  	[sflag:s31] =	ssyncset.done $0x0;
	v19 =	vmul.f32 v19, v19;
	v14 =	vadd.f32 v23, v10;
	v17 =	vmul.f32 v17, v17  }
0x2ef: {  	[sflag:s31] =	ssyncadd.s32 $0xFFFFFF80;
	v18 =	vmul.f32 v18, v18;
	v9 =	vadd.f32 v9, v3;
	v3 =	vmul.f32 v4, v4  }
0x2f0: {  	v23 =	vld [tilespmem:s3+$0x80];
	v4 =	vmul.f32 v12, v12;
	v63 =	vadd.f32 v19, v5;
	v20 =	vmul.f32 v20, v20  }
0x2f1: {  	v60 =	vld [tilespmem:s3+$0x90];
	v22 =	vmul.f32 v22, v22;
	v13 =	vmul.f32 v24, v24;
	v3 =	vadd.f32 v3, v10  }
0x2f2: {  	v61 =	vld [tilespmem:s3+$0xA0];
	v11 =	vmul.f32 v26, v26;
	v4 =	vadd.f32 v4, v10;
	v10 =	vadd.f32 v25, v10  }
0x2f3: {  	v62 =	vld [tilespmem:s3+$0xB0];
	v12 =	vmul.f32 v28, v28;
	v16 =	vadd.f32 v29, v3;
	v3 =	vadd.f32 v17, v59  }
0x2f4: {  	v4 =	vadd.f32 v18, v4;
	v17 =	vmul.f32 v21, v21;
	v21 =	vld [tilespmem:s3+$0xC0];
	v18 =	vadd.f32 v31, v10  }
0x2f5: {  	v15 =	vmul.f32 v30, v30;
	v5 =	vmul.f32 v23, v23;
	v3 =	vadd.f32 v20, v3  }
0x2f6: {  	v4 =	vadd.f32 v17, v4;
	v17 =	vmul.f32 v60, v60;
	v22 =	vadd.f32 v22, v18;
	v18 =	vld [tilespmem:s3+$0xE0]  }
0x2f7: {  	v19 =	vld [tilespmem:s3+$0xF0];
	v23 =	vmul.f32 v61, v61;
	v20 =	vmul.f32 v32, v32  }
0x2f8: {  	s5 =	simm.s32 $0x5;
	s4 =	simm.s32 $0x4;
	v5 =	vadd.f32 v5, v3;
	v3 =	vadd.f32 v17, v4;
	v17 =	vmul.f32 v62, v62  }
0x2f9: {  	s2 =	simm.s32 $0x5;
	s0 =	simm.s32 $0x1000;
	v10 =	vld [tilespmem:s3+$0xD0];
	s3 =	simm.s32 $0x1200;
	v20 =	vadd.f32 v20, v63;
	v4 =	vadd.f32 v23, v22;
	v21 =	vmul.f32 v21, v21  }
.LBB2_4:
0x2fa: {  	s4 =	sadd.s32 $0x4, s4;
	_ =	swait.ge [sflag:s2], $0x80;
	s5 =	sadd.s32 $0x4, s5;
	v8 =	vadd.f32 v8, v14  }
0x2fb: {  	v14 =	vadd.f32 v15, v16;
	p1 =	slt.u32 s4, $0x14;
	[sflag:s2] =	ssyncset.done $0x0;
	v15 =	vadd.f32 v21, v20;
	v16 =	vmul.f32 v18, v18  }
0x2fc: {  	v6 =	vadd.f32 v7, v6;
	v7 =	vadd.f32 v13, v9;
	[sflag:s2] =	ssyncadd.s32 $0xFFFFFF80;
	v9 =	vmul.f32 v19, v19  }
0x2fd: {  	v8 =	vadd.f32 v11, v8;
	v13 =	vld [tilespmem:s0+$0xFFFFFF70];
	v16 =	vadd.f32 v16, v14  }
0x2fe: {  	v10 =	vmul.f32 v10, v10;
	v6 =	vadd.f32 v12, v6;
	v18 =	vld [tilespmem:s0+$0xFFFFFF60];
	v9 =	vadd.f32 v9, v7  }
0x2ff: {  	v7 =	vld [tilespmem:s0+$0xFFFFFF40]  }
0x300: {  	v6 =	vadd.f32 v17, v6;
	v10 =	vadd.f32 v10, v8;
	v11 =	vld [tilespmem:s0+$0xFFFFFF50]  }
0x301: {  	v8 =	vld [tilespmem:s0+$0xFFFFFF30]  }
0x302: {  	v12 =	vld [tilespmem:s0+$0xFFFFFF20];
	v13 =	vmul.f32 v13, v13  }
0x303: {  	v14 =	vld [tilespmem:s0+$0xFFFFFF00]  }
0x304: {  	s6 =	sadd.s32 $0x1, s2;
	v17 =	vld [tilespmem:s0+$0xFFFFFF10];
	v19 =	vmul.f32 v7, v7  }
0x305: {  	v20 =	vmul.f32 v11, v11;
	_ =	swait.ge [sflag:s6], $0x80  }
0x306: {  	v7 =	vmul.f32 v8, v8;
	[sflag:s6] =	ssyncset.done $0x0  }
0x307: {  	v21 =	vmul.f32 v12, v12;
	[sflag:s6] =	ssyncadd.s32 $0xFFFFFF80  }
0x308: {  	v22 =	vmul.f32 v14, v14;
	v6 =	vadd.f32 v7, v6;
	v7 =	vld [tilespmem:s0+$0xFFFFFFD0]  }
0x309: {  	v11 =	vld [tilespmem:s0+$0xFFFFFFE0]  }
0x30a: {  	v12 =	vld [tilespmem:s0+$0xFFFFFFB0]  }
0x30b: {  	v14 =	vld [tilespmem:s0+$0xFFFFFFA0]  }
0x30c: {  	v23 =	vld [tilespmem:s0+$0xFFFFFFF0]  }
0x30d: {  	v24 =	vld [tilespmem:s0+$0xFFFFFF80];
	v8 =	vmul.f32 v7, v7  }
0x30e: {  	v25 =	vld [tilespmem:s0+$0xFFFFFF90];
	v26 =	vmul.f32 v11, v11  }
0x30f: {  	s6 =	sadd.s32 $0x2, s2;
	v7 =	vmul.f32 v12, v12;
	v11 =	vld [tilespmem:s0+$0xFFFFFFC0]  }
0x310: {  	v27 =	vmul.f32 v14, v14;
	_ =	swait.ge [sflag:s6], $0x80  }
0x311: {  	v9 =	vadd.f32 v13, v9;
	v12 =	vmul.f32 v23, v23;
	[sflag:s6] =	ssyncset.done $0x0  }
0x312: {  	[sflag:s6] =	ssyncadd.s32 $0xFFFFFF80  }
0x313: {  	v9 =	vadd.f32 v12, v9;
	v12 =	vld [tilespmem:s0+$0x0]  }
0x314: {  	v23 =	vmul.f32 v11, v11;
	v28 =	vld [tilespmem:s0+$0x10]  }
0x315: {  	v11 =	vld [tilespmem:s0+$0x20]  }
0x316: {  	v13 =	vld [tilespmem:s0+$0x70]  }
0x317: {  	v14 =	vld [tilespmem:s0+$0x50]  }
0x318: {  	v29 =	vmul.f32 v12, v12;
	v12 =	vld [tilespmem:s0+$0x30]  }
0x319: {  	v30 =	vld [tilespmem:s0+$0x60]  }
0x31a: {  	s6 =	sadd.s32 $0x3, s2;
	s2 =	smov.u32 s5;
	v31 =	vmul.f32 v11, v11;
	v32 =	vld [tilespmem:s0+$0x40]  }
0x31b: {  	v13 =	vmul.f32 v13, v13;
	_ =	swait.ge [sflag:s6], $0x80  }
0x31c: {  	v11 =	vmul.f32 v14, v14;
	[sflag:s6] =	ssyncset.done $0x0  }
0x31d: {  	v14 =	vadd.f32 v20, v10;
	v10 =	vmul.f32 v18, v18;
	v12 =	vmul.f32 v12, v12;
	[sflag:s6] =	ssyncadd.s32 $0xFFFFFF80  }
0x31e: {  	v17 =	vmul.f32 v17, v17;
	v18 =	vadd.f32 v19, v15;
	v15 =	vmul.f32 v30, v30;
	v19 =	vld [tilespmem:s0+$0x80]  }
0x31f: {  	v5 =	vadd.f32 v22, v5;
	v10 =	vadd.f32 v10, v16;
	v20 =	vld [tilespmem:s0+$0x90]  }
0x320: {  	v3 =	vadd.f32 v17, v3;
	v17 =	vmul.f32 v24, v24;
	v22 =	vmul.f32 v25, v25;
	v24 =	vld [tilespmem:s0+$0xA0]  }
0x321: {  	v4 =	vadd.f32 v21, v4;
	v16 =	vadd.f32 v26, v10;
	v21 =	vld [tilespmem:s0+$0xB0]  }
0x322: {  	v5 =	vadd.f32 v17, v5;
	v3 =	vadd.f32 v22, v3;
	v17 =	vmul.f32 v28, v28;
	v22 =	vld [tilespmem:s0+$0xC0]  }
.Ltmp1:
0x323: {  	v4 =	vadd.f32 v27, v4;
	v23 =	vadd.f32 v23, v18;
	v25 =	vmul.f32 v19, v19;
	v10 =	vld [tilespmem:s0+$0xD0];
	(pc) =	sbr.rel @p1 .LBB2_4-.Ltmp1, $4  }
0x324: {  	v5 =	vadd.f32 v29, v5;
	v3 =	vadd.f32 v17, v3;
	v17 =	vmul.f32 v20, v20;
	v18 =	vld [tilespmem:s0+$0xE0]  }
0x325: {  	v4 =	vadd.f32 v31, v4;
	v20 =	vmul.f32 v32, v32;
	v24 =	vmul.f32 v24, v24;
	v19 =	vld [tilespmem:s0+$0xF0];
	s0 =	smov.u32 s3  }
0x326: {  	v5 =	vadd.f32 v25, v5;
	v3 =	vadd.f32 v17, v3;
	v17 =	vmul.f32 v21, v21  }
0x327: {  	s3 =	sadd.s32 $0x200, s3;
	v20 =	vadd.f32 v20, v23;
	v4 =	vadd.f32 v24, v4;
	v21 =	vmul.f32 v22, v22  }
0x328: {  	_ =	swait.ge [sflag:s2], $0x80  }
0x329: {  	[sflag:s2] =	ssyncset.done $0x0  }
0x32a: {  	[sflag:s2] =	ssyncadd.s32 $0xFFFFFF80  }
0x32b: {  	v22 =	vld [tilespmem:s0+$0xFFFFFF70]  }
0x32c: {  	v23 =	vld [tilespmem:s0+$0xFFFFFF60]  }
0x32d: {  	v24 =	vld [tilespmem:s0+$0xFFFFFF40]  }
0x32e: {  	v25 =	vld [tilespmem:s0+$0xFFFFFF50]  }
0x32f: {  	v26 =	vld [tilespmem:s0+$0xFFFFFF30]  }
0x330: {  	v27 =	vld [tilespmem:s0+$0xFFFFFF20]  }
0x331: {  	s3 =	sadd.s32 $0x1, s2;
	v28 =	vld [tilespmem:s0+$0xFFFFFF00]  }
0x332: {  	v29 =	vld [tilespmem:s0+$0xFFFFFF10];
	_ =	swait.ge [sflag:s3], $0x80  }
0x333: {  	[sflag:s3] =	ssyncset.done $0x0  }
0x334: {  	[sflag:s3] =	ssyncadd.s32 $0xFFFFFF80  }
0x335: {  	v30 =	vld [tilespmem:s0+$0xFFFFFFD0]  }
0x336: {  	v31 =	vld [tilespmem:s0+$0xFFFFFFE0]  }
0x337: {  	v32 =	vld [tilespmem:s0+$0xFFFFFFB0]  }
0x338: {  	v33 =	vld [tilespmem:s0+$0xFFFFFFA0]  }
0x339: {  	v34 =	vld [tilespmem:s0+$0xFFFFFFF0]  }
0x33a: {  	v35 =	vld [tilespmem:s0+$0xFFFFFF80]  }
0x33b: {  	s22 =	sadd.s32 $0x2, s2;
	v36 =	vld [tilespmem:s0+$0xFFFFFF90]  }
0x33c: {  	v8 =	vadd.f32 v8, v14;
	v44 =	vadd.f32 v15, v16;
	v37 =	vld [tilespmem:s0+$0xFFFFFFC0];
	_ =	swait.ge [sflag:s22], $0x80  }
0x33d: {  	v6 =	vadd.f32 v7, v6;
	v9 =	vadd.f32 v13, v9;
	[sflag:s22] =	ssyncset.done $0x0  }
0x33e: {  	v45 =	vadd.f32 v21, v20;
	v46 =	vmul.f32 v18, v18;
	v47 =	vmul.f32 v19, v19;
	[sflag:s22] =	ssyncadd.s32 $0xFFFFFF80  }
0x33f: {  	v10 =	vmul.f32 v10, v10;
	v8 =	vadd.f32 v11, v8;
	v6 =	vadd.f32 v12, v6;
	v7 =	vld [tilespmem:s0+$0x0]  }
0x340: {  	v14 =	vadd.f32 v46, v44;
	v9 =	vadd.f32 v47, v9;
	v11 =	vmul.f32 v22, v22;
	v48 =	vld [tilespmem:s0+$0x10]  }
0x341: {  	v6 =	vadd.f32 v17, v6;
	v50 =	vmul.f32 v24, v24;
	v53 =	vmul.f32 v26, v26;
	v49 =	vld [tilespmem:s0+$0x20]  }
0x342: {  	v8 =	vadd.f32 v10, v8;
	v51 =	vmul.f32 v25, v25;
	v54 =	vmul.f32 v27, v27;
	v52 =	vld [tilespmem:s0+$0x70]  }
0x343: {  	v56 =	vmul.f32 v28, v28;
	v55 =	vld [tilespmem:s0+$0x50];
	v9 =	vadd.f32 v11, v9;
	v6 =	vadd.f32 v53, v6  }
0x344: {  	v23 =	vmul.f32 v23, v23;
	v58 =	vld [tilespmem:s0+$0x30];
	v8 =	vadd.f32 v51, v8;
	v15 =	vadd.f32 v50, v45  }
0x345: {  	s23 =	sadd.s32 $0x3, s2;
	v61 =	vld [tilespmem:s0+$0x60];
	v5 =	vadd.f32 v56, v5;
	v57 =	vmul.f32 v30, v30;
	v62 =	vmul.f32 v34, v34  }
0x346: {  	v63 =	vld [tilespmem:s0+$0x40];
	_ =	swait.ge [sflag:s23], $0x80;
	v40 =	vadd.f32 v23, v14;
	v11 =	vmul.f32 v37, v37;
	v37 =	vmul.f32 v29, v29  }
0x347: {  	[sflag:s23] =	ssyncset.done $0x0;
	v4 =	vadd.f32 v54, v4;
	v59 =	vmul.f32 v31, v31;
	v42 =	vmul.f32 v35, v35  }
0x348: {  	v10 =	vmul.f32 v33, v33;
	[sflag:s23] =	ssyncadd.s32 $0xFFFFFF80;
	v9 =	vadd.f32 v62, v9;
	v3 =	vadd.f32 v37, v3  }
0x349: {  	v60 =	vmul.f32 v32, v32;
	v38 =	vld [tilespmem:s0+$0x80];
	v13 =	vadd.f32 v59, v40;
	v5 =	vadd.f32 v42, v5  }
0x34a: {  	v43 =	vmul.f32 v36, v36;
	v41 =	vld [tilespmem:s0+$0x90];
	v4 =	vadd.f32 v10, v4;
	v10 =	vadd.f32 v11, v15  }
0x34b: {  	v45 =	vld [tilespmem:s0+$0xA0];
	v6 =	vadd.f32 v60, v6;
	v7 =	vmul.f32 v7, v7;
	v32 =	vmul.f32 v49, v49  }
0x34c: {  	v46 =	vld [tilespmem:s0+$0xB0];
	v8 =	vadd.f32 v57, v8;
	v33 =	vmul.f32 v52, v52;
	v34 =	vmul.f32 v55, v55  }
0x34d: {  	v47 =	vld [tilespmem:s0+$0xC0];
	v39 =	vmul.f32 v58, v58;
	v18 =	vmul.f32 v48, v48;
	v3 =	vadd.f32 v43, v3  }
0x34e: {  	v44 =	vmul.f32 v61, v61;
	v48 =	vld [tilespmem:s0+$0xD0];
	v5 =	vadd.f32 v7, v5;
	v11 =	vmul.f32 v38, v38  }
0x34f: {  	v49 =	vld [tilespmem:s0+$0xE0];
	v50 =	vmul.f32 v63, v63;
	v3 =	vadd.f32 v18, v3;
	v7 =	vmul.f32 v41, v41  }
0x350: {  	v52 =	vld [tilespmem:s0+$0xF0];
	v4 =	vadd.f32 v32, v4;
	v51 =	vmul.f32 v45, v45;
	v5 =	vadd.f32 v11, v5  }
0x351: {  	v6 =	vadd.f32 v39, v6;
	v3 =	vadd.f32 v7, v3;
	v7 =	vmul.f32 v46, v46  }
0x352: {  	v10 =	vadd.f32 v50, v10;
	v4 =	vadd.f32 v51, v4;
	v11 =	vmul.f32 v47, v47;
	[tilespmem:$0x2500] =	vst v5  }
0x353: {  	v5 =	vadd.f32 v34, v8;
	v8 =	vmul.f32 v48, v48;
	v6 =	vadd.f32 v7, v6;
	[tilespmem:$0x2510] =	vst v3  }
0x354: {  	v3 =	vadd.f32 v44, v13;
	v7 =	vadd.f32 v11, v10;
	v10 =	vmul.f32 v49, v49;
	[tilespmem:$0x2520] =	vst v4  }
0x355: {  	v4 =	vadd.f32 v33, v9;
	v9 =	vmul.f32 v52, v52;
	v5 =	vadd.f32 v8, v5;
	[tilespmem:$0x2530] =	vst v6  }
0x356: {  	v3 =	vadd.f32 v10, v3;
	[tilespmem:$0x2540] =	vst v7  }
0x357: {  	v4 =	vadd.f32 v9, v4;
	[tilespmem:$0x2550] =	vst v5  }
0x358: {  	[tilespmem:$0x2560] =	vst v3  }
0x359: {  	s25 =	simm.s32 $0x2500;
	s4 =	simm.s32 $0x1A;
	s24 =	rddreg [dreg:$0x9];
	[tilespmem:$0x2570] =	vst v4  }
0x35a: {  	[spmem:s24] =	stream.linear.scatter [tilespmem:s25], [sflag:$0x1A], $0x80, $0x38;
	[tilespmem:$0x2800] =	vst v63  }
0x35b: {  	_ =	swait.ge [sflag:s4], $0x80  }
0x35c: {  	[sflag:s4] =	ssyncset.done $0x0  }
0x35d: {  	[sflag:s4] =	ssyncadd.s32 $0xFFFFFF80  }
0x35e: {  	[bflag:$0x0] =	sbarrier.arrive $0xFFFF  }
0x35f: {  	s28 =	simm.s32 $0x2580;
	s26 =	rddreg [dreg:$0x7]  }
0x360: {  	[tilespmem:s28], [sflag:$0x1A] =	stream.linear.gather [spmem:s26], $0x200, $0x38;
	[tilespmem:$0x2800] =	vst v63  }
0x361: {  	_ =	swait.ge [sflag:s4], $0x200  }
0x362: {  	[sflag:s4] =	ssyncset.done $0x0  }
0x363: {  	[sflag:s4] =	ssyncadd.s32 $0xFFFFFE00  }
0x364: {  	v3 =	vld [tilespmem:$0x2580];
	_ =	sdelay $0x1  }
0x365: {  	v4 =	vld [tilespmem:$0x2600]  }
0x366: {  	v5 =	vld [tilespmem:$0x2590]  }
0x367: {  	v6 =	vld [tilespmem:$0x2680]  }
0x368: {  	v7 =	vld [tilespmem:$0x2610];
	v3 =	vadd.f32 $0.0e+00, v3  }
0x369: {  	v8 =	vld [tilespmem:$0x2700]  }
0x36a: {  	v3 =	vadd.f32 v4, v3;
	v4 =	vld [tilespmem:$0x2690]  }
0x36b: {  	v5 =	vadd.f32 $0.0e+00, v5  }
0x36c: {  	v3 =	vadd.f32 v6, v3;
	v6 =	vld [tilespmem:$0x2710]  }
0x36d: {  	v5 =	vadd.f32 v7, v5  }
0x36e: {  	v7 =	vadd.f32 v8, v3  }
0x36f: {  	v3 =	vadd.f32 v4, v5  }
0x370: {  	v4 =	vshra.s32 v7, $0x1;
	v5 =	vmul.f32 $5.000000000e-01, v7  }
0x371: {  	v4 =	vsub.s32 $0x5F3759DF, v4;
	v6 =	vadd.f32 v6, v3  }
0x372: {  	v3 =	vmul.f32 v4, v5  }
0x373: {  	v8 =	vshra.s32 v6, $0x1;
	v9 =	vmul.f32 $5.000000000e-01, v6  }
0x374: {  	v10 =	vld [tilespmem:$0x25A0];
	v3 =	vmul.f32 v4, v3;
	v8 =	vsub.s32 $0x5F3759DF, v8  }
0x375: {  	v11 =	vmul.f32 v8, v9  }
0x376: {  	v53 =	vld [tilespmem:$0x2620];
	v3 =	vsub.f32 $1.500000000e+00, v3  }
0x377: {  	v11 =	vmul.f32 v8, v11  }
0x378: {  	v54 =	vld [tilespmem:$0x26A0];
	v4 =	vmul.f32 v4, v3  }
0x379: {  	v3 =	vadd.f32 $0.0e+00, v10;
	v10 =	vsub.f32 $1.500000000e+00, v11  }
0x37a: {  	v11 =	vld [tilespmem:$0x2720];
	v55 =	vmul.f32 v4, v5  }
0x37b: {  	v3 =	vadd.f32 v53, v3;
	v8 =	vmul.f32 v8, v10  }
0x37c: {  	v10 =	vmul.f32 v55, v4  }
0x37d: {  	v3 =	vadd.f32 v54, v3;
	v56 =	vmul.f32 v8, v9  }
0x37e: {  	v10 =	vsub.f32 $1.500000000e+00, v10  }
0x37f: {  	v3 =	vadd.f32 v11, v3;
	v11 =	vld [tilespmem:$0x25B0];
	v12 =	vmul.f32 v56, v8  }
0x380: {  	v4 =	vmul.f32 v10, v4  }
0x381: {  	v58 =	vld [tilespmem:$0x2630];
	v10 =	vshra.s32 v3, $0x1;
	v57 =	vmul.f32 $5.000000000e-01, v3;
	v12 =	vsub.f32 $1.500000000e+00, v12  }
0x382: {  	v10 =	vsub.s32 $0x5F3759DF, v10;
	v5 =	vmul.f32 v4, v5  }
0x383: {  	v60 =	vld [tilespmem:$0x26B0];
	v59 =	vmul.f32 v10, v57;
	v8 =	vmul.f32 v12, v8  }
0x384: {  	v62 =	vld [tilespmem:$0x2730];
	v11 =	vadd.f32 $0.0e+00, v11;
	v5 =	vmul.f32 v5, v4  }
0x385: {  	v33 =	vld [tilespmem:$0x25F0];
	v61 =	vmul.f32 v10, v59;
	v9 =	vmul.f32 v8, v9  }
0x386: {  	v11 =	vadd.f32 v58, v11;
	v5 =	vsub.f32 $1.500000000e+00, v5  }
0x387: {  	v63 =	vld [tilespmem:$0x25C0];
	v12 =	vsub.f32 $1.500000000e+00, v61;
	v9 =	vmul.f32 v9, v8  }
0x388: {  	v24 =	vld [tilespmem:$0x2640];
	v11 =	vadd.f32 v60, v11;
	v4 =	vmul.f32 v5, v4  }
0x389: {  	v25 =	vld [tilespmem:$0x2740];
	vm9 =	vgt.f32 v7, $0.0e+00;
	v5 =	vmul.f32 v10, v12;
	v9 =	vsub.f32 $1.500000000e+00, v9  }
0x38a: {  	v35 =	vld [tilespmem:$0x2670];
	v38 =	vadd.f32 $0.0e+00, v33;
	v11 =	vadd.f32 v62, v11;
	v4 =	vnsel vm9, $0x0, v4  }
0x38b: {  	v27 =	vld [tilespmem:$0x25D0];
	v26 =	vmul.f32 v5, v57;
	vm9 =	vgt.f32 v6, $0.0e+00;
	v8 =	vmul.f32 v9, v8  }
0x38c: {  	v36 =	vld [tilespmem:$0x26F0];
	v9 =	vshra.s32 v11, $0x1;
	v28 =	vmul.f32 $5.000000000e-01, v11;
	v4 =	vmul.f32 v4, v7  }
0x38d: {  	v32 =	vld [tilespmem:$0x25E0];
	v15 =	vmul.f32 v26, v5;
	v9 =	vsub.s32 $0x5F3759DF, v9;
	v7 =	vnsel vm9, $0x0, v8  }
0x38e: {  	v14 =	vadd.f32 $0.0e+00, v63;
	v10 =	vld [tilespmem:$0x26C0];
	v8 =	vmul.f32 v9, v28;
	v6 =	vmul.f32 v7, v6  }
0x38f: {  	v40 =	vld [tilespmem:$0x2770];
	v7 =	vsub.f32 $1.500000000e+00, v15;
	v15 =	vadd.f32 v35, v38  }
0x390: {  	v29 =	vld [tilespmem:$0x2650];
	v4 =	vadd.f32 $1.000000010e-07, v4;
	v8 =	vmul.f32 v9, v8;
	v6 =	vadd.f32 $1.000000010e-07, v6  }
0x391: {  	v34 =	vld [tilespmem:$0x2660];
	v5 =	vmul.f32 v7, v5;
	v7 =	vadd.f32 v24, v14;
	v13 =	vadd.f32 v36, v15  }
0x392: {  	v30 =	vld [tilespmem:$0x26D0];
	(erf) = vrcp.f32 v4;
	v4 =	vsub.f32 $1.500000000e+00, v8;
	v8 =	vadd.f32 $0.0e+00, v27  }
0x393: {  	(erf) = vrcp.f32 v6;
	v6 =	vmul.f32 v5, v57;
	v7 =	vadd.f32 v10, v7;
	v10 =	vld [tilespmem:$0x26E0]  }
0x394: {  	v31 =	vld [tilespmem:$0x2750];
	v13 =	vadd.f32 v40, v13;
	v4 =	vmul.f32 v9, v4;
	v9 =	vadd.f32 $0.0e+00, v32  }
0x395: {  	v37 =	vld [tilespmem:$0x2760];
	v8 =	vadd.f32 v29, v8;
	v6 =	vmul.f32 v6, v5;
	v7 =	vadd.f32 v25, v7  }
0x396: {  	v51 =	vshra.s32 v13, $0x1;
	v52 =	vmul.f32 $5.000000000e-01, v13;
	v9 =	vadd.f32 v34, v9  }
0x397: {  	v39 =	vmul.f32 v4, v28;
	v8 =	vadd.f32 v30, v8;
	v22 =	vsub.s32 $0x5F3759DF, v51  }
0x398: {  	v41 =	vshra.s32 v7, $0x1;
	v42 =	vmul.f32 $5.000000000e-01, v7;
	v9 =	vadd.f32 v10, v9  }
0x399: {  	v43 =	vsub.s32 $0x5F3759DF, v41;
	v8 =	vadd.f32 v31, v8;
	v10 =	vmul.f32 v39, v4  }
0x39a: {  	v54 =	vmul.f32 v22, v52;
	v44 =	vmul.f32 v43, v42;
	v9 =	vadd.f32 v37, v9  }
0x39b: {  	v45 =	vshra.s32 v8, $0x1;
	v46 =	vmul.f32 $5.000000000e-01, v8;
	v10 =	vsub.f32 $1.500000000e+00, v10  }
0x39c: {  	v15 =	vsub.s32 $0x5F3759DF, v45;
	v49 =	vshra.s32 v9, $0x1;
	v50 =	vmul.f32 $5.000000000e-01, v9  }
0x39d: {  	v47 =	vmul.f32 v43, v44;
	v48 =	vmul.f32 v15, v46;
	v17 =	vsub.s32 $0x5F3759DF, v49  }
0x39e: {  	v6 =	vsub.f32 $1.500000000e+00, v6;
	v4 =	vmul.f32 v10, v4;
	v53 =	vmul.f32 v17, v50  }
0x39f: {  	v56 =	vmul.f32 v22, v54;
	v12 =	vsub.f32 $1.500000000e+00, v47;
	v14 =	vmul.f32 v15, v48  }
0x3a0: {  	v18 =	vmul.f32 v4, v28;
	v55 =	vmul.f32 v17, v53  }
0x3a1: {  	v5 =	vmul.f32 v6, v5;
	v12 =	vmul.f32 v43, v12;
	v10 =	vsub.f32 $1.500000000e+00, v14  }
0x3a2: {  	v14 =	vsub.f32 $1.500000000e+00, v56;
	v59 =	vmul.f32 v18, v4;
	v16 =	vsub.f32 $1.500000000e+00, v55  }
0x3a3: {  	v6 =	vmul.f32 v12, v42;
	v10 =	vmul.f32 v15, v10  }
0x3a4: {  	v14 =	vmul.f32 v22, v14;
	v57 =	vmul.f32 v17, v16  }
0x3a5: {  	v6 =	vmul.f32 v6, v12;
	v58 =	vmul.f32 v10, v46  }
0x3a6: {  	vm9 =	vgt.f32 v3, $0.0e+00;
	v22 =	vmul.f32 v14, v52;
	v60 =	vmul.f32 v57, v50  }
0x3a7: {  	v5 =	vnsel vm9, $0x0, v5;
	v6 =	vsub.f32 $1.500000000e+00, v6;
	v16 =	vmul.f32 v58, v10  }
0x3a8: {  	v17 =	vsub.f32 $1.500000000e+00, v59;
	v62 =	vmul.f32 v22, v14;
	v61 =	vmul.f32 v60, v57  }
0x3a9: {  	v3 =	vmul.f32 v5, v3;
	v6 =	vmul.f32 v6, v12;
	v16 =	vsub.f32 $1.500000000e+00, v16  }
0x3aa: {  	v4 =	vmul.f32 v17, v4;
	v63 =	vsub.f32 $1.500000000e+00, v62;
	v12 =	vsub.f32 $1.500000000e+00, v61  }
0x3ab: {  	v5 =	vmul.f32 v6, v42;
	v10 =	vmul.f32 v16, v10  }
0x3ac: {  	v3 =	vadd.f32 $1.000000010e-07, v3;
	v14 =	vmul.f32 v63, v14;
	v12 =	vmul.f32 v12, v57  }
0x3ad: {  	vm9 =	vgt.f32 v11, $0.0e+00;
	v5 =	vmul.f32 v5, v6;
	v19 =	vmul.f32 v10, v46  }
0x3ae: {  	(erf) = vrcp.f32 v3;
	v3 =	vnsel vm9, $0x0, v4;
	v4 =	vmul.f32 v12, v50  }
0x3af: {  	v16 =	vmul.f32 v14, v52;
	v5 =	vsub.f32 $1.500000000e+00, v5;
	v15 =	vmul.f32 v19, v10  }
0x3b0: {  	v3 =	vmul.f32 v3, v11;
	v4 =	vmul.f32 v4, v12  }
0x3b1: {  	v11 =	vmul.f32 v16, v14;
	v5 =	vmul.f32 v5, v6;
	v6 =	vsub.f32 $1.500000000e+00, v15  }
0x3b2: {  	vm9 =	vgt.f32 v7, $0.0e+00;
	v3 =	vadd.f32 $1.000000010e-07, v3;
	v4 =	vsub.f32 $1.500000000e+00, v4  }
0x3b3: {  	v5 =	vnsel vm9, $0x0, v5;
	v6 =	vmul.f32 v6, v10;
	v10 =	vsub.f32 $1.500000000e+00, v11  }
0x3b4: {  	vm9 =	vgt.f32 v8, $0.0e+00;
	v5 =	vmul.f32 v5, v7;
	v4 =	vmul.f32 v4, v12  }
0x3b5: {  	v6 =	vnsel vm9, $0x0, v6;
	vm9 =	vgt.f32 v9, $0.0e+00;
	v7 =	vmul.f32 v10, v14  }
0x3b6: {  	v6 =	vmul.f32 v6, v8;
	v4 =	vnsel vm9, $0x0, v4;
	vm9 =	vgt.f32 v13, $0.0e+00  }
0x3b7: {  	v24 =	vld [tilespmem:$0xD80];
	v5 =	vadd.f32 $1.000000010e-07, v5;
	v4 =	vmul.f32 v4, v9;
	v7 =	vnsel vm9, $0x0, v7  }
0x3b8: {  	v34 =	vld [tilespmem:$0xE00];
	(erf) = vrcp.f32 v3;
	v3 =	vadd.f32 $1.000000010e-07, v6;
	v6 =	vmul.f32 v7, v13  }
0x3b9: {  	v46 =	vld [tilespmem:$0xE80];
	(erf) = vrcp.f32 v5;
	v4 =	vadd.f32 $1.000000010e-07, v4  }
0x3ba: {  	v5 =	vld [tilespmem:$0xD00];
	(erf) = vrcp.f32 v3;
	v3 =	vadd.f32 $1.000000010e-07, v6  }
0x3bb: {  	v7 =	vld [tilespmem:$0xD20];
	(erf) = vrcp.f32 v4  }
0x3bc: {  	v6 =	vld [tilespmem:$0xD10];
	(erf) = vrcp.f32 v3  }
0x3bd: {  	v11 =	vld [tilespmem:$0xD50]  }
0x3be: {  	v8 =	vld [tilespmem:$0xD30];
	v3 =	vpop (erf)  }
0x3bf: {  	v9 =	vld [tilespmem:$0xD40];
	v4 =	vpop (erf);
	v10 =	vmul.f32 v5, v3  }
0x3c0: {  	v30 =	vmul.f32 v24, v3;
	v41 =	vmul.f32 v34, v3;
	v5 =	vpop (erf)  }
0x3c1: {  	v22 =	vld [tilespmem:$0xD70];
	v20 =	vmul.f32 v6, v4;
	v6 =	vpop (erf);
	[tilespmem:$0x1900] =	vst v10;
	v10 =	vmul.f32 v7, v5  }
0x3c2: {  	v27 =	vld [tilespmem:$0xDA0];
	v53 =	vmul.f32 v46, v3;
	[tilespmem:$0x1980] =	vst v30;
	v7 =	vpop (erf)  }
0x3c3: {  	v26 =	vld [tilespmem:$0xD90];
	[tilespmem:$0x1A00] =	vst v41;
	v23 =	vmul.f32 v8, v6;
	v8 =	vpop (erf)  }
0x3c4: {  	v37 =	vld [tilespmem:$0xE20];
	[tilespmem:$0x1A80] =	vst v53;
	v25 =	vmul.f32 v9, v7;
	v9 =	vpop (erf);
	v11 =	vmul.f32 v11, v8  }
0x3c5: {  	v28 =	vld [tilespmem:$0xDB0];
	[tilespmem:$0x1920] =	vst v10;
	v10 =	vpop (erf)  }
0x3c6: {  	v49 =	vld [tilespmem:$0xEA0];
	[tilespmem:$0x1950] =	vst v11;
	v11 =	vmul.f32 v22, v10  }
0x3c7: {  	v31 =	vld [tilespmem:$0xDD0];
	v12 =	vmul.f32 v27, v5;
	[tilespmem:$0x1910] =	vst v20  }
0x3c8: {  	v61 =	vld [tilespmem:$0xF20];
	[tilespmem:$0x1970] =	vst v11;
	v11 =	vmul.f32 v26, v4  }
0x3c9: {  	v33 =	vld [tilespmem:$0xDF0];
	v44 =	vmul.f32 v37, v5;
	[tilespmem:$0x19A0] =	vst v12  }
0x3ca: {  	[tilespmem:$0x1990] =	vst v11;
	v11 =	vmul.f32 v28, v6  }
0x3cb: {  	v36 =	vld [tilespmem:$0xE10];
	v56 =	vmul.f32 v49, v5;
	[tilespmem:$0x1A20] =	vst v44  }
0x3cc: {  	[tilespmem:$0x19B0] =	vst v11;
	v11 =	vmul.f32 v31, v8  }
0x3cd: {  	v39 =	vld [tilespmem:$0xE30];
	v24 =	vmul.f32 v61, v5;
	[tilespmem:$0x1AA0] =	vst v56  }
0x3ce: {  	v29 =	vld [tilespmem:$0xDC0];
	[tilespmem:$0x19D0] =	vst v11;
	v11 =	vmul.f32 v33, v10  }
0x3cf: {  	v42 =	vld [tilespmem:$0xE50];
	[tilespmem:$0x1B20] =	vst v24  }
0x3d0: {  	v40 =	vld [tilespmem:$0xE40];
	[tilespmem:$0x19F0] =	vst v11;
	v11 =	vmul.f32 v36, v4  }
0x3d1: {  	v45 =	vld [tilespmem:$0xE70];
	[tilespmem:$0x1930] =	vst v23  }
0x3d2: {  	v52 =	vld [tilespmem:$0xEC0];
	[tilespmem:$0x1A10] =	vst v11;
	v11 =	vmul.f32 v39, v6  }
0x3d3: {  	v48 =	vld [tilespmem:$0xE90];
	v35 =	vmul.f32 v29, v7;
	[tilespmem:$0x1940] =	vst v25  }
0x3d4: {  	v21 =	vld [tilespmem:$0xD60];
	[tilespmem:$0x1A30] =	vst v11;
	v11 =	vmul.f32 v42, v8  }
0x3d5: {  	v51 =	vld [tilespmem:$0xEB0];
	v47 =	vmul.f32 v40, v7;
	[tilespmem:$0x19C0] =	vst v35  }
0x3d6: {  	v32 =	vld [tilespmem:$0xDE0];
	[tilespmem:$0x1A50] =	vst v11;
	v11 =	vmul.f32 v45, v10  }
0x3d7: {  	v54 =	vld [tilespmem:$0xED0];
	v59 =	vmul.f32 v52, v7;
	[tilespmem:$0x1A40] =	vst v47  }
0x3d8: {  	v43 =	vld [tilespmem:$0xE60];
	[tilespmem:$0x1A70] =	vst v11;
	v11 =	vmul.f32 v48, v4  }
0x3d9: {  	v57 =	vld [tilespmem:$0xEF0];
	v13 =	vmul.f32 v21, v9;
	[tilespmem:$0x1AC0] =	vst v59  }
0x3da: {  	v55 =	vld [tilespmem:$0xEE0];
	[tilespmem:$0x1A90] =	vst v11;
	v11 =	vmul.f32 v51, v6  }
0x3db: {  	v60 =	vld [tilespmem:$0xF10];
	v38 =	vmul.f32 v32, v9;
	[tilespmem:$0x1960] =	vst v13  }
0x3dc: {  	v58 =	vld [tilespmem:$0xF00];
	[tilespmem:$0x1AB0] =	vst v11;
	v11 =	vmul.f32 v54, v8  }
0x3dd: {  	v63 =	vld [tilespmem:$0xF30];
	v50 =	vmul.f32 v43, v9;
	[tilespmem:$0x19E0] =	vst v38  }
0x3de: {  	v20 =	vld [tilespmem:$0xF40];
	[tilespmem:$0x1AD0] =	vst v11;
	v11 =	vmul.f32 v57, v10  }
0x3df: {  	v62 =	vmul.f32 v55, v9;
	v22 =	vld [tilespmem:$0xF50];
	[tilespmem:$0x1A60] =	vst v50  }
0x3e0: {  	v56 =	vld [tilespmem:$0x10C0];
	[tilespmem:$0x1AF0] =	vst v11;
	v11 =	vmul.f32 v60, v4  }
0x3e1: {  	v21 =	vmul.f32 v58, v3;
	v25 =	vld [tilespmem:$0xF70];
	[tilespmem:$0x1AE0] =	vst v62  }
0x3e2: {  	v23 =	vld [tilespmem:$0xF60];
	[tilespmem:$0x1B10] =	vst v11;
	v11 =	vmul.f32 v63, v6  }
0x3e3: {  	[tilespmem:$0x1B00] =	vst v21;
	v27 =	vmul.f32 v20, v7;
	v28 =	vld [tilespmem:$0xF90]  }
0x3e4: {  	v26 =	vld [tilespmem:$0xF80];
	[tilespmem:$0x1B30] =	vst v11;
	v11 =	vmul.f32 v22, v8  }
0x3e5: {  	v62 =	vmul.f32 v56, v7;
	[tilespmem:$0x1B40] =	vst v27;
	v31 =	vld [tilespmem:$0xFB0]  }
0x3e6: {  	v29 =	vld [tilespmem:$0xFA0];
	[tilespmem:$0x1B50] =	vst v11;
	v11 =	vmul.f32 v25, v10  }
0x3e7: {  	v34 =	vld [tilespmem:$0xFD0];
	v30 =	vmul.f32 v23, v9;
	[tilespmem:$0x1CC0] =	vst v62  }
0x3e8: {  	v32 =	vld [tilespmem:$0xFC0];
	[tilespmem:$0x1B70] =	vst v11;
	v11 =	vmul.f32 v28, v4  }
0x3e9: {  	v37 =	vld [tilespmem:$0xFF0];
	[tilespmem:$0x1B60] =	vst v30;
	v33 =	vmul.f32 v26, v3  }
0x3ea: {  	v35 =	vld [tilespmem:$0xFE0];
	[tilespmem:$0x1B90] =	vst v11;
	v11 =	vmul.f32 v31, v6  }
0x3eb: {  	v40 =	vld [tilespmem:$0x1010];
	[tilespmem:$0x1B80] =	vst v33;
	v36 =	vmul.f32 v29, v5  }
0x3ec: {  	v38 =	vld [tilespmem:$0x1000];
	[tilespmem:$0x1BB0] =	vst v11;
	v11 =	vmul.f32 v34, v8  }
0x3ed: {  	v43 =	vld [tilespmem:$0x1030];
	[tilespmem:$0x1BA0] =	vst v36;
	v39 =	vmul.f32 v32, v7  }
0x3ee: {  	v41 =	vld [tilespmem:$0x1020];
	[tilespmem:$0x1BD0] =	vst v11;
	v11 =	vmul.f32 v37, v10  }
0x3ef: {  	v46 =	vld [tilespmem:$0x1050];
	[tilespmem:$0x1BC0] =	vst v39;
	v42 =	vmul.f32 v35, v9  }
0x3f0: {  	v44 =	vld [tilespmem:$0x1040];
	[tilespmem:$0x1BF0] =	vst v11;
	v11 =	vmul.f32 v40, v4  }
0x3f1: {  	v49 =	vld [tilespmem:$0x1070];
	[tilespmem:$0x1BE0] =	vst v42;
	v45 =	vmul.f32 v38, v3  }
0x3f2: {  	v47 =	vld [tilespmem:$0x1060];
	[tilespmem:$0x1C10] =	vst v11;
	v11 =	vmul.f32 v43, v6  }
0x3f3: {  	v52 =	vld [tilespmem:$0x1090];
	[tilespmem:$0x1C00] =	vst v45;
	v48 =	vmul.f32 v41, v5  }
0x3f4: {  	v50 =	vld [tilespmem:$0x1080];
	[tilespmem:$0x1C30] =	vst v11;
	v11 =	vmul.f32 v46, v8  }
0x3f5: {  	v55 =	vld [tilespmem:$0x10B0];
	[tilespmem:$0x1C20] =	vst v48;
	v51 =	vmul.f32 v44, v7  }
0x3f6: {  	v53 =	vld [tilespmem:$0x10A0];
	[tilespmem:$0x1C50] =	vst v11;
	v11 =	vmul.f32 v49, v10  }
0x3f7: {  	v58 =	vld [tilespmem:$0x10D0];
	[tilespmem:$0x1C40] =	vst v51;
	v54 =	vmul.f32 v47, v9  }
0x3f8: {  	v59 =	vld [tilespmem:$0x10E0];
	[tilespmem:$0x1C70] =	vst v11;
	v11 =	vmul.f32 v52, v4  }
0x3f9: {  	v61 =	vld [tilespmem:$0x10F0];
	[tilespmem:$0x1C60] =	vst v54;
	v57 =	vmul.f32 v50, v3  }
0x3fa: {  	[tilespmem:$0x1C90] =	vst v11;
	v11 =	vmul.f32 v55, v6  }
0x3fb: {  	[tilespmem:$0x1C80] =	vst v57;
	v60 =	vmul.f32 v53, v5  }
0x3fc: {  	[tilespmem:$0x1CB0] =	vst v11;
	v11 =	vmul.f32 v58, v8  }
0x3fd: {  	[tilespmem:$0x1CA0] =	vst v60;
	v63 =	vmul.f32 v59, v9  }
0x3fe: {  	[tilespmem:$0x1CD0] =	vst v11;
	v11 =	vmul.f32 v61, v10  }
0x3ff: {  	s10 =	simm.s32 $0x0;
	[tilespmem:$0x1CE0] =	vst v63  }
0x400: {  	s30 =	simm.s32 $0x1900;
	s31 =	simm.s32 $0x11F0;
	s29 =	rddreg [dreg:$0x8];
	[tilespmem:$0x1CF0] =	vst v11  }
0x401: {  	[hbm4b:s29+s10] =	stream.linear.scatter [tilespmem:s30], [sflag:$0x19], $0x400, $0x38;
	[tilespmem:$0x2800] =	vst v63  }
0x402: {  	v11 =	vld [tilespmem:s31+$0xFFFFFF10];
	_ =	sdelay $0x4  }
0x403: {  	v11 =	vmul.f32 v11, v3  }
0x404: {  	s0 =	simm.s32 $0x1DF0  }
0x405: {  	[tilespmem:s0+$0xFFFFFF10] =	vst v11  }
0x406: {  	v11 =	vld [tilespmem:s31+$0xFFFFFF20];
	_ =	sdelay $0x4  }
0x407: {  	v11 =	vmul.f32 v11, v4;
	_ =	sdelay $0x1  }
0x408: {  	[tilespmem:s0+$0xFFFFFF20] =	vst v11  }
0x409: {  	v11 =	vld [tilespmem:s31+$0xFFFFFF30];
	_ =	sdelay $0x4  }
0x40a: {  	v11 =	vmul.f32 v11, v5;
	_ =	sdelay $0x1  }
0x40b: {  	[tilespmem:s0+$0xFFFFFF30] =	vst v11  }
0x40c: {  	v11 =	vld [tilespmem:s31+$0xFFFFFF40];
	_ =	sdelay $0x4  }
0x40d: {  	v11 =	vmul.f32 v11, v6;
	_ =	sdelay $0x1  }
0x40e: {  	[tilespmem:s0+$0xFFFFFF40] =	vst v11  }
0x40f: {  	v11 =	vld [tilespmem:s31+$0xFFFFFF50];
	_ =	sdelay $0x4  }
0x410: {  	v11 =	vmul.f32 v11, v7;
	_ =	sdelay $0x1  }
0x411: {  	[tilespmem:s0+$0xFFFFFF50] =	vst v11  }
0x412: {  	v11 =	vld [tilespmem:s31+$0xFFFFFF60];
	_ =	sdelay $0x4  }
0x413: {  	v11 =	vmul.f32 v11, v8;
	_ =	sdelay $0x1  }
0x414: {  	[tilespmem:s0+$0xFFFFFF60] =	vst v11  }
0x415: {  	v11 =	vld [tilespmem:s31+$0xFFFFFF70];
	_ =	sdelay $0x4  }
0x416: {  	v11 =	vmul.f32 v11, v9;
	_ =	sdelay $0x1  }
0x417: {  	[tilespmem:s0+$0xFFFFFF70] =	vst v11  }
0x418: {  	v11 =	vld [tilespmem:s31+$0xFFFFFF80];
	_ =	sdelay $0x4  }
0x419: {  	v11 =	vmul.f32 v11, v10;
	_ =	sdelay $0x1  }
0x41a: {  	[tilespmem:s0+$0xFFFFFF80] =	vst v11  }
0x41b: {  	v11 =	vld [tilespmem:s31+$0xFFFFFF90];
	_ =	sdelay $0x4  }
0x41c: {  	v11 =	vmul.f32 v11, v3;
	_ =	sdelay $0x1  }
0x41d: {  	[tilespmem:s0+$0xFFFFFF90] =	vst v11  }
0x41e: {  	v11 =	vld [tilespmem:s31+$0xFFFFFFA0];
	_ =	sdelay $0x4  }
0x41f: {  	v11 =	vmul.f32 v11, v4;
	_ =	sdelay $0x1  }
0x420: {  	[tilespmem:s0+$0xFFFFFFA0] =	vst v11  }
0x421: {  	v11 =	vld [tilespmem:s31+$0xFFFFFFB0];
	_ =	sdelay $0x4  }
0x422: {  	v11 =	vmul.f32 v11, v5;
	_ =	sdelay $0x1  }
0x423: {  	[tilespmem:s0+$0xFFFFFFB0] =	vst v11  }
0x424: {  	v11 =	vld [tilespmem:s31+$0xFFFFFFC0];
	_ =	sdelay $0x4  }
0x425: {  	v11 =	vmul.f32 v11, v6;
	_ =	sdelay $0x1  }
0x426: {  	[tilespmem:s0+$0xFFFFFFC0] =	vst v11  }
0x427: {  	v11 =	vld [tilespmem:s31+$0xFFFFFFD0];
	_ =	sdelay $0x4  }
0x428: {  	v11 =	vmul.f32 v11, v7;
	_ =	sdelay $0x1  }
0x429: {  	[tilespmem:s0+$0xFFFFFFD0] =	vst v11  }
0x42a: {  	v11 =	vld [tilespmem:s31+$0xFFFFFFE0];
	_ =	sdelay $0x4  }
0x42b: {  	v11 =	vmul.f32 v11, v8;
	_ =	sdelay $0x1  }
0x42c: {  	[tilespmem:s0+$0xFFFFFFE0] =	vst v11  }
0x42d: {  	v11 =	vld [tilespmem:s31+$0xFFFFFFF0];
	_ =	sdelay $0x4  }
0x42e: {  	v11 =	vmul.f32 v11, v9;
	_ =	sdelay $0x1  }
0x42f: {  	[tilespmem:s0+$0xFFFFFFF0] =	vst v11  }
0x430: {  	v11 =	vld [tilespmem:s31+$0x0];
	_ =	sdelay $0x4  }
0x431: {  	v11 =	vmul.f32 v11, v10;
	_ =	sdelay $0x1  }
0x432: {  	s2 =	simm.s32 $0x0;
	s3 =	simm.s32 $0x12F0;
	[tilespmem:s0+$0x0] =	vst v11  }
.LBB2_6:
0x433: {  	v11 =	vld [tilespmem:s3+$0xFFFFFF10];
	s2 =	sadd.s32 $0x2, s2  }
0x434: {  	p1 =	slt.u32 s2, $0x6;
	_ =	sdelay $0x3  }
0x435: {  	v11 =	vmul.f32 v11, v3  }
0x436: {  	s0 =	sadd.s32 $0x100, s0  }
0x437: {  	[tilespmem:s0+$0xFFFFFF10] =	vst v11  }
0x438: {  	v11 =	vld [tilespmem:s3+$0xFFFFFF20];
	_ =	sdelay $0x4  }
0x439: {  	v11 =	vmul.f32 v11, v4;
	_ =	sdelay $0x1  }
0x43a: {  	[tilespmem:s0+$0xFFFFFF20] =	vst v11  }
0x43b: {  	v11 =	vld [tilespmem:s3+$0xFFFFFF30];
	_ =	sdelay $0x4  }
0x43c: {  	v11 =	vmul.f32 v11, v5;
	_ =	sdelay $0x1  }
0x43d: {  	[tilespmem:s0+$0xFFFFFF30] =	vst v11  }
0x43e: {  	v11 =	vld [tilespmem:s3+$0xFFFFFF40];
	_ =	sdelay $0x4  }
0x43f: {  	v11 =	vmul.f32 v11, v6;
	_ =	sdelay $0x1  }
0x440: {  	[tilespmem:s0+$0xFFFFFF40] =	vst v11  }
0x441: {  	v11 =	vld [tilespmem:s3+$0xFFFFFF50];
	_ =	sdelay $0x4  }
0x442: {  	v11 =	vmul.f32 v11, v7;
	_ =	sdelay $0x1  }
0x443: {  	[tilespmem:s0+$0xFFFFFF50] =	vst v11  }
0x444: {  	v11 =	vld [tilespmem:s3+$0xFFFFFF60];
	_ =	sdelay $0x4  }
0x445: {  	v11 =	vmul.f32 v11, v8;
	_ =	sdelay $0x1  }
0x446: {  	[tilespmem:s0+$0xFFFFFF60] =	vst v11  }
0x447: {  	v11 =	vld [tilespmem:s3+$0xFFFFFF70];
	_ =	sdelay $0x4  }
0x448: {  	v11 =	vmul.f32 v11, v9;
	_ =	sdelay $0x1  }
0x449: {  	[tilespmem:s0+$0xFFFFFF70] =	vst v11  }
0x44a: {  	v11 =	vld [tilespmem:s3+$0xFFFFFF80];
	_ =	sdelay $0x4  }
0x44b: {  	v11 =	vmul.f32 v11, v10;
	_ =	sdelay $0x1  }
0x44c: {  	[tilespmem:s0+$0xFFFFFF80] =	vst v11  }
0x44d: {  	v11 =	vld [tilespmem:s3+$0xFFFFFF90];
	_ =	sdelay $0x4  }
0x44e: {  	v11 =	vmul.f32 v11, v3;
	_ =	sdelay $0x1  }
0x44f: {  	[tilespmem:s0+$0xFFFFFF90] =	vst v11  }
0x450: {  	v11 =	vld [tilespmem:s3+$0xFFFFFFA0];
	_ =	sdelay $0x4  }
0x451: {  	v11 =	vmul.f32 v11, v4;
	_ =	sdelay $0x1  }
0x452: {  	[tilespmem:s0+$0xFFFFFFA0] =	vst v11  }
0x453: {  	v11 =	vld [tilespmem:s3+$0xFFFFFFB0];
	_ =	sdelay $0x4  }
0x454: {  	v11 =	vmul.f32 v11, v5;
	_ =	sdelay $0x1  }
0x455: {  	[tilespmem:s0+$0xFFFFFFB0] =	vst v11  }
0x456: {  	v11 =	vld [tilespmem:s3+$0xFFFFFFC0];
	_ =	sdelay $0x4  }
0x457: {  	v11 =	vmul.f32 v11, v6;
	_ =	sdelay $0x1  }
0x458: {  	[tilespmem:s0+$0xFFFFFFC0] =	vst v11  }
0x459: {  	v11 =	vld [tilespmem:s3+$0xFFFFFFD0];
	_ =	sdelay $0x4  }
0x45a: {  	v11 =	vmul.f32 v11, v7;
	_ =	sdelay $0x1  }
0x45b: {  	[tilespmem:s0+$0xFFFFFFD0] =	vst v11  }
0x45c: {  	v11 =	vld [tilespmem:s3+$0xFFFFFFE0];
	_ =	sdelay $0x4  }
0x45d: {  	v11 =	vmul.f32 v11, v8;
	_ =	sdelay $0x1  }
0x45e: {  	[tilespmem:s0+$0xFFFFFFE0] =	vst v11  }
0x45f: {  	v11 =	vld [tilespmem:s3+$0xFFFFFFF0];
	_ =	sdelay $0x4  }
0x460: {  	v11 =	vmul.f32 v11, v9;
	_ =	sdelay $0x1  }
0x461: {  	[tilespmem:s0+$0xFFFFFFF0] =	vst v11  }
0x462: {  	v11 =	vld [tilespmem:s3+$0x0];
	_ =	sdelay $0x2  }
.Ltmp2:
0x463: {  	(pc) =	sbr.rel @p1 .LBB2_6-.Ltmp2, $3  }
0x464: {  	_ = 	snop  }
0x465: {  	v11 =	vmul.f32 v11, v10;
	_ =	sdelay $0x1  }
0x466: {  	s3 =	sadd.s32 $0x100, s3;
	[tilespmem:s0+$0x0] =	vst v11  }
0x467: {  	s0 =	rddreg [dreg:$0xa];
	s2 =	simm.s32 $0x1D00;
	s31 =	simm.s32 $0x15F0  }
0x468: {  	[hbm4b:s0+s10] =	stream.linear.scatter [tilespmem:s2], [sflag:$0x19], $0x400, $0x38;
	[tilespmem:$0x2800] =	vst v63  }
0x469: {  	v11 =	vld [tilespmem:s31+$0xFFFFFF10];
	_ =	sdelay $0x4  }
0x46a: {  	v11 =	vmul.f32 v11, v3  }
0x46b: {  	s0 =	simm.s32 $0x21F0  }
0x46c: {  	[tilespmem:s0+$0xFFFFFF10] =	vst v11  }
0x46d: {  	v11 =	vld [tilespmem:s31+$0xFFFFFF20];
	_ =	sdelay $0x4  }
0x46e: {  	v11 =	vmul.f32 v11, v4;
	_ =	sdelay $0x1  }
0x46f: {  	[tilespmem:s0+$0xFFFFFF20] =	vst v11  }
0x470: {  	v11 =	vld [tilespmem:s31+$0xFFFFFF30];
	_ =	sdelay $0x4  }
0x471: {  	v11 =	vmul.f32 v11, v5;
	_ =	sdelay $0x1  }
0x472: {  	[tilespmem:s0+$0xFFFFFF30] =	vst v11  }
0x473: {  	v11 =	vld [tilespmem:s31+$0xFFFFFF40];
	_ =	sdelay $0x4  }
0x474: {  	v11 =	vmul.f32 v11, v6;
	_ =	sdelay $0x1  }
0x475: {  	[tilespmem:s0+$0xFFFFFF40] =	vst v11  }
0x476: {  	v11 =	vld [tilespmem:s31+$0xFFFFFF50];
	_ =	sdelay $0x4  }
0x477: {  	v11 =	vmul.f32 v11, v7;
	_ =	sdelay $0x1  }
0x478: {  	[tilespmem:s0+$0xFFFFFF50] =	vst v11  }
0x479: {  	v11 =	vld [tilespmem:s31+$0xFFFFFF60];
	_ =	sdelay $0x4  }
0x47a: {  	v11 =	vmul.f32 v11, v8;
	_ =	sdelay $0x1  }
0x47b: {  	[tilespmem:s0+$0xFFFFFF60] =	vst v11  }
0x47c: {  	v11 =	vld [tilespmem:s31+$0xFFFFFF70];
	_ =	sdelay $0x4  }
0x47d: {  	v11 =	vmul.f32 v11, v9;
	_ =	sdelay $0x1  }
0x47e: {  	[tilespmem:s0+$0xFFFFFF70] =	vst v11  }
0x47f: {  	v11 =	vld [tilespmem:s31+$0xFFFFFF80];
	_ =	sdelay $0x4  }
0x480: {  	v11 =	vmul.f32 v11, v10;
	_ =	sdelay $0x1  }
0x481: {  	[tilespmem:s0+$0xFFFFFF80] =	vst v11  }
0x482: {  	v11 =	vld [tilespmem:s31+$0xFFFFFF90];
	_ =	sdelay $0x4  }
0x483: {  	v11 =	vmul.f32 v11, v3;
	_ =	sdelay $0x1  }
0x484: {  	[tilespmem:s0+$0xFFFFFF90] =	vst v11  }
0x485: {  	v11 =	vld [tilespmem:s31+$0xFFFFFFA0];
	_ =	sdelay $0x4  }
0x486: {  	v11 =	vmul.f32 v11, v4;
	_ =	sdelay $0x1  }
0x487: {  	[tilespmem:s0+$0xFFFFFFA0] =	vst v11  }
0x488: {  	v11 =	vld [tilespmem:s31+$0xFFFFFFB0];
	_ =	sdelay $0x4  }
0x489: {  	v11 =	vmul.f32 v11, v5;
	_ =	sdelay $0x1  }
0x48a: {  	[tilespmem:s0+$0xFFFFFFB0] =	vst v11  }
0x48b: {  	v11 =	vld [tilespmem:s31+$0xFFFFFFC0];
	_ =	sdelay $0x4  }
0x48c: {  	v11 =	vmul.f32 v11, v6;
	_ =	sdelay $0x1  }
0x48d: {  	[tilespmem:s0+$0xFFFFFFC0] =	vst v11  }
0x48e: {  	v11 =	vld [tilespmem:s31+$0xFFFFFFD0];
	_ =	sdelay $0x4  }
0x48f: {  	v11 =	vmul.f32 v11, v7;
	_ =	sdelay $0x1  }
0x490: {  	[tilespmem:s0+$0xFFFFFFD0] =	vst v11  }
0x491: {  	v11 =	vld [tilespmem:s31+$0xFFFFFFE0];
	_ =	sdelay $0x4  }
0x492: {  	v11 =	vmul.f32 v11, v8;
	_ =	sdelay $0x1  }
0x493: {  	[tilespmem:s0+$0xFFFFFFE0] =	vst v11  }
0x494: {  	v11 =	vld [tilespmem:s31+$0xFFFFFFF0];
	_ =	sdelay $0x4  }
0x495: {  	v11 =	vmul.f32 v11, v9;
	_ =	sdelay $0x1  }
0x496: {  	[tilespmem:s0+$0xFFFFFFF0] =	vst v11  }
0x497: {  	v11 =	vld [tilespmem:s31+$0x0];
	_ =	sdelay $0x4  }
0x498: {  	v11 =	vmul.f32 v11, v10;
	_ =	sdelay $0x1  }
0x499: {  	s3 =	simm.s32 $0x16F0;
	s2 =	simm.s32 $0x0;
	[tilespmem:s0+$0x0] =	vst v11  }
.LBB2_8:
0x49a: {  	v11 =	vld [tilespmem:s3+$0xFFFFFF10];
	s2 =	sadd.s32 $0x2, s2  }
0x49b: {  	p1 =	slt.u32 s2, $0x6;
	_ =	sdelay $0x3  }
0x49c: {  	v11 =	vmul.f32 v11, v3  }
0x49d: {  	s0 =	sadd.s32 $0x100, s0  }
0x49e: {  	[tilespmem:s0+$0xFFFFFF10] =	vst v11  }
0x49f: {  	v11 =	vld [tilespmem:s3+$0xFFFFFF20];
	_ =	sdelay $0x4  }
0x4a0: {  	v11 =	vmul.f32 v11, v4;
	_ =	sdelay $0x1  }
0x4a1: {  	[tilespmem:s0+$0xFFFFFF20] =	vst v11  }
0x4a2: {  	v11 =	vld [tilespmem:s3+$0xFFFFFF30];
	_ =	sdelay $0x4  }
0x4a3: {  	v11 =	vmul.f32 v11, v5;
	_ =	sdelay $0x1  }
0x4a4: {  	[tilespmem:s0+$0xFFFFFF30] =	vst v11  }
0x4a5: {  	v11 =	vld [tilespmem:s3+$0xFFFFFF40];
	_ =	sdelay $0x4  }
0x4a6: {  	v11 =	vmul.f32 v11, v6;
	_ =	sdelay $0x1  }
0x4a7: {  	[tilespmem:s0+$0xFFFFFF40] =	vst v11  }
0x4a8: {  	v11 =	vld [tilespmem:s3+$0xFFFFFF50];
	_ =	sdelay $0x4  }
0x4a9: {  	v11 =	vmul.f32 v11, v7;
	_ =	sdelay $0x1  }
0x4aa: {  	[tilespmem:s0+$0xFFFFFF50] =	vst v11  }
0x4ab: {  	v11 =	vld [tilespmem:s3+$0xFFFFFF60];
	_ =	sdelay $0x4  }
0x4ac: {  	v11 =	vmul.f32 v11, v8;
	_ =	sdelay $0x1  }
0x4ad: {  	[tilespmem:s0+$0xFFFFFF60] =	vst v11  }
0x4ae: {  	v11 =	vld [tilespmem:s3+$0xFFFFFF70];
	_ =	sdelay $0x4  }
0x4af: {  	v11 =	vmul.f32 v11, v9;
	_ =	sdelay $0x1  }
0x4b0: {  	[tilespmem:s0+$0xFFFFFF70] =	vst v11  }
0x4b1: {  	v11 =	vld [tilespmem:s3+$0xFFFFFF80];
	_ =	sdelay $0x4  }
0x4b2: {  	v11 =	vmul.f32 v11, v10;
	_ =	sdelay $0x1  }
0x4b3: {  	[tilespmem:s0+$0xFFFFFF80] =	vst v11  }
0x4b4: {  	v11 =	vld [tilespmem:s3+$0xFFFFFF90];
	_ =	sdelay $0x4  }
0x4b5: {  	v11 =	vmul.f32 v11, v3;
	_ =	sdelay $0x1  }
0x4b6: {  	[tilespmem:s0+$0xFFFFFF90] =	vst v11  }
0x4b7: {  	v11 =	vld [tilespmem:s3+$0xFFFFFFA0];
	_ =	sdelay $0x4  }
0x4b8: {  	v11 =	vmul.f32 v11, v4;
	_ =	sdelay $0x1  }
0x4b9: {  	[tilespmem:s0+$0xFFFFFFA0] =	vst v11  }
0x4ba: {  	v11 =	vld [tilespmem:s3+$0xFFFFFFB0];
	_ =	sdelay $0x4  }
0x4bb: {  	v11 =	vmul.f32 v11, v5;
	_ =	sdelay $0x1  }
0x4bc: {  	[tilespmem:s0+$0xFFFFFFB0] =	vst v11  }
0x4bd: {  	v11 =	vld [tilespmem:s3+$0xFFFFFFC0];
	_ =	sdelay $0x4  }
0x4be: {  	v11 =	vmul.f32 v11, v6;
	_ =	sdelay $0x1  }
0x4bf: {  	[tilespmem:s0+$0xFFFFFFC0] =	vst v11  }
0x4c0: {  	v11 =	vld [tilespmem:s3+$0xFFFFFFD0];
	_ =	sdelay $0x4  }
0x4c1: {  	v11 =	vmul.f32 v11, v7;
	_ =	sdelay $0x1  }
0x4c2: {  	[tilespmem:s0+$0xFFFFFFD0] =	vst v11  }
0x4c3: {  	v11 =	vld [tilespmem:s3+$0xFFFFFFE0];
	_ =	sdelay $0x4  }
0x4c4: {  	v11 =	vmul.f32 v11, v8;
	_ =	sdelay $0x1  }
0x4c5: {  	[tilespmem:s0+$0xFFFFFFE0] =	vst v11  }
0x4c6: {  	v11 =	vld [tilespmem:s3+$0xFFFFFFF0];
	_ =	sdelay $0x4  }
0x4c7: {  	v11 =	vmul.f32 v11, v9;
	_ =	sdelay $0x1  }
0x4c8: {  	[tilespmem:s0+$0xFFFFFFF0] =	vst v11  }
0x4c9: {  	v11 =	vld [tilespmem:s3+$0x0];
	_ =	sdelay $0x2  }
.Ltmp3:
0x4ca: {  	(pc) =	sbr.rel @p1 .LBB2_8-.Ltmp3, $3  }
0x4cb: {  	_ = 	snop  }
0x4cc: {  	v11 =	vmul.f32 v11, v10;
	_ =	sdelay $0x1  }
0x4cd: {  	s3 =	sadd.s32 $0x100, s3;
	[tilespmem:s0+$0x0] =	vst v11  }
0x4ce: {  	s0 =	rddreg [dreg:$0xb];
	s2 =	simm.s32 $0x2100;
	s30 =	simm.s32 $0x19  }
0x4cf: {  	[hbm4b:s0+s10] =	stream.linear.scatter [tilespmem:s2], [sflag:$0x19], $0x400, $0x38;
	[tilespmem:$0x2800] =	vst v63  }
0x4d0: {  	_ =	swait.ge [sflag:s30], $0xC00  }
0x4d1: {  	s3 =	rddreg [dreg:$0xe]  }
0x4d2: {  	s31 =	rddreg [dreg:$0xc];
	s3 =	sadd.s32 $0x1, s3  }
0x4d3: {  	p1 =	sne.s32 s3, s31  }
.Ltmp4:
0x4d4: {  	_ = 	snop;
	(pc) =	sbr.rel @p1 .LBB2_1-.Ltmp4, $3  }
0x4d5: {  	_ =	sdelay $0x1  }
0x4d6: {  	[sflag:s30] =	ssyncset.done $0x0  }
0x4d7: {  	[sflag:s30] =	ssyncadd.s32 $0xFFFFF400  }
0x4d8: {  	_ =	sfence.sel $0x180000  }
0x4d9: {  	[bflag:$0x0] =	sbarrier.arrive $0xFFFF  }
0x4da: {  	_ =	strace $0x90000047  }
0x4db: {  	s0 =	stileid.u32;
	[bflag:$0x2] =	sbarrier.arrive $0xFFFF  }
0x4dc: {  	p0 =	sne.s32 s0, $0x0;
	s0 =	rddreg [dreg:$0x5]  }
0x4dd: {  	s0 =	sadd.s32 @!p0 $0x100000, s0  }
0x4de: {  	[sflag:s0] =	ssyncadd.tile.s32 @!p0 $0x1;
	_ =	shalt  }
.Lfunc_end2:
_tile_overlayer_lowered:
.L_overlay_start_2:
0x4df: {  	(tag) =	ssettag $0x2  }
0x4e0: {  	s0 =	rddreg [dreg:$0x0];
	s2 =	stileid.u32  }
0x4e1: {  	s1 =	rddreg [dreg:$0x1];
	p0 =	sne.s32 s2, $0x0  }
0x4e2: {  	s3 =	rddreg [dreg:$0x2];
	[bflag:$0x3] =	sbarrier.arrive $0xFFFF;
	s2 =	simm.s32 @!p0 $0x1C1A  }
0x4e3: {  	[timem:s3], [sflag:s2] =	dma.local @!p0 [hbm:s0], s1  }
0x4e4: {  	s0 =	simm.s32 @!p0 $0x1A  }
0x4e5: {  	_ =	swait.ge @!p0 [sflag:s0], s1  }
0x4e6: {  	s1 =	ssub.s32 @!p0 $0x0, s1;
	[sflag:s0] =	ssyncset.done @!p0 $0x0  }
0x4e7: {  	[sflag:s0] =	ssyncadd.s32 @!p0 s1  }
0x4e8: {  	[bflag:$0x3] =	sbarrier.arrive $0xFFFF  }
0x4e9: {  	_ =	shalt  }

</sc_bundles>
